<compile_context>
chip_gen: v7x
topology: tpu7x:2x2x1
jax: 0.10.2.dev20260603
libtpu: 0.0.44.dev20260713+nightly
codegen_flags: <defaults>
</compile_context>

<pallas_src>
import functools

import jax
import jax.numpy as jnp
from jax import lax
from jax.experimental import pallas as pl
from jax.experimental.pallas import tpu as pltpu
from jax.experimental.pallas import tpu_sc as plsc

_NC = 2
_NS = 16
_K = 128


def _sc_mesh():
    return plsc.VectorSubcoreMesh(core_axis_name="c", subcore_axis_name="s")


def _make_deg_kernel(n, e):
    ept = e // _NS
    nfull = ept // _K
    rem = ept - nfull * _K
    rpt = (n // _NS) // 8 * 8
    tail = n - _NS * rpt

    @functools.partial(
        pl.kernel,
        mesh=_sc_mesh(),
        out_type=jax.ShapeDtypeStruct((2 * n, 16), jnp.float32),
        scratch_types=[
            pltpu.VMEM_SHARED((n, 16), jnp.float32),
            pltpu.VMEM((_K, 16), jnp.float32),
            pltpu.VMEM((_K, 16), jnp.float32),
            pltpu.VMEM((_K,), jnp.int32),
            pltpu.VMEM((_K,), jnp.int32),
            pltpu.VMEM((_K,), jnp.int32),
            pltpu.VMEM((_K,), jnp.int32),
            pltpu.VMEM((max(rem, 8),), jnp.int32),
            pltpu.VMEM((max(rem, 8),), jnp.int32),
            pltpu.VMEM((rpt, 16), jnp.float32),
            pltpu.SemaphoreType.DMA,
            pltpu.SemaphoreType.DMA,
            pltpu.SemaphoreType.DMA,
            pltpu.SemaphoreType.DMA,
        ],
    )
    def deg_kernel(src_hbm, dst_hbm, out_hbm, acc, ohs, ohd, sidx0, didx0,
                   sidx1, didx1, sidx2, didx2, fbuf, sm0a, sm0b, sm1a, sm1b):
        c = lax.axis_index("c")
        s = lax.axis_index("s")
        lane = lax.iota(jnp.int32, 16)
        oh0 = jnp.where(lane == 0, 1.0, 0.0).astype(jnp.float32)
        oh1 = jnp.where(lane == 1, 1.0, 0.0).astype(jnp.float32)
        zero = jnp.zeros((16,), jnp.float32)

        def fill(i, _):
            ohs[i] = oh0
            ohd[i] = oh1
            return 0
        lax.fori_loop(0, _K, fill, 0)

        def zrow(i, _):
            fbuf[i] = zero
            return 0
        lax.fori_loop(0, rpt, zrow, 0)

        pltpu.sync_copy(fbuf, acc.at[pl.ds(s * rpt, rpt)])
        if tail:
            @pl.when(s == 0)
            def _():
                pltpu.sync_copy(fbuf.at[pl.ds(0, tail)],
                                acc.at[pl.ds(_NS * rpt, tail)])
        plsc.subcore_barrier()

        base = c * e + s * ept
        bufs = ((sidx0, didx0, sm0a, sm0b), (sidx1, didx1, sm1a, sm1b))

        def dstage(i, buf):
            si, di, sa, sb = buf
            off = base + i * _K
            pltpu.sync_copy(src_hbm.at[pl.ds(off, _K)], si)
            pltpu.sync_copy(dst_hbm.at[pl.ds(off, _K)], di)
            pltpu.async_copy(ohs, acc.at[si], sa, add=True)
            pltpu.async_copy(ohd, acc.at[di], sb, add=True)

        def dwait(buf):
            si, di, sa, sb = buf
            pltpu.make_async_copy(ohs, acc.at[si], sa).wait()
            pltpu.make_async_copy(ohd, acc.at[di], sb).wait()

        assert nfull >= 2 and nfull % 2 == 0
        dstage(0, bufs[0])
        dstage(1, bufs[1])

        def body(i2, _):
            i = 2 * i2 + 2
            dwait(bufs[0])
            dstage(i, bufs[0])
            dwait(bufs[1])
            dstage(i + 1, bufs[1])
            return 0
        lax.fori_loop(0, (nfull - 2) // 2, body, 0)

        if rem:
            off = base + nfull * _K
            pltpu.sync_copy(src_hbm.at[pl.ds(off, rem)], sidx2)
            pltpu.sync_copy(dst_hbm.at[pl.ds(off, rem)], didx2)
            pltpu.sync_copy(ohs.at[pl.ds(0, rem)], acc.at[sidx2], add=True)
            pltpu.sync_copy(ohd.at[pl.ds(0, rem)], acc.at[didx2], add=True)
        dwait(bufs[0])
        dwait(bufs[1])

        plsc.subcore_barrier()
        r0 = s * rpt
        pltpu.sync_copy(acc.at[pl.ds(r0, rpt)], fbuf)
        pltpu.sync_copy(fbuf, out_hbm.at[pl.ds(c * n + r0, rpt)])
        if tail:
            @pl.when(s == 0)
            def _():
                pltpu.sync_copy(acc.at[pl.ds(_NS * rpt, tail)],
                                fbuf.at[pl.ds(0, tail)])
                pltpu.sync_copy(fbuf.at[pl.ds(0, tail)],
                                out_hbm.at[pl.ds(c * n + _NS * rpt, tail)])

    return deg_kernel


def _make_edge_kernel(n, d, e):
    ept = e // _NS
    nfull = ept // _K
    rem = ept - nfull * _K
    rpt = (n // _NS) // 8 * 8
    tail = n - _NS * rpt
    nfl = 13
    fl = rpt // nfl
    assert fl * nfl == rpt and fl % 8 == 0

    @functools.partial(
        pl.kernel,
        mesh=_sc_mesh(),
        out_type=jax.ShapeDtypeStruct((2 * n, d), jnp.float32),
        scratch_types=[
            pltpu.VMEM_SHARED((n, d), jnp.float32),
            pltpu.VMEM((_K, d), jnp.float32),
            pltpu.VMEM((_K, d), jnp.float32),
            pltpu.VMEM((max(rem, 8), d), jnp.float32),
            pltpu.VMEM((_K,), jnp.int32),
            pltpu.VMEM((_K,), jnp.int32),
            pltpu.VMEM((_K,), jnp.int32),
            pltpu.VMEM((_K,), jnp.int32),
            pltpu.VMEM((max(rem, 8),), jnp.int32),
            pltpu.VMEM((max(rem, 8),), jnp.int32),
            pltpu.VMEM((fl, d), jnp.float32),
            pltpu.SemaphoreType.DMA,
            pltpu.SemaphoreType.DMA,
            pltpu.SemaphoreType.DMA,
            pltpu.SemaphoreType.DMA,
            pltpu.SemaphoreType.DMA,
        ],
    )
    def edge_kernel(table_hbm, src_hbm, dst_hbm, out_hbm, acc, msg0, msg1,
                    msg2, sidx0, didx0, sidx1, didx1, sidx2, didx2, fbuf,
                    gsm0, gsm1, ssm0, ssm1, sem2):
        c = lax.axis_index("c")
        s = lax.axis_index("s")
        zero = jnp.zeros((16,), jnp.float32)
        nlane = d // 16

        def zrow(i, _):
            def zcol(j, _):
                fbuf[i, pl.ds(j * 16, 16)] = zero
                return 0
            lax.fori_loop(0, nlane, zcol, 0)
            return 0
        lax.fori_loop(0, fl, zrow, 0)

        r0 = s * rpt
        for j in range(nfl):
            pltpu.sync_copy(fbuf, acc.at[pl.ds(r0 + j * fl, fl)])
        if tail:
            @pl.when(s == 0)
            def _():
                pltpu.sync_copy(fbuf.at[pl.ds(0, tail)],
                                acc.at[pl.ds(_NS * rpt, tail)])
        plsc.subcore_barrier()

        base = c * e + s * ept
        bufs = ((sidx0, didx0, msg0, gsm0, ssm0),
                (sidx1, didx1, msg1, gsm1, ssm1))

        def stage(i, buf):
            si, di, mb, gs, ss = buf
            off = base + i * _K
            pltpu.sync_copy(src_hbm.at[pl.ds(off, _K)], si)
            pltpu.sync_copy(dst_hbm.at[pl.ds(off, _K)], di)
            pltpu.async_copy(table_hbm.at[si], mb, gs)

        def finish(buf):
            si, di, mb, gs, ss = buf
            pltpu.make_async_copy(table_hbm.at[si], mb, gs).wait()
            pltpu.async_copy(mb, acc.at[di], ss, add=True)

        def swait(buf):
            si, di, mb, gs, ss = buf
            pltpu.make_async_copy(mb, acc.at[di], ss).wait()

        assert nfull >= 2 and nfull % 2 == 0
        stage(0, bufs[0])
        finish(bufs[0])
        stage(1, bufs[1])

        def body(i2, _):
            i = 2 * i2 + 1
            finish(bufs[1])
            swait(bufs[0])
            stage(i + 1, bufs[0])
            finish(bufs[0])
            swait(bufs[1])
            stage(i + 2, bufs[1])
            return 0
        lax.fori_loop(0, (nfull - 2) // 2, body, 0)
        finish(bufs[1])

        if rem:
            off = base + nfull * _K
            pltpu.sync_copy(src_hbm.at[pl.ds(off, rem)], sidx2)
            pltpu.sync_copy(dst_hbm.at[pl.ds(off, rem)], didx2)
            pltpu.async_copy(table_hbm.at[sidx2], msg2, sem2)
            pltpu.make_async_copy(table_hbm.at[sidx2], msg2, sem2).wait()
            pltpu.sync_copy(msg2, acc.at[didx2], add=True)
        swait(bufs[0])
        swait(bufs[1])

        plsc.subcore_barrier()
        for j in range(nfl):
            pltpu.sync_copy(acc.at[pl.ds(r0 + j * fl, fl)], fbuf)
            pltpu.sync_copy(fbuf, out_hbm.at[pl.ds(c * n + r0 + j * fl, fl)])
        if tail:
            @pl.when(s == 0)
            def _():
                pltpu.sync_copy(acc.at[pl.ds(_NS * rpt, tail)],
                                fbuf.at[pl.ds(0, tail)])
                pltpu.sync_copy(fbuf.at[pl.ds(0, tail)],
                                out_hbm.at[pl.ds(c * n + _NS * rpt, tail)])

    return edge_kernel


_BR = 80


def _prep_body(h_ref, degf_ref, degl_ref, wf_ref, wl_ref,
               hw_ref, rdf_ref, rdl_ref):
    rdf = lax.rsqrt(jnp.maximum(degf_ref[...], 1.0))
    rdl = lax.rsqrt(jnp.maximum(degl_ref[...], 1.0))
    rdf_ref[...] = rdf
    rdl_ref[...] = rdl
    hb = h_ref[...]
    hw_ref[0] = jnp.dot(hb * rdf[:, 0:1], wf_ref[...],
                        preferred_element_type=jnp.float32)
    hw_ref[1] = jnp.dot(hb * rdl[:, 0:1], wl_ref[...],
                        preferred_element_type=jnp.float32)


def _mid_body(aggf_ref, aggl_ref, rdf_ref, rdl_ref, bf_ref, bl_ref,
              wf_ref, wl_ref, hw_ref):
    rdf = rdf_ref[...]
    rdl = rdl_ref[...]
    h0 = (aggf_ref[...] * rdf[:, 1:2] + bf_ref[0]
          + aggl_ref[...] * rdl[:, 1:2] + bl_ref[0])
    h0 = jnp.maximum(h0, 0.0)
    hw_ref[0] = jnp.dot(h0 * rdf[:, 0:1], wf_ref[...],
                        preferred_element_type=jnp.float32)
    hw_ref[1] = jnp.dot(h0 * rdl[:, 0:1], wl_ref[...],
                        preferred_element_type=jnp.float32)


def _post_body(aggf_ref, aggl_ref, rdf_ref, rdl_ref, bf_ref, bl_ref, out_ref):
    out_ref[...] = (aggf_ref[...] * rdf_ref[...][:, 1:2] + bf_ref[0]
                    + aggl_ref[...] * rdl_ref[...][:, 1:2] + bl_ref[0])


def _row_spec(d):
    return pl.BlockSpec((_BR, d), lambda i: (i, 0))


def _row_spec_off(d, off):
    return pl.BlockSpec((_BR, d), lambda i: (i + off, 0))


def _full_spec(shape):
    nd = len(shape)
    return pl.BlockSpec(shape, lambda i: (0,) * nd)


def kernel(h, edge_follows, edge_likes, W0_f, b0_f, W0_l, b0_l,
           W1_f, b1_f, W1_l, b1_l):
    n, d = h.shape
    e = edge_follows.shape[1]
    nb = n // _BR

    src_raw = jnp.concatenate([edge_follows[0], edge_likes[0]])
    dst_cat = jnp.concatenate([edge_follows[1], edge_likes[1]])
    src_gat = jnp.concatenate([edge_follows[0], edge_likes[0] + n])

    deg = _make_deg_kernel(n, e)(src_raw, dst_cat)
    edge = _make_edge_kernel(n, d, e)

    b0f = jnp.broadcast_to(b0_f, (8, d))
    b0l = jnp.broadcast_to(b0_l, (8, d))
    b1f = jnp.broadcast_to(b1_f, (8, d))
    b1l = jnp.broadcast_to(b1_l, (8, d))

    hw0, rdf, rdl = pl.pallas_call(
        _prep_body,
        grid=(nb,),
        in_specs=[
            _row_spec(d),
            _row_spec_off(16, 0),
            _row_spec_off(16, nb),
            _full_spec((d, d)),
            _full_spec((d, d)),
        ],
        out_specs=[
            pl.BlockSpec((2, _BR, d), lambda i: (0, i, 0)),
            _row_spec(16),
            _row_spec(16),
        ],
        out_shape=[
            jax.ShapeDtypeStruct((2, n, d), jnp.float32),
            jax.ShapeDtypeStruct((n, 16), jnp.float32),
            jax.ShapeDtypeStruct((n, 16), jnp.float32),
        ],
    )(h, deg, deg, W0_f, W0_l)

    agg0 = edge(hw0.reshape(2 * n, d), src_gat, dst_cat)

    hw1 = pl.pallas_call(
        _mid_body,
        grid=(nb,),
        in_specs=[
            _row_spec_off(d, 0),
            _row_spec_off(d, nb),
            _row_spec(16),
            _row_spec(16),
            _full_spec((8, d)),
            _full_spec((8, d)),
            _full_spec((d, d)),
            _full_spec((d, d)),
        ],
        out_specs=[pl.BlockSpec((2, _BR, d), lambda i: (0, i, 0))],
        out_shape=[jax.ShapeDtypeStruct((2, n, d), jnp.float32)],
    )(agg0, agg0, rdf, rdl, b0f, b0l, W1_f, W1_l)[0]

    agg1 = edge(hw1.reshape(2 * n, d), src_gat, dst_cat)

    out = pl.pallas_call(
        _post_body,
        grid=(nb,),
        in_specs=[
            _row_spec_off(d, 0),
            _row_spec_off(d, nb),
            _row_spec(16),
            _row_spec(16),
            _full_spec((8, d)),
            _full_spec((8, d)),
        ],
        out_specs=[_row_spec(d)],
        out_shape=[jax.ShapeDtypeStruct((n, d), jnp.float32)],
    )(agg1, agg1, rdf, rdl, b1f, b1l)[0]

    return out

# --- scband reference (transcript-rebuilt; emitter-appended) ---
"""Pipeline reference for scband-rgcn-16252156248487 (READ-ONLY COPY).

The authoritative reference and input builder live on the scoring server;
editing this copy changes nothing except your own understanding.
"""

import jax, jax.numpy as jnp
import numpy as np

N = 10000
D = 128
E = 320000


def setup_inputs(seed: int = 0) -> dict:
    key = jax.random.key(seed)
    ks = jax.random.split(key, 12)
    scale = 1.0 / np.sqrt(D)
    inp = {}
    inp["h"] = jax.random.normal(ks[0], (N, D), dtype=jnp.float32)
    inp["edge_follows"] = jax.random.randint(ks[1], (2, E), 0, N, dtype=jnp.int32)
    inp["edge_likes"] = jax.random.randint(ks[2], (2, E), 0, N, dtype=jnp.int32)
    inp["W0_f"] = jax.random.normal(ks[3], (D, D), dtype=jnp.float32) * scale
    inp["b0_f"] = jnp.zeros((D,), dtype=jnp.float32)
    inp["W0_l"] = jax.random.normal(ks[4], (D, D), dtype=jnp.float32) * scale
    inp["b0_l"] = jnp.zeros((D,), dtype=jnp.float32)
    inp["W1_f"] = jax.random.normal(ks[5], (D, D), dtype=jnp.float32) * scale
    inp["b1_f"] = jnp.zeros((D,), dtype=jnp.float32)
    inp["W1_l"] = jax.random.normal(ks[6], (D, D), dtype=jnp.float32) * scale
    inp["b1_l"] = jnp.zeros((D,), dtype=jnp.float32)
    return inp


def _graph_conv(h, edges, W, b):
    # DGL GraphConv with norm='both': h_i = sum_{j->i} 1/sqrt(d_out(j)*d_in(i)) * h_j W + b
    src = edges[0]
    dst = edges[1]
    n = h.shape[0]
    out_deg = jnp.zeros((n,), dtype=jnp.float32).at[src].add(1.0)
    in_deg = jnp.zeros((n,), dtype=jnp.float32).at[dst].add(1.0)
    out_deg = jnp.maximum(out_deg, 1.0)
    in_deg = jnp.maximum(in_deg, 1.0)
    hn = h * jax.lax.rsqrt(out_deg)[:, None]
    hw = hn @ W
    msg = jnp.take(hw, src, axis=0)
    agg = jnp.zeros((n, W.shape[1]), dtype=jnp.float32).at[dst].add(msg)
    agg = agg * jax.lax.rsqrt(in_deg)[:, None]
    return agg + b


def reference(h, edge_follows, edge_likes, W0_f, b0_f, W0_l, b0_l, W1_f, b1_f, W1_l, b1_l):
    # Layer 0: HeteroGraphConv with aggregate='sum' over relations, then ReLU (dropout = identity in eval)
    h0 = _graph_conv(h, edge_follows, W0_f, b0_f) + _graph_conv(h, edge_likes, W0_l, b0_l)
    h0 = jax.nn.relu(h0)
    # Layer 1 (last layer, no activation)
    out = _graph_conv(h0, edge_follows, W1_f, b1_f) + _graph_conv(h0, edge_likes, W1_l, b1_l)
    return out

if __name__ == "__main__":
    import jax
    _d = setup_inputs()
    print(jax.jit(kernel)(*tuple(_d.values())))

</pallas_src>

<mosaic_0001>
#map = affine_map<(d0, d1) -> (0)>
#map1 = affine_map<(d0, d1) -> (0, 0)>
module attributes {stable_mosaic.version = 14 : i64} {
  func.func @deg_kernel(%arg0: i32, %arg1: i32, %arg2: memref<640000xi32, #tpu.memory_space<hbm>>, %arg3: memref<640000xi32, #tpu.memory_space<hbm>>, %arg4: memref<20000x16xf32, #tpu.memory_space<hbm>>, %arg5: memref<10000x16xf32, #tpu.memory_space<vmem_shared>>, %arg6: memref<128x16xf32, #tpu.memory_space<vmem>>, %arg7: memref<128x16xf32, #tpu.memory_space<vmem>>, %arg8: memref<128xi32, #tpu.memory_space<vmem>>, %arg9: memref<128xi32, #tpu.memory_space<vmem>>, %arg10: memref<128xi32, #tpu.memory_space<vmem>>, %arg11: memref<128xi32, #tpu.memory_space<vmem>>, %arg12: memref<32xi32, #tpu.memory_space<vmem>>, %arg13: memref<32xi32, #tpu.memory_space<vmem>>, %arg14: memref<624x16xf32, #tpu.memory_space<vmem>>, %arg15: memref<!tpu.dma_semaphore, #tpu.memory_space<semaphore_mem>>, %arg16: memref<!tpu.dma_semaphore, #tpu.memory_space<semaphore_mem>>, %arg17: memref<!tpu.dma_semaphore, #tpu.memory_space<semaphore_mem>>, %arg18: memref<!tpu.dma_semaphore, #tpu.memory_space<semaphore_mem>>) attributes {dimension_semantics = [#tpu.dimension_semantics<core_parallel>, #tpu.dimension_semantics<subcore_parallel>], iteration_bounds = array<i64: 2, 16>, scalar_prefetch = 0 : i64, scratch_operands = 14 : i64, tpu.core_type = #tpu.core_type<sc_vector_subcore>, window_params = [{transform_indices = #map}, {transform_indices = #map}, {transform_indices = #map1}]} {
    %iota3A = tpu.iota {dimensions = array<i32: 0>} : vector<16xi32>
    %eq3A = arith.constant 0 : i32
    %eq3A_0 = vector.broadcast %eq3A : i32 to vector<16xi32>
    %eq3A_1 = arith.cmpi eq, %iota3A, %eq3A_0 : vector<16xi32>
    %jit3A = arith.constant 1.000000e+00 : f32
    %jit3A_2 = arith.constant 0.000000e+00 : f32
    %broadcast_in_dim3A = vector.broadcast %jit3A : f32 to vector<16xf32>
    %broadcast_in_dim3A_3 = vector.broadcast %jit3A_2 : f32 to vector<16xf32>
    %select_n3A = arith.select %eq3A_1, %broadcast_in_dim3A, %broadcast_in_dim3A_3 : vector<16xi1>, vector<16xf32>
    %eq3A_4 = arith.constant 1 : i32
    %eq3A_5 = vector.broadcast %eq3A_4 : i32 to vector<16xi32>
    %eq3A_6 = arith.cmpi eq, %iota3A, %eq3A_5 : vector<16xi32>
    %jit3A_7 = arith.constant 1.000000e+00 : f32
    %jit3A_8 = arith.constant 0.000000e+00 : f32
    %broadcast_in_dim3A_9 = vector.broadcast %jit3A_7 : f32 to vector<16xf32>
    %broadcast_in_dim3A_10 = vector.broadcast %jit3A_8 : f32 to vector<16xf32>
    %select_n3A_11 = arith.select %eq3A_6, %broadcast_in_dim3A_9, %broadcast_in_dim3A_10 : vector<16xi1>, vector<16xf32>
    %broadcast_in_dim3A_12 = arith.constant 0.000000e+00 : f32
    %broadcast_in_dim3A_13 = vector.broadcast %broadcast_in_dim3A_12 : f32 to vector<16xf32>
    %scan3A = arith.constant 0 : i32
    %scan3A_14 = arith.constant 0 : i32
    %scan3A_15 = arith.constant 128 : i32
    %scan3A_16 = arith.addi %scan3A_14, %scan3A_15 : i32
    %scan3A_17 = arith.constant 1 : i32
    %scan3A_18 = scf.for %scan3A_81 = %scan3A_14 to %scan3A_16 step %scan3A_17 iter_args(%scan3A_82 = %scan3A) -> (i32)  : i32 {
      %swap3A = arith.index_cast %scan3A_81 : i32 to index
      %swap3A_83 = arith.constant 0 : index
      %swap3A_84 = tpu.vector_load %arg6[%swap3A, %swap3A_83] {strides = array<i32>} : memref<128x16xf32, #tpu.memory_space<vmem>>, vector<1x16xf32>,
      %swap3A_85 = vector.shape_cast %swap3A_84 : vector<1x16xf32> to vector<16xf32>
      %swap3A_86 = vector.shape_cast %select_n3A : vector<16xf32> to vector<1x16xf32>
      tpu.vector_store %arg6[%swap3A, %swap3A_83], %swap3A_86 {strides = array<i32>} : memref<128x16xf32, #tpu.memory_space<vmem>>, vector<1x16xf32>,
      %swap3A_87 = arith.index_cast %scan3A_81 : i32 to index
      %swap3A_88 = arith.constant 0 : index
      %swap3A_89 = tpu.vector_load %arg7[%swap3A_87, %swap3A_88] {strides = array<i32>} : memref<128x16xf32, #tpu.memory_space<vmem>>, vector<1x16xf32>,
      %swap3A_90 = vector.shape_cast %swap3A_89 : vector<1x16xf32> to vector<16xf32>
      %swap3A_91 = vector.shape_cast %select_n3A_11 : vector<16xf32> to vector<1x16xf32>
      tpu.vector_store %arg7[%swap3A_87, %swap3A_88], %swap3A_91 {strides = array<i32>} : memref<128x16xf32, #tpu.memory_space<vmem>>, vector<1x16xf32>,
      %scan3A_92 = arith.constant 0 : i32
      scf.yield %scan3A_92 : i32
    }
    %scan3A_19 = arith.constant 128 : i32
    %scan3A_20 = arith.constant 0 : i32
    %scan3A_21 = arith.constant 0 : i32
    %scan3A_22 = arith.constant 624 : i32
    %scan3A_23 = arith.addi %scan3A_21, %scan3A_22 : i32
    %scan3A_24 = arith.constant 1 : i32
    %scan3A_25 = scf.for %scan3A_81 = %scan3A_21 to %scan3A_23 step %scan3A_24 iter_args(%scan3A_82 = %scan3A_20) -> (i32)  : i32 {
      %swap3A = arith.index_cast %scan3A_81 : i32 to index
      %swap3A_83 = arith.constant 0 : index
      %swap3A_84 = tpu.vector_load %arg14[%swap3A, %swap3A_83] {strides = array<i32>} : memref<624x16xf32, #tpu.memory_space<vmem>>, vector<1x16xf32>,
      %swap3A_85 = vector.shape_cast %swap3A_84 : vector<1x16xf32> to vector<16xf32>
      %swap3A_86 = vector.shape_cast %broadcast_in_dim3A_13 : vector<16xf32> to vector<1x16xf32>
      tpu.vector_store %arg14[%swap3A, %swap3A_83], %swap3A_86 {strides = array<i32>} : memref<624x16xf32, #tpu.memory_space<vmem>>, vector<1x16xf32>,
      %scan3A_87 = arith.constant 0 : i32
      scf.yield %scan3A_87 : i32
    }
    %scan3A_26 = arith.constant 624 : i32
    %mul3A = arith.constant 624 : i32
    %mul3A_27 = arith.muli %arg1, %mul3A : i32
    "tpu.region"() ({
      %run_scoped3A = tpu.sem_alloc : memref<!tpu.dma_semaphore, #tpu.memory_space<semaphore_mem>>
      %dma_start3A_81 = arith.constant 0 : i32
      %dma_start3A_82 = tpu.memref_slice %arg5[%mul3A_27, %dma_start3A_81] : memref<10000x16xf32, #tpu.memory_space<vmem_shared>> -> memref<624x16xf32, #tpu.memory_space<vmem_shared>>
      %dma_start3A_83 = arith.constant 0 : i32
      %dma_start3A_84 = tpu.memref_slice %arg5[%mul3A_27, %dma_start3A_83] : memref<10000x16xf32, #tpu.memory_space<vmem_shared>> -> memref<624x16xf32, #tpu.memory_space<vmem_shared>>
      tpu.enqueue_dma source(%arg14 : memref<624x16xf32, #tpu.memory_space<vmem>>) target(%dma_start3A_84 : memref<624x16xf32, #tpu.memory_space<vmem_shared>>) target_semaphore(%run_scoped3A : memref<!tpu.dma_semaphore, #tpu.memory_space<semaphore_mem>>)
      %dma_wait3A_85 = arith.constant 0 : i32
      %dma_wait3A_86 = tpu.memref_slice %arg5[%mul3A_27, %dma_wait3A_85] : memref<10000x16xf32, #tpu.memory_space<vmem_shared>> -> memref<624x16xf32, #tpu.memory_space<vmem_shared>>
      %dma_wait3A_87 = arith.constant 0 : i32
      %dma_wait3A_88 = tpu.memref_slice %arg5[%mul3A_27, %dma_wait3A_87] : memref<10000x16xf32, #tpu.memory_space<vmem_shared>> -> memref<624x16xf32, #tpu.memory_space<vmem_shared>>
      tpu.wait_dma2 semaphore(%run_scoped3A : memref<!tpu.dma_semaphore, #tpu.memory_space<semaphore_mem>>) src(%arg14 : memref<624x16xf32, #tpu.memory_space<vmem>>) dst(%dma_wait3A_88 : memref<624x16xf32, #tpu.memory_space<vmem_shared>>)
      tpu.yield
    }) : () -> ()
    %eq3A_28 = arith.constant 0 : i32
    %eq3A_29 = arith.cmpi eq, %arg1, %eq3A_28 : i32
    %convert_element_type3A = arith.extui %eq3A_29 : i1 to i32
    %cond3A = arith.constant 0 : i32
    %cond3A_30 = arith.cmpi ne, %convert_element_type3A, %cond3A : i32
    scf.if %cond3A_30 {
      "tpu.region"() ({
        %run_scoped3A = tpu.sem_alloc : memref<!tpu.dma_semaphore, #tpu.memory_space<semaphore_mem>>
        %dma_start3A_81 = arith.constant 0 : i32
        %dma_start3A_82 = arith.constant 0 : i32
        %dma_start3A_83 = tpu.memref_slice %arg14[%dma_start3A_81, %dma_start3A_82] : memref<624x16xf32, #tpu.memory_space<vmem>> -> memref<16x16xf32, #tpu.memory_space<vmem>>
        %dma_start3A_84 = arith.constant 9984 : i32
        %dma_start3A_85 = arith.constant 0 : i32
        %dma_start3A_86 = tpu.memref_slice %arg5[%dma_start3A_84, %dma_start3A_85] : memref<10000x16xf32, #tpu.memory_space<vmem_shared>> -> memref<16x16xf32, #tpu.memory_space<vmem_shared>>
        %dma_start3A_87 = arith.constant 9984 : i32
        %dma_start3A_88 = arith.constant 0 : i32
        %dma_start3A_89 = tpu.memref_slice %arg5[%dma_start3A_87, %dma_start3A_88] : memref<10000x16xf32, #tpu.memory_space<vmem_shared>> -> memref<16x16xf32, #tpu.memory_space<vmem_shared>>
        %dma_start3A_90 = arith.constant 0 : i32
        %dma_start3A_91 = arith.constant 0 : i32
        %dma_start3A_92 = tpu.memref_slice %arg14[%dma_start3A_90, %dma_start3A_91] : memref<624x16xf32, #tpu.memory_space<vmem>> -> memref<16x16xf32, #tpu.memory_space<vmem>>
        tpu.enqueue_dma source(%dma_start3A_92 : memref<16x16xf32, #tpu.memory_space<vmem>>) target(%dma_start3A_89 : memref<16x16xf32, #tpu.memory_space<vmem_shared>>) target_semaphore(%run_scoped3A : memref<!tpu.dma_semaphore, #tpu.memory_space<semaphore_mem>>)
        %dma_wait3A_93 = arith.constant 0 : i32
        %dma_wait3A_94 = arith.constant 0 : i32
        %dma_wait3A_95 = tpu.memref_slice %arg14[%dma_wait3A_93, %dma_wait3A_94] : memref<624x16xf32, #tpu.memory_space<vmem>> -> memref<16x16xf32, #tpu.memory_space<vmem>>
        %dma_wait3A_96 = arith.constant 9984 : i32
        %dma_wait3A_97 = arith.constant 0 : i32
        %dma_wait3A_98 = tpu.memref_slice %arg5[%dma_wait3A_96, %dma_wait3A_97] : memref<10000x16xf32, #tpu.memory_space<vmem_shared>> -> memref<16x16xf32, #tpu.memory_space<vmem_shared>>
        %dma_wait3A_99 = arith.constant 9984 : i32
        %dma_wait3A_100 = arith.constant 0 : i32
        %dma_wait3A_101 = tpu.memref_slice %arg5[%dma_wait3A_99, %dma_wait3A_100] : memref<10000x16xf32, #tpu.memory_space<vmem_shared>> -> memref<16x16xf32, #tpu.memory_space<vmem_shared>>
        %dma_wait3A_102 = arith.constant 0 : i32
        %dma_wait3A_103 = arith.constant 0 : i32
        %dma_wait3A_104 = tpu.memref_slice %arg14[%dma_wait3A_102, %dma_wait3A_103] : memref<624x16xf32, #tpu.memory_space<vmem>> -> memref<16x16xf32, #tpu.memory_space<vmem>>
        tpu.wait_dma2 semaphore(%run_scoped3A : memref<!tpu.dma_semaphore, #tpu.memory_space<semaphore_mem>>) src(%dma_wait3A_104 : memref<16x16xf32, #tpu.memory_space<vmem>>) dst(%dma_wait3A_101 : memref<16x16xf32, #tpu.memory_space<vmem_shared>>)
        tpu.yield
      }) : () -> ()
    } else {
    }
    %barrier3A = arith.constant 0 : index
    tpu.barrier barrier_id(%barrier3A)
    %mul3A_31 = arith.constant 320000 : i32
    %mul3A_32 = arith.muli %arg0, %mul3A_31 : i32
    %mul3A_33 = arith.constant 20000 : i32
    %mul3A_34 = arith.muli %arg1, %mul3A_33 : i32
    %add3A = arith.addi %mul3A_32, %mul3A_34 : i32
    %add3A_35 = arith.constant 0 : i32
    %add3A_36 = arith.addi %add3A, %add3A_35 : i32
    "tpu.region"() ({
      %run_scoped3A = tpu.sem_alloc : memref<!tpu.dma_semaphore, #tpu.memory_space<semaphore_mem>>
      %dma_start3A_81 = tpu.memref_slice %arg2[%add3A_36] : memref<640000xi32, #tpu.memory_space<hbm>> -> memref<128xi32, #tpu.memory_space<hbm>>
      %dma_start3A_82 = tpu.memref_slice %arg2[%add3A_36] : memref<640000xi32, #tpu.memory_space<hbm>> -> memref<128xi32, #tpu.memory_space<hbm>>
      tpu.enqueue_dma source(%dma_start3A_82 : memref<128xi32, #tpu.memory_space<hbm>>) target(%arg8 : memref<128xi32, #tpu.memory_space<vmem>>) target_semaphore(%run_scoped3A : memref<!tpu.dma_semaphore, #tpu.memory_space<semaphore_mem>>)
      %dma_wait3A_83 = tpu.memref_slice %arg2[%add3A_36] : memref<640000xi32, #tpu.memory_space<hbm>> -> memref<128xi32, #tpu.memory_space<hbm>>
      %dma_wait3A_84 = tpu.memref_slice %arg2[%add3A_36] : memref<640000xi32, #tpu.memory_space<hbm>> -> memref<128xi32, #tpu.memory_space<hbm>>
      tpu.wait_dma2 semaphore(%run_scoped3A : memref<!tpu.dma_semaphore, #tpu.memory_space<semaphore_mem>>) src(%dma_wait3A_84 : memref<128xi32, #tpu.memory_space<hbm>>) dst(%arg8 : memref<128xi32, #tpu.memory_space<vmem>>)
      tpu.yield
    }) : () -> ()
    "tpu.region"() ({
      %run_scoped3A = tpu.sem_alloc : memref<!tpu.dma_semaphore, #tpu.memory_space<semaphore_mem>>
      %dma_start3A_81 = tpu.memref_slice %arg3[%add3A_36] : memref<640000xi32, #tpu.memory_space<hbm>> -> memref<128xi32, #tpu.memory_space<hbm>>
      %dma_start3A_82 = tpu.memref_slice %arg3[%add3A_36] : memref<640000xi32, #tpu.memory_space<hbm>> -> memref<128xi32, #tpu.memory_space<hbm>>
      tpu.enqueue_dma source(%dma_start3A_82 : memref<128xi32, #tpu.memory_space<hbm>>) target(%arg9 : memref<128xi32, #tpu.memory_space<vmem>>) target_semaphore(%run_scoped3A : memref<!tpu.dma_semaphore, #tpu.memory_space<semaphore_mem>>)
      %dma_wait3A_83 = tpu.memref_slice %arg3[%add3A_36] : memref<640000xi32, #tpu.memory_space<hbm>> -> memref<128xi32, #tpu.memory_space<hbm>>
      %dma_wait3A_84 = tpu.memref_slice %arg3[%add3A_36] : memref<640000xi32, #tpu.memory_space<hbm>> -> memref<128xi32, #tpu.memory_space<hbm>>
      tpu.wait_dma2 semaphore(%run_scoped3A : memref<!tpu.dma_semaphore, #tpu.memory_space<semaphore_mem>>) src(%dma_wait3A_84 : memref<128xi32, #tpu.memory_space<hbm>>) dst(%arg9 : memref<128xi32, #tpu.memory_space<vmem>>)
      tpu.yield
    }) : () -> ()
    %dma_start3A = arith.constant 0 : i32
    %dma_start3A_37 = arith.constant 0 : i32
    %dma_start3A_38 = tpu.memref_slice %arg5[%dma_start3A, %dma_start3A_37] : memref<10000x16xf32, #tpu.memory_space<vmem_shared>> -> memref<10000x16xf32, #tpu.memory_space<vmem_shared>>
    tpu.enqueue_indirect_dma source(%arg6 : memref<128x16xf32, #tpu.memory_space<vmem>>) target(%dma_start3A_38 : memref<10000x16xf32, #tpu.memory_space<vmem_shared>>) offsets(%arg8 : memref<128xi32, #tpu.memory_space<vmem>>) semaphore(%arg15 : memref<!tpu.dma_semaphore, #tpu.memory_space<semaphore_mem>>) {add = true}
    %dma_start3A_39 = arith.constant 0 : i32
    %dma_start3A_40 = arith.constant 0 : i32
    %dma_start3A_41 = tpu.memref_slice %arg5[%dma_start3A_39, %dma_start3A_40] : memref<10000x16xf32, #tpu.memory_space<vmem_shared>> -> memref<10000x16xf32, #tpu.memory_space<vmem_shared>>
    tpu.enqueue_indirect_dma source(%arg7 : memref<128x16xf32, #tpu.memory_space<vmem>>) target(%dma_start3A_41 : memref<10000x16xf32, #tpu.memory_space<vmem_shared>>) offsets(%arg9 : memref<128xi32, #tpu.memory_space<vmem>>) semaphore(%arg16 : memref<!tpu.dma_semaphore, #tpu.memory_space<semaphore_mem>>) {add = true}
    %add3A_42 = arith.constant 128 : i32
    %add3A_43 = arith.addi %add3A, %add3A_42 : i32
    "tpu.region"() ({
      %run_scoped3A = tpu.sem_alloc : memref<!tpu.dma_semaphore, #tpu.memory_space<semaphore_mem>>
      %dma_start3A_81 = tpu.memref_slice %arg2[%add3A_43] : memref<640000xi32, #tpu.memory_space<hbm>> -> memref<128xi32, #tpu.memory_space<hbm>>
      %dma_start3A_82 = tpu.memref_slice %arg2[%add3A_43] : memref<640000xi32, #tpu.memory_space<hbm>> -> memref<128xi32, #tpu.memory_space<hbm>>
      tpu.enqueue_dma source(%dma_start3A_82 : memref<128xi32, #tpu.memory_space<hbm>>) target(%arg10 : memref<128xi32, #tpu.memory_space<vmem>>) target_semaphore(%run_scoped3A : memref<!tpu.dma_semaphore, #tpu.memory_space<semaphore_mem>>)
      %dma_wait3A_83 = tpu.memref_slice %arg2[%add3A_43] : memref<640000xi32, #tpu.memory_space<hbm>> -> memref<128xi32, #tpu.memory_space<hbm>>
      %dma_wait3A_84 = tpu.memref_slice %arg2[%add3A_43] : memref<640000xi32, #tpu.memory_space<hbm>> -> memref<128xi32, #tpu.memory_space<hbm>>
      tpu.wait_dma2 semaphore(%run_scoped3A : memref<!tpu.dma_semaphore, #tpu.memory_space<semaphore_mem>>) src(%dma_wait3A_84 : memref<128xi32, #tpu.memory_space<hbm>>) dst(%arg10 : memref<128xi32, #tpu.memory_space<vmem>>)
      tpu.yield
    }) : () -> ()
    "tpu.region"() ({
      %run_scoped3A = tpu.sem_alloc : memref<!tpu.dma_semaphore, #tpu.memory_space<semaphore_mem>>
      %dma_start3A_81 = tpu.memref_slice %arg3[%add3A_43] : memref<640000xi32, #tpu.memory_space<hbm>> -> memref<128xi32, #tpu.memory_space<hbm>>
      %dma_start3A_82 = tpu.memref_slice %arg3[%add3A_43] : memref<640000xi32, #tpu.memory_space<hbm>> -> memref<128xi32, #tpu.memory_space<hbm>>
      tpu.enqueue_dma source(%dma_start3A_82 : memref<128xi32, #tpu.memory_space<hbm>>) target(%arg11 : memref<128xi32, #tpu.memory_space<vmem>>) target_semaphore(%run_scoped3A : memref<!tpu.dma_semaphore, #tpu.memory_space<semaphore_mem>>)
      %dma_wait3A_83 = tpu.memref_slice %arg3[%add3A_43] : memref<640000xi32, #tpu.memory_space<hbm>> -> memref<128xi32, #tpu.memory_space<hbm>>
      %dma_wait3A_84 = tpu.memref_slice %arg3[%add3A_43] : memref<640000xi32, #tpu.memory_space<hbm>> -> memref<128xi32, #tpu.memory_space<hbm>>
      tpu.wait_dma2 semaphore(%run_scoped3A : memref<!tpu.dma_semaphore, #tpu.memory_space<semaphore_mem>>) src(%dma_wait3A_84 : memref<128xi32, #tpu.memory_space<hbm>>) dst(%arg11 : memref<128xi32, #tpu.memory_space<vmem>>)
      tpu.yield
    }) : () -> ()
    %dma_start3A_44 = arith.constant 0 : i32
    %dma_start3A_45 = arith.constant 0 : i32
    %dma_start3A_46 = tpu.memref_slice %arg5[%dma_start3A_44, %dma_start3A_45] : memref<10000x16xf32, #tpu.memory_space<vmem_shared>> -> memref<10000x16xf32, #tpu.memory_space<vmem_shared>>
    tpu.enqueue_indirect_dma source(%arg6 : memref<128x16xf32, #tpu.memory_space<vmem>>) target(%dma_start3A_46 : memref<10000x16xf32, #tpu.memory_space<vmem_shared>>) offsets(%arg10 : memref<128xi32, #tpu.memory_space<vmem>>) semaphore(%arg17 : memref<!tpu.dma_semaphore, #tpu.memory_space<semaphore_mem>>) {add = true}
    %dma_start3A_47 = arith.constant 0 : i32
    %dma_start3A_48 = arith.constant 0 : i32
    %dma_start3A_49 = tpu.memref_slice %arg5[%dma_start3A_47, %dma_start3A_48] : memref<10000x16xf32, #tpu.memory_space<vmem_shared>> -> memref<10000x16xf32, #tpu.memory_space<vmem_shared>>
    tpu.enqueue_indirect_dma source(%arg7 : memref<128x16xf32, #tpu.memory_space<vmem>>) target(%dma_start3A_49 : memref<10000x16xf32, #tpu.memory_space<vmem_shared>>) offsets(%arg11 : memref<128xi32, #tpu.memory_space<vmem>>) semaphore(%arg18 : memref<!tpu.dma_semaphore, #tpu.memory_space<semaphore_mem>>) {add = true}
    %scan3A_50 = arith.constant 0 : i32
    %scan3A_51 = arith.constant 0 : i32
    %scan3A_52 = arith.constant 77 : i32
    %scan3A_53 = arith.addi %scan3A_51, %scan3A_52 : i32
    %scan3A_54 = arith.constant 1 : i32
    %scan3A_55 = scf.for %scan3A_81 = %scan3A_51 to %scan3A_53 step %scan3A_54 iter_args(%scan3A_82 = %scan3A_50) -> (i32)  : i32 {
      %mul3A_83 = arith.constant 2 : i32
      %mul3A_84 = arith.muli %mul3A_83, %scan3A_81 : i32
      %add3A_85 = arith.constant 2 : i32
      %add3A_86 = arith.addi %mul3A_84, %add3A_85 : i32
      %dma_wait3A_87 = arith.constant 0 : i32
      %dma_wait3A_88 = arith.constant 0 : i32
      %dma_wait3A_89 = tpu.memref_slice %arg5[%dma_wait3A_87, %dma_wait3A_88] : memref<10000x16xf32, #tpu.memory_space<vmem_shared>> -> memref<10000x16xf32, #tpu.memory_space<vmem_shared>>
      tpu.wait_indirect_dma semaphore(%arg15 : memref<!tpu.dma_semaphore, #tpu.memory_space<semaphore_mem>>) src(%arg6 : memref<128x16xf32, #tpu.memory_space<vmem>>) dst(%dma_wait3A_89 : memref<10000x16xf32, #tpu.memory_space<vmem_shared>>)
      %dma_wait3A_90 = arith.constant 0 : i32
      %dma_wait3A_91 = arith.constant 0 : i32
      %dma_wait3A_92 = tpu.memref_slice %arg5[%dma_wait3A_90, %dma_wait3A_91] : memref<10000x16xf32, #tpu.memory_space<vmem_shared>> -> memref<10000x16xf32, #tpu.memory_space<vmem_shared>>
      tpu.wait_indirect_dma semaphore(%arg16 : memref<!tpu.dma_semaphore, #tpu.memory_space<semaphore_mem>>) src(%arg7 : memref<128x16xf32, #tpu.memory_space<vmem>>) dst(%dma_wait3A_92 : memref<10000x16xf32, #tpu.memory_space<vmem_shared>>)
      %mul3A_93 = arith.constant 128 : i32
      %mul3A_94 = arith.muli %add3A_86, %mul3A_93 : i32
      %add3A_95 = arith.addi %add3A, %mul3A_94 : i32
      "tpu.region"() ({
        %run_scoped3A = tpu.sem_alloc : memref<!tpu.dma_semaphore, #tpu.memory_space<semaphore_mem>>
        %dma_start3A_120 = tpu.memref_slice %arg2[%add3A_95] : memref<640000xi32, #tpu.memory_space<hbm>> -> memref<128xi32, #tpu.memory_space<hbm>>
        %dma_start3A_121 = tpu.memref_slice %arg2[%add3A_95] : memref<640000xi32, #tpu.memory_space<hbm>> -> memref<128xi32, #tpu.memory_space<hbm>>
        tpu.enqueue_dma source(%dma_start3A_121 : memref<128xi32, #tpu.memory_space<hbm>>) target(%arg8 : memref<128xi32, #tpu.memory_space<vmem>>) target_semaphore(%run_scoped3A : memref<!tpu.dma_semaphore, #tpu.memory_space<semaphore_mem>>)
        %dma_wait3A_122 = tpu.memref_slice %arg2[%add3A_95] : memref<640000xi32, #tpu.memory_space<hbm>> -> memref<128xi32, #tpu.memory_space<hbm>>
        %dma_wait3A_123 = tpu.memref_slice %arg2[%add3A_95] : memref<640000xi32, #tpu.memory_space<hbm>> -> memref<128xi32, #tpu.memory_space<hbm>>
        tpu.wait_dma2 semaphore(%run_scoped3A : memref<!tpu.dma_semaphore, #tpu.memory_space<semaphore_mem>>) src(%dma_wait3A_123 : memref<128xi32, #tpu.memory_space<hbm>>) dst(%arg8 : memref<128xi32, #tpu.memory_space<vmem>>)
        tpu.yield
      }) : () -> ()
      "tpu.region"() ({
        %run_scoped3A = tpu.sem_alloc : memref<!tpu.dma_semaphore, #tpu.memory_space<semaphore_mem>>
        %dma_start3A_120 = tpu.memref_slice %arg3[%add3A_95] : memref<640000xi32, #tpu.memory_space<hbm>> -> memref<128xi32, #tpu.memory_space<hbm>>
        %dma_start3A_121 = tpu.memref_slice %arg3[%add3A_95] : memref<640000xi32, #tpu.memory_space<hbm>> -> memref<128xi32, #tpu.memory_space<hbm>>
        tpu.enqueue_dma source(%dma_start3A_121 : memref<128xi32, #tpu.memory_space<hbm>>) target(%arg9 : memref<128xi32, #tpu.memory_space<vmem>>) target_semaphore(%run_scoped3A : memref<!tpu.dma_semaphore, #tpu.memory_space<semaphore_mem>>)
        %dma_wait3A_122 = tpu.memref_slice %arg3[%add3A_95] : memref<640000xi32, #tpu.memory_space<hbm>> -> memref<128xi32, #tpu.memory_space<hbm>>
        %dma_wait3A_123 = tpu.memref_slice %arg3[%add3A_95] : memref<640000xi32, #tpu.memory_space<hbm>> -> memref<128xi32, #tpu.memory_space<hbm>>
        tpu.wait_dma2 semaphore(%run_scoped3A : memref<!tpu.dma_semaphore, #tpu.memory_space<semaphore_mem>>) src(%dma_wait3A_123 : memref<128xi32, #tpu.memory_space<hbm>>) dst(%arg9 : memref<128xi32, #tpu.memory_space<vmem>>)
        tpu.yield
      }) : () -> ()
      %dma_start3A_96 = arith.constant 0 : i32
      %dma_start3A_97 = arith.constant 0 : i32
      %dma_start3A_98 = tpu.memref_slice %arg5[%dma_start3A_96, %dma_start3A_97] : memref<10000x16xf32, #tpu.memory_space<vmem_shared>> -> memref<10000x16xf32, #tpu.memory_space<vmem_shared>>
      tpu.enqueue_indirect_dma source(%arg6 : memref<128x16xf32, #tpu.memory_space<vmem>>) target(%dma_start3A_98 : memref<10000x16xf32, #tpu.memory_space<vmem_shared>>) offsets(%arg8 : memref<128xi32, #tpu.memory_space<vmem>>) semaphore(%arg15 : memref<!tpu.dma_semaphore, #tpu.memory_space<semaphore_mem>>) {add = true}
      %dma_start3A_99 = arith.constant 0 : i32
      %dma_start3A_100 = arith.constant 0 : i32
      %dma_start3A_101 = tpu.memref_slice %arg5[%dma_start3A_99, %dma_start3A_100] : memref<10000x16xf32, #tpu.memory_space<vmem_shared>> -> memref<10000x16xf32, #tpu.memory_space<vmem_shared>>
      tpu.enqueue_indirect_dma source(%arg7 : memref<128x16xf32, #tpu.memory_space<vmem>>) target(%dma_start3A_101 : memref<10000x16xf32, #tpu.memory_space<vmem_shared>>) offsets(%arg9 : memref<128xi32, #tpu.memory_space<vmem>>) semaphore(%arg16 : memref<!tpu.dma_semaphore, #tpu.memory_space<semaphore_mem>>) {add = true}
      %dma_wait3A_102 = arith.constant 0 : i32
      %dma_wait3A_103 = arith.constant 0 : i32
      %dma_wait3A_104 = tpu.memref_slice %arg5[%dma_wait3A_102, %dma_wait3A_103] : memref<10000x16xf32, #tpu.memory_space<vmem_shared>> -> memref<10000x16xf32, #tpu.memory_space<vmem_shared>>
      tpu.wait_indirect_dma semaphore(%arg17 : memref<!tpu.dma_semaphore, #tpu.memory_space<semaphore_mem>>) src(%arg6 : memref<128x16xf32, #tpu.memory_space<vmem>>) dst(%dma_wait3A_104 : memref<10000x16xf32, #tpu.memory_space<vmem_shared>>)
      %dma_wait3A_105 = arith.constant 0 : i32
      %dma_wait3A_106 = arith.constant 0 : i32
      %dma_wait3A_107 = tpu.memref_slice %arg5[%dma_wait3A_105, %dma_wait3A_106] : memref<10000x16xf32, #tpu.memory_space<vmem_shared>> -> memref<10000x16xf32, #tpu.memory_space<vmem_shared>>
      tpu.wait_indirect_dma semaphore(%arg18 : memref<!tpu.dma_semaphore, #tpu.memory_space<semaphore_mem>>) src(%arg7 : memref<128x16xf32, #tpu.memory_space<vmem>>) dst(%dma_wait3A_107 : memref<10000x16xf32, #tpu.memory_space<vmem_shared>>)
      %add3A_108 = arith.constant 1 : i32
      %add3A_109 = arith.addi %add3A_86, %add3A_108 : i32
      %mul3A_110 = arith.constant 128 : i32
      %mul3A_111 = arith.muli %add3A_109, %mul3A_110 : i32
      %add3A_112 = arith.addi %add3A, %mul3A_111 : i32
      "tpu.region"() ({
        %run_scoped3A = tpu.sem_alloc : memref<!tpu.dma_semaphore, #tpu.memory_space<semaphore_mem>>
        %dma_start3A_120 = tpu.memref_slice %arg2[%add3A_112] : memref<640000xi32, #tpu.memory_space<hbm>> -> memref<128xi32, #tpu.memory_space<hbm>>
        %dma_start3A_121 = tpu.memref_slice %arg2[%add3A_112] : memref<640000xi32, #tpu.memory_space<hbm>> -> memref<128xi32, #tpu.memory_space<hbm>>
        tpu.enqueue_dma source(%dma_start3A_121 : memref<128xi32, #tpu.memory_space<hbm>>) target(%arg10 : memref<128xi32, #tpu.memory_space<vmem>>) target_semaphore(%run_scoped3A : memref<!tpu.dma_semaphore, #tpu.memory_space<semaphore_mem>>)
        %dma_wait3A_122 = tpu.memref_slice %arg2[%add3A_112] : memref<640000xi32, #tpu.memory_space<hbm>> -> memref<128xi32, #tpu.memory_space<hbm>>
        %dma_wait3A_123 = tpu.memref_slice %arg2[%add3A_112] : memref<640000xi32, #tpu.memory_space<hbm>> -> memref<128xi32, #tpu.memory_space<hbm>>
        tpu.wait_dma2 semaphore(%run_scoped3A : memref<!tpu.dma_semaphore, #tpu.memory_space<semaphore_mem>>) src(%dma_wait3A_123 : memref<128xi32, #tpu.memory_space<hbm>>) dst(%arg10 : memref<128xi32, #tpu.memory_space<vmem>>)
        tpu.yield
      }) : () -> ()
      "tpu.region"() ({
        %run_scoped3A = tpu.sem_alloc : memref<!tpu.dma_semaphore, #tpu.memory_space<semaphore_mem>>
        %dma_start3A_120 = tpu.memref_slice %arg3[%add3A_112] : memref<640000xi32, #tpu.memory_space<hbm>> -> memref<128xi32, #tpu.memory_space<hbm>>
        %dma_start3A_121 = tpu.memref_slice %arg3[%add3A_112] : memref<640000xi32, #tpu.memory_space<hbm>> -> memref<128xi32, #tpu.memory_space<hbm>>
        tpu.enqueue_dma source(%dma_start3A_121 : memref<128xi32, #tpu.memory_space<hbm>>) target(%arg11 : memref<128xi32, #tpu.memory_space<vmem>>) target_semaphore(%run_scoped3A : memref<!tpu.dma_semaphore, #tpu.memory_space<semaphore_mem>>)
        %dma_wait3A_122 = tpu.memref_slice %arg3[%add3A_112] : memref<640000xi32, #tpu.memory_space<hbm>> -> memref<128xi32, #tpu.memory_space<hbm>>
        %dma_wait3A_123 = tpu.memref_slice %arg3[%add3A_112] : memref<640000xi32, #tpu.memory_space<hbm>> -> memref<128xi32, #tpu.memory_space<hbm>>
        tpu.wait_dma2 semaphore(%run_scoped3A : memref<!tpu.dma_semaphore, #tpu.memory_space<semaphore_mem>>) src(%dma_wait3A_123 : memref<128xi32, #tpu.memory_space<hbm>>) dst(%arg11 : memref<128xi32, #tpu.memory_space<vmem>>)
        tpu.yield
      }) : () -> ()
      %dma_start3A_113 = arith.constant 0 : i32
      %dma_start3A_114 = arith.constant 0 : i32
      %dma_start3A_115 = tpu.memref_slice %arg5[%dma_start3A_113, %dma_start3A_114] : memref<10000x16xf32, #tpu.memory_space<vmem_shared>> -> memref<10000x16xf32, #tpu.memory_space<vmem_shared>>
      tpu.enqueue_indirect_dma source(%arg6 : memref<128x16xf32, #tpu.memory_space<vmem>>) target(%dma_start3A_115 : memref<10000x16xf32, #tpu.memory_space<vmem_shared>>) offsets(%arg10 : memref<128xi32, #tpu.memory_space<vmem>>) semaphore(%arg17 : memref<!tpu.dma_semaphore, #tpu.memory_space<semaphore_mem>>) {add = true}
      %dma_start3A_116 = arith.constant 0 : i32
      %dma_start3A_117 = arith.constant 0 : i32
      %dma_start3A_118 = tpu.memref_slice %arg5[%dma_start3A_116, %dma_start3A_117] : memref<10000x16xf32, #tpu.memory_space<vmem_shared>> -> memref<10000x16xf32, #tpu.memory_space<vmem_shared>>
      tpu.enqueue_indirect_dma source(%arg7 : memref<128x16xf32, #tpu.memory_space<vmem>>) target(%dma_start3A_118 : memref<10000x16xf32, #tpu.memory_space<vmem_shared>>) offsets(%arg11 : memref<128xi32, #tpu.memory_space<vmem>>) semaphore(%arg18 : memref<!tpu.dma_semaphore, #tpu.memory_space<semaphore_mem>>) {add = true}
      %scan3A_119 = arith.constant 0 : i32
      scf.yield %scan3A_119 : i32
    }
    %scan3A_56 = arith.constant 77 : i32
    %add3A_57 = arith.constant 19968 : i32
    %add3A_58 = arith.addi %add3A, %add3A_57 : i32
    "tpu.region"() ({
      %run_scoped3A = tpu.sem_alloc : memref<!tpu.dma_semaphore, #tpu.memory_space<semaphore_mem>>
      %dma_start3A_81 = tpu.memref_slice %arg2[%add3A_58] : memref<640000xi32, #tpu.memory_space<hbm>> -> memref<32xi32, #tpu.memory_space<hbm>>
      %dma_start3A_82 = tpu.memref_slice %arg2[%add3A_58] : memref<640000xi32, #tpu.memory_space<hbm>> -> memref<32xi32, #tpu.memory_space<hbm>>
      tpu.enqueue_dma source(%dma_start3A_82 : memref<32xi32, #tpu.memory_space<hbm>>) target(%arg12 : memref<32xi32, #tpu.memory_space<vmem>>) target_semaphore(%run_scoped3A : memref<!tpu.dma_semaphore, #tpu.memory_space<semaphore_mem>>)
      %dma_wait3A_83 = tpu.memref_slice %arg2[%add3A_58] : memref<640000xi32, #tpu.memory_space<hbm>> -> memref<32xi32, #tpu.memory_space<hbm>>
      %dma_wait3A_84 = tpu.memref_slice %arg2[%add3A_58] : memref<640000xi32, #tpu.memory_space<hbm>> -> memref<32xi32, #tpu.memory_space<hbm>>
      tpu.wait_dma2 semaphore(%run_scoped3A : memref<!tpu.dma_semaphore, #tpu.memory_space<semaphore_mem>>) src(%dma_wait3A_84 : memref<32xi32, #tpu.memory_space<hbm>>) dst(%arg12 : memref<32xi32, #tpu.memory_space<vmem>>)
      tpu.yield
    }) : () -> ()
    "tpu.region"() ({
      %run_scoped3A = tpu.sem_alloc : memref<!tpu.dma_semaphore, #tpu.memory_space<semaphore_mem>>
      %dma_start3A_81 = tpu.memref_slice %arg3[%add3A_58] : memref<640000xi32, #tpu.memory_space<hbm>> -> memref<32xi32, #tpu.memory_space<hbm>>
      %dma_start3A_82 = tpu.memref_slice %arg3[%add3A_58] : memref<640000xi32, #tpu.memory_space<hbm>> -> memref<32xi32, #tpu.memory_space<hbm>>
      tpu.enqueue_dma source(%dma_start3A_82 : memref<32xi32, #tpu.memory_space<hbm>>) target(%arg13 : memref<32xi32, #tpu.memory_space<vmem>>) target_semaphore(%run_scoped3A : memref<!tpu.dma_semaphore, #tpu.memory_space<semaphore_mem>>)
      %dma_wait3A_83 = tpu.memref_slice %arg3[%add3A_58] : memref<640000xi32, #tpu.memory_space<hbm>> -> memref<32xi32, #tpu.memory_space<hbm>>
      %dma_wait3A_84 = tpu.memref_slice %arg3[%add3A_58] : memref<640000xi32, #tpu.memory_space<hbm>> -> memref<32xi32, #tpu.memory_space<hbm>>
      tpu.wait_dma2 semaphore(%run_scoped3A : memref<!tpu.dma_semaphore, #tpu.memory_space<semaphore_mem>>) src(%dma_wait3A_84 : memref<32xi32, #tpu.memory_space<hbm>>) dst(%arg13 : memref<32xi32, #tpu.memory_space<vmem>>)
      tpu.yield
    }) : () -> ()
    "tpu.region"() ({
      %run_scoped3A = tpu.sem_alloc : memref<!tpu.dma_semaphore, #tpu.memory_space<semaphore_mem>>
      %dma_start3A_81 = arith.constant 0 : i32
      %dma_start3A_82 = arith.constant 0 : i32
      %dma_start3A_83 = tpu.memref_slice %arg6[%dma_start3A_81, %dma_start3A_82] : memref<128x16xf32, #tpu.memory_space<vmem>> -> memref<32x16xf32, #tpu.memory_space<vmem>>
      %dma_start3A_84 = arith.constant 0 : i32
      %dma_start3A_85 = arith.constant 0 : i32
      %dma_start3A_86 = tpu.memref_slice %arg5[%dma_start3A_84, %dma_start3A_85] : memref<10000x16xf32, #tpu.memory_space<vmem_shared>> -> memref<10000x16xf32, #tpu.memory_space<vmem_shared>>
      tpu.enqueue_indirect_dma source(%dma_start3A_83 : memref<32x16xf32, #tpu.memory_space<vmem>>) target(%dma_start3A_86 : memref<10000x16xf32, #tpu.memory_space<vmem_shared>>) offsets(%arg12 : memref<32xi32, #tpu.memory_space<vmem>>) semaphore(%run_scoped3A : memref<!tpu.dma_semaphore, #tpu.memory_space<semaphore_mem>>) {add = true}
      %dma_wait3A_87 = arith.constant 0 : i32
      %dma_wait3A_88 = arith.constant 0 : i32
      %dma_wait3A_89 = tpu.memref_slice %arg6[%dma_wait3A_87, %dma_wait3A_88] : memref<128x16xf32, #tpu.memory_space<vmem>> -> memref<32x16xf32, #tpu.memory_space<vmem>>
      %dma_wait3A_90 = arith.constant 0 : i32
      %dma_wait3A_91 = arith.constant 0 : i32
      %dma_wait3A_92 = tpu.memref_slice %arg5[%dma_wait3A_90, %dma_wait3A_91] : memref<10000x16xf32, #tpu.memory_space<vmem_shared>> -> memref<10000x16xf32, #tpu.memory_space<vmem_shared>>
      tpu.wait_indirect_dma semaphore(%run_scoped3A : memref<!tpu.dma_semaphore, #tpu.memory_space<semaphore_mem>>) src(%dma_wait3A_89 : memref<32x16xf32, #tpu.memory_space<vmem>>) dst(%dma_wait3A_92 : memref<10000x16xf32, #tpu.memory_space<vmem_shared>>)
      tpu.yield
    }) : () -> ()
    "tpu.region"() ({
      %run_scoped3A = tpu.sem_alloc : memref<!tpu.dma_semaphore, #tpu.memory_space<semaphore_mem>>
      %dma_start3A_81 = arith.constant 0 : i32
      %dma_start3A_82 = arith.constant 0 : i32
      %dma_start3A_83 = tpu.memref_slice %arg7[%dma_start3A_81, %dma_start3A_82] : memref<128x16xf32, #tpu.memory_space<vmem>> -> memref<32x16xf32, #tpu.memory_space<vmem>>
      %dma_start3A_84 = arith.constant 0 : i32
      %dma_start3A_85 = arith.constant 0 : i32
      %dma_start3A_86 = tpu.memref_slice %arg5[%dma_start3A_84, %dma_start3A_85] : memref<10000x16xf32, #tpu.memory_space<vmem_shared>> -> memref<10000x16xf32, #tpu.memory_space<vmem_shared>>
      tpu.enqueue_indirect_dma source(%dma_start3A_83 : memref<32x16xf32, #tpu.memory_space<vmem>>) target(%dma_start3A_86 : memref<10000x16xf32, #tpu.memory_space<vmem_shared>>) offsets(%arg13 : memref<32xi32, #tpu.memory_space<vmem>>) semaphore(%run_scoped3A : memref<!tpu.dma_semaphore, #tpu.memory_space<semaphore_mem>>) {add = true}
      %dma_wait3A_87 = arith.constant 0 : i32
      %dma_wait3A_88 = arith.constant 0 : i32
      %dma_wait3A_89 = tpu.memref_slice %arg7[%dma_wait3A_87, %dma_wait3A_88] : memref<128x16xf32, #tpu.memory_space<vmem>> -> memref<32x16xf32, #tpu.memory_space<vmem>>
      %dma_wait3A_90 = arith.constant 0 : i32
      %dma_wait3A_91 = arith.constant 0 : i32
      %dma_wait3A_92 = tpu.memref_slice %arg5[%dma_wait3A_90, %dma_wait3A_91] : memref<10000x16xf32, #tpu.memory_space<vmem_shared>> -> memref<10000x16xf32, #tpu.memory_space<vmem_shared>>
      tpu.wait_indirect_dma semaphore(%run_scoped3A : memref<!tpu.dma_semaphore, #tpu.memory_space<semaphore_mem>>) src(%dma_wait3A_89 : memref<32x16xf32, #tpu.memory_space<vmem>>) dst(%dma_wait3A_92 : memref<10000x16xf32, #tpu.memory_space<vmem_shared>>)
      tpu.yield
    }) : () -> ()
    %dma_wait3A = arith.constant 0 : i32
    %dma_wait3A_59 = arith.constant 0 : i32
    %dma_wait3A_60 = tpu.memref_slice %arg5[%dma_wait3A, %dma_wait3A_59] : memref<10000x16xf32, #tpu.memory_space<vmem_shared>> -> memref<10000x16xf32, #tpu.memory_space<vmem_shared>>
    tpu.wait_indirect_dma semaphore(%arg15 : memref<!tpu.dma_semaphore, #tpu.memory_space<semaphore_mem>>) src(%arg6 : memref<128x16xf32, #tpu.memory_space<vmem>>) dst(%dma_wait3A_60 : memref<10000x16xf32, #tpu.memory_space<vmem_shared>>)
    %dma_wait3A_61 = arith.constant 0 : i32
    %dma_wait3A_62 = arith.constant 0 : i32
    %dma_wait3A_63 = tpu.memref_slice %arg5[%dma_wait3A_61, %dma_wait3A_62] : memref<10000x16xf32, #tpu.memory_space<vmem_shared>> -> memref<10000x16xf32, #tpu.memory_space<vmem_shared>>
    tpu.wait_indirect_dma semaphore(%arg16 : memref<!tpu.dma_semaphore, #tpu.memory_space<semaphore_mem>>) src(%arg7 : memref<128x16xf32, #tpu.memory_space<vmem>>) dst(%dma_wait3A_63 : memref<10000x16xf32, #tpu.memory_space<vmem_shared>>)
    %dma_wait3A_64 = arith.constant 0 : i32
    %dma_wait3A_65 = arith.constant 0 : i32
    %dma_wait3A_66 = tpu.memref_slice %arg5[%dma_wait3A_64, %dma_wait3A_65] : memref<10000x16xf32, #tpu.memory_space<vmem_shared>> -> memref<10000x16xf32, #tpu.memory_space<vmem_shared>>
    tpu.wait_indirect_dma semaphore(%arg17 : memref<!tpu.dma_semaphore, #tpu.memory_space<semaphore_mem>>) src(%arg6 : memref<128x16xf32, #tpu.memory_space<vmem>>) dst(%dma_wait3A_66 : memref<10000x16xf32, #tpu.memory_space<vmem_shared>>)
    %dma_wait3A_67 = arith.constant 0 : i32
    %dma_wait3A_68 = arith.constant 0 : i32
    %dma_wait3A_69 = tpu.memref_slice %arg5[%dma_wait3A_67, %dma_wait3A_68] : memref<10000x16xf32, #tpu.memory_space<vmem_shared>> -> memref<10000x16xf32, #tpu.memory_space<vmem_shared>>
    tpu.wait_indirect_dma semaphore(%arg18 : memref<!tpu.dma_semaphore, #tpu.memory_space<semaphore_mem>>) src(%arg7 : memref<128x16xf32, #tpu.memory_space<vmem>>) dst(%dma_wait3A_69 : memref<10000x16xf32, #tpu.memory_space<vmem_shared>>)
    %barrier3A_70 = arith.constant 0 : index
    tpu.barrier barrier_id(%barrier3A_70)
    %mul3A_71 = arith.constant 624 : i32
    %mul3A_72 = arith.muli %arg1, %mul3A_71 : i32
    "tpu.region"() ({
      %run_scoped3A = tpu.sem_alloc : memref<!tpu.dma_semaphore, #tpu.memory_space<semaphore_mem>>
      %dma_start3A_81 = arith.constant 0 : i32
      %dma_start3A_82 = tpu.memref_slice %arg5[%mul3A_72, %dma_start3A_81] : memref<10000x16xf32, #tpu.memory_space<vmem_shared>> -> memref<624x16xf32, #tpu.memory_space<vmem_shared>>
      %dma_start3A_83 = arith.constant 0 : i32
      %dma_start3A_84 = tpu.memref_slice %arg5[%mul3A_72, %dma_start3A_83] : memref<10000x16xf32, #tpu.memory_space<vmem_shared>> -> memref<624x16xf32, #tpu.memory_space<vmem_shared>>
      tpu.enqueue_dma source(%dma_start3A_84 : memref<624x16xf32, #tpu.memory_space<vmem_shared>>) target(%arg14 : memref<624x16xf32, #tpu.memory_space<vmem>>) target_semaphore(%run_scoped3A : memref<!tpu.dma_semaphore, #tpu.memory_space<semaphore_mem>>)
      %dma_wait3A_85 = arith.constant 0 : i32
      %dma_wait3A_86 = tpu.memref_slice %arg5[%mul3A_72, %dma_wait3A_85] : memref<10000x16xf32, #tpu.memory_space<vmem_shared>> -> memref<624x16xf32, #tpu.memory_space<vmem_shared>>
      %dma_wait3A_87 = arith.constant 0 : i32
      %dma_wait3A_88 = tpu.memref_slice %arg5[%mul3A_72, %dma_wait3A_87] : memref<10000x16xf32, #tpu.memory_space<vmem_shared>> -> memref<624x16xf32, #tpu.memory_space<vmem_shared>>
      tpu.wait_dma2 semaphore(%run_scoped3A : memref<!tpu.dma_semaphore, #tpu.memory_space<semaphore_mem>>) src(%dma_wait3A_88 : memref<624x16xf32, #tpu.memory_space<vmem_shared>>) dst(%arg14 : memref<624x16xf32, #tpu.memory_space<vmem>>)
      tpu.yield
    }) : () -> ()
    %mul3A_73 = arith.constant 10000 : i32
    %mul3A_74 = arith.muli %arg0, %mul3A_73 : i32
    %add3A_75 = arith.addi %mul3A_74, %mul3A_72 : i32
    "tpu.region"() ({
      %run_scoped3A = tpu.sem_alloc : memref<!tpu.dma_semaphore, #tpu.memory_space<semaphore_mem>>
      %dma_start3A_81 = arith.constant 0 : i32
      %dma_start3A_82 = tpu.memref_slice %arg4[%add3A_75, %dma_start3A_81] : memref<20000x16xf32, #tpu.memory_space<hbm>> -> memref<624x16xf32, #tpu.memory_space<hbm>>
      %dma_start3A_83 = arith.constant 0 : i32
      %dma_start3A_84 = tpu.memref_slice %arg4[%add3A_75, %dma_start3A_83] : memref<20000x16xf32, #tpu.memory_space<hbm>> -> memref<624x16xf32, #tpu.memory_space<hbm>>
      tpu.enqueue_dma source(%arg14 : memref<624x16xf32, #tpu.memory_space<vmem>>) target(%dma_start3A_84 : memref<624x16xf32, #tpu.memory_space<hbm>>) target_semaphore(%run_scoped3A : memref<!tpu.dma_semaphore, #tpu.memory_space<semaphore_mem>>)
      %dma_wait3A_85 = arith.constant 0 : i32
      %dma_wait3A_86 = tpu.memref_slice %arg4[%add3A_75, %dma_wait3A_85] : memref<20000x16xf32, #tpu.memory_space<hbm>> -> memref<624x16xf32, #tpu.memory_space<hbm>>
      %dma_wait3A_87 = arith.constant 0 : i32
      %dma_wait3A_88 = tpu.memref_slice %arg4[%add3A_75, %dma_wait3A_87] : memref<20000x16xf32, #tpu.memory_space<hbm>> -> memref<624x16xf32, #tpu.memory_space<hbm>>
      tpu.wait_dma2 semaphore(%run_scoped3A : memref<!tpu.dma_semaphore, #tpu.memory_space<semaphore_mem>>) src(%arg14 : memref<624x16xf32, #tpu.memory_space<vmem>>) dst(%dma_wait3A_88 : memref<624x16xf32, #tpu.memory_space<hbm>>)
      tpu.yield
    }) : () -> ()
    %eq3A_76 = arith.constant 0 : i32
    %eq3A_77 = arith.cmpi eq, %arg1, %eq3A_76 : i32
    %convert_element_type3A_78 = arith.extui %eq3A_77 : i1 to i32
    %cond3A_79 = arith.constant 0 : i32
    %cond3A_80 = arith.cmpi ne, %convert_element_type3A_78, %cond3A_79 : i32
    scf.if %cond3A_80 {
      "tpu.region"() ({
        %run_scoped3A = tpu.sem_alloc : memref<!tpu.dma_semaphore, #tpu.memory_space<semaphore_mem>>
        %dma_start3A_85 = arith.constant 0 : i32
        %dma_start3A_86 = arith.constant 0 : i32
        %dma_start3A_87 = tpu.memref_slice %arg14[%dma_start3A_85, %dma_start3A_86] : memref<624x16xf32, #tpu.memory_space<vmem>> -> memref<16x16xf32, #tpu.memory_space<vmem>>
        %dma_start3A_88 = arith.constant 9984 : i32
        %dma_start3A_89 = arith.constant 0 : i32
        %dma_start3A_90 = tpu.memref_slice %arg5[%dma_start3A_88, %dma_start3A_89] : memref<10000x16xf32, #tpu.memory_space<vmem_shared>> -> memref<16x16xf32, #tpu.memory_space<vmem_shared>>
        %dma_start3A_91 = arith.constant 0 : i32
        %dma_start3A_92 = arith.constant 0 : i32
        %dma_start3A_93 = tpu.memref_slice %arg14[%dma_start3A_91, %dma_start3A_92] : memref<624x16xf32, #tpu.memory_space<vmem>> -> memref<16x16xf32, #tpu.memory_space<vmem>>
        %dma_start3A_94 = arith.constant 9984 : i32
        %dma_start3A_95 = arith.constant 0 : i32
        %dma_start3A_96 = tpu.memref_slice %arg5[%dma_start3A_94, %dma_start3A_95] : memref<10000x16xf32, #tpu.memory_space<vmem_shared>> -> memref<16x16xf32, #tpu.memory_space<vmem_shared>>
        tpu.enqueue_dma source(%dma_start3A_96 : memref<16x16xf32, #tpu.memory_space<vmem_shared>>) target(%dma_start3A_93 : memref<16x16xf32, #tpu.memory_space<vmem>>) target_semaphore(%run_scoped3A : memref<!tpu.dma_semaphore, #tpu.memory_space<semaphore_mem>>)
        %dma_wait3A_97 = arith.constant 0 : i32
        %dma_wait3A_98 = arith.constant 0 : i32
        %dma_wait3A_99 = tpu.memref_slice %arg14[%dma_wait3A_97, %dma_wait3A_98] : memref<624x16xf32, #tpu.memory_space<vmem>> -> memref<16x16xf32, #tpu.memory_space<vmem>>
        %dma_wait3A_100 = arith.constant 9984 : i32
        %dma_wait3A_101 = arith.constant 0 : i32
        %dma_wait3A_102 = tpu.memref_slice %arg5[%dma_wait3A_100, %dma_wait3A_101] : memref<10000x16xf32, #tpu.memory_space<vmem_shared>> -> memref<16x16xf32, #tpu.memory_space<vmem_shared>>
        %dma_wait3A_103 = arith.constant 0 : i32
        %dma_wait3A_104 = arith.constant 0 : i32
        %dma_wait3A_105 = tpu.memref_slice %arg14[%dma_wait3A_103, %dma_wait3A_104] : memref<624x16xf32, #tpu.memory_space<vmem>> -> memref<16x16xf32, #tpu.memory_space<vmem>>
        %dma_wait3A_106 = arith.constant 9984 : i32
        %dma_wait3A_107 = arith.constant 0 : i32
        %dma_wait3A_108 = tpu.memref_slice %arg5[%dma_wait3A_106, %dma_wait3A_107] : memref<10000x16xf32, #tpu.memory_space<vmem_shared>> -> memref<16x16xf32, #tpu.memory_space<vmem_shared>>
        tpu.wait_dma2 semaphore(%run_scoped3A : memref<!tpu.dma_semaphore, #tpu.memory_space<semaphore_mem>>) src(%dma_wait3A_108 : memref<16x16xf32, #tpu.memory_space<vmem_shared>>) dst(%dma_wait3A_105 : memref<16x16xf32, #tpu.memory_space<vmem>>)
        tpu.yield
      }) : () -> ()
      %mul3A_81 = arith.constant 10000 : i32
      %mul3A_82 = arith.muli %arg0, %mul3A_81 : i32
      %add3A_83 = arith.constant 9984 : i32
      %add3A_84 = arith.addi %mul3A_82, %add3A_83 : i32
      "tpu.region"() ({
        %run_scoped3A = tpu.sem_alloc : memref<!tpu.dma_semaphore, #tpu.memory_space<semaphore_mem>>
        %dma_start3A_85 = arith.constant 0 : i32
        %dma_start3A_86 = arith.constant 0 : i32
        %dma_start3A_87 = tpu.memref_slice %arg14[%dma_start3A_85, %dma_start3A_86] : memref<624x16xf32, #tpu.memory_space<vmem>> -> memref<16x16xf32, #tpu.memory_space<vmem>>
        %dma_start3A_88 = arith.constant 0 : i32
        %dma_start3A_89 = tpu.memref_slice %arg4[%add3A_84, %dma_start3A_88] : memref<20000x16xf32, #tpu.memory_space<hbm>> -> memref<16x16xf32, #tpu.memory_space<hbm>>
        %dma_start3A_90 = arith.constant 0 : i32
        %dma_start3A_91 = tpu.memref_slice %arg4[%add3A_84, %dma_start3A_90] : memref<20000x16xf32, #tpu.memory_space<hbm>> -> memref<16x16xf32, #tpu.memory_space<hbm>>
        %dma_start3A_92 = arith.constant 0 : i32
        %dma_start3A_93 = arith.constant 0 : i32
        %dma_start3A_94 = tpu.memref_slice %arg14[%dma_start3A_92, %dma_start3A_93] : memref<624x16xf32, #tpu.memory_space<vmem>> -> memref<16x16xf32, #tpu.memory_space<vmem>>
        tpu.enqueue_dma source(%dma_start3A_94 : memref<16x16xf32, #tpu.memory_space<vmem>>) target(%dma_start3A_91 : memref<16x16xf32, #tpu.memory_space<hbm>>) target_semaphore(%run_scoped3A : memref<!tpu.dma_semaphore, #tpu.memory_space<semaphore_mem>>)
        %dma_wait3A_95 = arith.constant 0 : i32
        %dma_wait3A_96 = arith.constant 0 : i32
        %dma_wait3A_97 = tpu.memref_slice %arg14[%dma_wait3A_95, %dma_wait3A_96] : memref<624x16xf32, #tpu.memory_space<vmem>> -> memref<16x16xf32, #tpu.memory_space<vmem>>
        %dma_wait3A_98 = arith.constant 0 : i32
        %dma_wait3A_99 = tpu.memref_slice %arg4[%add3A_84, %dma_wait3A_98] : memref<20000x16xf32, #tpu.memory_space<hbm>> -> memref<16x16xf32, #tpu.memory_space<hbm>>
        %dma_wait3A_100 = arith.constant 0 : i32
        %dma_wait3A_101 = tpu.memref_slice %arg4[%add3A_84, %dma_wait3A_100] : memref<20000x16xf32, #tpu.memory_space<hbm>> -> memref<16x16xf32, #tpu.memory_space<hbm>>
        %dma_wait3A_102 = arith.constant 0 : i32
        %dma_wait3A_103 = arith.constant 0 : i32
        %dma_wait3A_104 = tpu.memref_slice %arg14[%dma_wait3A_102, %dma_wait3A_103] : memref<624x16xf32, #tpu.memory_space<vmem>> -> memref<16x16xf32, #tpu.memory_space<vmem>>
        tpu.wait_dma2 semaphore(%run_scoped3A : memref<!tpu.dma_semaphore, #tpu.memory_space<semaphore_mem>>) src(%dma_wait3A_104 : memref<16x16xf32, #tpu.memory_space<vmem>>) dst(%dma_wait3A_101 : memref<16x16xf32, #tpu.memory_space<hbm>>)
        tpu.yield
      }) : () -> ()
    } else {
    }
    return
  }
}

#map = affine_map<(d0, d1) -> (0, 0)>
#map1 = affine_map<(d0, d1) -> (0)>
module attributes {stable_mosaic.version = 14 : i64} {
  func.func @edge_kernel(%arg0: i32, %arg1: i32, %arg2: memref<20000x128xf32, #tpu.memory_space<hbm>>, %arg3: memref<640000xi32, #tpu.memory_space<hbm>>, %arg4: memref<640000xi32, #tpu.memory_space<hbm>>, %arg5: memref<20000x128xf32, #tpu.memory_space<hbm>>, %arg6: memref<10000x128xf32, #tpu.memory_space<vmem_shared>>, %arg7: memref<128x128xf32, #tpu.memory_space<vmem>>, %arg8: memref<128x128xf32, #tpu.memory_space<vmem>>, %arg9: memref<32x128xf32, #tpu.memory_space<vmem>>, %arg10: memref<128xi32, #tpu.memory_space<vmem>>, %arg11: memref<128xi32, #tpu.memory_space<vmem>>, %arg12: memref<128xi32, #tpu.memory_space<vmem>>, %arg13: memref<128xi32, #tpu.memory_space<vmem>>, %arg14: memref<32xi32, #tpu.memory_space<vmem>>, %arg15: memref<32xi32, #tpu.memory_space<vmem>>, %arg16: memref<48x128xf32, #tpu.memory_space<vmem>>, %arg17: memref<!tpu.dma_semaphore, #tpu.memory_space<semaphore_mem>>, %arg18: memref<!tpu.dma_semaphore, #tpu.memory_space<semaphore_mem>>, %arg19: memref<!tpu.dma_semaphore, #tpu.memory_space<semaphore_mem>>, %arg20: memref<!tpu.dma_semaphore, #tpu.memory_space<semaphore_mem>>, %arg21: memref<!tpu.dma_semaphore, #tpu.memory_space<semaphore_mem>>) attributes {dimension_semantics = [#tpu.dimension_semantics<core_parallel>, #tpu.dimension_semantics<subcore_parallel>], iteration_bounds = array<i64: 2, 16>, scalar_prefetch = 0 : i64, scratch_operands = 16 : i64, tpu.core_type = #tpu.core_type<sc_vector_subcore>, window_params = [{transform_indices = #map}, {transform_indices = #map1}, {transform_indices = #map1}, {transform_indices = #map}]} {
    %broadcast_in_dim3A = arith.constant 0.000000e+00 : f32
    %broadcast_in_dim3A_0 = vector.broadcast %broadcast_in_dim3A : f32 to vector<16xf32>
    %scan3A = arith.constant 0 : i32
    %scan3A_1 = arith.constant 0 : i32
    %scan3A_2 = arith.constant 48 : i32
    %scan3A_3 = arith.addi %scan3A_1, %scan3A_2 : i32
    %scan3A_4 = arith.constant 1 : i32
    %scan3A_5 = scf.for %scan3A_178 = %scan3A_1 to %scan3A_3 step %scan3A_4 iter_args(%scan3A_179 = %scan3A) -> (i32)  : i32 {
      %scan3A_180 = arith.constant 0 : i32
      %scan3A_181 = arith.constant 0 : i32
      %scan3A_182 = arith.constant 8 : i32
      %scan3A_183 = arith.addi %scan3A_181, %scan3A_182 : i32
      %scan3A_184 = arith.constant 1 : i32
      %scan3A_185 = scf.for %scan3A_188 = %scan3A_181 to %scan3A_183 step %scan3A_184 iter_args(%scan3A_189 = %scan3A_180) -> (i32)  : i32 {
        %mul3A_190 = arith.constant 16 : i32
        %mul3A_191 = arith.muli %scan3A_188, %mul3A_190 : i32
        %swap3A = arith.index_cast %scan3A_178 : i32 to index
        %swap3A_192 = arith.index_cast %mul3A_191 : i32 to index
        %swap3A_193 = tpu.vector_load %arg16[%swap3A, %swap3A_192] {strides = array<i32>} : memref<48x128xf32, #tpu.memory_space<vmem>>, vector<1x16xf32>,
        %swap3A_194 = vector.shape_cast %swap3A_193 : vector<1x16xf32> to vector<16xf32>
        %swap3A_195 = vector.shape_cast %broadcast_in_dim3A_0 : vector<16xf32> to vector<1x16xf32>
        tpu.vector_store %arg16[%swap3A, %swap3A_192], %swap3A_195 {strides = array<i32>} : memref<48x128xf32, #tpu.memory_space<vmem>>, vector<1x16xf32>,
        %scan3A_196 = arith.constant 0 : i32
        scf.yield %scan3A_196 : i32
      }
      %scan3A_186 = arith.constant 8 : i32
      %scan3A_187 = arith.constant 0 : i32
      scf.yield %scan3A_187 : i32
    }
    %scan3A_6 = arith.constant 48 : i32
    %mul3A = arith.constant 624 : i32
    %mul3A_7 = arith.muli %arg1, %mul3A : i32
    %add3A = arith.constant 0 : i32
    %add3A_8 = arith.addi %mul3A_7, %add3A : i32
    "tpu.region"() ({
      %run_scoped3A = tpu.sem_alloc : memref<!tpu.dma_semaphore, #tpu.memory_space<semaphore_mem>>
      %dma_start3A_178 = arith.constant 0 : i32
      %dma_start3A_179 = tpu.memref_slice %arg6[%add3A_8, %dma_start3A_178] : memref<10000x128xf32, #tpu.memory_space<vmem_shared>> -> memref<48x128xf32, #tpu.memory_space<vmem_shared>>
      %dma_start3A_180 = arith.constant 0 : i32
      %dma_start3A_181 = tpu.memref_slice %arg6[%add3A_8, %dma_start3A_180] : memref<10000x128xf32, #tpu.memory_space<vmem_shared>> -> memref<48x128xf32, #tpu.memory_space<vmem_shared>>
      tpu.enqueue_dma source(%arg16 : memref<48x128xf32, #tpu.memory_space<vmem>>) target(%dma_start3A_181 : memref<48x128xf32, #tpu.memory_space<vmem_shared>>) target_semaphore(%run_scoped3A : memref<!tpu.dma_semaphore, #tpu.memory_space<semaphore_mem>>)
      %dma_wait3A_182 = arith.constant 0 : i32
      %dma_wait3A_183 = tpu.memref_slice %arg6[%add3A_8, %dma_wait3A_182] : memref<10000x128xf32, #tpu.memory_space<vmem_shared>> -> memref<48x128xf32, #tpu.memory_space<vmem_shared>>
      %dma_wait3A_184 = arith.constant 0 : i32
      %dma_wait3A_185 = tpu.memref_slice %arg6[%add3A_8, %dma_wait3A_184] : memref<10000x128xf32, #tpu.memory_space<vmem_shared>> -> memref<48x128xf32, #tpu.memory_space<vmem_shared>>
      tpu.wait_dma2 semaphore(%run_scoped3A : memref<!tpu.dma_semaphore, #tpu.memory_space<semaphore_mem>>) src(%arg16 : memref<48x128xf32, #tpu.memory_space<vmem>>) dst(%dma_wait3A_185 : memref<48x128xf32, #tpu.memory_space<vmem_shared>>)
      tpu.yield
    }) : () -> ()
    %add3A_9 = arith.constant 48 : i32
    %add3A_10 = arith.addi %mul3A_7, %add3A_9 : i32
    "tpu.region"() ({
      %run_scoped3A = tpu.sem_alloc : memref<!tpu.dma_semaphore, #tpu.memory_space<semaphore_mem>>
      %dma_start3A_178 = arith.constant 0 : i32
      %dma_start3A_179 = tpu.memref_slice %arg6[%add3A_10, %dma_start3A_178] : memref<10000x128xf32, #tpu.memory_space<vmem_shared>> -> memref<48x128xf32, #tpu.memory_space<vmem_shared>>
      %dma_start3A_180 = arith.constant 0 : i32
      %dma_start3A_181 = tpu.memref_slice %arg6[%add3A_10, %dma_start3A_180] : memref<10000x128xf32, #tpu.memory_space<vmem_shared>> -> memref<48x128xf32, #tpu.memory_space<vmem_shared>>
      tpu.enqueue_dma source(%arg16 : memref<48x128xf32, #tpu.memory_space<vmem>>) target(%dma_start3A_181 : memref<48x128xf32, #tpu.memory_space<vmem_shared>>) target_semaphore(%run_scoped3A : memref<!tpu.dma_semaphore, #tpu.memory_space<semaphore_mem>>)
      %dma_wait3A_182 = arith.constant 0 : i32
      %dma_wait3A_183 = tpu.memref_slice %arg6[%add3A_10, %dma_wait3A_182] : memref<10000x128xf32, #tpu.memory_space<vmem_shared>> -> memref<48x128xf32, #tpu.memory_space<vmem_shared>>
      %dma_wait3A_184 = arith.constant 0 : i32
      %dma_wait3A_185 = tpu.memref_slice %arg6[%add3A_10, %dma_wait3A_184] : memref<10000x128xf32, #tpu.memory_space<vmem_shared>> -> memref<48x128xf32, #tpu.memory_space<vmem_shared>>
      tpu.wait_dma2 semaphore(%run_scoped3A : memref<!tpu.dma_semaphore, #tpu.memory_space<semaphore_mem>>) src(%arg16 : memref<48x128xf32, #tpu.memory_space<vmem>>) dst(%dma_wait3A_185 : memref<48x128xf32, #tpu.memory_space<vmem_shared>>)
      tpu.yield
    }) : () -> ()
    %add3A_11 = arith.constant 96 : i32
    %add3A_12 = arith.addi %mul3A_7, %add3A_11 : i32
    "tpu.region"() ({
      %run_scoped3A = tpu.sem_alloc : memref<!tpu.dma_semaphore, #tpu.memory_space<semaphore_mem>>
      %dma_start3A_178 = arith.constant 0 : i32
      %dma_start3A_179 = tpu.memref_slice %arg6[%add3A_12, %dma_start3A_178] : memref<10000x128xf32, #tpu.memory_space<vmem_shared>> -> memref<48x128xf32, #tpu.memory_space<vmem_shared>>
      %dma_start3A_180 = arith.constant 0 : i32
      %dma_start3A_181 = tpu.memref_slice %arg6[%add3A_12, %dma_start3A_180] : memref<10000x128xf32, #tpu.memory_space<vmem_shared>> -> memref<48x128xf32, #tpu.memory_space<vmem_shared>>
      tpu.enqueue_dma source(%arg16 : memref<48x128xf32, #tpu.memory_space<vmem>>) target(%dma_start3A_181 : memref<48x128xf32, #tpu.memory_space<vmem_shared>>) target_semaphore(%run_scoped3A : memref<!tpu.dma_semaphore, #tpu.memory_space<semaphore_mem>>)
      %dma_wait3A_182 = arith.constant 0 : i32
      %dma_wait3A_183 = tpu.memref_slice %arg6[%add3A_12, %dma_wait3A_182] : memref<10000x128xf32, #tpu.memory_space<vmem_shared>> -> memref<48x128xf32, #tpu.memory_space<vmem_shared>>
      %dma_wait3A_184 = arith.constant 0 : i32
      %dma_wait3A_185 = tpu.memref_slice %arg6[%add3A_12, %dma_wait3A_184] : memref<10000x128xf32, #tpu.memory_space<vmem_shared>> -> memref<48x128xf32, #tpu.memory_space<vmem_shared>>
      tpu.wait_dma2 semaphore(%run_scoped3A : memref<!tpu.dma_semaphore, #tpu.memory_space<semaphore_mem>>) src(%arg16 : memref<48x128xf32, #tpu.memory_space<vmem>>) dst(%dma_wait3A_185 : memref<48x128xf32, #tpu.memory_space<vmem_shared>>)
      tpu.yield
    }) : () -> ()
    %add3A_13 = arith.constant 144 : i32
    %add3A_14 = arith.addi %mul3A_7, %add3A_13 : i32
    "tpu.region"() ({
      %run_scoped3A = tpu.sem_alloc : memref<!tpu.dma_semaphore, #tpu.memory_space<semaphore_mem>>
      %dma_start3A_178 = arith.constant 0 : i32
      %dma_start3A_179 = tpu.memref_slice %arg6[%add3A_14, %dma_start3A_178] : memref<10000x128xf32, #tpu.memory_space<vmem_shared>> -> memref<48x128xf32, #tpu.memory_space<vmem_shared>>
      %dma_start3A_180 = arith.constant 0 : i32
      %dma_start3A_181 = tpu.memref_slice %arg6[%add3A_14, %dma_start3A_180] : memref<10000x128xf32, #tpu.memory_space<vmem_shared>> -> memref<48x128xf32, #tpu.memory_space<vmem_shared>>
      tpu.enqueue_dma source(%arg16 : memref<48x128xf32, #tpu.memory_space<vmem>>) target(%dma_start3A_181 : memref<48x128xf32, #tpu.memory_space<vmem_shared>>) target_semaphore(%run_scoped3A : memref<!tpu.dma_semaphore, #tpu.memory_space<semaphore_mem>>)
      %dma_wait3A_182 = arith.constant 0 : i32
      %dma_wait3A_183 = tpu.memref_slice %arg6[%add3A_14, %dma_wait3A_182] : memref<10000x128xf32, #tpu.memory_space<vmem_shared>> -> memref<48x128xf32, #tpu.memory_space<vmem_shared>>
      %dma_wait3A_184 = arith.constant 0 : i32
      %dma_wait3A_185 = tpu.memref_slice %arg6[%add3A_14, %dma_wait3A_184] : memref<10000x128xf32, #tpu.memory_space<vmem_shared>> -> memref<48x128xf32, #tpu.memory_space<vmem_shared>>
      tpu.wait_dma2 semaphore(%run_scoped3A : memref<!tpu.dma_semaphore, #tpu.memory_space<semaphore_mem>>) src(%arg16 : memref<48x128xf32, #tpu.memory_space<vmem>>) dst(%dma_wait3A_185 : memref<48x128xf32, #tpu.memory_space<vmem_shared>>)
      tpu.yield
    }) : () -> ()
    %add3A_15 = arith.constant 192 : i32
    %add3A_16 = arith.addi %mul3A_7, %add3A_15 : i32
    "tpu.region"() ({
      %run_scoped3A = tpu.sem_alloc : memref<!tpu.dma_semaphore, #tpu.memory_space<semaphore_mem>>
      %dma_start3A_178 = arith.constant 0 : i32
      %dma_start3A_179 = tpu.memref_slice %arg6[%add3A_16, %dma_start3A_178] : memref<10000x128xf32, #tpu.memory_space<vmem_shared>> -> memref<48x128xf32, #tpu.memory_space<vmem_shared>>
      %dma_start3A_180 = arith.constant 0 : i32
      %dma_start3A_181 = tpu.memref_slice %arg6[%add3A_16, %dma_start3A_180] : memref<10000x128xf32, #tpu.memory_space<vmem_shared>> -> memref<48x128xf32, #tpu.memory_space<vmem_shared>>
      tpu.enqueue_dma source(%arg16 : memref<48x128xf32, #tpu.memory_space<vmem>>) target(%dma_start3A_181 : memref<48x128xf32, #tpu.memory_space<vmem_shared>>) target_semaphore(%run_scoped3A : memref<!tpu.dma_semaphore, #tpu.memory_space<semaphore_mem>>)
      %dma_wait3A_182 = arith.constant 0 : i32
      %dma_wait3A_183 = tpu.memref_slice %arg6[%add3A_16, %dma_wait3A_182] : memref<10000x128xf32, #tpu.memory_space<vmem_shared>> -> memref<48x128xf32, #tpu.memory_space<vmem_shared>>
      %dma_wait3A_184 = arith.constant 0 : i32
      %dma_wait3A_185 = tpu.memref_slice %arg6[%add3A_16, %dma_wait3A_184] : memref<10000x128xf32, #tpu.memory_space<vmem_shared>> -> memref<48x128xf32, #tpu.memory_space<vmem_shared>>
      tpu.wait_dma2 semaphore(%run_scoped3A : memref<!tpu.dma_semaphore, #tpu.memory_space<semaphore_mem>>) src(%arg16 : memref<48x128xf32, #tpu.memory_space<vmem>>) dst(%dma_wait3A_185 : memref<48x128xf32, #tpu.memory_space<vmem_shared>>)
      tpu.yield
    }) : () -> ()
    %add3A_17 = arith.constant 240 : i32
    %add3A_18 = arith.addi %mul3A_7, %add3A_17 : i32
    "tpu.region"() ({
      %run_scoped3A = tpu.sem_alloc : memref<!tpu.dma_semaphore, #tpu.memory_space<semaphore_mem>>
      %dma_start3A_178 = arith.constant 0 : i32
      %dma_start3A_179 = tpu.memref_slice %arg6[%add3A_18, %dma_start3A_178] : memref<10000x128xf32, #tpu.memory_space<vmem_shared>> -> memref<48x128xf32, #tpu.memory_space<vmem_shared>>
      %dma_start3A_180 = arith.constant 0 : i32
      %dma_start3A_181 = tpu.memref_slice %arg6[%add3A_18, %dma_start3A_180] : memref<10000x128xf32, #tpu.memory_space<vmem_shared>> -> memref<48x128xf32, #tpu.memory_space<vmem_shared>>
      tpu.enqueue_dma source(%arg16 : memref<48x128xf32, #tpu.memory_space<vmem>>) target(%dma_start3A_181 : memref<48x128xf32, #tpu.memory_space<vmem_shared>>) target_semaphore(%run_scoped3A : memref<!tpu.dma_semaphore, #tpu.memory_space<semaphore_mem>>)
      %dma_wait3A_182 = arith.constant 0 : i32
      %dma_wait3A_183 = tpu.memref_slice %arg6[%add3A_18, %dma_wait3A_182] : memref<10000x128xf32, #tpu.memory_space<vmem_shared>> -> memref<48x128xf32, #tpu.memory_space<vmem_shared>>
      %dma_wait3A_184 = arith.constant 0 : i32
      %dma_wait3A_185 = tpu.memref_slice %arg6[%add3A_18, %dma_wait3A_184] : memref<10000x128xf32, #tpu.memory_space<vmem_shared>> -> memref<48x128xf32, #tpu.memory_space<vmem_shared>>
      tpu.wait_dma2 semaphore(%run_scoped3A : memref<!tpu.dma_semaphore, #tpu.memory_space<semaphore_mem>>) src(%arg16 : memref<48x128xf32, #tpu.memory_space<vmem>>) dst(%dma_wait3A_185 : memref<48x128xf32, #tpu.memory_space<vmem_shared>>)
      tpu.yield
    }) : () -> ()
    %add3A_19 = arith.constant 288 : i32
    %add3A_20 = arith.addi %mul3A_7, %add3A_19 : i32
    "tpu.region"() ({
      %run_scoped3A = tpu.sem_alloc : memref<!tpu.dma_semaphore, #tpu.memory_space<semaphore_mem>>
      %dma_start3A_178 = arith.constant 0 : i32
      %dma_start3A_179 = tpu.memref_slice %arg6[%add3A_20, %dma_start3A_178] : memref<10000x128xf32, #tpu.memory_space<vmem_shared>> -> memref<48x128xf32, #tpu.memory_space<vmem_shared>>
      %dma_start3A_180 = arith.constant 0 : i32
      %dma_start3A_181 = tpu.memref_slice %arg6[%add3A_20, %dma_start3A_180] : memref<10000x128xf32, #tpu.memory_space<vmem_shared>> -> memref<48x128xf32, #tpu.memory_space<vmem_shared>>
      tpu.enqueue_dma source(%arg16 : memref<48x128xf32, #tpu.memory_space<vmem>>) target(%dma_start3A_181 : memref<48x128xf32, #tpu.memory_space<vmem_shared>>) target_semaphore(%run_scoped3A : memref<!tpu.dma_semaphore, #tpu.memory_space<semaphore_mem>>)
      %dma_wait3A_182 = arith.constant 0 : i32
      %dma_wait3A_183 = tpu.memref_slice %arg6[%add3A_20, %dma_wait3A_182] : memref<10000x128xf32, #tpu.memory_space<vmem_shared>> -> memref<48x128xf32, #tpu.memory_space<vmem_shared>>
      %dma_wait3A_184 = arith.constant 0 : i32
      %dma_wait3A_185 = tpu.memref_slice %arg6[%add3A_20, %dma_wait3A_184] : memref<10000x128xf32, #tpu.memory_space<vmem_shared>> -> memref<48x128xf32, #tpu.memory_space<vmem_shared>>
      tpu.wait_dma2 semaphore(%run_scoped3A : memref<!tpu.dma_semaphore, #tpu.memory_space<semaphore_mem>>) src(%arg16 : memref<48x128xf32, #tpu.memory_space<vmem>>) dst(%dma_wait3A_185 : memref<48x128xf32, #tpu.memory_space<vmem_shared>>)
      tpu.yield
    }) : () -> ()
    %add3A_21 = arith.constant 336 : i32
    %add3A_22 = arith.addi %mul3A_7, %add3A_21 : i32
    "tpu.region"() ({
      %run_scoped3A = tpu.sem_alloc : memref<!tpu.dma_semaphore, #tpu.memory_space<semaphore_mem>>
      %dma_start3A_178 = arith.constant 0 : i32
      %dma_start3A_179 = tpu.memref_slice %arg6[%add3A_22, %dma_start3A_178] : memref<10000x128xf32, #tpu.memory_space<vmem_shared>> -> memref<48x128xf32, #tpu.memory_space<vmem_shared>>
      %dma_start3A_180 = arith.constant 0 : i32
      %dma_start3A_181 = tpu.memref_slice %arg6[%add3A_22, %dma_start3A_180] : memref<10000x128xf32, #tpu.memory_space<vmem_shared>> -> memref<48x128xf32, #tpu.memory_space<vmem_shared>>
      tpu.enqueue_dma source(%arg16 : memref<48x128xf32, #tpu.memory_space<vmem>>) target(%dma_start3A_181 : memref<48x128xf32, #tpu.memory_space<vmem_shared>>) target_semaphore(%run_scoped3A : memref<!tpu.dma_semaphore, #tpu.memory_space<semaphore_mem>>)
      %dma_wait3A_182 = arith.constant 0 : i32
      %dma_wait3A_183 = tpu.memref_slice %arg6[%add3A_22, %dma_wait3A_182] : memref<10000x128xf32, #tpu.memory_space<vmem_shared>> -> memref<48x128xf32, #tpu.memory_space<vmem_shared>>
      %dma_wait3A_184 = arith.constant 0 : i32
      %dma_wait3A_185 = tpu.memref_slice %arg6[%add3A_22, %dma_wait3A_184] : memref<10000x128xf32, #tpu.memory_space<vmem_shared>> -> memref<48x128xf32, #tpu.memory_space<vmem_shared>>
      tpu.wait_dma2 semaphore(%run_scoped3A : memref<!tpu.dma_semaphore, #tpu.memory_space<semaphore_mem>>) src(%arg16 : memref<48x128xf32, #tpu.memory_space<vmem>>) dst(%dma_wait3A_185 : memref<48x128xf32, #tpu.memory_space<vmem_shared>>)
      tpu.yield
    }) : () -> ()
    %add3A_23 = arith.constant 384 : i32
    %add3A_24 = arith.addi %mul3A_7, %add3A_23 : i32
    "tpu.region"() ({
      %run_scoped3A = tpu.sem_alloc : memref<!tpu.dma_semaphore, #tpu.memory_space<semaphore_mem>>
      %dma_start3A_178 = arith.constant 0 : i32
      %dma_start3A_179 = tpu.memref_slice %arg6[%add3A_24, %dma_start3A_178] : memref<10000x128xf32, #tpu.memory_space<vmem_shared>> -> memref<48x128xf32, #tpu.memory_space<vmem_shared>>
      %dma_start3A_180 = arith.constant 0 : i32
      %dma_start3A_181 = tpu.memref_slice %arg6[%add3A_24, %dma_start3A_180] : memref<10000x128xf32, #tpu.memory_space<vmem_shared>> -> memref<48x128xf32, #tpu.memory_space<vmem_shared>>
      tpu.enqueue_dma source(%arg16 : memref<48x128xf32, #tpu.memory_space<vmem>>) target(%dma_start3A_181 : memref<48x128xf32, #tpu.memory_space<vmem_shared>>) target_semaphore(%run_scoped3A : memref<!tpu.dma_semaphore, #tpu.memory_space<semaphore_mem>>)
      %dma_wait3A_182 = arith.constant 0 : i32
      %dma_wait3A_183 = tpu.memref_slice %arg6[%add3A_24, %dma_wait3A_182] : memref<10000x128xf32, #tpu.memory_space<vmem_shared>> -> memref<48x128xf32, #tpu.memory_space<vmem_shared>>
      %dma_wait3A_184 = arith.constant 0 : i32
      %dma_wait3A_185 = tpu.memref_slice %arg6[%add3A_24, %dma_wait3A_184] : memref<10000x128xf32, #tpu.memory_space<vmem_shared>> -> memref<48x128xf32, #tpu.memory_space<vmem_shared>>
      tpu.wait_dma2 semaphore(%run_scoped3A : memref<!tpu.dma_semaphore, #tpu.memory_space<semaphore_mem>>) src(%arg16 : memref<48x128xf32, #tpu.memory_space<vmem>>) dst(%dma_wait3A_185 : memref<48x128xf32, #tpu.memory_space<vmem_shared>>)
      tpu.yield
    }) : () -> ()
    %add3A_25 = arith.constant 432 : i32
    %add3A_26 = arith.addi %mul3A_7, %add3A_25 : i32
    "tpu.region"() ({
      %run_scoped3A = tpu.sem_alloc : memref<!tpu.dma_semaphore, #tpu.memory_space<semaphore_mem>>
      %dma_start3A_178 = arith.constant 0 : i32
      %dma_start3A_179 = tpu.memref_slice %arg6[%add3A_26, %dma_start3A_178] : memref<10000x128xf32, #tpu.memory_space<vmem_shared>> -> memref<48x128xf32, #tpu.memory_space<vmem_shared>>
      %dma_start3A_180 = arith.constant 0 : i32
      %dma_start3A_181 = tpu.memref_slice %arg6[%add3A_26, %dma_start3A_180] : memref<10000x128xf32, #tpu.memory_space<vmem_shared>> -> memref<48x128xf32, #tpu.memory_space<vmem_shared>>
      tpu.enqueue_dma source(%arg16 : memref<48x128xf32, #tpu.memory_space<vmem>>) target(%dma_start3A_181 : memref<48x128xf32, #tpu.memory_space<vmem_shared>>) target_semaphore(%run_scoped3A : memref<!tpu.dma_semaphore, #tpu.memory_space<semaphore_mem>>)
      %dma_wait3A_182 = arith.constant 0 : i32
      %dma_wait3A_183 = tpu.memref_slice %arg6[%add3A_26, %dma_wait3A_182] : memref<10000x128xf32, #tpu.memory_space<vmem_shared>> -> memref<48x128xf32, #tpu.memory_space<vmem_shared>>
      %dma_wait3A_184 = arith.constant 0 : i32
      %dma_wait3A_185 = tpu.memref_slice %arg6[%add3A_26, %dma_wait3A_184] : memref<10000x128xf32, #tpu.memory_space<vmem_shared>> -> memref<48x128xf32, #tpu.memory_space<vmem_shared>>
      tpu.wait_dma2 semaphore(%run_scoped3A : memref<!tpu.dma_semaphore, #tpu.memory_space<semaphore_mem>>) src(%arg16 : memref<48x128xf32, #tpu.memory_space<vmem>>) dst(%dma_wait3A_185 : memref<48x128xf32, #tpu.memory_space<vmem_shared>>)
      tpu.yield
    }) : () -> ()
    %add3A_27 = arith.constant 480 : i32
    %add3A_28 = arith.addi %mul3A_7, %add3A_27 : i32
    "tpu.region"() ({
      %run_scoped3A = tpu.sem_alloc : memref<!tpu.dma_semaphore, #tpu.memory_space<semaphore_mem>>
      %dma_start3A_178 = arith.constant 0 : i32
      %dma_start3A_179 = tpu.memref_slice %arg6[%add3A_28, %dma_start3A_178] : memref<10000x128xf32, #tpu.memory_space<vmem_shared>> -> memref<48x128xf32, #tpu.memory_space<vmem_shared>>
      %dma_start3A_180 = arith.constant 0 : i32
      %dma_start3A_181 = tpu.memref_slice %arg6[%add3A_28, %dma_start3A_180] : memref<10000x128xf32, #tpu.memory_space<vmem_shared>> -> memref<48x128xf32, #tpu.memory_space<vmem_shared>>
      tpu.enqueue_dma source(%arg16 : memref<48x128xf32, #tpu.memory_space<vmem>>) target(%dma_start3A_181 : memref<48x128xf32, #tpu.memory_space<vmem_shared>>) target_semaphore(%run_scoped3A : memref<!tpu.dma_semaphore, #tpu.memory_space<semaphore_mem>>)
      %dma_wait3A_182 = arith.constant 0 : i32
      %dma_wait3A_183 = tpu.memref_slice %arg6[%add3A_28, %dma_wait3A_182] : memref<10000x128xf32, #tpu.memory_space<vmem_shared>> -> memref<48x128xf32, #tpu.memory_space<vmem_shared>>
      %dma_wait3A_184 = arith.constant 0 : i32
      %dma_wait3A_185 = tpu.memref_slice %arg6[%add3A_28, %dma_wait3A_184] : memref<10000x128xf32, #tpu.memory_space<vmem_shared>> -> memref<48x128xf32, #tpu.memory_space<vmem_shared>>
      tpu.wait_dma2 semaphore(%run_scoped3A : memref<!tpu.dma_semaphore, #tpu.memory_space<semaphore_mem>>) src(%arg16 : memref<48x128xf32, #tpu.memory_space<vmem>>) dst(%dma_wait3A_185 : memref<48x128xf32, #tpu.memory_space<vmem_shared>>)
      tpu.yield
    }) : () -> ()
    %add3A_29 = arith.constant 528 : i32
    %add3A_30 = arith.addi %mul3A_7, %add3A_29 : i32
    "tpu.region"() ({
      %run_scoped3A = tpu.sem_alloc : memref<!tpu.dma_semaphore, #tpu.memory_space<semaphore_mem>>
      %dma_start3A_178 = arith.constant 0 : i32
      %dma_start3A_179 = tpu.memref_slice %arg6[%add3A_30, %dma_start3A_178] : memref<10000x128xf32, #tpu.memory_space<vmem_shared>> -> memref<48x128xf32, #tpu.memory_space<vmem_shared>>
      %dma_start3A_180 = arith.constant 0 : i32
      %dma_start3A_181 = tpu.memref_slice %arg6[%add3A_30, %dma_start3A_180] : memref<10000x128xf32, #tpu.memory_space<vmem_shared>> -> memref<48x128xf32, #tpu.memory_space<vmem_shared>>
      tpu.enqueue_dma source(%arg16 : memref<48x128xf32, #tpu.memory_space<vmem>>) target(%dma_start3A_181 : memref<48x128xf32, #tpu.memory_space<vmem_shared>>) target_semaphore(%run_scoped3A : memref<!tpu.dma_semaphore, #tpu.memory_space<semaphore_mem>>)
      %dma_wait3A_182 = arith.constant 0 : i32
      %dma_wait3A_183 = tpu.memref_slice %arg6[%add3A_30, %dma_wait3A_182] : memref<10000x128xf32, #tpu.memory_space<vmem_shared>> -> memref<48x128xf32, #tpu.memory_space<vmem_shared>>
      %dma_wait3A_184 = arith.constant 0 : i32
      %dma_wait3A_185 = tpu.memref_slice %arg6[%add3A_30, %dma_wait3A_184] : memref<10000x128xf32, #tpu.memory_space<vmem_shared>> -> memref<48x128xf32, #tpu.memory_space<vmem_shared>>
      tpu.wait_dma2 semaphore(%run_scoped3A : memref<!tpu.dma_semaphore, #tpu.memory_space<semaphore_mem>>) src(%arg16 : memref<48x128xf32, #tpu.memory_space<vmem>>) dst(%dma_wait3A_185 : memref<48x128xf32, #tpu.memory_space<vmem_shared>>)
      tpu.yield
    }) : () -> ()
    %add3A_31 = arith.constant 576 : i32
    %add3A_32 = arith.addi %mul3A_7, %add3A_31 : i32
    "tpu.region"() ({
      %run_scoped3A = tpu.sem_alloc : memref<!tpu.dma_semaphore, #tpu.memory_space<semaphore_mem>>
      %dma_start3A_178 = arith.constant 0 : i32
      %dma_start3A_179 = tpu.memref_slice %arg6[%add3A_32, %dma_start3A_178] : memref<10000x128xf32, #tpu.memory_space<vmem_shared>> -> memref<48x128xf32, #tpu.memory_space<vmem_shared>>
      %dma_start3A_180 = arith.constant 0 : i32
      %dma_start3A_181 = tpu.memref_slice %arg6[%add3A_32, %dma_start3A_180] : memref<10000x128xf32, #tpu.memory_space<vmem_shared>> -> memref<48x128xf32, #tpu.memory_space<vmem_shared>>
      tpu.enqueue_dma source(%arg16 : memref<48x128xf32, #tpu.memory_space<vmem>>) target(%dma_start3A_181 : memref<48x128xf32, #tpu.memory_space<vmem_shared>>) target_semaphore(%run_scoped3A : memref<!tpu.dma_semaphore, #tpu.memory_space<semaphore_mem>>)
      %dma_wait3A_182 = arith.constant 0 : i32
      %dma_wait3A_183 = tpu.memref_slice %arg6[%add3A_32, %dma_wait3A_182] : memref<10000x128xf32, #tpu.memory_space<vmem_shared>> -> memref<48x128xf32, #tpu.memory_space<vmem_shared>>
      %dma_wait3A_184 = arith.constant 0 : i32
      %dma_wait3A_185 = tpu.memref_slice %arg6[%add3A_32, %dma_wait3A_184] : memref<10000x128xf32, #tpu.memory_space<vmem_shared>> -> memref<48x128xf32, #tpu.memory_space<vmem_shared>>
      tpu.wait_dma2 semaphore(%run_scoped3A : memref<!tpu.dma_semaphore, #tpu.memory_space<semaphore_mem>>) src(%arg16 : memref<48x128xf32, #tpu.memory_space<vmem>>) dst(%dma_wait3A_185 : memref<48x128xf32, #tpu.memory_space<vmem_shared>>)
      tpu.yield
    }) : () -> ()
    %eq3A = arith.constant 0 : i32
    %eq3A_33 = arith.cmpi eq, %arg1, %eq3A : i32
    %convert_element_type3A = arith.extui %eq3A_33 : i1 to i32
    %cond3A = arith.constant 0 : i32
    %cond3A_34 = arith.cmpi ne, %convert_element_type3A, %cond3A : i32
    scf.if %cond3A_34 {
      "tpu.region"() ({
        %run_scoped3A = tpu.sem_alloc : memref<!tpu.dma_semaphore, #tpu.memory_space<semaphore_mem>>
        %dma_start3A_178 = arith.constant 0 : i32
        %dma_start3A_179 = arith.constant 0 : i32
        %dma_start3A_180 = tpu.memref_slice %arg16[%dma_start3A_178, %dma_start3A_179] : memref<48x128xf32, #tpu.memory_space<vmem>> -> memref<16x128xf32, #tpu.memory_space<vmem>>
        %dma_start3A_181 = arith.constant 9984 : i32
        %dma_start3A_182 = arith.constant 0 : i32
        %dma_start3A_183 = tpu.memref_slice %arg6[%dma_start3A_181, %dma_start3A_182] : memref<10000x128xf32, #tpu.memory_space<vmem_shared>> -> memref<16x128xf32, #tpu.memory_space<vmem_shared>>
        %dma_start3A_184 = arith.constant 9984 : i32
        %dma_start3A_185 = arith.constant 0 : i32
        %dma_start3A_186 = tpu.memref_slice %arg6[%dma_start3A_184, %dma_start3A_185] : memref<10000x128xf32, #tpu.memory_space<vmem_shared>> -> memref<16x128xf32, #tpu.memory_space<vmem_shared>>
        %dma_start3A_187 = arith.constant 0 : i32
        %dma_start3A_188 = arith.constant 0 : i32
        %dma_start3A_189 = tpu.memref_slice %arg16[%dma_start3A_187, %dma_start3A_188] : memref<48x128xf32, #tpu.memory_space<vmem>> -> memref<16x128xf32, #tpu.memory_space<vmem>>
        tpu.enqueue_dma source(%dma_start3A_189 : memref<16x128xf32, #tpu.memory_space<vmem>>) target(%dma_start3A_186 : memref<16x128xf32, #tpu.memory_space<vmem_shared>>) target_semaphore(%run_scoped3A : memref<!tpu.dma_semaphore, #tpu.memory_space<semaphore_mem>>)
        %dma_wait3A_190 = arith.constant 0 : i32
        %dma_wait3A_191 = arith.constant 0 : i32
        %dma_wait3A_192 = tpu.memref_slice %arg16[%dma_wait3A_190, %dma_wait3A_191] : memref<48x128xf32, #tpu.memory_space<vmem>> -> memref<16x128xf32, #tpu.memory_space<vmem>>
        %dma_wait3A_193 = arith.constant 9984 : i32
        %dma_wait3A_194 = arith.constant 0 : i32
        %dma_wait3A_195 = tpu.memref_slice %arg6[%dma_wait3A_193, %dma_wait3A_194] : memref<10000x128xf32, #tpu.memory_space<vmem_shared>> -> memref<16x128xf32, #tpu.memory_space<vmem_shared>>
        %dma_wait3A_196 = arith.constant 9984 : i32
        %dma_wait3A_197 = arith.constant 0 : i32
        %dma_wait3A_198 = tpu.memref_slice %arg6[%dma_wait3A_196, %dma_wait3A_197] : memref<10000x128xf32, #tpu.memory_space<vmem_shared>> -> memref<16x128xf32, #tpu.memory_space<vmem_shared>>
        %dma_wait3A_199 = arith.constant 0 : i32
        %dma_wait3A_200 = arith.constant 0 : i32
        %dma_wait3A_201 = tpu.memref_slice %arg16[%dma_wait3A_199, %dma_wait3A_200] : memref<48x128xf32, #tpu.memory_space<vmem>> -> memref<16x128xf32, #tpu.memory_space<vmem>>
        tpu.wait_dma2 semaphore(%run_scoped3A : memref<!tpu.dma_semaphore, #tpu.memory_space<semaphore_mem>>) src(%dma_wait3A_201 : memref<16x128xf32, #tpu.memory_space<vmem>>) dst(%dma_wait3A_198 : memref<16x128xf32, #tpu.memory_space<vmem_shared>>)
        tpu.yield
      }) : () -> ()
    } else {
    }
    %barrier3A = arith.constant 0 : index
    tpu.barrier barrier_id(%barrier3A)
    %mul3A_35 = arith.constant 320000 : i32
    %mul3A_36 = arith.muli %arg0, %mul3A_35 : i32
    %mul3A_37 = arith.constant 20000 : i32
    %mul3A_38 = arith.muli %arg1, %mul3A_37 : i32
    %add3A_39 = arith.addi %mul3A_36, %mul3A_38 : i32
    %add3A_40 = arith.constant 0 : i32
    %add3A_41 = arith.addi %add3A_39, %add3A_40 : i32
    "tpu.region"() ({
      %run_scoped3A = tpu.sem_alloc : memref<!tpu.dma_semaphore, #tpu.memory_space<semaphore_mem>>
      %dma_start3A_178 = tpu.memref_slice %arg3[%add3A_41] : memref<640000xi32, #tpu.memory_space<hbm>> -> memref<128xi32, #tpu.memory_space<hbm>>
      %dma_start3A_179 = tpu.memref_slice %arg3[%add3A_41] : memref<640000xi32, #tpu.memory_space<hbm>> -> memref<128xi32, #tpu.memory_space<hbm>>
      tpu.enqueue_dma source(%dma_start3A_179 : memref<128xi32, #tpu.memory_space<hbm>>) target(%arg10 : memref<128xi32, #tpu.memory_space<vmem>>) target_semaphore(%run_scoped3A : memref<!tpu.dma_semaphore, #tpu.memory_space<semaphore_mem>>)
      %dma_wait3A_180 = tpu.memref_slice %arg3[%add3A_41] : memref<640000xi32, #tpu.memory_space<hbm>> -> memref<128xi32, #tpu.memory_space<hbm>>
      %dma_wait3A_181 = tpu.memref_slice %arg3[%add3A_41] : memref<640000xi32, #tpu.memory_space<hbm>> -> memref<128xi32, #tpu.memory_space<hbm>>
      tpu.wait_dma2 semaphore(%run_scoped3A : memref<!tpu.dma_semaphore, #tpu.memory_space<semaphore_mem>>) src(%dma_wait3A_181 : memref<128xi32, #tpu.memory_space<hbm>>) dst(%arg10 : memref<128xi32, #tpu.memory_space<vmem>>)
      tpu.yield
    }) : () -> ()
    "tpu.region"() ({
      %run_scoped3A = tpu.sem_alloc : memref<!tpu.dma_semaphore, #tpu.memory_space<semaphore_mem>>
      %dma_start3A_178 = tpu.memref_slice %arg4[%add3A_41] : memref<640000xi32, #tpu.memory_space<hbm>> -> memref<128xi32, #tpu.memory_space<hbm>>
      %dma_start3A_179 = tpu.memref_slice %arg4[%add3A_41] : memref<640000xi32, #tpu.memory_space<hbm>> -> memref<128xi32, #tpu.memory_space<hbm>>
      tpu.enqueue_dma source(%dma_start3A_179 : memref<128xi32, #tpu.memory_space<hbm>>) target(%arg11 : memref<128xi32, #tpu.memory_space<vmem>>) target_semaphore(%run_scoped3A : memref<!tpu.dma_semaphore, #tpu.memory_space<semaphore_mem>>)
      %dma_wait3A_180 = tpu.memref_slice %arg4[%add3A_41] : memref<640000xi32, #tpu.memory_space<hbm>> -> memref<128xi32, #tpu.memory_space<hbm>>
      %dma_wait3A_181 = tpu.memref_slice %arg4[%add3A_41] : memref<640000xi32, #tpu.memory_space<hbm>> -> memref<128xi32, #tpu.memory_space<hbm>>
      tpu.wait_dma2 semaphore(%run_scoped3A : memref<!tpu.dma_semaphore, #tpu.memory_space<semaphore_mem>>) src(%dma_wait3A_181 : memref<128xi32, #tpu.memory_space<hbm>>) dst(%arg11 : memref<128xi32, #tpu.memory_space<vmem>>)
      tpu.yield
    }) : () -> ()
    %dma_start3A = arith.constant 0 : i32
    %dma_start3A_42 = arith.constant 0 : i32
    %dma_start3A_43 = tpu.memref_slice %arg2[%dma_start3A, %dma_start3A_42] : memref<20000x128xf32, #tpu.memory_space<hbm>> -> memref<20000x128xf32, #tpu.memory_space<hbm>>
    tpu.enqueue_indirect_dma source(%dma_start3A_43 : memref<20000x128xf32, #tpu.memory_space<hbm>>) target(%arg7 : memref<128x128xf32, #tpu.memory_space<vmem>>) offsets(%arg10 : memref<128xi32, #tpu.memory_space<vmem>>) semaphore(%arg17 : memref<!tpu.dma_semaphore, #tpu.memory_space<semaphore_mem>>)
    %dma_wait3A = arith.constant 0 : i32
    %dma_wait3A_44 = arith.constant 0 : i32
    %dma_wait3A_45 = tpu.memref_slice %arg2[%dma_wait3A, %dma_wait3A_44] : memref<20000x128xf32, #tpu.memory_space<hbm>> -> memref<20000x128xf32, #tpu.memory_space<hbm>>
    tpu.wait_indirect_dma semaphore(%arg17 : memref<!tpu.dma_semaphore, #tpu.memory_space<semaphore_mem>>) src(%dma_wait3A_45 : memref<20000x128xf32, #tpu.memory_space<hbm>>) dst(%arg7 : memref<128x128xf32, #tpu.memory_space<vmem>>)
    %dma_start3A_46 = arith.constant 0 : i32
    %dma_start3A_47 = arith.constant 0 : i32
    %dma_start3A_48 = tpu.memref_slice %arg6[%dma_start3A_46, %dma_start3A_47] : memref<10000x128xf32, #tpu.memory_space<vmem_shared>> -> memref<10000x128xf32, #tpu.memory_space<vmem_shared>>
    tpu.enqueue_indirect_dma source(%arg7 : memref<128x128xf32, #tpu.memory_space<vmem>>) target(%dma_start3A_48 : memref<10000x128xf32, #tpu.memory_space<vmem_shared>>) offsets(%arg11 : memref<128xi32, #tpu.memory_space<vmem>>) semaphore(%arg19 : memref<!tpu.dma_semaphore, #tpu.memory_space<semaphore_mem>>) {add = true}
    %add3A_49 = arith.constant 128 : i32
    %add3A_50 = arith.addi %add3A_39, %add3A_49 : i32
    "tpu.region"() ({
      %run_scoped3A = tpu.sem_alloc : memref<!tpu.dma_semaphore, #tpu.memory_space<semaphore_mem>>
      %dma_start3A_178 = tpu.memref_slice %arg3[%add3A_50] : memref<640000xi32, #tpu.memory_space<hbm>> -> memref<128xi32, #tpu.memory_space<hbm>>
      %dma_start3A_179 = tpu.memref_slice %arg3[%add3A_50] : memref<640000xi32, #tpu.memory_space<hbm>> -> memref<128xi32, #tpu.memory_space<hbm>>
      tpu.enqueue_dma source(%dma_start3A_179 : memref<128xi32, #tpu.memory_space<hbm>>) target(%arg12 : memref<128xi32, #tpu.memory_space<vmem>>) target_semaphore(%run_scoped3A : memref<!tpu.dma_semaphore, #tpu.memory_space<semaphore_mem>>)
      %dma_wait3A_180 = tpu.memref_slice %arg3[%add3A_50] : memref<640000xi32, #tpu.memory_space<hbm>> -> memref<128xi32, #tpu.memory_space<hbm>>
      %dma_wait3A_181 = tpu.memref_slice %arg3[%add3A_50] : memref<640000xi32, #tpu.memory_space<hbm>> -> memref<128xi32, #tpu.memory_space<hbm>>
      tpu.wait_dma2 semaphore(%run_scoped3A : memref<!tpu.dma_semaphore, #tpu.memory_space<semaphore_mem>>) src(%dma_wait3A_181 : memref<128xi32, #tpu.memory_space<hbm>>) dst(%arg12 : memref<128xi32, #tpu.memory_space<vmem>>)
      tpu.yield
    }) : () -> ()
    "tpu.region"() ({
      %run_scoped3A = tpu.sem_alloc : memref<!tpu.dma_semaphore, #tpu.memory_space<semaphore_mem>>
      %dma_start3A_178 = tpu.memref_slice %arg4[%add3A_50] : memref<640000xi32, #tpu.memory_space<hbm>> -> memref<128xi32, #tpu.memory_space<hbm>>
      %dma_start3A_179 = tpu.memref_slice %arg4[%add3A_50] : memref<640000xi32, #tpu.memory_space<hbm>> -> memref<128xi32, #tpu.memory_space<hbm>>
      tpu.enqueue_dma source(%dma_start3A_179 : memref<128xi32, #tpu.memory_space<hbm>>) target(%arg13 : memref<128xi32, #tpu.memory_space<vmem>>) target_semaphore(%run_scoped3A : memref<!tpu.dma_semaphore, #tpu.memory_space<semaphore_mem>>)
      %dma_wait3A_180 = tpu.memref_slice %arg4[%add3A_50] : memref<640000xi32, #tpu.memory_space<hbm>> -> memref<128xi32, #tpu.memory_space<hbm>>
      %dma_wait3A_181 = tpu.memref_slice %arg4[%add3A_50] : memref<640000xi32, #tpu.memory_space<hbm>> -> memref<128xi32, #tpu.memory_space<hbm>>
      tpu.wait_dma2 semaphore(%run_scoped3A : memref<!tpu.dma_semaphore, #tpu.memory_space<semaphore_mem>>) src(%dma_wait3A_181 : memref<128xi32, #tpu.memory_space<hbm>>) dst(%arg13 : memref<128xi32, #tpu.memory_space<vmem>>)
      tpu.yield
    }) : () -> ()
    %dma_start3A_51 = arith.constant 0 : i32
    %dma_start3A_52 = arith.constant 0 : i32
    %dma_start3A_53 = tpu.memref_slice %arg2[%dma_start3A_51, %dma_start3A_52] : memref<20000x128xf32, #tpu.memory_space<hbm>> -> memref<20000x128xf32, #tpu.memory_space<hbm>>
    tpu.enqueue_indirect_dma source(%dma_start3A_53 : memref<20000x128xf32, #tpu.memory_space<hbm>>) target(%arg8 : memref<128x128xf32, #tpu.memory_space<vmem>>) offsets(%arg12 : memref<128xi32, #tpu.memory_space<vmem>>) semaphore(%arg18 : memref<!tpu.dma_semaphore, #tpu.memory_space<semaphore_mem>>)
    %scan3A_54 = arith.constant 0 : i32
    %scan3A_55 = arith.constant 0 : i32
    %scan3A_56 = arith.constant 77 : i32
    %scan3A_57 = arith.addi %scan3A_55, %scan3A_56 : i32
    %scan3A_58 = arith.constant 1 : i32
    %scan3A_59 = scf.for %scan3A_178 = %scan3A_55 to %scan3A_57 step %scan3A_58 iter_args(%scan3A_179 = %scan3A_54) -> (i32)  : i32 {
      %mul3A_180 = arith.constant 2 : i32
      %mul3A_181 = arith.muli %mul3A_180, %scan3A_178 : i32
      %add3A_182 = arith.constant 1 : i32
      %add3A_183 = arith.addi %mul3A_181, %add3A_182 : i32
      %dma_wait3A_184 = arith.constant 0 : i32
      %dma_wait3A_185 = arith.constant 0 : i32
      %dma_wait3A_186 = tpu.memref_slice %arg2[%dma_wait3A_184, %dma_wait3A_185] : memref<20000x128xf32, #tpu.memory_space<hbm>> -> memref<20000x128xf32, #tpu.memory_space<hbm>>
      tpu.wait_indirect_dma semaphore(%arg18 : memref<!tpu.dma_semaphore, #tpu.memory_space<semaphore_mem>>) src(%dma_wait3A_186 : memref<20000x128xf32, #tpu.memory_space<hbm>>) dst(%arg8 : memref<128x128xf32, #tpu.memory_space<vmem>>)
      %dma_start3A_187 = arith.constant 0 : i32
      %dma_start3A_188 = arith.constant 0 : i32
      %dma_start3A_189 = tpu.memref_slice %arg6[%dma_start3A_187, %dma_start3A_188] : memref<10000x128xf32, #tpu.memory_space<vmem_shared>> -> memref<10000x128xf32, #tpu.memory_space<vmem_shared>>
      tpu.enqueue_indirect_dma source(%arg8 : memref<128x128xf32, #tpu.memory_space<vmem>>) target(%dma_start3A_189 : memref<10000x128xf32, #tpu.memory_space<vmem_shared>>) offsets(%arg13 : memref<128xi32, #tpu.memory_space<vmem>>) semaphore(%arg20 : memref<!tpu.dma_semaphore, #tpu.memory_space<semaphore_mem>>) {add = true}
      %dma_wait3A_190 = arith.constant 0 : i32
      %dma_wait3A_191 = arith.constant 0 : i32
      %dma_wait3A_192 = tpu.memref_slice %arg6[%dma_wait3A_190, %dma_wait3A_191] : memref<10000x128xf32, #tpu.memory_space<vmem_shared>> -> memref<10000x128xf32, #tpu.memory_space<vmem_shared>>
      tpu.wait_indirect_dma semaphore(%arg19 : memref<!tpu.dma_semaphore, #tpu.memory_space<semaphore_mem>>) src(%arg7 : memref<128x128xf32, #tpu.memory_space<vmem>>) dst(%dma_wait3A_192 : memref<10000x128xf32, #tpu.memory_space<vmem_shared>>)
      %add3A_193 = arith.constant 1 : i32
      %add3A_194 = arith.addi %add3A_183, %add3A_193 : i32
      %mul3A_195 = arith.constant 128 : i32
      %mul3A_196 = arith.muli %add3A_194, %mul3A_195 : i32
      %add3A_197 = arith.addi %add3A_39, %mul3A_196 : i32
      "tpu.region"() ({
        %run_scoped3A = tpu.sem_alloc : memref<!tpu.dma_semaphore, #tpu.memory_space<semaphore_mem>>
        %dma_start3A_219 = tpu.memref_slice %arg3[%add3A_197] : memref<640000xi32, #tpu.memory_space<hbm>> -> memref<128xi32, #tpu.memory_space<hbm>>
        %dma_start3A_220 = tpu.memref_slice %arg3[%add3A_197] : memref<640000xi32, #tpu.memory_space<hbm>> -> memref<128xi32, #tpu.memory_space<hbm>>
        tpu.enqueue_dma source(%dma_start3A_220 : memref<128xi32, #tpu.memory_space<hbm>>) target(%arg10 : memref<128xi32, #tpu.memory_space<vmem>>) target_semaphore(%run_scoped3A : memref<!tpu.dma_semaphore, #tpu.memory_space<semaphore_mem>>)
        %dma_wait3A_221 = tpu.memref_slice %arg3[%add3A_197] : memref<640000xi32, #tpu.memory_space<hbm>> -> memref<128xi32, #tpu.memory_space<hbm>>
        %dma_wait3A_222 = tpu.memref_slice %arg3[%add3A_197] : memref<640000xi32, #tpu.memory_space<hbm>> -> memref<128xi32, #tpu.memory_space<hbm>>
        tpu.wait_dma2 semaphore(%run_scoped3A : memref<!tpu.dma_semaphore, #tpu.memory_space<semaphore_mem>>) src(%dma_wait3A_222 : memref<128xi32, #tpu.memory_space<hbm>>) dst(%arg10 : memref<128xi32, #tpu.memory_space<vmem>>)
        tpu.yield
      }) : () -> ()
      "tpu.region"() ({
        %run_scoped3A = tpu.sem_alloc : memref<!tpu.dma_semaphore, #tpu.memory_space<semaphore_mem>>
        %dma_start3A_219 = tpu.memref_slice %arg4[%add3A_197] : memref<640000xi32, #tpu.memory_space<hbm>> -> memref<128xi32, #tpu.memory_space<hbm>>
        %dma_start3A_220 = tpu.memref_slice %arg4[%add3A_197] : memref<640000xi32, #tpu.memory_space<hbm>> -> memref<128xi32, #tpu.memory_space<hbm>>
        tpu.enqueue_dma source(%dma_start3A_220 : memref<128xi32, #tpu.memory_space<hbm>>) target(%arg11 : memref<128xi32, #tpu.memory_space<vmem>>) target_semaphore(%run_scoped3A : memref<!tpu.dma_semaphore, #tpu.memory_space<semaphore_mem>>)
        %dma_wait3A_221 = tpu.memref_slice %arg4[%add3A_197] : memref<640000xi32, #tpu.memory_space<hbm>> -> memref<128xi32, #tpu.memory_space<hbm>>
        %dma_wait3A_222 = tpu.memref_slice %arg4[%add3A_197] : memref<640000xi32, #tpu.memory_space<hbm>> -> memref<128xi32, #tpu.memory_space<hbm>>
        tpu.wait_dma2 semaphore(%run_scoped3A : memref<!tpu.dma_semaphore, #tpu.memory_space<semaphore_mem>>) src(%dma_wait3A_222 : memref<128xi32, #tpu.memory_space<hbm>>) dst(%arg11 : memref<128xi32, #tpu.memory_space<vmem>>)
        tpu.yield
      }) : () -> ()
      %dma_start3A_198 = arith.constant 0 : i32
      %dma_start3A_199 = arith.constant 0 : i32
      %dma_start3A_200 = tpu.memref_slice %arg2[%dma_start3A_198, %dma_start3A_199] : memref<20000x128xf32, #tpu.memory_space<hbm>> -> memref<20000x128xf32, #tpu.memory_space<hbm>>
      tpu.enqueue_indirect_dma source(%dma_start3A_200 : memref<20000x128xf32, #tpu.memory_space<hbm>>) target(%arg7 : memref<128x128xf32, #tpu.memory_space<vmem>>) offsets(%arg10 : memref<128xi32, #tpu.memory_space<vmem>>) semaphore(%arg17 : memref<!tpu.dma_semaphore, #tpu.memory_space<semaphore_mem>>)
      %dma_wait3A_201 = arith.constant 0 : i32
      %dma_wait3A_202 = arith.constant 0 : i32
      %dma_wait3A_203 = tpu.memref_slice %arg2[%dma_wait3A_201, %dma_wait3A_202] : memref<20000x128xf32, #tpu.memory_space<hbm>> -> memref<20000x128xf32, #tpu.memory_space<hbm>>
      tpu.wait_indirect_dma semaphore(%arg17 : memref<!tpu.dma_semaphore, #tpu.memory_space<semaphore_mem>>) src(%dma_wait3A_203 : memref<20000x128xf32, #tpu.memory_space<hbm>>) dst(%arg7 : memref<128x128xf32, #tpu.memory_space<vmem>>)
      %dma_start3A_204 = arith.constant 0 : i32
      %dma_start3A_205 = arith.constant 0 : i32
      %dma_start3A_206 = tpu.memref_slice %arg6[%dma_start3A_204, %dma_start3A_205] : memref<10000x128xf32, #tpu.memory_space<vmem_shared>> -> memref<10000x128xf32, #tpu.memory_space<vmem_shared>>
      tpu.enqueue_indirect_dma source(%arg7 : memref<128x128xf32, #tpu.memory_space<vmem>>) target(%dma_start3A_206 : memref<10000x128xf32, #tpu.memory_space<vmem_shared>>) offsets(%arg11 : memref<128xi32, #tpu.memory_space<vmem>>) semaphore(%arg19 : memref<!tpu.dma_semaphore, #tpu.memory_space<semaphore_mem>>) {add = true}
      %dma_wait3A_207 = arith.constant 0 : i32
      %dma_wait3A_208 = arith.constant 0 : i32
      %dma_wait3A_209 = tpu.memref_slice %arg6[%dma_wait3A_207, %dma_wait3A_208] : memref<10000x128xf32, #tpu.memory_space<vmem_shared>> -> memref<10000x128xf32, #tpu.memory_space<vmem_shared>>
      tpu.wait_indirect_dma semaphore(%arg20 : memref<!tpu.dma_semaphore, #tpu.memory_space<semaphore_mem>>) src(%arg8 : memref<128x128xf32, #tpu.memory_space<vmem>>) dst(%dma_wait3A_209 : memref<10000x128xf32, #tpu.memory_space<vmem_shared>>)
      %add3A_210 = arith.constant 2 : i32
      %add3A_211 = arith.addi %add3A_183, %add3A_210 : i32
      %mul3A_212 = arith.constant 128 : i32
      %mul3A_213 = arith.muli %add3A_211, %mul3A_212 : i32
      %add3A_214 = arith.addi %add3A_39, %mul3A_213 : i32
      "tpu.region"() ({
        %run_scoped3A = tpu.sem_alloc : memref<!tpu.dma_semaphore, #tpu.memory_space<semaphore_mem>>
        %dma_start3A_219 = tpu.memref_slice %arg3[%add3A_214] : memref<640000xi32, #tpu.memory_space<hbm>> -> memref<128xi32, #tpu.memory_space<hbm>>
        %dma_start3A_220 = tpu.memref_slice %arg3[%add3A_214] : memref<640000xi32, #tpu.memory_space<hbm>> -> memref<128xi32, #tpu.memory_space<hbm>>
        tpu.enqueue_dma source(%dma_start3A_220 : memref<128xi32, #tpu.memory_space<hbm>>) target(%arg12 : memref<128xi32, #tpu.memory_space<vmem>>) target_semaphore(%run_scoped3A : memref<!tpu.dma_semaphore, #tpu.memory_space<semaphore_mem>>)
        %dma_wait3A_221 = tpu.memref_slice %arg3[%add3A_214] : memref<640000xi32, #tpu.memory_space<hbm>> -> memref<128xi32, #tpu.memory_space<hbm>>
        %dma_wait3A_222 = tpu.memref_slice %arg3[%add3A_214] : memref<640000xi32, #tpu.memory_space<hbm>> -> memref<128xi32, #tpu.memory_space<hbm>>
        tpu.wait_dma2 semaphore(%run_scoped3A : memref<!tpu.dma_semaphore, #tpu.memory_space<semaphore_mem>>) src(%dma_wait3A_222 : memref<128xi32, #tpu.memory_space<hbm>>) dst(%arg12 : memref<128xi32, #tpu.memory_space<vmem>>)
        tpu.yield
      }) : () -> ()
      "tpu.region"() ({
        %run_scoped3A = tpu.sem_alloc : memref<!tpu.dma_semaphore, #tpu.memory_space<semaphore_mem>>
        %dma_start3A_219 = tpu.memref_slice %arg4[%add3A_214] : memref<640000xi32, #tpu.memory_space<hbm>> -> memref<128xi32, #tpu.memory_space<hbm>>
        %dma_start3A_220 = tpu.memref_slice %arg4[%add3A_214] : memref<640000xi32, #tpu.memory_space<hbm>> -> memref<128xi32, #tpu.memory_space<hbm>>
        tpu.enqueue_dma source(%dma_start3A_220 : memref<128xi32, #tpu.memory_space<hbm>>) target(%arg13 : memref<128xi32, #tpu.memory_space<vmem>>) target_semaphore(%run_scoped3A : memref<!tpu.dma_semaphore, #tpu.memory_space<semaphore_mem>>)
        %dma_wait3A_221 = tpu.memref_slice %arg4[%add3A_214] : memref<640000xi32, #tpu.memory_space<hbm>> -> memref<128xi32, #tpu.memory_space<hbm>>
        %dma_wait3A_222 = tpu.memref_slice %arg4[%add3A_214] : memref<640000xi32, #tpu.memory_space<hbm>> -> memref<128xi32, #tpu.memory_space<hbm>>
        tpu.wait_dma2 semaphore(%run_scoped3A : memref<!tpu.dma_semaphore, #tpu.memory_space<semaphore_mem>>) src(%dma_wait3A_222 : memref<128xi32, #tpu.memory_space<hbm>>) dst(%arg13 : memref<128xi32, #tpu.memory_space<vmem>>)
        tpu.yield
      }) : () -> ()
      %dma_start3A_215 = arith.constant 0 : i32
      %dma_start3A_216 = arith.constant 0 : i32
      %dma_start3A_217 = tpu.memref_slice %arg2[%dma_start3A_215, %dma_start3A_216] : memref<20000x128xf32, #tpu.memory_space<hbm>> -> memref<20000x128xf32, #tpu.memory_space<hbm>>
      tpu.enqueue_indirect_dma source(%dma_start3A_217 : memref<20000x128xf32, #tpu.memory_space<hbm>>) target(%arg8 : memref<128x128xf32, #tpu.memory_space<vmem>>) offsets(%arg12 : memref<128xi32, #tpu.memory_space<vmem>>) semaphore(%arg18 : memref<!tpu.dma_semaphore, #tpu.memory_space<semaphore_mem>>)
      %scan3A_218 = arith.constant 0 : i32
      scf.yield %scan3A_218 : i32
    }
    %scan3A_60 = arith.constant 77 : i32
    %dma_wait3A_61 = arith.constant 0 : i32
    %dma_wait3A_62 = arith.constant 0 : i32
    %dma_wait3A_63 = tpu.memref_slice %arg2[%dma_wait3A_61, %dma_wait3A_62] : memref<20000x128xf32, #tpu.memory_space<hbm>> -> memref<20000x128xf32, #tpu.memory_space<hbm>>
    tpu.wait_indirect_dma semaphore(%arg18 : memref<!tpu.dma_semaphore, #tpu.memory_space<semaphore_mem>>) src(%dma_wait3A_63 : memref<20000x128xf32, #tpu.memory_space<hbm>>) dst(%arg8 : memref<128x128xf32, #tpu.memory_space<vmem>>)
    %dma_start3A_64 = arith.constant 0 : i32
    %dma_start3A_65 = arith.constant 0 : i32
    %dma_start3A_66 = tpu.memref_slice %arg6[%dma_start3A_64, %dma_start3A_65] : memref<10000x128xf32, #tpu.memory_space<vmem_shared>> -> memref<10000x128xf32, #tpu.memory_space<vmem_shared>>
    tpu.enqueue_indirect_dma source(%arg8 : memref<128x128xf32, #tpu.memory_space<vmem>>) target(%dma_start3A_66 : memref<10000x128xf32, #tpu.memory_space<vmem_shared>>) offsets(%arg13 : memref<128xi32, #tpu.memory_space<vmem>>) semaphore(%arg20 : memref<!tpu.dma_semaphore, #tpu.memory_space<semaphore_mem>>) {add = true}
    %add3A_67 = arith.constant 19968 : i32
    %add3A_68 = arith.addi %add3A_39, %add3A_67 : i32
    "tpu.region"() ({
      %run_scoped3A = tpu.sem_alloc : memref<!tpu.dma_semaphore, #tpu.memory_space<semaphore_mem>>
      %dma_start3A_178 = tpu.memref_slice %arg3[%add3A_68] : memref<640000xi32, #tpu.memory_space<hbm>> -> memref<32xi32, #tpu.memory_space<hbm>>
      %dma_start3A_179 = tpu.memref_slice %arg3[%add3A_68] : memref<640000xi32, #tpu.memory_space<hbm>> -> memref<32xi32, #tpu.memory_space<hbm>>
      tpu.enqueue_dma source(%dma_start3A_179 : memref<32xi32, #tpu.memory_space<hbm>>) target(%arg14 : memref<32xi32, #tpu.memory_space<vmem>>) target_semaphore(%run_scoped3A : memref<!tpu.dma_semaphore, #tpu.memory_space<semaphore_mem>>)
      %dma_wait3A_180 = tpu.memref_slice %arg3[%add3A_68] : memref<640000xi32, #tpu.memory_space<hbm>> -> memref<32xi32, #tpu.memory_space<hbm>>
      %dma_wait3A_181 = tpu.memref_slice %arg3[%add3A_68] : memref<640000xi32, #tpu.memory_space<hbm>> -> memref<32xi32, #tpu.memory_space<hbm>>
      tpu.wait_dma2 semaphore(%run_scoped3A : memref<!tpu.dma_semaphore, #tpu.memory_space<semaphore_mem>>) src(%dma_wait3A_181 : memref<32xi32, #tpu.memory_space<hbm>>) dst(%arg14 : memref<32xi32, #tpu.memory_space<vmem>>)
      tpu.yield
    }) : () -> ()
    "tpu.region"() ({
      %run_scoped3A = tpu.sem_alloc : memref<!tpu.dma_semaphore, #tpu.memory_space<semaphore_mem>>
      %dma_start3A_178 = tpu.memref_slice %arg4[%add3A_68] : memref<640000xi32, #tpu.memory_space<hbm>> -> memref<32xi32, #tpu.memory_space<hbm>>
      %dma_start3A_179 = tpu.memref_slice %arg4[%add3A_68] : memref<640000xi32, #tpu.memory_space<hbm>> -> memref<32xi32, #tpu.memory_space<hbm>>
      tpu.enqueue_dma source(%dma_start3A_179 : memref<32xi32, #tpu.memory_space<hbm>>) target(%arg15 : memref<32xi32, #tpu.memory_space<vmem>>) target_semaphore(%run_scoped3A : memref<!tpu.dma_semaphore, #tpu.memory_space<semaphore_mem>>)
      %dma_wait3A_180 = tpu.memref_slice %arg4[%add3A_68] : memref<640000xi32, #tpu.memory_space<hbm>> -> memref<32xi32, #tpu.memory_space<hbm>>
      %dma_wait3A_181 = tpu.memref_slice %arg4[%add3A_68] : memref<640000xi32, #tpu.memory_space<hbm>> -> memref<32xi32, #tpu.memory_space<hbm>>
      tpu.wait_dma2 semaphore(%run_scoped3A : memref<!tpu.dma_semaphore, #tpu.memory_space<semaphore_mem>>) src(%dma_wait3A_181 : memref<32xi32, #tpu.memory_space<hbm>>) dst(%arg15 : memref<32xi32, #tpu.memory_space<vmem>>)
      tpu.yield
    }) : () -> ()
    %dma_start3A_69 = arith.constant 0 : i32
    %dma_start3A_70 = arith.constant 0 : i32
    %dma_start3A_71 = tpu.memref_slice %arg2[%dma_start3A_69, %dma_start3A_70] : memref<20000x128xf32, #tpu.memory_space<hbm>> -> memref<20000x128xf32, #tpu.memory_space<hbm>>
    tpu.enqueue_indirect_dma source(%dma_start3A_71 : memref<20000x128xf32, #tpu.memory_space<hbm>>) target(%arg9 : memref<32x128xf32, #tpu.memory_space<vmem>>) offsets(%arg14 : memref<32xi32, #tpu.memory_space<vmem>>) semaphore(%arg21 : memref<!tpu.dma_semaphore, #tpu.memory_space<semaphore_mem>>)
    %dma_wait3A_72 = arith.constant 0 : i32
    %dma_wait3A_73 = arith.constant 0 : i32
    %dma_wait3A_74 = tpu.memref_slice %arg2[%dma_wait3A_72, %dma_wait3A_73] : memref<20000x128xf32, #tpu.memory_space<hbm>> -> memref<20000x128xf32, #tpu.memory_space<hbm>>
    tpu.wait_indirect_dma semaphore(%arg21 : memref<!tpu.dma_semaphore, #tpu.memory_space<semaphore_mem>>) src(%dma_wait3A_74 : memref<20000x128xf32, #tpu.memory_space<hbm>>) dst(%arg9 : memref<32x128xf32, #tpu.memory_space<vmem>>)
    "tpu.region"() ({
      %run_scoped3A = tpu.sem_alloc : memref<!tpu.dma_semaphore, #tpu.memory_space<semaphore_mem>>
      %dma_start3A_178 = arith.constant 0 : i32
      %dma_start3A_179 = arith.constant 0 : i32
      %dma_start3A_180 = tpu.memref_slice %arg6[%dma_start3A_178, %dma_start3A_179] : memref<10000x128xf32, #tpu.memory_space<vmem_shared>> -> memref<10000x128xf32, #tpu.memory_space<vmem_shared>>
      tpu.enqueue_indirect_dma source(%arg9 : memref<32x128xf32, #tpu.memory_space<vmem>>) target(%dma_start3A_180 : memref<10000x128xf32, #tpu.memory_space<vmem_shared>>) offsets(%arg15 : memref<32xi32, #tpu.memory_space<vmem>>) semaphore(%run_scoped3A : memref<!tpu.dma_semaphore, #tpu.memory_space<semaphore_mem>>) {add = true}
      %dma_wait3A_181 = arith.constant 0 : i32
      %dma_wait3A_182 = arith.constant 0 : i32
      %dma_wait3A_183 = tpu.memref_slice %arg6[%dma_wait3A_181, %dma_wait3A_182] : memref<10000x128xf32, #tpu.memory_space<vmem_shared>> -> memref<10000x128xf32, #tpu.memory_space<vmem_shared>>
      tpu.wait_indirect_dma semaphore(%run_scoped3A : memref<!tpu.dma_semaphore, #tpu.memory_space<semaphore_mem>>) src(%arg9 : memref<32x128xf32, #tpu.memory_space<vmem>>) dst(%dma_wait3A_183 : memref<10000x128xf32, #tpu.memory_space<vmem_shared>>)
      tpu.yield
    }) : () -> ()
    %dma_wait3A_75 = arith.constant 0 : i32
    %dma_wait3A_76 = arith.constant 0 : i32
    %dma_wait3A_77 = tpu.memref_slice %arg6[%dma_wait3A_75, %dma_wait3A_76] : memref<10000x128xf32, #tpu.memory_space<vmem_shared>> -> memref<10000x128xf32, #tpu.memory_space<vmem_shared>>
    tpu.wait_indirect_dma semaphore(%arg19 : memref<!tpu.dma_semaphore, #tpu.memory_space<semaphore_mem>>) src(%arg7 : memref<128x128xf32, #tpu.memory_space<vmem>>) dst(%dma_wait3A_77 : memref<10000x128xf32, #tpu.memory_space<vmem_shared>>)
    %dma_wait3A_78 = arith.constant 0 : i32
    %dma_wait3A_79 = arith.constant 0 : i32
    %dma_wait3A_80 = tpu.memref_slice %arg6[%dma_wait3A_78, %dma_wait3A_79] : memref<10000x128xf32, #tpu.memory_space<vmem_shared>> -> memref<10000x128xf32, #tpu.memory_space<vmem_shared>>
    tpu.wait_indirect_dma semaphore(%arg20 : memref<!tpu.dma_semaphore, #tpu.memory_space<semaphore_mem>>) src(%arg8 : memref<128x128xf32, #tpu.memory_space<vmem>>) dst(%dma_wait3A_80 : memref<10000x128xf32, #tpu.memory_space<vmem_shared>>)
    %barrier3A_81 = arith.constant 0 : index
    tpu.barrier barrier_id(%barrier3A_81)
    %add3A_82 = arith.constant 0 : i32
    %add3A_83 = arith.addi %mul3A_7, %add3A_82 : i32
    "tpu.region"() ({
      %run_scoped3A = tpu.sem_alloc : memref<!tpu.dma_semaphore, #tpu.memory_space<semaphore_mem>>
      %dma_start3A_178 = arith.constant 0 : i32
      %dma_start3A_179 = tpu.memref_slice %arg6[%add3A_83, %dma_start3A_178] : memref<10000x128xf32, #tpu.memory_space<vmem_shared>> -> memref<48x128xf32, #tpu.memory_space<vmem_shared>>
      %dma_start3A_180 = arith.constant 0 : i32
      %dma_start3A_181 = tpu.memref_slice %arg6[%add3A_83, %dma_start3A_180] : memref<10000x128xf32, #tpu.memory_space<vmem_shared>> -> memref<48x128xf32, #tpu.memory_space<vmem_shared>>
      tpu.enqueue_dma source(%dma_start3A_181 : memref<48x128xf32, #tpu.memory_space<vmem_shared>>) target(%arg16 : memref<48x128xf32, #tpu.memory_space<vmem>>) target_semaphore(%run_scoped3A : memref<!tpu.dma_semaphore, #tpu.memory_space<semaphore_mem>>)
      %dma_wait3A_182 = arith.constant 0 : i32
      %dma_wait3A_183 = tpu.memref_slice %arg6[%add3A_83, %dma_wait3A_182] : memref<10000x128xf32, #tpu.memory_space<vmem_shared>> -> memref<48x128xf32, #tpu.memory_space<vmem_shared>>
      %dma_wait3A_184 = arith.constant 0 : i32
      %dma_wait3A_185 = tpu.memref_slice %arg6[%add3A_83, %dma_wait3A_184] : memref<10000x128xf32, #tpu.memory_space<vmem_shared>> -> memref<48x128xf32, #tpu.memory_space<vmem_shared>>
      tpu.wait_dma2 semaphore(%run_scoped3A : memref<!tpu.dma_semaphore, #tpu.memory_space<semaphore_mem>>) src(%dma_wait3A_185 : memref<48x128xf32, #tpu.memory_space<vmem_shared>>) dst(%arg16 : memref<48x128xf32, #tpu.memory_space<vmem>>)
      tpu.yield
    }) : () -> ()
    %mul3A_84 = arith.constant 10000 : i32
    %mul3A_85 = arith.muli %arg0, %mul3A_84 : i32
    %add3A_86 = arith.addi %mul3A_85, %mul3A_7 : i32
    %add3A_87 = arith.constant 0 : i32
    %add3A_88 = arith.addi %add3A_86, %add3A_87 : i32
    "tpu.region"() ({
      %run_scoped3A = tpu.sem_alloc : memref<!tpu.dma_semaphore, #tpu.memory_space<semaphore_mem>>
      %dma_start3A_178 = arith.constant 0 : i32
      %dma_start3A_179 = tpu.memref_slice %arg5[%add3A_88, %dma_start3A_178] : memref<20000x128xf32, #tpu.memory_space<hbm>> -> memref<48x128xf32, #tpu.memory_space<hbm>>
      %dma_start3A_180 = arith.constant 0 : i32
      %dma_start3A_181 = tpu.memref_slice %arg5[%add3A_88, %dma_start3A_180] : memref<20000x128xf32, #tpu.memory_space<hbm>> -> memref<48x128xf32, #tpu.memory_space<hbm>>
      tpu.enqueue_dma source(%arg16 : memref<48x128xf32, #tpu.memory_space<vmem>>) target(%dma_start3A_181 : memref<48x128xf32, #tpu.memory_space<hbm>>) target_semaphore(%run_scoped3A : memref<!tpu.dma_semaphore, #tpu.memory_space<semaphore_mem>>)
      %dma_wait3A_182 = arith.constant 0 : i32
      %dma_wait3A_183 = tpu.memref_slice %arg5[%add3A_88, %dma_wait3A_182] : memref<20000x128xf32, #tpu.memory_space<hbm>> -> memref<48x128xf32, #tpu.memory_space<hbm>>
      %dma_wait3A_184 = arith.constant 0 : i32
      %dma_wait3A_185 = tpu.memref_slice %arg5[%add3A_88, %dma_wait3A_184] : memref<20000x128xf32, #tpu.memory_space<hbm>> -> memref<48x128xf32, #tpu.memory_space<hbm>>
      tpu.wait_dma2 semaphore(%run_scoped3A : memref<!tpu.dma_semaphore, #tpu.memory_space<semaphore_mem>>) src(%arg16 : memref<48x128xf32, #tpu.memory_space<vmem>>) dst(%dma_wait3A_185 : memref<48x128xf32, #tpu.memory_space<hbm>>)
      tpu.yield
    }) : () -> ()
    %add3A_89 = arith.constant 48 : i32
    %add3A_90 = arith.addi %mul3A_7, %add3A_89 : i32
    "tpu.region"() ({
      %run_scoped3A = tpu.sem_alloc : memref<!tpu.dma_semaphore, #tpu.memory_space<semaphore_mem>>
      %dma_start3A_178 = arith.constant 0 : i32
      %dma_start3A_179 = tpu.memref_slice %arg6[%add3A_90, %dma_start3A_178] : memref<10000x128xf32, #tpu.memory_space<vmem_shared>> -> memref<48x128xf32, #tpu.memory_space<vmem_shared>>
      %dma_start3A_180 = arith.constant 0 : i32
      %dma_start3A_181 = tpu.memref_slice %arg6[%add3A_90, %dma_start3A_180] : memref<10000x128xf32, #tpu.memory_space<vmem_shared>> -> memref<48x128xf32, #tpu.memory_space<vmem_shared>>
      tpu.enqueue_dma source(%dma_start3A_181 : memref<48x128xf32, #tpu.memory_space<vmem_shared>>) target(%arg16 : memref<48x128xf32, #tpu.memory_space<vmem>>) target_semaphore(%run_scoped3A : memref<!tpu.dma_semaphore, #tpu.memory_space<semaphore_mem>>)
      %dma_wait3A_182 = arith.constant 0 : i32
      %dma_wait3A_183 = tpu.memref_slice %arg6[%add3A_90, %dma_wait3A_182] : memref<10000x128xf32, #tpu.memory_space<vmem_shared>> -> memref<48x128xf32, #tpu.memory_space<vmem_shared>>
      %dma_wait3A_184 = arith.constant 0 : i32
      %dma_wait3A_185 = tpu.memref_slice %arg6[%add3A_90, %dma_wait3A_184] : memref<10000x128xf32, #tpu.memory_space<vmem_shared>> -> memref<48x128xf32, #tpu.memory_space<vmem_shared>>
      tpu.wait_dma2 semaphore(%run_scoped3A : memref<!tpu.dma_semaphore, #tpu.memory_space<semaphore_mem>>) src(%dma_wait3A_185 : memref<48x128xf32, #tpu.memory_space<vmem_shared>>) dst(%arg16 : memref<48x128xf32, #tpu.memory_space<vmem>>)
      tpu.yield
    }) : () -> ()
    %mul3A_91 = arith.constant 10000 : i32
    %mul3A_92 = arith.muli %arg0, %mul3A_91 : i32
    %add3A_93 = arith.addi %mul3A_92, %mul3A_7 : i32
    %add3A_94 = arith.constant 48 : i32
    %add3A_95 = arith.addi %add3A_93, %add3A_94 : i32
    "tpu.region"() ({
      %run_scoped3A = tpu.sem_alloc : memref<!tpu.dma_semaphore, #tpu.memory_space<semaphore_mem>>
      %dma_start3A_178 = arith.constant 0 : i32
      %dma_start3A_179 = tpu.memref_slice %arg5[%add3A_95, %dma_start3A_178] : memref<20000x128xf32, #tpu.memory_space<hbm>> -> memref<48x128xf32, #tpu.memory_space<hbm>>
      %dma_start3A_180 = arith.constant 0 : i32
      %dma_start3A_181 = tpu.memref_slice %arg5[%add3A_95, %dma_start3A_180] : memref<20000x128xf32, #tpu.memory_space<hbm>> -> memref<48x128xf32, #tpu.memory_space<hbm>>
      tpu.enqueue_dma source(%arg16 : memref<48x128xf32, #tpu.memory_space<vmem>>) target(%dma_start3A_181 : memref<48x128xf32, #tpu.memory_space<hbm>>) target_semaphore(%run_scoped3A : memref<!tpu.dma_semaphore, #tpu.memory_space<semaphore_mem>>)
      %dma_wait3A_182 = arith.constant 0 : i32
      %dma_wait3A_183 = tpu.memref_slice %arg5[%add3A_95, %dma_wait3A_182] : memref<20000x128xf32, #tpu.memory_space<hbm>> -> memref<48x128xf32, #tpu.memory_space<hbm>>
      %dma_wait3A_184 = arith.constant 0 : i32
      %dma_wait3A_185 = tpu.memref_slice %arg5[%add3A_95, %dma_wait3A_184] : memref<20000x128xf32, #tpu.memory_space<hbm>> -> memref<48x128xf32, #tpu.memory_space<hbm>>
      tpu.wait_dma2 semaphore(%run_scoped3A : memref<!tpu.dma_semaphore, #tpu.memory_space<semaphore_mem>>) src(%arg16 : memref<48x128xf32, #tpu.memory_space<vmem>>) dst(%dma_wait3A_185 : memref<48x128xf32, #tpu.memory_space<hbm>>)
      tpu.yield
    }) : () -> ()
    %add3A_96 = arith.constant 96 : i32
    %add3A_97 = arith.addi %mul3A_7, %add3A_96 : i32
    "tpu.region"() ({
      %run_scoped3A = tpu.sem_alloc : memref<!tpu.dma_semaphore, #tpu.memory_space<semaphore_mem>>
      %dma_start3A_178 = arith.constant 0 : i32
      %dma_start3A_179 = tpu.memref_slice %arg6[%add3A_97, %dma_start3A_178] : memref<10000x128xf32, #tpu.memory_space<vmem_shared>> -> memref<48x128xf32, #tpu.memory_space<vmem_shared>>
      %dma_start3A_180 = arith.constant 0 : i32
      %dma_start3A_181 = tpu.memref_slice %arg6[%add3A_97, %dma_start3A_180] : memref<10000x128xf32, #tpu.memory_space<vmem_shared>> -> memref<48x128xf32, #tpu.memory_space<vmem_shared>>
      tpu.enqueue_dma source(%dma_start3A_181 : memref<48x128xf32, #tpu.memory_space<vmem_shared>>) target(%arg16 : memref<48x128xf32, #tpu.memory_space<vmem>>) target_semaphore(%run_scoped3A : memref<!tpu.dma_semaphore, #tpu.memory_space<semaphore_mem>>)
      %dma_wait3A_182 = arith.constant 0 : i32
      %dma_wait3A_183 = tpu.memref_slice %arg6[%add3A_97, %dma_wait3A_182] : memref<10000x128xf32, #tpu.memory_space<vmem_shared>> -> memref<48x128xf32, #tpu.memory_space<vmem_shared>>
      %dma_wait3A_184 = arith.constant 0 : i32
      %dma_wait3A_185 = tpu.memref_slice %arg6[%add3A_97, %dma_wait3A_184] : memref<10000x128xf32, #tpu.memory_space<vmem_shared>> -> memref<48x128xf32, #tpu.memory_space<vmem_shared>>
      tpu.wait_dma2 semaphore(%run_scoped3A : memref<!tpu.dma_semaphore, #tpu.memory_space<semaphore_mem>>) src(%dma_wait3A_185 : memref<48x128xf32, #tpu.memory_space<vmem_shared>>) dst(%arg16 : memref<48x128xf32, #tpu.memory_space<vmem>>)
      tpu.yield
    }) : () -> ()
    %mul3A_98 = arith.constant 10000 : i32
    %mul3A_99 = arith.muli %arg0, %mul3A_98 : i32
    %add3A_100 = arith.addi %mul3A_99, %mul3A_7 : i32
    %add3A_101 = arith.constant 96 : i32
    %add3A_102 = arith.addi %add3A_100, %add3A_101 : i32
    "tpu.region"() ({
      %run_scoped3A = tpu.sem_alloc : memref<!tpu.dma_semaphore, #tpu.memory_space<semaphore_mem>>
      %dma_start3A_178 = arith.constant 0 : i32
      %dma_start3A_179 = tpu.memref_slice %arg5[%add3A_102, %dma_start3A_178] : memref<20000x128xf32, #tpu.memory_space<hbm>> -> memref<48x128xf32, #tpu.memory_space<hbm>>
      %dma_start3A_180 = arith.constant 0 : i32
      %dma_start3A_181 = tpu.memref_slice %arg5[%add3A_102, %dma_start3A_180] : memref<20000x128xf32, #tpu.memory_space<hbm>> -> memref<48x128xf32, #tpu.memory_space<hbm>>
      tpu.enqueue_dma source(%arg16 : memref<48x128xf32, #tpu.memory_space<vmem>>) target(%dma_start3A_181 : memref<48x128xf32, #tpu.memory_space<hbm>>) target_semaphore(%run_scoped3A : memref<!tpu.dma_semaphore, #tpu.memory_space<semaphore_mem>>)
      %dma_wait3A_182 = arith.constant 0 : i32
      %dma_wait3A_183 = tpu.memref_slice %arg5[%add3A_102, %dma_wait3A_182] : memref<20000x128xf32, #tpu.memory_space<hbm>> -> memref<48x128xf32, #tpu.memory_space<hbm>>
      %dma_wait3A_184 = arith.constant 0 : i32
      %dma_wait3A_185 = tpu.memref_slice %arg5[%add3A_102, %dma_wait3A_184] : memref<20000x128xf32, #tpu.memory_space<hbm>> -> memref<48x128xf32, #tpu.memory_space<hbm>>
      tpu.wait_dma2 semaphore(%run_scoped3A : memref<!tpu.dma_semaphore, #tpu.memory_space<semaphore_mem>>) src(%arg16 : memref<48x128xf32, #tpu.memory_space<vmem>>) dst(%dma_wait3A_185 : memref<48x128xf32, #tpu.memory_space<hbm>>)
      tpu.yield
    }) : () -> ()
    %add3A_103 = arith.constant 144 : i32
    %add3A_104 = arith.addi %mul3A_7, %add3A_103 : i32
    "tpu.region"() ({
      %run_scoped3A = tpu.sem_alloc : memref<!tpu.dma_semaphore, #tpu.memory_space<semaphore_mem>>
      %dma_start3A_178 = arith.constant 0 : i32
      %dma_start3A_179 = tpu.memref_slice %arg6[%add3A_104, %dma_start3A_178] : memref<10000x128xf32, #tpu.memory_space<vmem_shared>> -> memref<48x128xf32, #tpu.memory_space<vmem_shared>>
      %dma_start3A_180 = arith.constant 0 : i32
      %dma_start3A_181 = tpu.memref_slice %arg6[%add3A_104, %dma_start3A_180] : memref<10000x128xf32, #tpu.memory_space<vmem_shared>> -> memref<48x128xf32, #tpu.memory_space<vmem_shared>>
      tpu.enqueue_dma source(%dma_start3A_181 : memref<48x128xf32, #tpu.memory_space<vmem_shared>>) target(%arg16 : memref<48x128xf32, #tpu.memory_space<vmem>>) target_semaphore(%run_scoped3A : memref<!tpu.dma_semaphore, #tpu.memory_space<semaphore_mem>>)
      %dma_wait3A_182 = arith.constant 0 : i32
      %dma_wait3A_183 = tpu.memref_slice %arg6[%add3A_104, %dma_wait3A_182] : memref<10000x128xf32, #tpu.memory_space<vmem_shared>> -> memref<48x128xf32, #tpu.memory_space<vmem_shared>>
      %dma_wait3A_184 = arith.constant 0 : i32
      %dma_wait3A_185 = tpu.memref_slice %arg6[%add3A_104, %dma_wait3A_184] : memref<10000x128xf32, #tpu.memory_space<vmem_shared>> -> memref<48x128xf32, #tpu.memory_space<vmem_shared>>
      tpu.wait_dma2 semaphore(%run_scoped3A : memref<!tpu.dma_semaphore, #tpu.memory_space<semaphore_mem>>) src(%dma_wait3A_185 : memref<48x128xf32, #tpu.memory_space<vmem_shared>>) dst(%arg16 : memref<48x128xf32, #tpu.memory_space<vmem>>)
      tpu.yield
    }) : () -> ()
    %mul3A_105 = arith.constant 10000 : i32
    %mul3A_106 = arith.muli %arg0, %mul3A_105 : i32
    %add3A_107 = arith.addi %mul3A_106, %mul3A_7 : i32
    %add3A_108 = arith.constant 144 : i32
    %add3A_109 = arith.addi %add3A_107, %add3A_108 : i32
    "tpu.region"() ({
      %run_scoped3A = tpu.sem_alloc : memref<!tpu.dma_semaphore, #tpu.memory_space<semaphore_mem>>
      %dma_start3A_178 = arith.constant 0 : i32
      %dma_start3A_179 = tpu.memref_slice %arg5[%add3A_109, %dma_start3A_178] : memref<20000x128xf32, #tpu.memory_space<hbm>> -> memref<48x128xf32, #tpu.memory_space<hbm>>
      %dma_start3A_180 = arith.constant 0 : i32
      %dma_start3A_181 = tpu.memref_slice %arg5[%add3A_109, %dma_start3A_180] : memref<20000x128xf32, #tpu.memory_space<hbm>> -> memref<48x128xf32, #tpu.memory_space<hbm>>
      tpu.enqueue_dma source(%arg16 : memref<48x128xf32, #tpu.memory_space<vmem>>) target(%dma_start3A_181 : memref<48x128xf32, #tpu.memory_space<hbm>>) target_semaphore(%run_scoped3A : memref<!tpu.dma_semaphore, #tpu.memory_space<semaphore_mem>>)
      %dma_wait3A_182 = arith.constant 0 : i32
      %dma_wait3A_183 = tpu.memref_slice %arg5[%add3A_109, %dma_wait3A_182] : memref<20000x128xf32, #tpu.memory_space<hbm>> -> memref<48x128xf32, #tpu.memory_space<hbm>>
      %dma_wait3A_184 = arith.constant 0 : i32
      %dma_wait3A_185 = tpu.memref_slice %arg5[%add3A_109, %dma_wait3A_184] : memref<20000x128xf32, #tpu.memory_space<hbm>> -> memref<48x128xf32, #tpu.memory_space<hbm>>
      tpu.wait_dma2 semaphore(%run_scoped3A : memref<!tpu.dma_semaphore, #tpu.memory_space<semaphore_mem>>) src(%arg16 : memref<48x128xf32, #tpu.memory_space<vmem>>) dst(%dma_wait3A_185 : memref<48x128xf32, #tpu.memory_space<hbm>>)
      tpu.yield
    }) : () -> ()
    %add3A_110 = arith.constant 192 : i32
    %add3A_111 = arith.addi %mul3A_7, %add3A_110 : i32
    "tpu.region"() ({
      %run_scoped3A = tpu.sem_alloc : memref<!tpu.dma_semaphore, #tpu.memory_space<semaphore_mem>>
      %dma_start3A_178 = arith.constant 0 : i32
      %dma_start3A_179 = tpu.memref_slice %arg6[%add3A_111, %dma_start3A_178] : memref<10000x128xf32, #tpu.memory_space<vmem_shared>> -> memref<48x128xf32, #tpu.memory_space<vmem_shared>>
      %dma_start3A_180 = arith.constant 0 : i32
      %dma_start3A_181 = tpu.memref_slice %arg6[%add3A_111, %dma_start3A_180] : memref<10000x128xf32, #tpu.memory_space<vmem_shared>> -> memref<48x128xf32, #tpu.memory_space<vmem_shared>>
      tpu.enqueue_dma source(%dma_start3A_181 : memref<48x128xf32, #tpu.memory_space<vmem_shared>>) target(%arg16 : memref<48x128xf32, #tpu.memory_space<vmem>>) target_semaphore(%run_scoped3A : memref<!tpu.dma_semaphore, #tpu.memory_space<semaphore_mem>>)
      %dma_wait3A_182 = arith.constant 0 : i32
      %dma_wait3A_183 = tpu.memref_slice %arg6[%add3A_111, %dma_wait3A_182] : memref<10000x128xf32, #tpu.memory_space<vmem_shared>> -> memref<48x128xf32, #tpu.memory_space<vmem_shared>>
      %dma_wait3A_184 = arith.constant 0 : i32
      %dma_wait3A_185 = tpu.memref_slice %arg6[%add3A_111, %dma_wait3A_184] : memref<10000x128xf32, #tpu.memory_space<vmem_shared>> -> memref<48x128xf32, #tpu.memory_space<vmem_shared>>
      tpu.wait_dma2 semaphore(%run_scoped3A : memref<!tpu.dma_semaphore, #tpu.memory_space<semaphore_mem>>) src(%dma_wait3A_185 : memref<48x128xf32, #tpu.memory_space<vmem_shared>>) dst(%arg16 : memref<48x128xf32, #tpu.memory_space<vmem>>)
      tpu.yield
    }) : () -> ()
    %mul3A_112 = arith.constant 10000 : i32
    %mul3A_113 = arith.muli %arg0, %mul3A_112 : i32
    %add3A_114 = arith.addi %mul3A_113, %mul3A_7 : i32
    %add3A_115 = arith.constant 192 : i32
    %add3A_116 = arith.addi %add3A_114, %add3A_115 : i32
    "tpu.region"() ({
      %run_scoped3A = tpu.sem_alloc : memref<!tpu.dma_semaphore, #tpu.memory_space<semaphore_mem>>
      %dma_start3A_178 = arith.constant 0 : i32
      %dma_start3A_179 = tpu.memref_slice %arg5[%add3A_116, %dma_start3A_178] : memref<20000x128xf32, #tpu.memory_space<hbm>> -> memref<48x128xf32, #tpu.memory_space<hbm>>
      %dma_start3A_180 = arith.constant 0 : i32
      %dma_start3A_181 = tpu.memref_slice %arg5[%add3A_116, %dma_start3A_180] : memref<20000x128xf32, #tpu.memory_space<hbm>> -> memref<48x128xf32, #tpu.memory_space<hbm>>
      tpu.enqueue_dma source(%arg16 : memref<48x128xf32, #tpu.memory_space<vmem>>) target(%dma_start3A_181 : memref<48x128xf32, #tpu.memory_space<hbm>>) target_semaphore(%run_scoped3A : memref<!tpu.dma_semaphore, #tpu.memory_space<semaphore_mem>>)
      %dma_wait3A_182 = arith.constant 0 : i32
      %dma_wait3A_183 = tpu.memref_slice %arg5[%add3A_116, %dma_wait3A_182] : memref<20000x128xf32, #tpu.memory_space<hbm>> -> memref<48x128xf32, #tpu.memory_space<hbm>>
      %dma_wait3A_184 = arith.constant 0 : i32
      %dma_wait3A_185 = tpu.memref_slice %arg5[%add3A_116, %dma_wait3A_184] : memref<20000x128xf32, #tpu.memory_space<hbm>> -> memref<48x128xf32, #tpu.memory_space<hbm>>
      tpu.wait_dma2 semaphore(%run_scoped3A : memref<!tpu.dma_semaphore, #tpu.memory_space<semaphore_mem>>) src(%arg16 : memref<48x128xf32, #tpu.memory_space<vmem>>) dst(%dma_wait3A_185 : memref<48x128xf32, #tpu.memory_space<hbm>>)
      tpu.yield
    }) : () -> ()
    %add3A_117 = arith.constant 240 : i32
    %add3A_118 = arith.addi %mul3A_7, %add3A_117 : i32
    "tpu.region"() ({
      %run_scoped3A = tpu.sem_alloc : memref<!tpu.dma_semaphore, #tpu.memory_space<semaphore_mem>>
      %dma_start3A_178 = arith.constant 0 : i32
      %dma_start3A_179 = tpu.memref_slice %arg6[%add3A_118, %dma_start3A_178] : memref<10000x128xf32, #tpu.memory_space<vmem_shared>> -> memref<48x128xf32, #tpu.memory_space<vmem_shared>>
      %dma_start3A_180 = arith.constant 0 : i32
      %dma_start3A_181 = tpu.memref_slice %arg6[%add3A_118, %dma_start3A_180] : memref<10000x128xf32, #tpu.memory_space<vmem_shared>> -> memref<48x128xf32, #tpu.memory_space<vmem_shared>>
      tpu.enqueue_dma source(%dma_start3A_181 : memref<48x128xf32, #tpu.memory_space<vmem_shared>>) target(%arg16 : memref<48x128xf32, #tpu.memory_space<vmem>>) target_semaphore(%run_scoped3A : memref<!tpu.dma_semaphore, #tpu.memory_space<semaphore_mem>>)
      %dma_wait3A_182 = arith.constant 0 : i32
      %dma_wait3A_183 = tpu.memref_slice %arg6[%add3A_118, %dma_wait3A_182] : memref<10000x128xf32, #tpu.memory_space<vmem_shared>> -> memref<48x128xf32, #tpu.memory_space<vmem_shared>>
      %dma_wait3A_184 = arith.constant 0 : i32
      %dma_wait3A_185 = tpu.memref_slice %arg6[%add3A_118, %dma_wait3A_184] : memref<10000x128xf32, #tpu.memory_space<vmem_shared>> -> memref<48x128xf32, #tpu.memory_space<vmem_shared>>
      tpu.wait_dma2 semaphore(%run_scoped3A : memref<!tpu.dma_semaphore, #tpu.memory_space<semaphore_mem>>) src(%dma_wait3A_185 : memref<48x128xf32, #tpu.memory_space<vmem_shared>>) dst(%arg16 : memref<48x128xf32, #tpu.memory_space<vmem>>)
      tpu.yield
    }) : () -> ()
    %mul3A_119 = arith.constant 10000 : i32
    %mul3A_120 = arith.muli %arg0, %mul3A_119 : i32
    %add3A_121 = arith.addi %mul3A_120, %mul3A_7 : i32
    %add3A_122 = arith.constant 240 : i32
    %add3A_123 = arith.addi %add3A_121, %add3A_122 : i32
    "tpu.region"() ({
      %run_scoped3A = tpu.sem_alloc : memref<!tpu.dma_semaphore, #tpu.memory_space<semaphore_mem>>
      %dma_start3A_178 = arith.constant 0 : i32
      %dma_start3A_179 = tpu.memref_slice %arg5[%add3A_123, %dma_start3A_178] : memref<20000x128xf32, #tpu.memory_space<hbm>> -> memref<48x128xf32, #tpu.memory_space<hbm>>
      %dma_start3A_180 = arith.constant 0 : i32
      %dma_start3A_181 = tpu.memref_slice %arg5[%add3A_123, %dma_start3A_180] : memref<20000x128xf32, #tpu.memory_space<hbm>> -> memref<48x128xf32, #tpu.memory_space<hbm>>
      tpu.enqueue_dma source(%arg16 : memref<48x128xf32, #tpu.memory_space<vmem>>) target(%dma_start3A_181 : memref<48x128xf32, #tpu.memory_space<hbm>>) target_semaphore(%run_scoped3A : memref<!tpu.dma_semaphore, #tpu.memory_space<semaphore_mem>>)
      %dma_wait3A_182 = arith.constant 0 : i32
      %dma_wait3A_183 = tpu.memref_slice %arg5[%add3A_123, %dma_wait3A_182] : memref<20000x128xf32, #tpu.memory_space<hbm>> -> memref<48x128xf32, #tpu.memory_space<hbm>>
      %dma_wait3A_184 = arith.constant 0 : i32
      %dma_wait3A_185 = tpu.memref_slice %arg5[%add3A_123, %dma_wait3A_184] : memref<20000x128xf32, #tpu.memory_space<hbm>> -> memref<48x128xf32, #tpu.memory_space<hbm>>
      tpu.wait_dma2 semaphore(%run_scoped3A : memref<!tpu.dma_semaphore, #tpu.memory_space<semaphore_mem>>) src(%arg16 : memref<48x128xf32, #tpu.memory_space<vmem>>) dst(%dma_wait3A_185 : memref<48x128xf32, #tpu.memory_space<hbm>>)
      tpu.yield
    }) : () -> ()
    %add3A_124 = arith.constant 288 : i32
    %add3A_125 = arith.addi %mul3A_7, %add3A_124 : i32
    "tpu.region"() ({
      %run_scoped3A = tpu.sem_alloc : memref<!tpu.dma_semaphore, #tpu.memory_space<semaphore_mem>>
      %dma_start3A_178 = arith.constant 0 : i32
      %dma_start3A_179 = tpu.memref_slice %arg6[%add3A_125, %dma_start3A_178] : memref<10000x128xf32, #tpu.memory_space<vmem_shared>> -> memref<48x128xf32, #tpu.memory_space<vmem_shared>>
      %dma_start3A_180 = arith.constant 0 : i32
      %dma_start3A_181 = tpu.memref_slice %arg6[%add3A_125, %dma_start3A_180] : memref<10000x128xf32, #tpu.memory_space<vmem_shared>> -> memref<48x128xf32, #tpu.memory_space<vmem_shared>>
      tpu.enqueue_dma source(%dma_start3A_181 : memref<48x128xf32, #tpu.memory_space<vmem_shared>>) target(%arg16 : memref<48x128xf32, #tpu.memory_space<vmem>>) target_semaphore(%run_scoped3A : memref<!tpu.dma_semaphore, #tpu.memory_space<semaphore_mem>>)
      %dma_wait3A_182 = arith.constant 0 : i32
      %dma_wait3A_183 = tpu.memref_slice %arg6[%add3A_125, %dma_wait3A_182] : memref<10000x128xf32, #tpu.memory_space<vmem_shared>> -> memref<48x128xf32, #tpu.memory_space<vmem_shared>>
      %dma_wait3A_184 = arith.constant 0 : i32
      %dma_wait3A_185 = tpu.memref_slice %arg6[%add3A_125, %dma_wait3A_184] : memref<10000x128xf32, #tpu.memory_space<vmem_shared>> -> memref<48x128xf32, #tpu.memory_space<vmem_shared>>
      tpu.wait_dma2 semaphore(%run_scoped3A : memref<!tpu.dma_semaphore, #tpu.memory_space<semaphore_mem>>) src(%dma_wait3A_185 : memref<48x128xf32, #tpu.memory_space<vmem_shared>>) dst(%arg16 : memref<48x128xf32, #tpu.memory_space<vmem>>)
      tpu.yield
    }) : () -> ()
    %mul3A_126 = arith.constant 10000 : i32
    %mul3A_127 = arith.muli %arg0, %mul3A_126 : i32
    %add3A_128 = arith.addi %mul3A_127, %mul3A_7 : i32
    %add3A_129 = arith.constant 288 : i32
    %add3A_130 = arith.addi %add3A_128, %add3A_129 : i32
    "tpu.region"() ({
      %run_scoped3A = tpu.sem_alloc : memref<!tpu.dma_semaphore, #tpu.memory_space<semaphore_mem>>
      %dma_start3A_178 = arith.constant 0 : i32
      %dma_start3A_179 = tpu.memref_slice %arg5[%add3A_130, %dma_start3A_178] : memref<20000x128xf32, #tpu.memory_space<hbm>> -> memref<48x128xf32, #tpu.memory_space<hbm>>
      %dma_start3A_180 = arith.constant 0 : i32
      %dma_start3A_181 = tpu.memref_slice %arg5[%add3A_130, %dma_start3A_180] : memref<20000x128xf32, #tpu.memory_space<hbm>> -> memref<48x128xf32, #tpu.memory_space<hbm>>
      tpu.enqueue_dma source(%arg16 : memref<48x128xf32, #tpu.memory_space<vmem>>) target(%dma_start3A_181 : memref<48x128xf32, #tpu.memory_space<hbm>>) target_semaphore(%run_scoped3A : memref<!tpu.dma_semaphore, #tpu.memory_space<semaphore_mem>>)
      %dma_wait3A_182 = arith.constant 0 : i32
      %dma_wait3A_183 = tpu.memref_slice %arg5[%add3A_130, %dma_wait3A_182] : memref<20000x128xf32, #tpu.memory_space<hbm>> -> memref<48x128xf32, #tpu.memory_space<hbm>>
      %dma_wait3A_184 = arith.constant 0 : i32
      %dma_wait3A_185 = tpu.memref_slice %arg5[%add3A_130, %dma_wait3A_184] : memref<20000x128xf32, #tpu.memory_space<hbm>> -> memref<48x128xf32, #tpu.memory_space<hbm>>
      tpu.wait_dma2 semaphore(%run_scoped3A : memref<!tpu.dma_semaphore, #tpu.memory_space<semaphore_mem>>) src(%arg16 : memref<48x128xf32, #tpu.memory_space<vmem>>) dst(%dma_wait3A_185 : memref<48x128xf32, #tpu.memory_space<hbm>>)
      tpu.yield
    }) : () -> ()
    %add3A_131 = arith.constant 336 : i32
    %add3A_132 = arith.addi %mul3A_7, %add3A_131 : i32
    "tpu.region"() ({
      %run_scoped3A = tpu.sem_alloc : memref<!tpu.dma_semaphore, #tpu.memory_space<semaphore_mem>>
      %dma_start3A_178 = arith.constant 0 : i32
      %dma_start3A_179 = tpu.memref_slice %arg6[%add3A_132, %dma_start3A_178] : memref<10000x128xf32, #tpu.memory_space<vmem_shared>> -> memref<48x128xf32, #tpu.memory_space<vmem_shared>>
      %dma_start3A_180 = arith.constant 0 : i32
      %dma_start3A_181 = tpu.memref_slice %arg6[%add3A_132, %dma_start3A_180] : memref<10000x128xf32, #tpu.memory_space<vmem_shared>> -> memref<48x128xf32, #tpu.memory_space<vmem_shared>>
      tpu.enqueue_dma source(%dma_start3A_181 : memref<48x128xf32, #tpu.memory_space<vmem_shared>>) target(%arg16 : memref<48x128xf32, #tpu.memory_space<vmem>>) target_semaphore(%run_scoped3A : memref<!tpu.dma_semaphore, #tpu.memory_space<semaphore_mem>>)
      %dma_wait3A_182 = arith.constant 0 : i32
      %dma_wait3A_183 = tpu.memref_slice %arg6[%add3A_132, %dma_wait3A_182] : memref<10000x128xf32, #tpu.memory_space<vmem_shared>> -> memref<48x128xf32, #tpu.memory_space<vmem_shared>>
      %dma_wait3A_184 = arith.constant 0 : i32
      %dma_wait3A_185 = tpu.memref_slice %arg6[%add3A_132, %dma_wait3A_184] : memref<10000x128xf32, #tpu.memory_space<vmem_shared>> -> memref<48x128xf32, #tpu.memory_space<vmem_shared>>
      tpu.wait_dma2 semaphore(%run_scoped3A : memref<!tpu.dma_semaphore, #tpu.memory_space<semaphore_mem>>) src(%dma_wait3A_185 : memref<48x128xf32, #tpu.memory_space<vmem_shared>>) dst(%arg16 : memref<48x128xf32, #tpu.memory_space<vmem>>)
      tpu.yield
    }) : () -> ()
    %mul3A_133 = arith.constant 10000 : i32
    %mul3A_134 = arith.muli %arg0, %mul3A_133 : i32
    %add3A_135 = arith.addi %mul3A_134, %mul3A_7 : i32
    %add3A_136 = arith.constant 336 : i32
    %add3A_137 = arith.addi %add3A_135, %add3A_136 : i32
    "tpu.region"() ({
      %run_scoped3A = tpu.sem_alloc : memref<!tpu.dma_semaphore, #tpu.memory_space<semaphore_mem>>
      %dma_start3A_178 = arith.constant 0 : i32
      %dma_start3A_179 = tpu.memref_slice %arg5[%add3A_137, %dma_start3A_178] : memref<20000x128xf32, #tpu.memory_space<hbm>> -> memref<48x128xf32, #tpu.memory_space<hbm>>
      %dma_start3A_180 = arith.constant 0 : i32
      %dma_start3A_181 = tpu.memref_slice %arg5[%add3A_137, %dma_start3A_180] : memref<20000x128xf32, #tpu.memory_space<hbm>> -> memref<48x128xf32, #tpu.memory_space<hbm>>
      tpu.enqueue_dma source(%arg16 : memref<48x128xf32, #tpu.memory_space<vmem>>) target(%dma_start3A_181 : memref<48x128xf32, #tpu.memory_space<hbm>>) target_semaphore(%run_scoped3A : memref<!tpu.dma_semaphore, #tpu.memory_space<semaphore_mem>>)
      %dma_wait3A_182 = arith.constant 0 : i32
      %dma_wait3A_183 = tpu.memref_slice %arg5[%add3A_137, %dma_wait3A_182] : memref<20000x128xf32, #tpu.memory_space<hbm>> -> memref<48x128xf32, #tpu.memory_space<hbm>>
      %dma_wait3A_184 = arith.constant 0 : i32
      %dma_wait3A_185 = tpu.memref_slice %arg5[%add3A_137, %dma_wait3A_184] : memref<20000x128xf32, #tpu.memory_space<hbm>> -> memref<48x128xf32, #tpu.memory_space<hbm>>
      tpu.wait_dma2 semaphore(%run_scoped3A : memref<!tpu.dma_semaphore, #tpu.memory_space<semaphore_mem>>) src(%arg16 : memref<48x128xf32, #tpu.memory_space<vmem>>) dst(%dma_wait3A_185 : memref<48x128xf32, #tpu.memory_space<hbm>>)
      tpu.yield
    }) : () -> ()
    %add3A_138 = arith.constant 384 : i32
    %add3A_139 = arith.addi %mul3A_7, %add3A_138 : i32
    "tpu.region"() ({
      %run_scoped3A = tpu.sem_alloc : memref<!tpu.dma_semaphore, #tpu.memory_space<semaphore_mem>>
      %dma_start3A_178 = arith.constant 0 : i32
      %dma_start3A_179 = tpu.memref_slice %arg6[%add3A_139, %dma_start3A_178] : memref<10000x128xf32, #tpu.memory_space<vmem_shared>> -> memref<48x128xf32, #tpu.memory_space<vmem_shared>>
      %dma_start3A_180 = arith.constant 0 : i32
      %dma_start3A_181 = tpu.memref_slice %arg6[%add3A_139, %dma_start3A_180] : memref<10000x128xf32, #tpu.memory_space<vmem_shared>> -> memref<48x128xf32, #tpu.memory_space<vmem_shared>>
      tpu.enqueue_dma source(%dma_start3A_181 : memref<48x128xf32, #tpu.memory_space<vmem_shared>>) target(%arg16 : memref<48x128xf32, #tpu.memory_space<vmem>>) target_semaphore(%run_scoped3A : memref<!tpu.dma_semaphore, #tpu.memory_space<semaphore_mem>>)
      %dma_wait3A_182 = arith.constant 0 : i32
      %dma_wait3A_183 = tpu.memref_slice %arg6[%add3A_139, %dma_wait3A_182] : memref<10000x128xf32, #tpu.memory_space<vmem_shared>> -> memref<48x128xf32, #tpu.memory_space<vmem_shared>>
      %dma_wait3A_184 = arith.constant 0 : i32
      %dma_wait3A_185 = tpu.memref_slice %arg6[%add3A_139, %dma_wait3A_184] : memref<10000x128xf32, #tpu.memory_space<vmem_shared>> -> memref<48x128xf32, #tpu.memory_space<vmem_shared>>
      tpu.wait_dma2 semaphore(%run_scoped3A : memref<!tpu.dma_semaphore, #tpu.memory_space<semaphore_mem>>) src(%dma_wait3A_185 : memref<48x128xf32, #tpu.memory_space<vmem_shared>>) dst(%arg16 : memref<48x128xf32, #tpu.memory_space<vmem>>)
      tpu.yield
    }) : () -> ()
    %mul3A_140 = arith.constant 10000 : i32
    %mul3A_141 = arith.muli %arg0, %mul3A_140 : i32
    %add3A_142 = arith.addi %mul3A_141, %mul3A_7 : i32
    %add3A_143 = arith.constant 384 : i32
    %add3A_144 = arith.addi %add3A_142, %add3A_143 : i32
    "tpu.region"() ({
      %run_scoped3A = tpu.sem_alloc : memref<!tpu.dma_semaphore, #tpu.memory_space<semaphore_mem>>
      %dma_start3A_178 = arith.constant 0 : i32
      %dma_start3A_179 = tpu.memref_slice %arg5[%add3A_144, %dma_start3A_178] : memref<20000x128xf32, #tpu.memory_space<hbm>> -> memref<48x128xf32, #tpu.memory_space<hbm>>
      %dma_start3A_180 = arith.constant 0 : i32
      %dma_start3A_181 = tpu.memref_slice %arg5[%add3A_144, %dma_start3A_180] : memref<20000x128xf32, #tpu.memory_space<hbm>> -> memref<48x128xf32, #tpu.memory_space<hbm>>
      tpu.enqueue_dma source(%arg16 : memref<48x128xf32, #tpu.memory_space<vmem>>) target(%dma_start3A_181 : memref<48x128xf32, #tpu.memory_space<hbm>>) target_semaphore(%run_scoped3A : memref<!tpu.dma_semaphore, #tpu.memory_space<semaphore_mem>>)
      %dma_wait3A_182 = arith.constant 0 : i32
      %dma_wait3A_183 = tpu.memref_slice %arg5[%add3A_144, %dma_wait3A_182] : memref<20000x128xf32, #tpu.memory_space<hbm>> -> memref<48x128xf32, #tpu.memory_space<hbm>>
      %dma_wait3A_184 = arith.constant 0 : i32
      %dma_wait3A_185 = tpu.memref_slice %arg5[%add3A_144, %dma_wait3A_184] : memref<20000x128xf32, #tpu.memory_space<hbm>> -> memref<48x128xf32, #tpu.memory_space<hbm>>
      tpu.wait_dma2 semaphore(%run_scoped3A : memref<!tpu.dma_semaphore, #tpu.memory_space<semaphore_mem>>) src(%arg16 : memref<48x128xf32, #tpu.memory_space<vmem>>) dst(%dma_wait3A_185 : memref<48x128xf32, #tpu.memory_space<hbm>>)
      tpu.yield
    }) : () -> ()
    %add3A_145 = arith.constant 432 : i32
    %add3A_146 = arith.addi %mul3A_7, %add3A_145 : i32
    "tpu.region"() ({
      %run_scoped3A = tpu.sem_alloc : memref<!tpu.dma_semaphore, #tpu.memory_space<semaphore_mem>>
      %dma_start3A_178 = arith.constant 0 : i32
      %dma_start3A_179 = tpu.memref_slice %arg6[%add3A_146, %dma_start3A_178] : memref<10000x128xf32, #tpu.memory_space<vmem_shared>> -> memref<48x128xf32, #tpu.memory_space<vmem_shared>>
      %dma_start3A_180 = arith.constant 0 : i32
      %dma_start3A_181 = tpu.memref_slice %arg6[%add3A_146, %dma_start3A_180] : memref<10000x128xf32, #tpu.memory_space<vmem_shared>> -> memref<48x128xf32, #tpu.memory_space<vmem_shared>>
      tpu.enqueue_dma source(%dma_start3A_181 : memref<48x128xf32, #tpu.memory_space<vmem_shared>>) target(%arg16 : memref<48x128xf32, #tpu.memory_space<vmem>>) target_semaphore(%run_scoped3A : memref<!tpu.dma_semaphore, #tpu.memory_space<semaphore_mem>>)
      %dma_wait3A_182 = arith.constant 0 : i32
      %dma_wait3A_183 = tpu.memref_slice %arg6[%add3A_146, %dma_wait3A_182] : memref<10000x128xf32, #tpu.memory_space<vmem_shared>> -> memref<48x128xf32, #tpu.memory_space<vmem_shared>>
      %dma_wait3A_184 = arith.constant 0 : i32
      %dma_wait3A_185 = tpu.memref_slice %arg6[%add3A_146, %dma_wait3A_184] : memref<10000x128xf32, #tpu.memory_space<vmem_shared>> -> memref<48x128xf32, #tpu.memory_space<vmem_shared>>
      tpu.wait_dma2 semaphore(%run_scoped3A : memref<!tpu.dma_semaphore, #tpu.memory_space<semaphore_mem>>) src(%dma_wait3A_185 : memref<48x128xf32, #tpu.memory_space<vmem_shared>>) dst(%arg16 : memref<48x128xf32, #tpu.memory_space<vmem>>)
      tpu.yield
    }) : () -> ()
    %mul3A_147 = arith.constant 10000 : i32
    %mul3A_148 = arith.muli %arg0, %mul3A_147 : i32
    %add3A_149 = arith.addi %mul3A_148, %mul3A_7 : i32
    %add3A_150 = arith.constant 432 : i32
    %add3A_151 = arith.addi %add3A_149, %add3A_150 : i32
    "tpu.region"() ({
      %run_scoped3A = tpu.sem_alloc : memref<!tpu.dma_semaphore, #tpu.memory_space<semaphore_mem>>
      %dma_start3A_178 = arith.constant 0 : i32
      %dma_start3A_179 = tpu.memref_slice %arg5[%add3A_151, %dma_start3A_178] : memref<20000x128xf32, #tpu.memory_space<hbm>> -> memref<48x128xf32, #tpu.memory_space<hbm>>
      %dma_start3A_180 = arith.constant 0 : i32
      %dma_start3A_181 = tpu.memref_slice %arg5[%add3A_151, %dma_start3A_180] : memref<20000x128xf32, #tpu.memory_space<hbm>> -> memref<48x128xf32, #tpu.memory_space<hbm>>
      tpu.enqueue_dma source(%arg16 : memref<48x128xf32, #tpu.memory_space<vmem>>) target(%dma_start3A_181 : memref<48x128xf32, #tpu.memory_space<hbm>>) target_semaphore(%run_scoped3A : memref<!tpu.dma_semaphore, #tpu.memory_space<semaphore_mem>>)
      %dma_wait3A_182 = arith.constant 0 : i32
      %dma_wait3A_183 = tpu.memref_slice %arg5[%add3A_151, %dma_wait3A_182] : memref<20000x128xf32, #tpu.memory_space<hbm>> -> memref<48x128xf32, #tpu.memory_space<hbm>>
      %dma_wait3A_184 = arith.constant 0 : i32
      %dma_wait3A_185 = tpu.memref_slice %arg5[%add3A_151, %dma_wait3A_184] : memref<20000x128xf32, #tpu.memory_space<hbm>> -> memref<48x128xf32, #tpu.memory_space<hbm>>
      tpu.wait_dma2 semaphore(%run_scoped3A : memref<!tpu.dma_semaphore, #tpu.memory_space<semaphore_mem>>) src(%arg16 : memref<48x128xf32, #tpu.memory_space<vmem>>) dst(%dma_wait3A_185 : memref<48x128xf32, #tpu.memory_space<hbm>>)
      tpu.yield
    }) : () -> ()
    %add3A_152 = arith.constant 480 : i32
    %add3A_153 = arith.addi %mul3A_7, %add3A_152 : i32
    "tpu.region"() ({
      %run_scoped3A = tpu.sem_alloc : memref<!tpu.dma_semaphore, #tpu.memory_space<semaphore_mem>>
      %dma_start3A_178 = arith.constant 0 : i32
      %dma_start3A_179 = tpu.memref_slice %arg6[%add3A_153, %dma_start3A_178] : memref<10000x128xf32, #tpu.memory_space<vmem_shared>> -> memref<48x128xf32, #tpu.memory_space<vmem_shared>>
      %dma_start3A_180 = arith.constant 0 : i32
      %dma_start3A_181 = tpu.memref_slice %arg6[%add3A_153, %dma_start3A_180] : memref<10000x128xf32, #tpu.memory_space<vmem_shared>> -> memref<48x128xf32, #tpu.memory_space<vmem_shared>>
      tpu.enqueue_dma source(%dma_start3A_181 : memref<48x128xf32, #tpu.memory_space<vmem_shared>>) target(%arg16 : memref<48x128xf32, #tpu.memory_space<vmem>>) target_semaphore(%run_scoped3A : memref<!tpu.dma_semaphore, #tpu.memory_space<semaphore_mem>>)
      %dma_wait3A_182 = arith.constant 0 : i32
      %dma_wait3A_183 = tpu.memref_slice %arg6[%add3A_153, %dma_wait3A_182] : memref<10000x128xf32, #tpu.memory_space<vmem_shared>> -> memref<48x128xf32, #tpu.memory_space<vmem_shared>>
      %dma_wait3A_184 = arith.constant 0 : i32
      %dma_wait3A_185 = tpu.memref_slice %arg6[%add3A_153, %dma_wait3A_184] : memref<10000x128xf32, #tpu.memory_space<vmem_shared>> -> memref<48x128xf32, #tpu.memory_space<vmem_shared>>
      tpu.wait_dma2 semaphore(%run_scoped3A : memref<!tpu.dma_semaphore, #tpu.memory_space<semaphore_mem>>) src(%dma_wait3A_185 : memref<48x128xf32, #tpu.memory_space<vmem_shared>>) dst(%arg16 : memref<48x128xf32, #tpu.memory_space<vmem>>)
      tpu.yield
    }) : () -> ()
    %mul3A_154 = arith.constant 10000 : i32
    %mul3A_155 = arith.muli %arg0, %mul3A_154 : i32
    %add3A_156 = arith.addi %mul3A_155, %mul3A_7 : i32
    %add3A_157 = arith.constant 480 : i32
    %add3A_158 = arith.addi %add3A_156, %add3A_157 : i32
    "tpu.region"() ({
      %run_scoped3A = tpu.sem_alloc : memref<!tpu.dma_semaphore, #tpu.memory_space<semaphore_mem>>
      %dma_start3A_178 = arith.constant 0 : i32
      %dma_start3A_179 = tpu.memref_slice %arg5[%add3A_158, %dma_start3A_178] : memref<20000x128xf32, #tpu.memory_space<hbm>> -> memref<48x128xf32, #tpu.memory_space<hbm>>
      %dma_start3A_180 = arith.constant 0 : i32
      %dma_start3A_181 = tpu.memref_slice %arg5[%add3A_158, %dma_start3A_180] : memref<20000x128xf32, #tpu.memory_space<hbm>> -> memref<48x128xf32, #tpu.memory_space<hbm>>
      tpu.enqueue_dma source(%arg16 : memref<48x128xf32, #tpu.memory_space<vmem>>) target(%dma_start3A_181 : memref<48x128xf32, #tpu.memory_space<hbm>>) target_semaphore(%run_scoped3A : memref<!tpu.dma_semaphore, #tpu.memory_space<semaphore_mem>>)
      %dma_wait3A_182 = arith.constant 0 : i32
      %dma_wait3A_183 = tpu.memref_slice %arg5[%add3A_158, %dma_wait3A_182] : memref<20000x128xf32, #tpu.memory_space<hbm>> -> memref<48x128xf32, #tpu.memory_space<hbm>>
      %dma_wait3A_184 = arith.constant 0 : i32
      %dma_wait3A_185 = tpu.memref_slice %arg5[%add3A_158, %dma_wait3A_184] : memref<20000x128xf32, #tpu.memory_space<hbm>> -> memref<48x128xf32, #tpu.memory_space<hbm>>
      tpu.wait_dma2 semaphore(%run_scoped3A : memref<!tpu.dma_semaphore, #tpu.memory_space<semaphore_mem>>) src(%arg16 : memref<48x128xf32, #tpu.memory_space<vmem>>) dst(%dma_wait3A_185 : memref<48x128xf32, #tpu.memory_space<hbm>>)
      tpu.yield
    }) : () -> ()
    %add3A_159 = arith.constant 528 : i32
    %add3A_160 = arith.addi %mul3A_7, %add3A_159 : i32
    "tpu.region"() ({
      %run_scoped3A = tpu.sem_alloc : memref<!tpu.dma_semaphore, #tpu.memory_space<semaphore_mem>>
      %dma_start3A_178 = arith.constant 0 : i32
      %dma_start3A_179 = tpu.memref_slice %arg6[%add3A_160, %dma_start3A_178] : memref<10000x128xf32, #tpu.memory_space<vmem_shared>> -> memref<48x128xf32, #tpu.memory_space<vmem_shared>>
      %dma_start3A_180 = arith.constant 0 : i32
      %dma_start3A_181 = tpu.memref_slice %arg6[%add3A_160, %dma_start3A_180] : memref<10000x128xf32, #tpu.memory_space<vmem_shared>> -> memref<48x128xf32, #tpu.memory_space<vmem_shared>>
      tpu.enqueue_dma source(%dma_start3A_181 : memref<48x128xf32, #tpu.memory_space<vmem_shared>>) target(%arg16 : memref<48x128xf32, #tpu.memory_space<vmem>>) target_semaphore(%run_scoped3A : memref<!tpu.dma_semaphore, #tpu.memory_space<semaphore_mem>>)
      %dma_wait3A_182 = arith.constant 0 : i32
      %dma_wait3A_183 = tpu.memref_slice %arg6[%add3A_160, %dma_wait3A_182] : memref<10000x128xf32, #tpu.memory_space<vmem_shared>> -> memref<48x128xf32, #tpu.memory_space<vmem_shared>>
      %dma_wait3A_184 = arith.constant 0 : i32
      %dma_wait3A_185 = tpu.memref_slice %arg6[%add3A_160, %dma_wait3A_184] : memref<10000x128xf32, #tpu.memory_space<vmem_shared>> -> memref<48x128xf32, #tpu.memory_space<vmem_shared>>
      tpu.wait_dma2 semaphore(%run_scoped3A : memref<!tpu.dma_semaphore, #tpu.memory_space<semaphore_mem>>) src(%dma_wait3A_185 : memref<48x128xf32, #tpu.memory_space<vmem_shared>>) dst(%arg16 : memref<48x128xf32, #tpu.memory_space<vmem>>)
      tpu.yield
    }) : () -> ()
    %mul3A_161 = arith.constant 10000 : i32
    %mul3A_162 = arith.muli %arg0, %mul3A_161 : i32
    %add3A_163 = arith.addi %mul3A_162, %mul3A_7 : i32
    %add3A_164 = arith.constant 528 : i32
    %add3A_165 = arith.addi %add3A_163, %add3A_164 : i32
    "tpu.region"() ({
      %run_scoped3A = tpu.sem_alloc : memref<!tpu.dma_semaphore, #tpu.memory_space<semaphore_mem>>
      %dma_start3A_178 = arith.constant 0 : i32
      %dma_start3A_179 = tpu.memref_slice %arg5[%add3A_165, %dma_start3A_178] : memref<20000x128xf32, #tpu.memory_space<hbm>> -> memref<48x128xf32, #tpu.memory_space<hbm>>
      %dma_start3A_180 = arith.constant 0 : i32
      %dma_start3A_181 = tpu.memref_slice %arg5[%add3A_165, %dma_start3A_180] : memref<20000x128xf32, #tpu.memory_space<hbm>> -> memref<48x128xf32, #tpu.memory_space<hbm>>
      tpu.enqueue_dma source(%arg16 : memref<48x128xf32, #tpu.memory_space<vmem>>) target(%dma_start3A_181 : memref<48x128xf32, #tpu.memory_space<hbm>>) target_semaphore(%run_scoped3A : memref<!tpu.dma_semaphore, #tpu.memory_space<semaphore_mem>>)
      %dma_wait3A_182 = arith.constant 0 : i32
      %dma_wait3A_183 = tpu.memref_slice %arg5[%add3A_165, %dma_wait3A_182] : memref<20000x128xf32, #tpu.memory_space<hbm>> -> memref<48x128xf32, #tpu.memory_space<hbm>>
      %dma_wait3A_184 = arith.constant 0 : i32
      %dma_wait3A_185 = tpu.memref_slice %arg5[%add3A_165, %dma_wait3A_184] : memref<20000x128xf32, #tpu.memory_space<hbm>> -> memref<48x128xf32, #tpu.memory_space<hbm>>
      tpu.wait_dma2 semaphore(%run_scoped3A : memref<!tpu.dma_semaphore, #tpu.memory_space<semaphore_mem>>) src(%arg16 : memref<48x128xf32, #tpu.memory_space<vmem>>) dst(%dma_wait3A_185 : memref<48x128xf32, #tpu.memory_space<hbm>>)
      tpu.yield
    }) : () -> ()
    %add3A_166 = arith.constant 576 : i32
    %add3A_167 = arith.addi %mul3A_7, %add3A_166 : i32
    "tpu.region"() ({
      %run_scoped3A = tpu.sem_alloc : memref<!tpu.dma_semaphore, #tpu.memory_space<semaphore_mem>>
      %dma_start3A_178 = arith.constant 0 : i32
      %dma_start3A_179 = tpu.memref_slice %arg6[%add3A_167, %dma_start3A_178] : memref<10000x128xf32, #tpu.memory_space<vmem_shared>> -> memref<48x128xf32, #tpu.memory_space<vmem_shared>>
      %dma_start3A_180 = arith.constant 0 : i32
      %dma_start3A_181 = tpu.memref_slice %arg6[%add3A_167, %dma_start3A_180] : memref<10000x128xf32, #tpu.memory_space<vmem_shared>> -> memref<48x128xf32, #tpu.memory_space<vmem_shared>>
      tpu.enqueue_dma source(%dma_start3A_181 : memref<48x128xf32, #tpu.memory_space<vmem_shared>>) target(%arg16 : memref<48x128xf32, #tpu.memory_space<vmem>>) target_semaphore(%run_scoped3A : memref<!tpu.dma_semaphore, #tpu.memory_space<semaphore_mem>>)
      %dma_wait3A_182 = arith.constant 0 : i32
      %dma_wait3A_183 = tpu.memref_slice %arg6[%add3A_167, %dma_wait3A_182] : memref<10000x128xf32, #tpu.memory_space<vmem_shared>> -> memref<48x128xf32, #tpu.memory_space<vmem_shared>>
      %dma_wait3A_184 = arith.constant 0 : i32
      %dma_wait3A_185 = tpu.memref_slice %arg6[%add3A_167, %dma_wait3A_184] : memref<10000x128xf32, #tpu.memory_space<vmem_shared>> -> memref<48x128xf32, #tpu.memory_space<vmem_shared>>
      tpu.wait_dma2 semaphore(%run_scoped3A : memref<!tpu.dma_semaphore, #tpu.memory_space<semaphore_mem>>) src(%dma_wait3A_185 : memref<48x128xf32, #tpu.memory_space<vmem_shared>>) dst(%arg16 : memref<48x128xf32, #tpu.memory_space<vmem>>)
      tpu.yield
    }) : () -> ()
    %mul3A_168 = arith.constant 10000 : i32
    %mul3A_169 = arith.muli %arg0, %mul3A_168 : i32
    %add3A_170 = arith.addi %mul3A_169, %mul3A_7 : i32
    %add3A_171 = arith.constant 576 : i32
    %add3A_172 = arith.addi %add3A_170, %add3A_171 : i32
    "tpu.region"() ({
      %run_scoped3A = tpu.sem_alloc : memref<!tpu.dma_semaphore, #tpu.memory_space<semaphore_mem>>
      %dma_start3A_178 = arith.constant 0 : i32
      %dma_start3A_179 = tpu.memref_slice %arg5[%add3A_172, %dma_start3A_178] : memref<20000x128xf32, #tpu.memory_space<hbm>> -> memref<48x128xf32, #tpu.memory_space<hbm>>
      %dma_start3A_180 = arith.constant 0 : i32
      %dma_start3A_181 = tpu.memref_slice %arg5[%add3A_172, %dma_start3A_180] : memref<20000x128xf32, #tpu.memory_space<hbm>> -> memref<48x128xf32, #tpu.memory_space<hbm>>
      tpu.enqueue_dma source(%arg16 : memref<48x128xf32, #tpu.memory_space<vmem>>) target(%dma_start3A_181 : memref<48x128xf32, #tpu.memory_space<hbm>>) target_semaphore(%run_scoped3A : memref<!tpu.dma_semaphore, #tpu.memory_space<semaphore_mem>>)
      %dma_wait3A_182 = arith.constant 0 : i32
      %dma_wait3A_183 = tpu.memref_slice %arg5[%add3A_172, %dma_wait3A_182] : memref<20000x128xf32, #tpu.memory_space<hbm>> -> memref<48x128xf32, #tpu.memory_space<hbm>>
      %dma_wait3A_184 = arith.constant 0 : i32
      %dma_wait3A_185 = tpu.memref_slice %arg5[%add3A_172, %dma_wait3A_184] : memref<20000x128xf32, #tpu.memory_space<hbm>> -> memref<48x128xf32, #tpu.memory_space<hbm>>
      tpu.wait_dma2 semaphore(%run_scoped3A : memref<!tpu.dma_semaphore, #tpu.memory_space<semaphore_mem>>) src(%arg16 : memref<48x128xf32, #tpu.memory_space<vmem>>) dst(%dma_wait3A_185 : memref<48x128xf32, #tpu.memory_space<hbm>>)
      tpu.yield
    }) : () -> ()
    %eq3A_173 = arith.constant 0 : i32
    %eq3A_174 = arith.cmpi eq, %arg1, %eq3A_173 : i32
    %convert_element_type3A_175 = arith.extui %eq3A_174 : i1 to i32
    %cond3A_176 = arith.constant 0 : i32
    %cond3A_177 = arith.cmpi ne, %convert_element_type3A_175, %cond3A_176 : i32
    scf.if %cond3A_177 {
      "tpu.region"() ({
        %run_scoped3A = tpu.sem_alloc : memref<!tpu.dma_semaphore, #tpu.memory_space<semaphore_mem>>
        %dma_start3A_182 = arith.constant 0 : i32
        %dma_start3A_183 = arith.constant 0 : i32
        %dma_start3A_184 = tpu.memref_slice %arg16[%dma_start3A_182, %dma_start3A_183] : memref<48x128xf32, #tpu.memory_space<vmem>> -> memref<16x128xf32, #tpu.memory_space<vmem>>
        %dma_start3A_185 = arith.constant 9984 : i32
        %dma_start3A_186 = arith.constant 0 : i32
        %dma_start3A_187 = tpu.memref_slice %arg6[%dma_start3A_185, %dma_start3A_186] : memref<10000x128xf32, #tpu.memory_space<vmem_shared>> -> memref<16x128xf32, #tpu.memory_space<vmem_shared>>
        %dma_start3A_188 = arith.constant 0 : i32
        %dma_start3A_189 = arith.constant 0 : i32
        %dma_start3A_190 = tpu.memref_slice %arg16[%dma_start3A_188, %dma_start3A_189] : memref<48x128xf32, #tpu.memory_space<vmem>> -> memref<16x128xf32, #tpu.memory_space<vmem>>
        %dma_start3A_191 = arith.constant 9984 : i32
        %dma_start3A_192 = arith.constant 0 : i32
        %dma_start3A_193 = tpu.memref_slice %arg6[%dma_start3A_191, %dma_start3A_192] : memref<10000x128xf32, #tpu.memory_space<vmem_shared>> -> memref<16x128xf32, #tpu.memory_space<vmem_shared>>
        tpu.enqueue_dma source(%dma_start3A_193 : memref<16x128xf32, #tpu.memory_space<vmem_shared>>) target(%dma_start3A_190 : memref<16x128xf32, #tpu.memory_space<vmem>>) target_semaphore(%run_scoped3A : memref<!tpu.dma_semaphore, #tpu.memory_space<semaphore_mem>>)
        %dma_wait3A_194 = arith.constant 0 : i32
        %dma_wait3A_195 = arith.constant 0 : i32
        %dma_wait3A_196 = tpu.memref_slice %arg16[%dma_wait3A_194, %dma_wait3A_195] : memref<48x128xf32, #tpu.memory_space<vmem>> -> memref<16x128xf32, #tpu.memory_space<vmem>>
        %dma_wait3A_197 = arith.constant 9984 : i32
        %dma_wait3A_198 = arith.constant 0 : i32
        %dma_wait3A_199 = tpu.memref_slice %arg6[%dma_wait3A_197, %dma_wait3A_198] : memref<10000x128xf32, #tpu.memory_space<vmem_shared>> -> memref<16x128xf32, #tpu.memory_space<vmem_shared>>
        %dma_wait3A_200 = arith.constant 0 : i32
        %dma_wait3A_201 = arith.constant 0 : i32
        %dma_wait3A_202 = tpu.memref_slice %arg16[%dma_wait3A_200, %dma_wait3A_201] : memref<48x128xf32, #tpu.memory_space<vmem>> -> memref<16x128xf32, #tpu.memory_space<vmem>>
        %dma_wait3A_203 = arith.constant 9984 : i32
        %dma_wait3A_204 = arith.constant 0 : i32
        %dma_wait3A_205 = tpu.memref_slice %arg6[%dma_wait3A_203, %dma_wait3A_204] : memref<10000x128xf32, #tpu.memory_space<vmem_shared>> -> memref<16x128xf32, #tpu.memory_space<vmem_shared>>
        tpu.wait_dma2 semaphore(%run_scoped3A : memref<!tpu.dma_semaphore, #tpu.memory_space<semaphore_mem>>) src(%dma_wait3A_205 : memref<16x128xf32, #tpu.memory_space<vmem_shared>>) dst(%dma_wait3A_202 : memref<16x128xf32, #tpu.memory_space<vmem>>)
        tpu.yield
      }) : () -> ()
      %mul3A_178 = arith.constant 10000 : i32
      %mul3A_179 = arith.muli %arg0, %mul3A_178 : i32
      %add3A_180 = arith.constant 9984 : i32
      %add3A_181 = arith.addi %mul3A_179, %add3A_180 : i32
      "tpu.region"() ({
        %run_scoped3A = tpu.sem_alloc : memref<!tpu.dma_semaphore, #tpu.memory_space<semaphore_mem>>
        %dma_start3A_182 = arith.constant 0 : i32
        %dma_start3A_183 = arith.constant 0 : i32
        %dma_start3A_184 = tpu.memref_slice %arg16[%dma_start3A_182, %dma_start3A_183] : memref<48x128xf32, #tpu.memory_space<vmem>> -> memref<16x128xf32, #tpu.memory_space<vmem>>
        %dma_start3A_185 = arith.constant 0 : i32
        %dma_start3A_186 = tpu.memref_slice %arg5[%add3A_181, %dma_start3A_185] : memref<20000x128xf32, #tpu.memory_space<hbm>> -> memref<16x128xf32, #tpu.memory_space<hbm>>
        %dma_start3A_187 = arith.constant 0 : i32
        %dma_start3A_188 = tpu.memref_slice %arg5[%add3A_181, %dma_start3A_187] : memref<20000x128xf32, #tpu.memory_space<hbm>> -> memref<16x128xf32, #tpu.memory_space<hbm>>
        %dma_start3A_189 = arith.constant 0 : i32
        %dma_start3A_190 = arith.constant 0 : i32
        %dma_start3A_191 = tpu.memref_slice %arg16[%dma_start3A_189, %dma_start3A_190] : memref<48x128xf32, #tpu.memory_space<vmem>> -> memref<16x128xf32, #tpu.memory_space<vmem>>
        tpu.enqueue_dma source(%dma_start3A_191 : memref<16x128xf32, #tpu.memory_space<vmem>>) target(%dma_start3A_188 : memref<16x128xf32, #tpu.memory_space<hbm>>) target_semaphore(%run_scoped3A : memref<!tpu.dma_semaphore, #tpu.memory_space<semaphore_mem>>)
        %dma_wait3A_192 = arith.constant 0 : i32
        %dma_wait3A_193 = arith.constant 0 : i32
        %dma_wait3A_194 = tpu.memref_slice %arg16[%dma_wait3A_192, %dma_wait3A_193] : memref<48x128xf32, #tpu.memory_space<vmem>> -> memref<16x128xf32, #tpu.memory_space<vmem>>
        %dma_wait3A_195 = arith.constant 0 : i32
        %dma_wait3A_196 = tpu.memref_slice %arg5[%add3A_181, %dma_wait3A_195] : memref<20000x128xf32, #tpu.memory_space<hbm>> -> memref<16x128xf32, #tpu.memory_space<hbm>>
        %dma_wait3A_197 = arith.constant 0 : i32
        %dma_wait3A_198 = tpu.memref_slice %arg5[%add3A_181, %dma_wait3A_197] : memref<20000x128xf32, #tpu.memory_space<hbm>> -> memref<16x128xf32, #tpu.memory_space<hbm>>
        %dma_wait3A_199 = arith.constant 0 : i32
        %dma_wait3A_200 = arith.constant 0 : i32
        %dma_wait3A_201 = tpu.memref_slice %arg16[%dma_wait3A_199, %dma_wait3A_200] : memref<48x128xf32, #tpu.memory_space<vmem>> -> memref<16x128xf32, #tpu.memory_space<vmem>>
        tpu.wait_dma2 semaphore(%run_scoped3A : memref<!tpu.dma_semaphore, #tpu.memory_space<semaphore_mem>>) src(%dma_wait3A_201 : memref<16x128xf32, #tpu.memory_space<vmem>>) dst(%dma_wait3A_198 : memref<16x128xf32, #tpu.memory_space<hbm>>)
        tpu.yield
      }) : () -> ()
    } else {
    }
    return
  }
}

#map = affine_map<(d0, d1) -> (0, 0)>
#map1 = affine_map<(d0, d1) -> (0)>
module attributes {stable_mosaic.version = 14 : i64} {
  func.func @edge_kernel(%arg0: i32, %arg1: i32, %arg2: memref<20000x128xf32, #tpu.memory_space<hbm>>, %arg3: memref<640000xi32, #tpu.memory_space<hbm>>, %arg4: memref<640000xi32, #tpu.memory_space<hbm>>, %arg5: memref<20000x128xf32, #tpu.memory_space<hbm>>, %arg6: memref<10000x128xf32, #tpu.memory_space<vmem_shared>>, %arg7: memref<128x128xf32, #tpu.memory_space<vmem>>, %arg8: memref<128x128xf32, #tpu.memory_space<vmem>>, %arg9: memref<32x128xf32, #tpu.memory_space<vmem>>, %arg10: memref<128xi32, #tpu.memory_space<vmem>>, %arg11: memref<128xi32, #tpu.memory_space<vmem>>, %arg12: memref<128xi32, #tpu.memory_space<vmem>>, %arg13: memref<128xi32, #tpu.memory_space<vmem>>, %arg14: memref<32xi32, #tpu.memory_space<vmem>>, %arg15: memref<32xi32, #tpu.memory_space<vmem>>, %arg16: memref<48x128xf32, #tpu.memory_space<vmem>>, %arg17: memref<!tpu.dma_semaphore, #tpu.memory_space<semaphore_mem>>, %arg18: memref<!tpu.dma_semaphore, #tpu.memory_space<semaphore_mem>>, %arg19: memref<!tpu.dma_semaphore, #tpu.memory_space<semaphore_mem>>, %arg20: memref<!tpu.dma_semaphore, #tpu.memory_space<semaphore_mem>>, %arg21: memref<!tpu.dma_semaphore, #tpu.memory_space<semaphore_mem>>) attributes {dimension_semantics = [#tpu.dimension_semantics<core_parallel>, #tpu.dimension_semantics<subcore_parallel>], iteration_bounds = array<i64: 2, 16>, scalar_prefetch = 0 : i64, scratch_operands = 16 : i64, tpu.core_type = #tpu.core_type<sc_vector_subcore>, window_params = [{transform_indices = #map}, {transform_indices = #map1}, {transform_indices = #map1}, {transform_indices = #map}]} {
    %broadcast_in_dim3A = arith.constant 0.000000e+00 : f32
    %broadcast_in_dim3A_0 = vector.broadcast %broadcast_in_dim3A : f32 to vector<16xf32>
    %scan3A = arith.constant 0 : i32
    %scan3A_1 = arith.constant 0 : i32
    %scan3A_2 = arith.constant 48 : i32
    %scan3A_3 = arith.addi %scan3A_1, %scan3A_2 : i32
    %scan3A_4 = arith.constant 1 : i32
    %scan3A_5 = scf.for %scan3A_178 = %scan3A_1 to %scan3A_3 step %scan3A_4 iter_args(%scan3A_179 = %scan3A) -> (i32)  : i32 {
      %scan3A_180 = arith.constant 0 : i32
      %scan3A_181 = arith.constant 0 : i32
      %scan3A_182 = arith.constant 8 : i32
      %scan3A_183 = arith.addi %scan3A_181, %scan3A_182 : i32
      %scan3A_184 = arith.constant 1 : i32
      %scan3A_185 = scf.for %scan3A_188 = %scan3A_181 to %scan3A_183 step %scan3A_184 iter_args(%scan3A_189 = %scan3A_180) -> (i32)  : i32 {
        %mul3A_190 = arith.constant 16 : i32
        %mul3A_191 = arith.muli %scan3A_188, %mul3A_190 : i32
        %swap3A = arith.index_cast %scan3A_178 : i32 to index
        %swap3A_192 = arith.index_cast %mul3A_191 : i32 to index
        %swap3A_193 = tpu.vector_load %arg16[%swap3A, %swap3A_192] {strides = array<i32>} : memref<48x128xf32, #tpu.memory_space<vmem>>, vector<1x16xf32>,
        %swap3A_194 = vector.shape_cast %swap3A_193 : vector<1x16xf32> to vector<16xf32>
        %swap3A_195 = vector.shape_cast %broadcast_in_dim3A_0 : vector<16xf32> to vector<1x16xf32>
        tpu.vector_store %arg16[%swap3A, %swap3A_192], %swap3A_195 {strides = array<i32>} : memref<48x128xf32, #tpu.memory_space<vmem>>, vector<1x16xf32>,
        %scan3A_196 = arith.constant 0 : i32
        scf.yield %scan3A_196 : i32
      }
      %scan3A_186 = arith.constant 8 : i32
      %scan3A_187 = arith.constant 0 : i32
      scf.yield %scan3A_187 : i32
    }
    %scan3A_6 = arith.constant 48 : i32
    %mul3A = arith.constant 624 : i32
    %mul3A_7 = arith.muli %arg1, %mul3A : i32
    %add3A = arith.constant 0 : i32
    %add3A_8 = arith.addi %mul3A_7, %add3A : i32
    "tpu.region"() ({
      %run_scoped3A = tpu.sem_alloc : memref<!tpu.dma_semaphore, #tpu.memory_space<semaphore_mem>>
      %dma_start3A_178 = arith.constant 0 : i32
      %dma_start3A_179 = tpu.memref_slice %arg6[%add3A_8, %dma_start3A_178] : memref<10000x128xf32, #tpu.memory_space<vmem_shared>> -> memref<48x128xf32, #tpu.memory_space<vmem_shared>>
      %dma_start3A_180 = arith.constant 0 : i32
      %dma_start3A_181 = tpu.memref_slice %arg6[%add3A_8, %dma_start3A_180] : memref<10000x128xf32, #tpu.memory_space<vmem_shared>> -> memref<48x128xf32, #tpu.memory_space<vmem_shared>>
      tpu.enqueue_dma source(%arg16 : memref<48x128xf32, #tpu.memory_space<vmem>>) target(%dma_start3A_181 : memref<48x128xf32, #tpu.memory_space<vmem_shared>>) target_semaphore(%run_scoped3A : memref<!tpu.dma_semaphore, #tpu.memory_space<semaphore_mem>>)
      %dma_wait3A_182 = arith.constant 0 : i32
      %dma_wait3A_183 = tpu.memref_slice %arg6[%add3A_8, %dma_wait3A_182] : memref<10000x128xf32, #tpu.memory_space<vmem_shared>> -> memref<48x128xf32, #tpu.memory_space<vmem_shared>>
      %dma_wait3A_184 = arith.constant 0 : i32
      %dma_wait3A_185 = tpu.memref_slice %arg6[%add3A_8, %dma_wait3A_184] : memref<10000x128xf32, #tpu.memory_space<vmem_shared>> -> memref<48x128xf32, #tpu.memory_space<vmem_shared>>
      tpu.wait_dma2 semaphore(%run_scoped3A : memref<!tpu.dma_semaphore, #tpu.memory_space<semaphore_mem>>) src(%arg16 : memref<48x128xf32, #tpu.memory_space<vmem>>) dst(%dma_wait3A_185 : memref<48x128xf32, #tpu.memory_space<vmem_shared>>)
      tpu.yield
    }) : () -> ()
    %add3A_9 = arith.constant 48 : i32
    %add3A_10 = arith.addi %mul3A_7, %add3A_9 : i32
    "tpu.region"() ({
      %run_scoped3A = tpu.sem_alloc : memref<!tpu.dma_semaphore, #tpu.memory_space<semaphore_mem>>
      %dma_start3A_178 = arith.constant 0 : i32
      %dma_start3A_179 = tpu.memref_slice %arg6[%add3A_10, %dma_start3A_178] : memref<10000x128xf32, #tpu.memory_space<vmem_shared>> -> memref<48x128xf32, #tpu.memory_space<vmem_shared>>
      %dma_start3A_180 = arith.constant 0 : i32
      %dma_start3A_181 = tpu.memref_slice %arg6[%add3A_10, %dma_start3A_180] : memref<10000x128xf32, #tpu.memory_space<vmem_shared>> -> memref<48x128xf32, #tpu.memory_space<vmem_shared>>
      tpu.enqueue_dma source(%arg16 : memref<48x128xf32, #tpu.memory_space<vmem>>) target(%dma_start3A_181 : memref<48x128xf32, #tpu.memory_space<vmem_shared>>) target_semaphore(%run_scoped3A : memref<!tpu.dma_semaphore, #tpu.memory_space<semaphore_mem>>)
      %dma_wait3A_182 = arith.constant 0 : i32
      %dma_wait3A_183 = tpu.memref_slice %arg6[%add3A_10, %dma_wait3A_182] : memref<10000x128xf32, #tpu.memory_space<vmem_shared>> -> memref<48x128xf32, #tpu.memory_space<vmem_shared>>
      %dma_wait3A_184 = arith.constant 0 : i32
      %dma_wait3A_185 = tpu.memref_slice %arg6[%add3A_10, %dma_wait3A_184] : memref<10000x128xf32, #tpu.memory_space<vmem_shared>> -> memref<48x128xf32, #tpu.memory_space<vmem_shared>>
      tpu.wait_dma2 semaphore(%run_scoped3A : memref<!tpu.dma_semaphore, #tpu.memory_space<semaphore_mem>>) src(%arg16 : memref<48x128xf32, #tpu.memory_space<vmem>>) dst(%dma_wait3A_185 : memref<48x128xf32, #tpu.memory_space<vmem_shared>>)
      tpu.yield
    }) : () -> ()
    %add3A_11 = arith.constant 96 : i32
    %add3A_12 = arith.addi %mul3A_7, %add3A_11 : i32
    "tpu.region"() ({
      %run_scoped3A = tpu.sem_alloc : memref<!tpu.dma_semaphore, #tpu.memory_space<semaphore_mem>>
      %dma_start3A_178 = arith.constant 0 : i32
      %dma_start3A_179 = tpu.memref_slice %arg6[%add3A_12, %dma_start3A_178] : memref<10000x128xf32, #tpu.memory_space<vmem_shared>> -> memref<48x128xf32, #tpu.memory_space<vmem_shared>>
      %dma_start3A_180 = arith.constant 0 : i32
      %dma_start3A_181 = tpu.memref_slice %arg6[%add3A_12, %dma_start3A_180] : memref<10000x128xf32, #tpu.memory_space<vmem_shared>> -> memref<48x128xf32, #tpu.memory_space<vmem_shared>>
      tpu.enqueue_dma source(%arg16 : memref<48x128xf32, #tpu.memory_space<vmem>>) target(%dma_start3A_181 : memref<48x128xf32, #tpu.memory_space<vmem_shared>>) target_semaphore(%run_scoped3A : memref<!tpu.dma_semaphore, #tpu.memory_space<semaphore_mem>>)
      %dma_wait3A_182 = arith.constant 0 : i32
      %dma_wait3A_183 = tpu.memref_slice %arg6[%add3A_12, %dma_wait3A_182] : memref<10000x128xf32, #tpu.memory_space<vmem_shared>> -> memref<48x128xf32, #tpu.memory_space<vmem_shared>>
      %dma_wait3A_184 = arith.constant 0 : i32
      %dma_wait3A_185 = tpu.memref_slice %arg6[%add3A_12, %dma_wait3A_184] : memref<10000x128xf32, #tpu.memory_space<vmem_shared>> -> memref<48x128xf32, #tpu.memory_space<vmem_shared>>
      tpu.wait_dma2 semaphore(%run_scoped3A : memref<!tpu.dma_semaphore, #tpu.memory_space<semaphore_mem>>) src(%arg16 : memref<48x128xf32, #tpu.memory_space<vmem>>) dst(%dma_wait3A_185 : memref<48x128xf32, #tpu.memory_space<vmem_shared>>)
      tpu.yield
    }) : () -> ()
    %add3A_13 = arith.constant 144 : i32
    %add3A_14 = arith.addi %mul3A_7, %add3A_13 : i32
    "tpu.region"() ({
      %run_scoped3A = tpu.sem_alloc : memref<!tpu.dma_semaphore, #tpu.memory_space<semaphore_mem>>
      %dma_start3A_178 = arith.constant 0 : i32
      %dma_start3A_179 = tpu.memref_slice %arg6[%add3A_14, %dma_start3A_178] : memref<10000x128xf32, #tpu.memory_space<vmem_shared>> -> memref<48x128xf32, #tpu.memory_space<vmem_shared>>
      %dma_start3A_180 = arith.constant 0 : i32
      %dma_start3A_181 = tpu.memref_slice %arg6[%add3A_14, %dma_start3A_180] : memref<10000x128xf32, #tpu.memory_space<vmem_shared>> -> memref<48x128xf32, #tpu.memory_space<vmem_shared>>
      tpu.enqueue_dma source(%arg16 : memref<48x128xf32, #tpu.memory_space<vmem>>) target(%dma_start3A_181 : memref<48x128xf32, #tpu.memory_space<vmem_shared>>) target_semaphore(%run_scoped3A : memref<!tpu.dma_semaphore, #tpu.memory_space<semaphore_mem>>)
      %dma_wait3A_182 = arith.constant 0 : i32
      %dma_wait3A_183 = tpu.memref_slice %arg6[%add3A_14, %dma_wait3A_182] : memref<10000x128xf32, #tpu.memory_space<vmem_shared>> -> memref<48x128xf32, #tpu.memory_space<vmem_shared>>
      %dma_wait3A_184 = arith.constant 0 : i32
      %dma_wait3A_185 = tpu.memref_slice %arg6[%add3A_14, %dma_wait3A_184] : memref<10000x128xf32, #tpu.memory_space<vmem_shared>> -> memref<48x128xf32, #tpu.memory_space<vmem_shared>>
      tpu.wait_dma2 semaphore(%run_scoped3A : memref<!tpu.dma_semaphore, #tpu.memory_space<semaphore_mem>>) src(%arg16 : memref<48x128xf32, #tpu.memory_space<vmem>>) dst(%dma_wait3A_185 : memref<48x128xf32, #tpu.memory_space<vmem_shared>>)
      tpu.yield
    }) : () -> ()
    %add3A_15 = arith.constant 192 : i32
    %add3A_16 = arith.addi %mul3A_7, %add3A_15 : i32
    "tpu.region"() ({
      %run_scoped3A = tpu.sem_alloc : memref<!tpu.dma_semaphore, #tpu.memory_space<semaphore_mem>>
      %dma_start3A_178 = arith.constant 0 : i32
      %dma_start3A_179 = tpu.memref_slice %arg6[%add3A_16, %dma_start3A_178] : memref<10000x128xf32, #tpu.memory_space<vmem_shared>> -> memref<48x128xf32, #tpu.memory_space<vmem_shared>>
      %dma_start3A_180 = arith.constant 0 : i32
      %dma_start3A_181 = tpu.memref_slice %arg6[%add3A_16, %dma_start3A_180] : memref<10000x128xf32, #tpu.memory_space<vmem_shared>> -> memref<48x128xf32, #tpu.memory_space<vmem_shared>>
      tpu.enqueue_dma source(%arg16 : memref<48x128xf32, #tpu.memory_space<vmem>>) target(%dma_start3A_181 : memref<48x128xf32, #tpu.memory_space<vmem_shared>>) target_semaphore(%run_scoped3A : memref<!tpu.dma_semaphore, #tpu.memory_space<semaphore_mem>>)
      %dma_wait3A_182 = arith.constant 0 : i32
      %dma_wait3A_183 = tpu.memref_slice %arg6[%add3A_16, %dma_wait3A_182] : memref<10000x128xf32, #tpu.memory_space<vmem_shared>> -> memref<48x128xf32, #tpu.memory_space<vmem_shared>>
      %dma_wait3A_184 = arith.constant 0 : i32
      %dma_wait3A_185 = tpu.memref_slice %arg6[%add3A_16, %dma_wait3A_184] : memref<10000x128xf32, #tpu.memory_space<vmem_shared>> -> memref<48x128xf32, #tpu.memory_space<vmem_shared>>
      tpu.wait_dma2 semaphore(%run_scoped3A : memref<!tpu.dma_semaphore, #tpu.memory_space<semaphore_mem>>) src(%arg16 : memref<48x128xf32, #tpu.memory_space<vmem>>) dst(%dma_wait3A_185 : memref<48x128xf32, #tpu.memory_space<vmem_shared>>)
      tpu.yield
    }) : () -> ()
    %add3A_17 = arith.constant 240 : i32
    %add3A_18 = arith.addi %mul3A_7, %add3A_17 : i32
    "tpu.region"() ({
      %run_scoped3A = tpu.sem_alloc : memref<!tpu.dma_semaphore, #tpu.memory_space<semaphore_mem>>
      %dma_start3A_178 = arith.constant 0 : i32
      %dma_start3A_179 = tpu.memref_slice %arg6[%add3A_18, %dma_start3A_178] : memref<10000x128xf32, #tpu.memory_space<vmem_shared>> -> memref<48x128xf32, #tpu.memory_space<vmem_shared>>
      %dma_start3A_180 = arith.constant 0 : i32
      %dma_start3A_181 = tpu.memref_slice %arg6[%add3A_18, %dma_start3A_180] : memref<10000x128xf32, #tpu.memory_space<vmem_shared>> -> memref<48x128xf32, #tpu.memory_space<vmem_shared>>
      tpu.enqueue_dma source(%arg16 : memref<48x128xf32, #tpu.memory_space<vmem>>) target(%dma_start3A_181 : memref<48x128xf32, #tpu.memory_space<vmem_shared>>) target_semaphore(%run_scoped3A : memref<!tpu.dma_semaphore, #tpu.memory_space<semaphore_mem>>)
      %dma_wait3A_182 = arith.constant 0 : i32
      %dma_wait3A_183 = tpu.memref_slice %arg6[%add3A_18, %dma_wait3A_182] : memref<10000x128xf32, #tpu.memory_space<vmem_shared>> -> memref<48x128xf32, #tpu.memory_space<vmem_shared>>
      %dma_wait3A_184 = arith.constant 0 : i32
      %dma_wait3A_185 = tpu.memref_slice %arg6[%add3A_18, %dma_wait3A_184] : memref<10000x128xf32, #tpu.memory_space<vmem_shared>> -> memref<48x128xf32, #tpu.memory_space<vmem_shared>>
      tpu.wait_dma2 semaphore(%run_scoped3A : memref<!tpu.dma_semaphore, #tpu.memory_space<semaphore_mem>>) src(%arg16 : memref<48x128xf32, #tpu.memory_space<vmem>>) dst(%dma_wait3A_185 : memref<48x128xf32, #tpu.memory_space<vmem_shared>>)
      tpu.yield
    }) : () -> ()
    %add3A_19 = arith.constant 288 : i32
    %add3A_20 = arith.addi %mul3A_7, %add3A_19 : i32
    "tpu.region"() ({
      %run_scoped3A = tpu.sem_alloc : memref<!tpu.dma_semaphore, #tpu.memory_space<semaphore_mem>>
      %dma_start3A_178 = arith.constant 0 : i32
      %dma_start3A_179 = tpu.memref_slice %arg6[%add3A_20, %dma_start3A_178] : memref<10000x128xf32, #tpu.memory_space<vmem_shared>> -> memref<48x128xf32, #tpu.memory_space<vmem_shared>>
      %dma_start3A_180 = arith.constant 0 : i32
      %dma_start3A_181 = tpu.memref_slice %arg6[%add3A_20, %dma_start3A_180] : memref<10000x128xf32, #tpu.memory_space<vmem_shared>> -> memref<48x128xf32, #tpu.memory_space<vmem_shared>>
      tpu.enqueue_dma source(%arg16 : memref<48x128xf32, #tpu.memory_space<vmem>>) target(%dma_start3A_181 : memref<48x128xf32, #tpu.memory_space<vmem_shared>>) target_semaphore(%run_scoped3A : memref<!tpu.dma_semaphore, #tpu.memory_space<semaphore_mem>>)
      %dma_wait3A_182 = arith.constant 0 : i32
      %dma_wait3A_183 = tpu.memref_slice %arg6[%add3A_20, %dma_wait3A_182] : memref<10000x128xf32, #tpu.memory_space<vmem_shared>> -> memref<48x128xf32, #tpu.memory_space<vmem_shared>>
      %dma_wait3A_184 = arith.constant 0 : i32
      %dma_wait3A_185 = tpu.memref_slice %arg6[%add3A_20, %dma_wait3A_184] : memref<10000x128xf32, #tpu.memory_space<vmem_shared>> -> memref<48x128xf32, #tpu.memory_space<vmem_shared>>
      tpu.wait_dma2 semaphore(%run_scoped3A : memref<!tpu.dma_semaphore, #tpu.memory_space<semaphore_mem>>) src(%arg16 : memref<48x128xf32, #tpu.memory_space<vmem>>) dst(%dma_wait3A_185 : memref<48x128xf32, #tpu.memory_space<vmem_shared>>)
      tpu.yield
    }) : () -> ()
    %add3A_21 = arith.constant 336 : i32
    %add3A_22 = arith.addi %mul3A_7, %add3A_21 : i32
    "tpu.region"() ({
      %run_scoped3A = tpu.sem_alloc : memref<!tpu.dma_semaphore, #tpu.memory_space<semaphore_mem>>
      %dma_start3A_178 = arith.constant 0 : i32
      %dma_start3A_179 = tpu.memref_slice %arg6[%add3A_22, %dma_start3A_178] : memref<10000x128xf32, #tpu.memory_space<vmem_shared>> -> memref<48x128xf32, #tpu.memory_space<vmem_shared>>
      %dma_start3A_180 = arith.constant 0 : i32
      %dma_start3A_181 = tpu.memref_slice %arg6[%add3A_22, %dma_start3A_180] : memref<10000x128xf32, #tpu.memory_space<vmem_shared>> -> memref<48x128xf32, #tpu.memory_space<vmem_shared>>
      tpu.enqueue_dma source(%arg16 : memref<48x128xf32, #tpu.memory_space<vmem>>) target(%dma_start3A_181 : memref<48x128xf32, #tpu.memory_space<vmem_shared>>) target_semaphore(%run_scoped3A : memref<!tpu.dma_semaphore, #tpu.memory_space<semaphore_mem>>)
      %dma_wait3A_182 = arith.constant 0 : i32
      %dma_wait3A_183 = tpu.memref_slice %arg6[%add3A_22, %dma_wait3A_182] : memref<10000x128xf32, #tpu.memory_space<vmem_shared>> -> memref<48x128xf32, #tpu.memory_space<vmem_shared>>
      %dma_wait3A_184 = arith.constant 0 : i32
      %dma_wait3A_185 = tpu.memref_slice %arg6[%add3A_22, %dma_wait3A_184] : memref<10000x128xf32, #tpu.memory_space<vmem_shared>> -> memref<48x128xf32, #tpu.memory_space<vmem_shared>>
      tpu.wait_dma2 semaphore(%run_scoped3A : memref<!tpu.dma_semaphore, #tpu.memory_space<semaphore_mem>>) src(%arg16 : memref<48x128xf32, #tpu.memory_space<vmem>>) dst(%dma_wait3A_185 : memref<48x128xf32, #tpu.memory_space<vmem_shared>>)
      tpu.yield
    }) : () -> ()
    %add3A_23 = arith.constant 384 : i32
    %add3A_24 = arith.addi %mul3A_7, %add3A_23 : i32
    "tpu.region"() ({
      %run_scoped3A = tpu.sem_alloc : memref<!tpu.dma_semaphore, #tpu.memory_space<semaphore_mem>>
      %dma_start3A_178 = arith.constant 0 : i32
      %dma_start3A_179 = tpu.memref_slice %arg6[%add3A_24, %dma_start3A_178] : memref<10000x128xf32, #tpu.memory_space<vmem_shared>> -> memref<48x128xf32, #tpu.memory_space<vmem_shared>>
      %dma_start3A_180 = arith.constant 0 : i32
      %dma_start3A_181 = tpu.memref_slice %arg6[%add3A_24, %dma_start3A_180] : memref<10000x128xf32, #tpu.memory_space<vmem_shared>> -> memref<48x128xf32, #tpu.memory_space<vmem_shared>>
      tpu.enqueue_dma source(%arg16 : memref<48x128xf32, #tpu.memory_space<vmem>>) target(%dma_start3A_181 : memref<48x128xf32, #tpu.memory_space<vmem_shared>>) target_semaphore(%run_scoped3A : memref<!tpu.dma_semaphore, #tpu.memory_space<semaphore_mem>>)
      %dma_wait3A_182 = arith.constant 0 : i32
      %dma_wait3A_183 = tpu.memref_slice %arg6[%add3A_24, %dma_wait3A_182] : memref<10000x128xf32, #tpu.memory_space<vmem_shared>> -> memref<48x128xf32, #tpu.memory_space<vmem_shared>>
      %dma_wait3A_184 = arith.constant 0 : i32
      %dma_wait3A_185 = tpu.memref_slice %arg6[%add3A_24, %dma_wait3A_184] : memref<10000x128xf32, #tpu.memory_space<vmem_shared>> -> memref<48x128xf32, #tpu.memory_space<vmem_shared>>
      tpu.wait_dma2 semaphore(%run_scoped3A : memref<!tpu.dma_semaphore, #tpu.memory_space<semaphore_mem>>) src(%arg16 : memref<48x128xf32, #tpu.memory_space<vmem>>) dst(%dma_wait3A_185 : memref<48x128xf32, #tpu.memory_space<vmem_shared>>)
      tpu.yield
    }) : () -> ()
    %add3A_25 = arith.constant 432 : i32
    %add3A_26 = arith.addi %mul3A_7, %add3A_25 : i32
    "tpu.region"() ({
      %run_scoped3A = tpu.sem_alloc : memref<!tpu.dma_semaphore, #tpu.memory_space<semaphore_mem>>
      %dma_start3A_178 = arith.constant 0 : i32
      %dma_start3A_179 = tpu.memref_slice %arg6[%add3A_26, %dma_start3A_178] : memref<10000x128xf32, #tpu.memory_space<vmem_shared>> -> memref<48x128xf32, #tpu.memory_space<vmem_shared>>
      %dma_start3A_180 = arith.constant 0 : i32
      %dma_start3A_181 = tpu.memref_slice %arg6[%add3A_26, %dma_start3A_180] : memref<10000x128xf32, #tpu.memory_space<vmem_shared>> -> memref<48x128xf32, #tpu.memory_space<vmem_shared>>
      tpu.enqueue_dma source(%arg16 : memref<48x128xf32, #tpu.memory_space<vmem>>) target(%dma_start3A_181 : memref<48x128xf32, #tpu.memory_space<vmem_shared>>) target_semaphore(%run_scoped3A : memref<!tpu.dma_semaphore, #tpu.memory_space<semaphore_mem>>)
      %dma_wait3A_182 = arith.constant 0 : i32
      %dma_wait3A_183 = tpu.memref_slice %arg6[%add3A_26, %dma_wait3A_182] : memref<10000x128xf32, #tpu.memory_space<vmem_shared>> -> memref<48x128xf32, #tpu.memory_space<vmem_shared>>
      %dma_wait3A_184 = arith.constant 0 : i32
      %dma_wait3A_185 = tpu.memref_slice %arg6[%add3A_26, %dma_wait3A_184] : memref<10000x128xf32, #tpu.memory_space<vmem_shared>> -> memref<48x128xf32, #tpu.memory_space<vmem_shared>>
      tpu.wait_dma2 semaphore(%run_scoped3A : memref<!tpu.dma_semaphore, #tpu.memory_space<semaphore_mem>>) src(%arg16 : memref<48x128xf32, #tpu.memory_space<vmem>>) dst(%dma_wait3A_185 : memref<48x128xf32, #tpu.memory_space<vmem_shared>>)
      tpu.yield
    }) : () -> ()
    %add3A_27 = arith.constant 480 : i32
    %add3A_28 = arith.addi %mul3A_7, %add3A_27 : i32
    "tpu.region"() ({
      %run_scoped3A = tpu.sem_alloc : memref<!tpu.dma_semaphore, #tpu.memory_space<semaphore_mem>>
      %dma_start3A_178 = arith.constant 0 : i32
      %dma_start3A_179 = tpu.memref_slice %arg6[%add3A_28, %dma_start3A_178] : memref<10000x128xf32, #tpu.memory_space<vmem_shared>> -> memref<48x128xf32, #tpu.memory_space<vmem_shared>>
      %dma_start3A_180 = arith.constant 0 : i32
      %dma_start3A_181 = tpu.memref_slice %arg6[%add3A_28, %dma_start3A_180] : memref<10000x128xf32, #tpu.memory_space<vmem_shared>> -> memref<48x128xf32, #tpu.memory_space<vmem_shared>>
      tpu.enqueue_dma source(%arg16 : memref<48x128xf32, #tpu.memory_space<vmem>>) target(%dma_start3A_181 : memref<48x128xf32, #tpu.memory_space<vmem_shared>>) target_semaphore(%run_scoped3A : memref<!tpu.dma_semaphore, #tpu.memory_space<semaphore_mem>>)
      %dma_wait3A_182 = arith.constant 0 : i32
      %dma_wait3A_183 = tpu.memref_slice %arg6[%add3A_28, %dma_wait3A_182] : memref<10000x128xf32, #tpu.memory_space<vmem_shared>> -> memref<48x128xf32, #tpu.memory_space<vmem_shared>>
      %dma_wait3A_184 = arith.constant 0 : i32
      %dma_wait3A_185 = tpu.memref_slice %arg6[%add3A_28, %dma_wait3A_184] : memref<10000x128xf32, #tpu.memory_space<vmem_shared>> -> memref<48x128xf32, #tpu.memory_space<vmem_shared>>
      tpu.wait_dma2 semaphore(%run_scoped3A : memref<!tpu.dma_semaphore, #tpu.memory_space<semaphore_mem>>) src(%arg16 : memref<48x128xf32, #tpu.memory_space<vmem>>) dst(%dma_wait3A_185 : memref<48x128xf32, #tpu.memory_space<vmem_shared>>)
      tpu.yield
    }) : () -> ()
    %add3A_29 = arith.constant 528 : i32
    %add3A_30 = arith.addi %mul3A_7, %add3A_29 : i32
    "tpu.region"() ({
      %run_scoped3A = tpu.sem_alloc : memref<!tpu.dma_semaphore, #tpu.memory_space<semaphore_mem>>
      %dma_start3A_178 = arith.constant 0 : i32
      %dma_start3A_179 = tpu.memref_slice %arg6[%add3A_30, %dma_start3A_178] : memref<10000x128xf32, #tpu.memory_space<vmem_shared>> -> memref<48x128xf32, #tpu.memory_space<vmem_shared>>
      %dma_start3A_180 = arith.constant 0 : i32
      %dma_start3A_181 = tpu.memref_slice %arg6[%add3A_30, %dma_start3A_180] : memref<10000x128xf32, #tpu.memory_space<vmem_shared>> -> memref<48x128xf32, #tpu.memory_space<vmem_shared>>
      tpu.enqueue_dma source(%arg16 : memref<48x128xf32, #tpu.memory_space<vmem>>) target(%dma_start3A_181 : memref<48x128xf32, #tpu.memory_space<vmem_shared>>) target_semaphore(%run_scoped3A : memref<!tpu.dma_semaphore, #tpu.memory_space<semaphore_mem>>)
      %dma_wait3A_182 = arith.constant 0 : i32
      %dma_wait3A_183 = tpu.memref_slice %arg6[%add3A_30, %dma_wait3A_182] : memref<10000x128xf32, #tpu.memory_space<vmem_shared>> -> memref<48x128xf32, #tpu.memory_space<vmem_shared>>
      %dma_wait3A_184 = arith.constant 0 : i32
      %dma_wait3A_185 = tpu.memref_slice %arg6[%add3A_30, %dma_wait3A_184] : memref<10000x128xf32, #tpu.memory_space<vmem_shared>> -> memref<48x128xf32, #tpu.memory_space<vmem_shared>>
      tpu.wait_dma2 semaphore(%run_scoped3A : memref<!tpu.dma_semaphore, #tpu.memory_space<semaphore_mem>>) src(%arg16 : memref<48x128xf32, #tpu.memory_space<vmem>>) dst(%dma_wait3A_185 : memref<48x128xf32, #tpu.memory_space<vmem_shared>>)
      tpu.yield
    }) : () -> ()
    %add3A_31 = arith.constant 576 : i32
    %add3A_32 = arith.addi %mul3A_7, %add3A_31 : i32
    "tpu.region"() ({
      %run_scoped3A = tpu.sem_alloc : memref<!tpu.dma_semaphore, #tpu.memory_space<semaphore_mem>>
      %dma_start3A_178 = arith.constant 0 : i32
      %dma_start3A_179 = tpu.memref_slice %arg6[%add3A_32, %dma_start3A_178] : memref<10000x128xf32, #tpu.memory_space<vmem_shared>> -> memref<48x128xf32, #tpu.memory_space<vmem_shared>>
      %dma_start3A_180 = arith.constant 0 : i32
      %dma_start3A_181 = tpu.memref_slice %arg6[%add3A_32, %dma_start3A_180] : memref<10000x128xf32, #tpu.memory_space<vmem_shared>> -> memref<48x128xf32, #tpu.memory_space<vmem_shared>>
      tpu.enqueue_dma source(%arg16 : memref<48x128xf32, #tpu.memory_space<vmem>>) target(%dma_start3A_181 : memref<48x128xf32, #tpu.memory_space<vmem_shared>>) target_semaphore(%run_scoped3A : memref<!tpu.dma_semaphore, #tpu.memory_space<semaphore_mem>>)
      %dma_wait3A_182 = arith.constant 0 : i32
      %dma_wait3A_183 = tpu.memref_slice %arg6[%add3A_32, %dma_wait3A_182] : memref<10000x128xf32, #tpu.memory_space<vmem_shared>> -> memref<48x128xf32, #tpu.memory_space<vmem_shared>>
      %dma_wait3A_184 = arith.constant 0 : i32
      %dma_wait3A_185 = tpu.memref_slice %arg6[%add3A_32, %dma_wait3A_184] : memref<10000x128xf32, #tpu.memory_space<vmem_shared>> -> memref<48x128xf32, #tpu.memory_space<vmem_shared>>
      tpu.wait_dma2 semaphore(%run_scoped3A : memref<!tpu.dma_semaphore, #tpu.memory_space<semaphore_mem>>) src(%arg16 : memref<48x128xf32, #tpu.memory_space<vmem>>) dst(%dma_wait3A_185 : memref<48x128xf32, #tpu.memory_space<vmem_shared>>)
      tpu.yield
    }) : () -> ()
    %eq3A = arith.constant 0 : i32
    %eq3A_33 = arith.cmpi eq, %arg1, %eq3A : i32
    %convert_element_type3A = arith.extui %eq3A_33 : i1 to i32
    %cond3A = arith.constant 0 : i32
    %cond3A_34 = arith.cmpi ne, %convert_element_type3A, %cond3A : i32
    scf.if %cond3A_34 {
      "tpu.region"() ({
        %run_scoped3A = tpu.sem_alloc : memref<!tpu.dma_semaphore, #tpu.memory_space<semaphore_mem>>
        %dma_start3A_178 = arith.constant 0 : i32
        %dma_start3A_179 = arith.constant 0 : i32
        %dma_start3A_180 = tpu.memref_slice %arg16[%dma_start3A_178, %dma_start3A_179] : memref<48x128xf32, #tpu.memory_space<vmem>> -> memref<16x128xf32, #tpu.memory_space<vmem>>
        %dma_start3A_181 = arith.constant 9984 : i32
        %dma_start3A_182 = arith.constant 0 : i32
        %dma_start3A_183 = tpu.memref_slice %arg6[%dma_start3A_181, %dma_start3A_182] : memref<10000x128xf32, #tpu.memory_space<vmem_shared>> -> memref<16x128xf32, #tpu.memory_space<vmem_shared>>
        %dma_start3A_184 = arith.constant 9984 : i32
        %dma_start3A_185 = arith.constant 0 : i32
        %dma_start3A_186 = tpu.memref_slice %arg6[%dma_start3A_184, %dma_start3A_185] : memref<10000x128xf32, #tpu.memory_space<vmem_shared>> -> memref<16x128xf32, #tpu.memory_space<vmem_shared>>
        %dma_start3A_187 = arith.constant 0 : i32
        %dma_start3A_188 = arith.constant 0 : i32
        %dma_start3A_189 = tpu.memref_slice %arg16[%dma_start3A_187, %dma_start3A_188] : memref<48x128xf32, #tpu.memory_space<vmem>> -> memref<16x128xf32, #tpu.memory_space<vmem>>
        tpu.enqueue_dma source(%dma_start3A_189 : memref<16x128xf32, #tpu.memory_space<vmem>>) target(%dma_start3A_186 : memref<16x128xf32, #tpu.memory_space<vmem_shared>>) target_semaphore(%run_scoped3A : memref<!tpu.dma_semaphore, #tpu.memory_space<semaphore_mem>>)
        %dma_wait3A_190 = arith.constant 0 : i32
        %dma_wait3A_191 = arith.constant 0 : i32
        %dma_wait3A_192 = tpu.memref_slice %arg16[%dma_wait3A_190, %dma_wait3A_191] : memref<48x128xf32, #tpu.memory_space<vmem>> -> memref<16x128xf32, #tpu.memory_space<vmem>>
        %dma_wait3A_193 = arith.constant 9984 : i32
        %dma_wait3A_194 = arith.constant 0 : i32
        %dma_wait3A_195 = tpu.memref_slice %arg6[%dma_wait3A_193, %dma_wait3A_194] : memref<10000x128xf32, #tpu.memory_space<vmem_shared>> -> memref<16x128xf32, #tpu.memory_space<vmem_shared>>
        %dma_wait3A_196 = arith.constant 9984 : i32
        %dma_wait3A_197 = arith.constant 0 : i32
        %dma_wait3A_198 = tpu.memref_slice %arg6[%dma_wait3A_196, %dma_wait3A_197] : memref<10000x128xf32, #tpu.memory_space<vmem_shared>> -> memref<16x128xf32, #tpu.memory_space<vmem_shared>>
        %dma_wait3A_199 = arith.constant 0 : i32
        %dma_wait3A_200 = arith.constant 0 : i32
        %dma_wait3A_201 = tpu.memref_slice %arg16[%dma_wait3A_199, %dma_wait3A_200] : memref<48x128xf32, #tpu.memory_space<vmem>> -> memref<16x128xf32, #tpu.memory_space<vmem>>
        tpu.wait_dma2 semaphore(%run_scoped3A : memref<!tpu.dma_semaphore, #tpu.memory_space<semaphore_mem>>) src(%dma_wait3A_201 : memref<16x128xf32, #tpu.memory_space<vmem>>) dst(%dma_wait3A_198 : memref<16x128xf32, #tpu.memory_space<vmem_shared>>)
        tpu.yield
      }) : () -> ()
    } else {
    }
    %barrier3A = arith.constant 0 : index
    tpu.barrier barrier_id(%barrier3A)
    %mul3A_35 = arith.constant 320000 : i32
    %mul3A_36 = arith.muli %arg0, %mul3A_35 : i32
    %mul3A_37 = arith.constant 20000 : i32
    %mul3A_38 = arith.muli %arg1, %mul3A_37 : i32
    %add3A_39 = arith.addi %mul3A_36, %mul3A_38 : i32
    %add3A_40 = arith.constant 0 : i32
    %add3A_41 = arith.addi %add3A_39, %add3A_40 : i32
    "tpu.region"() ({
      %run_scoped3A = tpu.sem_alloc : memref<!tpu.dma_semaphore, #tpu.memory_space<semaphore_mem>>
      %dma_start3A_178 = tpu.memref_slice %arg3[%add3A_41] : memref<640000xi32, #tpu.memory_space<hbm>> -> memref<128xi32, #tpu.memory_space<hbm>>
      %dma_start3A_179 = tpu.memref_slice %arg3[%add3A_41] : memref<640000xi32, #tpu.memory_space<hbm>> -> memref<128xi32, #tpu.memory_space<hbm>>
      tpu.enqueue_dma source(%dma_start3A_179 : memref<128xi32, #tpu.memory_space<hbm>>) target(%arg10 : memref<128xi32, #tpu.memory_space<vmem>>) target_semaphore(%run_scoped3A : memref<!tpu.dma_semaphore, #tpu.memory_space<semaphore_mem>>)
      %dma_wait3A_180 = tpu.memref_slice %arg3[%add3A_41] : memref<640000xi32, #tpu.memory_space<hbm>> -> memref<128xi32, #tpu.memory_space<hbm>>
      %dma_wait3A_181 = tpu.memref_slice %arg3[%add3A_41] : memref<640000xi32, #tpu.memory_space<hbm>> -> memref<128xi32, #tpu.memory_space<hbm>>
      tpu.wait_dma2 semaphore(%run_scoped3A : memref<!tpu.dma_semaphore, #tpu.memory_space<semaphore_mem>>) src(%dma_wait3A_181 : memref<128xi32, #tpu.memory_space<hbm>>) dst(%arg10 : memref<128xi32, #tpu.memory_space<vmem>>)
      tpu.yield
    }) : () -> ()
    "tpu.region"() ({
      %run_scoped3A = tpu.sem_alloc : memref<!tpu.dma_semaphore, #tpu.memory_space<semaphore_mem>>
      %dma_start3A_178 = tpu.memref_slice %arg4[%add3A_41] : memref<640000xi32, #tpu.memory_space<hbm>> -> memref<128xi32, #tpu.memory_space<hbm>>
      %dma_start3A_179 = tpu.memref_slice %arg4[%add3A_41] : memref<640000xi32, #tpu.memory_space<hbm>> -> memref<128xi32, #tpu.memory_space<hbm>>
      tpu.enqueue_dma source(%dma_start3A_179 : memref<128xi32, #tpu.memory_space<hbm>>) target(%arg11 : memref<128xi32, #tpu.memory_space<vmem>>) target_semaphore(%run_scoped3A : memref<!tpu.dma_semaphore, #tpu.memory_space<semaphore_mem>>)
      %dma_wait3A_180 = tpu.memref_slice %arg4[%add3A_41] : memref<640000xi32, #tpu.memory_space<hbm>> -> memref<128xi32, #tpu.memory_space<hbm>>
      %dma_wait3A_181 = tpu.memref_slice %arg4[%add3A_41] : memref<640000xi32, #tpu.memory_space<hbm>> -> memref<128xi32, #tpu.memory_space<hbm>>
      tpu.wait_dma2 semaphore(%run_scoped3A : memref<!tpu.dma_semaphore, #tpu.memory_space<semaphore_mem>>) src(%dma_wait3A_181 : memref<128xi32, #tpu.memory_space<hbm>>) dst(%arg11 : memref<128xi32, #tpu.memory_space<vmem>>)
      tpu.yield
    }) : () -> ()
    %dma_start3A = arith.constant 0 : i32
    %dma_start3A_42 = arith.constant 0 : i32
    %dma_start3A_43 = tpu.memref_slice %arg2[%dma_start3A, %dma_start3A_42] : memref<20000x128xf32, #tpu.memory_space<hbm>> -> memref<20000x128xf32, #tpu.memory_space<hbm>>
    tpu.enqueue_indirect_dma source(%dma_start3A_43 : memref<20000x128xf32, #tpu.memory_space<hbm>>) target(%arg7 : memref<128x128xf32, #tpu.memory_space<vmem>>) offsets(%arg10 : memref<128xi32, #tpu.memory_space<vmem>>) semaphore(%arg17 : memref<!tpu.dma_semaphore, #tpu.memory_space<semaphore_mem>>)
    %dma_wait3A = arith.constant 0 : i32
    %dma_wait3A_44 = arith.constant 0 : i32
    %dma_wait3A_45 = tpu.memref_slice %arg2[%dma_wait3A, %dma_wait3A_44] : memref<20000x128xf32, #tpu.memory_space<hbm>> -> memref<20000x128xf32, #tpu.memory_space<hbm>>
    tpu.wait_indirect_dma semaphore(%arg17 : memref<!tpu.dma_semaphore, #tpu.memory_space<semaphore_mem>>) src(%dma_wait3A_45 : memref<20000x128xf32, #tpu.memory_space<hbm>>) dst(%arg7 : memref<128x128xf32, #tpu.memory_space<vmem>>)
    %dma_start3A_46 = arith.constant 0 : i32
    %dma_start3A_47 = arith.constant 0 : i32
    %dma_start3A_48 = tpu.memref_slice %arg6[%dma_start3A_46, %dma_start3A_47] : memref<10000x128xf32, #tpu.memory_space<vmem_shared>> -> memref<10000x128xf32, #tpu.memory_space<vmem_shared>>
    tpu.enqueue_indirect_dma source(%arg7 : memref<128x128xf32, #tpu.memory_space<vmem>>) target(%dma_start3A_48 : memref<10000x128xf32, #tpu.memory_space<vmem_shared>>) offsets(%arg11 : memref<128xi32, #tpu.memory_space<vmem>>) semaphore(%arg19 : memref<!tpu.dma_semaphore, #tpu.memory_space<semaphore_mem>>) {add = true}
    %add3A_49 = arith.constant 128 : i32
    %add3A_50 = arith.addi %add3A_39, %add3A_49 : i32
    "tpu.region"() ({
      %run_scoped3A = tpu.sem_alloc : memref<!tpu.dma_semaphore, #tpu.memory_space<semaphore_mem>>
      %dma_start3A_178 = tpu.memref_slice %arg3[%add3A_50] : memref<640000xi32, #tpu.memory_space<hbm>> -> memref<128xi32, #tpu.memory_space<hbm>>
      %dma_start3A_179 = tpu.memref_slice %arg3[%add3A_50] : memref<640000xi32, #tpu.memory_space<hbm>> -> memref<128xi32, #tpu.memory_space<hbm>>
      tpu.enqueue_dma source(%dma_start3A_179 : memref<128xi32, #tpu.memory_space<hbm>>) target(%arg12 : memref<128xi32, #tpu.memory_space<vmem>>) target_semaphore(%run_scoped3A : memref<!tpu.dma_semaphore, #tpu.memory_space<semaphore_mem>>)
      %dma_wait3A_180 = tpu.memref_slice %arg3[%add3A_50] : memref<640000xi32, #tpu.memory_space<hbm>> -> memref<128xi32, #tpu.memory_space<hbm>>
      %dma_wait3A_181 = tpu.memref_slice %arg3[%add3A_50] : memref<640000xi32, #tpu.memory_space<hbm>> -> memref<128xi32, #tpu.memory_space<hbm>>
      tpu.wait_dma2 semaphore(%run_scoped3A : memref<!tpu.dma_semaphore, #tpu.memory_space<semaphore_mem>>) src(%dma_wait3A_181 : memref<128xi32, #tpu.memory_space<hbm>>) dst(%arg12 : memref<128xi32, #tpu.memory_space<vmem>>)
      tpu.yield
    }) : () -> ()
    "tpu.region"() ({
      %run_scoped3A = tpu.sem_alloc : memref<!tpu.dma_semaphore, #tpu.memory_space<semaphore_mem>>
      %dma_start3A_178 = tpu.memref_slice %arg4[%add3A_50] : memref<640000xi32, #tpu.memory_space<hbm>> -> memref<128xi32, #tpu.memory_space<hbm>>
      %dma_start3A_179 = tpu.memref_slice %arg4[%add3A_50] : memref<640000xi32, #tpu.memory_space<hbm>> -> memref<128xi32, #tpu.memory_space<hbm>>
      tpu.enqueue_dma source(%dma_start3A_179 : memref<128xi32, #tpu.memory_space<hbm>>) target(%arg13 : memref<128xi32, #tpu.memory_space<vmem>>) target_semaphore(%run_scoped3A : memref<!tpu.dma_semaphore, #tpu.memory_space<semaphore_mem>>)
      %dma_wait3A_180 = tpu.memref_slice %arg4[%add3A_50] : memref<640000xi32, #tpu.memory_space<hbm>> -> memref<128xi32, #tpu.memory_space<hbm>>
      %dma_wait3A_181 = tpu.memref_slice %arg4[%add3A_50] : memref<640000xi32, #tpu.memory_space<hbm>> -> memref<128xi32, #tpu.memory_space<hbm>>
      tpu.wait_dma2 semaphore(%run_scoped3A : memref<!tpu.dma_semaphore, #tpu.memory_space<semaphore_mem>>) src(%dma_wait3A_181 : memref<128xi32, #tpu.memory_space<hbm>>) dst(%arg13 : memref<128xi32, #tpu.memory_space<vmem>>)
      tpu.yield
    }) : () -> ()
    %dma_start3A_51 = arith.constant 0 : i32
    %dma_start3A_52 = arith.constant 0 : i32
    %dma_start3A_53 = tpu.memref_slice %arg2[%dma_start3A_51, %dma_start3A_52] : memref<20000x128xf32, #tpu.memory_space<hbm>> -> memref<20000x128xf32, #tpu.memory_space<hbm>>
    tpu.enqueue_indirect_dma source(%dma_start3A_53 : memref<20000x128xf32, #tpu.memory_space<hbm>>) target(%arg8 : memref<128x128xf32, #tpu.memory_space<vmem>>) offsets(%arg12 : memref<128xi32, #tpu.memory_space<vmem>>) semaphore(%arg18 : memref<!tpu.dma_semaphore, #tpu.memory_space<semaphore_mem>>)
    %scan3A_54 = arith.constant 0 : i32
    %scan3A_55 = arith.constant 0 : i32
    %scan3A_56 = arith.constant 77 : i32
    %scan3A_57 = arith.addi %scan3A_55, %scan3A_56 : i32
    %scan3A_58 = arith.constant 1 : i32
    %scan3A_59 = scf.for %scan3A_178 = %scan3A_55 to %scan3A_57 step %scan3A_58 iter_args(%scan3A_179 = %scan3A_54) -> (i32)  : i32 {
      %mul3A_180 = arith.constant 2 : i32
      %mul3A_181 = arith.muli %mul3A_180, %scan3A_178 : i32
      %add3A_182 = arith.constant 1 : i32
      %add3A_183 = arith.addi %mul3A_181, %add3A_182 : i32
      %dma_wait3A_184 = arith.constant 0 : i32
      %dma_wait3A_185 = arith.constant 0 : i32
      %dma_wait3A_186 = tpu.memref_slice %arg2[%dma_wait3A_184, %dma_wait3A_185] : memref<20000x128xf32, #tpu.memory_space<hbm>> -> memref<20000x128xf32, #tpu.memory_space<hbm>>
      tpu.wait_indirect_dma semaphore(%arg18 : memref<!tpu.dma_semaphore, #tpu.memory_space<semaphore_mem>>) src(%dma_wait3A_186 : memref<20000x128xf32, #tpu.memory_space<hbm>>) dst(%arg8 : memref<128x128xf32, #tpu.memory_space<vmem>>)
      %dma_start3A_187 = arith.constant 0 : i32
      %dma_start3A_188 = arith.constant 0 : i32
      %dma_start3A_189 = tpu.memref_slice %arg6[%dma_start3A_187, %dma_start3A_188] : memref<10000x128xf32, #tpu.memory_space<vmem_shared>> -> memref<10000x128xf32, #tpu.memory_space<vmem_shared>>
      tpu.enqueue_indirect_dma source(%arg8 : memref<128x128xf32, #tpu.memory_space<vmem>>) target(%dma_start3A_189 : memref<10000x128xf32, #tpu.memory_space<vmem_shared>>) offsets(%arg13 : memref<128xi32, #tpu.memory_space<vmem>>) semaphore(%arg20 : memref<!tpu.dma_semaphore, #tpu.memory_space<semaphore_mem>>) {add = true}
      %dma_wait3A_190 = arith.constant 0 : i32
      %dma_wait3A_191 = arith.constant 0 : i32
      %dma_wait3A_192 = tpu.memref_slice %arg6[%dma_wait3A_190, %dma_wait3A_191] : memref<10000x128xf32, #tpu.memory_space<vmem_shared>> -> memref<10000x128xf32, #tpu.memory_space<vmem_shared>>
      tpu.wait_indirect_dma semaphore(%arg19 : memref<!tpu.dma_semaphore, #tpu.memory_space<semaphore_mem>>) src(%arg7 : memref<128x128xf32, #tpu.memory_space<vmem>>) dst(%dma_wait3A_192 : memref<10000x128xf32, #tpu.memory_space<vmem_shared>>)
      %add3A_193 = arith.constant 1 : i32
      %add3A_194 = arith.addi %add3A_183, %add3A_193 : i32
      %mul3A_195 = arith.constant 128 : i32
      %mul3A_196 = arith.muli %add3A_194, %mul3A_195 : i32
      %add3A_197 = arith.addi %add3A_39, %mul3A_196 : i32
      "tpu.region"() ({
        %run_scoped3A = tpu.sem_alloc : memref<!tpu.dma_semaphore, #tpu.memory_space<semaphore_mem>>
        %dma_start3A_219 = tpu.memref_slice %arg3[%add3A_197] : memref<640000xi32, #tpu.memory_space<hbm>> -> memref<128xi32, #tpu.memory_space<hbm>>
        %dma_start3A_220 = tpu.memref_slice %arg3[%add3A_197] : memref<640000xi32, #tpu.memory_space<hbm>> -> memref<128xi32, #tpu.memory_space<hbm>>
        tpu.enqueue_dma source(%dma_start3A_220 : memref<128xi32, #tpu.memory_space<hbm>>) target(%arg10 : memref<128xi32, #tpu.memory_space<vmem>>) target_semaphore(%run_scoped3A : memref<!tpu.dma_semaphore, #tpu.memory_space<semaphore_mem>>)
        %dma_wait3A_221 = tpu.memref_slice %arg3[%add3A_197] : memref<640000xi32, #tpu.memory_space<hbm>> -> memref<128xi32, #tpu.memory_space<hbm>>
        %dma_wait3A_222 = tpu.memref_slice %arg3[%add3A_197] : memref<640000xi32, #tpu.memory_space<hbm>> -> memref<128xi32, #tpu.memory_space<hbm>>
        tpu.wait_dma2 semaphore(%run_scoped3A : memref<!tpu.dma_semaphore, #tpu.memory_space<semaphore_mem>>) src(%dma_wait3A_222 : memref<128xi32, #tpu.memory_space<hbm>>) dst(%arg10 : memref<128xi32, #tpu.memory_space<vmem>>)
        tpu.yield
      }) : () -> ()
      "tpu.region"() ({
        %run_scoped3A = tpu.sem_alloc : memref<!tpu.dma_semaphore, #tpu.memory_space<semaphore_mem>>
        %dma_start3A_219 = tpu.memref_slice %arg4[%add3A_197] : memref<640000xi32, #tpu.memory_space<hbm>> -> memref<128xi32, #tpu.memory_space<hbm>>
        %dma_start3A_220 = tpu.memref_slice %arg4[%add3A_197] : memref<640000xi32, #tpu.memory_space<hbm>> -> memref<128xi32, #tpu.memory_space<hbm>>
        tpu.enqueue_dma source(%dma_start3A_220 : memref<128xi32, #tpu.memory_space<hbm>>) target(%arg11 : memref<128xi32, #tpu.memory_space<vmem>>) target_semaphore(%run_scoped3A : memref<!tpu.dma_semaphore, #tpu.memory_space<semaphore_mem>>)
        %dma_wait3A_221 = tpu.memref_slice %arg4[%add3A_197] : memref<640000xi32, #tpu.memory_space<hbm>> -> memref<128xi32, #tpu.memory_space<hbm>>
        %dma_wait3A_222 = tpu.memref_slice %arg4[%add3A_197] : memref<640000xi32, #tpu.memory_space<hbm>> -> memref<128xi32, #tpu.memory_space<hbm>>
        tpu.wait_dma2 semaphore(%run_scoped3A : memref<!tpu.dma_semaphore, #tpu.memory_space<semaphore_mem>>) src(%dma_wait3A_222 : memref<128xi32, #tpu.memory_space<hbm>>) dst(%arg11 : memref<128xi32, #tpu.memory_space<vmem>>)
        tpu.yield
      }) : () -> ()
      %dma_start3A_198 = arith.constant 0 : i32
      %dma_start3A_199 = arith.constant 0 : i32
      %dma_start3A_200 = tpu.memref_slice %arg2[%dma_start3A_198, %dma_start3A_199] : memref<20000x128xf32, #tpu.memory_space<hbm>> -> memref<20000x128xf32, #tpu.memory_space<hbm>>
      tpu.enqueue_indirect_dma source(%dma_start3A_200 : memref<20000x128xf32, #tpu.memory_space<hbm>>) target(%arg7 : memref<128x128xf32, #tpu.memory_space<vmem>>) offsets(%arg10 : memref<128xi32, #tpu.memory_space<vmem>>) semaphore(%arg17 : memref<!tpu.dma_semaphore, #tpu.memory_space<semaphore_mem>>)
      %dma_wait3A_201 = arith.constant 0 : i32
      %dma_wait3A_202 = arith.constant 0 : i32
      %dma_wait3A_203 = tpu.memref_slice %arg2[%dma_wait3A_201, %dma_wait3A_202] : memref<20000x128xf32, #tpu.memory_space<hbm>> -> memref<20000x128xf32, #tpu.memory_space<hbm>>
      tpu.wait_indirect_dma semaphore(%arg17 : memref<!tpu.dma_semaphore, #tpu.memory_space<semaphore_mem>>) src(%dma_wait3A_203 : memref<20000x128xf32, #tpu.memory_space<hbm>>) dst(%arg7 : memref<128x128xf32, #tpu.memory_space<vmem>>)
      %dma_start3A_204 = arith.constant 0 : i32
      %dma_start3A_205 = arith.constant 0 : i32
      %dma_start3A_206 = tpu.memref_slice %arg6[%dma_start3A_204, %dma_start3A_205] : memref<10000x128xf32, #tpu.memory_space<vmem_shared>> -> memref<10000x128xf32, #tpu.memory_space<vmem_shared>>
      tpu.enqueue_indirect_dma source(%arg7 : memref<128x128xf32, #tpu.memory_space<vmem>>) target(%dma_start3A_206 : memref<10000x128xf32, #tpu.memory_space<vmem_shared>>) offsets(%arg11 : memref<128xi32, #tpu.memory_space<vmem>>) semaphore(%arg19 : memref<!tpu.dma_semaphore, #tpu.memory_space<semaphore_mem>>) {add = true}
      %dma_wait3A_207 = arith.constant 0 : i32
      %dma_wait3A_208 = arith.constant 0 : i32
      %dma_wait3A_209 = tpu.memref_slice %arg6[%dma_wait3A_207, %dma_wait3A_208] : memref<10000x128xf32, #tpu.memory_space<vmem_shared>> -> memref<10000x128xf32, #tpu.memory_space<vmem_shared>>
      tpu.wait_indirect_dma semaphore(%arg20 : memref<!tpu.dma_semaphore, #tpu.memory_space<semaphore_mem>>) src(%arg8 : memref<128x128xf32, #tpu.memory_space<vmem>>) dst(%dma_wait3A_209 : memref<10000x128xf32, #tpu.memory_space<vmem_shared>>)
      %add3A_210 = arith.constant 2 : i32
      %add3A_211 = arith.addi %add3A_183, %add3A_210 : i32
      %mul3A_212 = arith.constant 128 : i32
      %mul3A_213 = arith.muli %add3A_211, %mul3A_212 : i32
      %add3A_214 = arith.addi %add3A_39, %mul3A_213 : i32
      "tpu.region"() ({
        %run_scoped3A = tpu.sem_alloc : memref<!tpu.dma_semaphore, #tpu.memory_space<semaphore_mem>>
        %dma_start3A_219 = tpu.memref_slice %arg3[%add3A_214] : memref<640000xi32, #tpu.memory_space<hbm>> -> memref<128xi32, #tpu.memory_space<hbm>>
        %dma_start3A_220 = tpu.memref_slice %arg3[%add3A_214] : memref<640000xi32, #tpu.memory_space<hbm>> -> memref<128xi32, #tpu.memory_space<hbm>>
        tpu.enqueue_dma source(%dma_start3A_220 : memref<128xi32, #tpu.memory_space<hbm>>) target(%arg12 : memref<128xi32, #tpu.memory_space<vmem>>) target_semaphore(%run_scoped3A : memref<!tpu.dma_semaphore, #tpu.memory_space<semaphore_mem>>)
        %dma_wait3A_221 = tpu.memref_slice %arg3[%add3A_214] : memref<640000xi32, #tpu.memory_space<hbm>> -> memref<128xi32, #tpu.memory_space<hbm>>
        %dma_wait3A_222 = tpu.memref_slice %arg3[%add3A_214] : memref<640000xi32, #tpu.memory_space<hbm>> -> memref<128xi32, #tpu.memory_space<hbm>>
        tpu.wait_dma2 semaphore(%run_scoped3A : memref<!tpu.dma_semaphore, #tpu.memory_space<semaphore_mem>>) src(%dma_wait3A_222 : memref<128xi32, #tpu.memory_space<hbm>>) dst(%arg12 : memref<128xi32, #tpu.memory_space<vmem>>)
        tpu.yield
      }) : () -> ()
      "tpu.region"() ({
        %run_scoped3A = tpu.sem_alloc : memref<!tpu.dma_semaphore, #tpu.memory_space<semaphore_mem>>
        %dma_start3A_219 = tpu.memref_slice %arg4[%add3A_214] : memref<640000xi32, #tpu.memory_space<hbm>> -> memref<128xi32, #tpu.memory_space<hbm>>
        %dma_start3A_220 = tpu.memref_slice %arg4[%add3A_214] : memref<640000xi32, #tpu.memory_space<hbm>> -> memref<128xi32, #tpu.memory_space<hbm>>
        tpu.enqueue_dma source(%dma_start3A_220 : memref<128xi32, #tpu.memory_space<hbm>>) target(%arg13 : memref<128xi32, #tpu.memory_space<vmem>>) target_semaphore(%run_scoped3A : memref<!tpu.dma_semaphore, #tpu.memory_space<semaphore_mem>>)
        %dma_wait3A_221 = tpu.memref_slice %arg4[%add3A_214] : memref<640000xi32, #tpu.memory_space<hbm>> -> memref<128xi32, #tpu.memory_space<hbm>>
        %dma_wait3A_222 = tpu.memref_slice %arg4[%add3A_214] : memref<640000xi32, #tpu.memory_space<hbm>> -> memref<128xi32, #tpu.memory_space<hbm>>
        tpu.wait_dma2 semaphore(%run_scoped3A : memref<!tpu.dma_semaphore, #tpu.memory_space<semaphore_mem>>) src(%dma_wait3A_222 : memref<128xi32, #tpu.memory_space<hbm>>) dst(%arg13 : memref<128xi32, #tpu.memory_space<vmem>>)
        tpu.yield
      }) : () -> ()
      %dma_start3A_215 = arith.constant 0 : i32
      %dma_start3A_216 = arith.constant 0 : i32
      %dma_start3A_217 = tpu.memref_slice %arg2[%dma_start3A_215, %dma_start3A_216] : memref<20000x128xf32, #tpu.memory_space<hbm>> -> memref<20000x128xf32, #tpu.memory_space<hbm>>
      tpu.enqueue_indirect_dma source(%dma_start3A_217 : memref<20000x128xf32, #tpu.memory_space<hbm>>) target(%arg8 : memref<128x128xf32, #tpu.memory_space<vmem>>) offsets(%arg12 : memref<128xi32, #tpu.memory_space<vmem>>) semaphore(%arg18 : memref<!tpu.dma_semaphore, #tpu.memory_space<semaphore_mem>>)
      %scan3A_218 = arith.constant 0 : i32
      scf.yield %scan3A_218 : i32
    }
    %scan3A_60 = arith.constant 77 : i32
    %dma_wait3A_61 = arith.constant 0 : i32
    %dma_wait3A_62 = arith.constant 0 : i32
    %dma_wait3A_63 = tpu.memref_slice %arg2[%dma_wait3A_61, %dma_wait3A_62] : memref<20000x128xf32, #tpu.memory_space<hbm>> -> memref<20000x128xf32, #tpu.memory_space<hbm>>
    tpu.wait_indirect_dma semaphore(%arg18 : memref<!tpu.dma_semaphore, #tpu.memory_space<semaphore_mem>>) src(%dma_wait3A_63 : memref<20000x128xf32, #tpu.memory_space<hbm>>) dst(%arg8 : memref<128x128xf32, #tpu.memory_space<vmem>>)
    %dma_start3A_64 = arith.constant 0 : i32
    %dma_start3A_65 = arith.constant 0 : i32
    %dma_start3A_66 = tpu.memref_slice %arg6[%dma_start3A_64, %dma_start3A_65] : memref<10000x128xf32, #tpu.memory_space<vmem_shared>> -> memref<10000x128xf32, #tpu.memory_space<vmem_shared>>
    tpu.enqueue_indirect_dma source(%arg8 : memref<128x128xf32, #tpu.memory_space<vmem>>) target(%dma_start3A_66 : memref<10000x128xf32, #tpu.memory_space<vmem_shared>>) offsets(%arg13 : memref<128xi32, #tpu.memory_space<vmem>>) semaphore(%arg20 : memref<!tpu.dma_semaphore, #tpu.memory_space<semaphore_mem>>) {add = true}
    %add3A_67 = arith.constant 19968 : i32
    %add3A_68 = arith.addi %add3A_39, %add3A_67 : i32
    "tpu.region"() ({
      %run_scoped3A = tpu.sem_alloc : memref<!tpu.dma_semaphore, #tpu.memory_space<semaphore_mem>>
      %dma_start3A_178 = tpu.memref_slice %arg3[%add3A_68] : memref<640000xi32, #tpu.memory_space<hbm>> -> memref<32xi32, #tpu.memory_space<hbm>>
      %dma_start3A_179 = tpu.memref_slice %arg3[%add3A_68] : memref<640000xi32, #tpu.memory_space<hbm>> -> memref<32xi32, #tpu.memory_space<hbm>>
      tpu.enqueue_dma source(%dma_start3A_179 : memref<32xi32, #tpu.memory_space<hbm>>) target(%arg14 : memref<32xi32, #tpu.memory_space<vmem>>) target_semaphore(%run_scoped3A : memref<!tpu.dma_semaphore, #tpu.memory_space<semaphore_mem>>)
      %dma_wait3A_180 = tpu.memref_slice %arg3[%add3A_68] : memref<640000xi32, #tpu.memory_space<hbm>> -> memref<32xi32, #tpu.memory_space<hbm>>
      %dma_wait3A_181 = tpu.memref_slice %arg3[%add3A_68] : memref<640000xi32, #tpu.memory_space<hbm>> -> memref<32xi32, #tpu.memory_space<hbm>>
      tpu.wait_dma2 semaphore(%run_scoped3A : memref<!tpu.dma_semaphore, #tpu.memory_space<semaphore_mem>>) src(%dma_wait3A_181 : memref<32xi32, #tpu.memory_space<hbm>>) dst(%arg14 : memref<32xi32, #tpu.memory_space<vmem>>)
      tpu.yield
    }) : () -> ()
    "tpu.region"() ({
      %run_scoped3A = tpu.sem_alloc : memref<!tpu.dma_semaphore, #tpu.memory_space<semaphore_mem>>
      %dma_start3A_178 = tpu.memref_slice %arg4[%add3A_68] : memref<640000xi32, #tpu.memory_space<hbm>> -> memref<32xi32, #tpu.memory_space<hbm>>
      %dma_start3A_179 = tpu.memref_slice %arg4[%add3A_68] : memref<640000xi32, #tpu.memory_space<hbm>> -> memref<32xi32, #tpu.memory_space<hbm>>
      tpu.enqueue_dma source(%dma_start3A_179 : memref<32xi32, #tpu.memory_space<hbm>>) target(%arg15 : memref<32xi32, #tpu.memory_space<vmem>>) target_semaphore(%run_scoped3A : memref<!tpu.dma_semaphore, #tpu.memory_space<semaphore_mem>>)
      %dma_wait3A_180 = tpu.memref_slice %arg4[%add3A_68] : memref<640000xi32, #tpu.memory_space<hbm>> -> memref<32xi32, #tpu.memory_space<hbm>>
      %dma_wait3A_181 = tpu.memref_slice %arg4[%add3A_68] : memref<640000xi32, #tpu.memory_space<hbm>> -> memref<32xi32, #tpu.memory_space<hbm>>
      tpu.wait_dma2 semaphore(%run_scoped3A : memref<!tpu.dma_semaphore, #tpu.memory_space<semaphore_mem>>) src(%dma_wait3A_181 : memref<32xi32, #tpu.memory_space<hbm>>) dst(%arg15 : memref<32xi32, #tpu.memory_space<vmem>>)
      tpu.yield
    }) : () -> ()
    %dma_start3A_69 = arith.constant 0 : i32
    %dma_start3A_70 = arith.constant 0 : i32
    %dma_start3A_71 = tpu.memref_slice %arg2[%dma_start3A_69, %dma_start3A_70] : memref<20000x128xf32, #tpu.memory_space<hbm>> -> memref<20000x128xf32, #tpu.memory_space<hbm>>
    tpu.enqueue_indirect_dma source(%dma_start3A_71 : memref<20000x128xf32, #tpu.memory_space<hbm>>) target(%arg9 : memref<32x128xf32, #tpu.memory_space<vmem>>) offsets(%arg14 : memref<32xi32, #tpu.memory_space<vmem>>) semaphore(%arg21 : memref<!tpu.dma_semaphore, #tpu.memory_space<semaphore_mem>>)
    %dma_wait3A_72 = arith.constant 0 : i32
    %dma_wait3A_73 = arith.constant 0 : i32
    %dma_wait3A_74 = tpu.memref_slice %arg2[%dma_wait3A_72, %dma_wait3A_73] : memref<20000x128xf32, #tpu.memory_space<hbm>> -> memref<20000x128xf32, #tpu.memory_space<hbm>>
    tpu.wait_indirect_dma semaphore(%arg21 : memref<!tpu.dma_semaphore, #tpu.memory_space<semaphore_mem>>) src(%dma_wait3A_74 : memref<20000x128xf32, #tpu.memory_space<hbm>>) dst(%arg9 : memref<32x128xf32, #tpu.memory_space<vmem>>)
    "tpu.region"() ({
      %run_scoped3A = tpu.sem_alloc : memref<!tpu.dma_semaphore, #tpu.memory_space<semaphore_mem>>
      %dma_start3A_178 = arith.constant 0 : i32
      %dma_start3A_179 = arith.constant 0 : i32
      %dma_start3A_180 = tpu.memref_slice %arg6[%dma_start3A_178, %dma_start3A_179] : memref<10000x128xf32, #tpu.memory_space<vmem_shared>> -> memref<10000x128xf32, #tpu.memory_space<vmem_shared>>
      tpu.enqueue_indirect_dma source(%arg9 : memref<32x128xf32, #tpu.memory_space<vmem>>) target(%dma_start3A_180 : memref<10000x128xf32, #tpu.memory_space<vmem_shared>>) offsets(%arg15 : memref<32xi32, #tpu.memory_space<vmem>>) semaphore(%run_scoped3A : memref<!tpu.dma_semaphore, #tpu.memory_space<semaphore_mem>>) {add = true}
      %dma_wait3A_181 = arith.constant 0 : i32
      %dma_wait3A_182 = arith.constant 0 : i32
      %dma_wait3A_183 = tpu.memref_slice %arg6[%dma_wait3A_181, %dma_wait3A_182] : memref<10000x128xf32, #tpu.memory_space<vmem_shared>> -> memref<10000x128xf32, #tpu.memory_space<vmem_shared>>
      tpu.wait_indirect_dma semaphore(%run_scoped3A : memref<!tpu.dma_semaphore, #tpu.memory_space<semaphore_mem>>) src(%arg9 : memref<32x128xf32, #tpu.memory_space<vmem>>) dst(%dma_wait3A_183 : memref<10000x128xf32, #tpu.memory_space<vmem_shared>>)
      tpu.yield
    }) : () -> ()
    %dma_wait3A_75 = arith.constant 0 : i32
    %dma_wait3A_76 = arith.constant 0 : i32
    %dma_wait3A_77 = tpu.memref_slice %arg6[%dma_wait3A_75, %dma_wait3A_76] : memref<10000x128xf32, #tpu.memory_space<vmem_shared>> -> memref<10000x128xf32, #tpu.memory_space<vmem_shared>>
    tpu.wait_indirect_dma semaphore(%arg19 : memref<!tpu.dma_semaphore, #tpu.memory_space<semaphore_mem>>) src(%arg7 : memref<128x128xf32, #tpu.memory_space<vmem>>) dst(%dma_wait3A_77 : memref<10000x128xf32, #tpu.memory_space<vmem_shared>>)
    %dma_wait3A_78 = arith.constant 0 : i32
    %dma_wait3A_79 = arith.constant 0 : i32
    %dma_wait3A_80 = tpu.memref_slice %arg6[%dma_wait3A_78, %dma_wait3A_79] : memref<10000x128xf32, #tpu.memory_space<vmem_shared>> -> memref<10000x128xf32, #tpu.memory_space<vmem_shared>>
    tpu.wait_indirect_dma semaphore(%arg20 : memref<!tpu.dma_semaphore, #tpu.memory_space<semaphore_mem>>) src(%arg8 : memref<128x128xf32, #tpu.memory_space<vmem>>) dst(%dma_wait3A_80 : memref<10000x128xf32, #tpu.memory_space<vmem_shared>>)
    %barrier3A_81 = arith.constant 0 : index
    tpu.barrier barrier_id(%barrier3A_81)
    %add3A_82 = arith.constant 0 : i32
    %add3A_83 = arith.addi %mul3A_7, %add3A_82 : i32
    "tpu.region"() ({
      %run_scoped3A = tpu.sem_alloc : memref<!tpu.dma_semaphore, #tpu.memory_space<semaphore_mem>>
      %dma_start3A_178 = arith.constant 0 : i32
      %dma_start3A_179 = tpu.memref_slice %arg6[%add3A_83, %dma_start3A_178] : memref<10000x128xf32, #tpu.memory_space<vmem_shared>> -> memref<48x128xf32, #tpu.memory_space<vmem_shared>>
      %dma_start3A_180 = arith.constant 0 : i32
      %dma_start3A_181 = tpu.memref_slice %arg6[%add3A_83, %dma_start3A_180] : memref<10000x128xf32, #tpu.memory_space<vmem_shared>> -> memref<48x128xf32, #tpu.memory_space<vmem_shared>>
      tpu.enqueue_dma source(%dma_start3A_181 : memref<48x128xf32, #tpu.memory_space<vmem_shared>>) target(%arg16 : memref<48x128xf32, #tpu.memory_space<vmem>>) target_semaphore(%run_scoped3A : memref<!tpu.dma_semaphore, #tpu.memory_space<semaphore_mem>>)
      %dma_wait3A_182 = arith.constant 0 : i32
      %dma_wait3A_183 = tpu.memref_slice %arg6[%add3A_83, %dma_wait3A_182] : memref<10000x128xf32, #tpu.memory_space<vmem_shared>> -> memref<48x128xf32, #tpu.memory_space<vmem_shared>>
      %dma_wait3A_184 = arith.constant 0 : i32
      %dma_wait3A_185 = tpu.memref_slice %arg6[%add3A_83, %dma_wait3A_184] : memref<10000x128xf32, #tpu.memory_space<vmem_shared>> -> memref<48x128xf32, #tpu.memory_space<vmem_shared>>
      tpu.wait_dma2 semaphore(%run_scoped3A : memref<!tpu.dma_semaphore, #tpu.memory_space<semaphore_mem>>) src(%dma_wait3A_185 : memref<48x128xf32, #tpu.memory_space<vmem_shared>>) dst(%arg16 : memref<48x128xf32, #tpu.memory_space<vmem>>)
      tpu.yield
    }) : () -> ()
    %mul3A_84 = arith.constant 10000 : i32
    %mul3A_85 = arith.muli %arg0, %mul3A_84 : i32
    %add3A_86 = arith.addi %mul3A_85, %mul3A_7 : i32
    %add3A_87 = arith.constant 0 : i32
    %add3A_88 = arith.addi %add3A_86, %add3A_87 : i32
    "tpu.region"() ({
      %run_scoped3A = tpu.sem_alloc : memref<!tpu.dma_semaphore, #tpu.memory_space<semaphore_mem>>
      %dma_start3A_178 = arith.constant 0 : i32
      %dma_start3A_179 = tpu.memref_slice %arg5[%add3A_88, %dma_start3A_178] : memref<20000x128xf32, #tpu.memory_space<hbm>> -> memref<48x128xf32, #tpu.memory_space<hbm>>
      %dma_start3A_180 = arith.constant 0 : i32
      %dma_start3A_181 = tpu.memref_slice %arg5[%add3A_88, %dma_start3A_180] : memref<20000x128xf32, #tpu.memory_space<hbm>> -> memref<48x128xf32, #tpu.memory_space<hbm>>
      tpu.enqueue_dma source(%arg16 : memref<48x128xf32, #tpu.memory_space<vmem>>) target(%dma_start3A_181 : memref<48x128xf32, #tpu.memory_space<hbm>>) target_semaphore(%run_scoped3A : memref<!tpu.dma_semaphore, #tpu.memory_space<semaphore_mem>>)
      %dma_wait3A_182 = arith.constant 0 : i32
      %dma_wait3A_183 = tpu.memref_slice %arg5[%add3A_88, %dma_wait3A_182] : memref<20000x128xf32, #tpu.memory_space<hbm>> -> memref<48x128xf32, #tpu.memory_space<hbm>>
      %dma_wait3A_184 = arith.constant 0 : i32
      %dma_wait3A_185 = tpu.memref_slice %arg5[%add3A_88, %dma_wait3A_184] : memref<20000x128xf32, #tpu.memory_space<hbm>> -> memref<48x128xf32, #tpu.memory_space<hbm>>
      tpu.wait_dma2 semaphore(%run_scoped3A : memref<!tpu.dma_semaphore, #tpu.memory_space<semaphore_mem>>) src(%arg16 : memref<48x128xf32, #tpu.memory_space<vmem>>) dst(%dma_wait3A_185 : memref<48x128xf32, #tpu.memory_space<hbm>>)
      tpu.yield
    }) : () -> ()
    %add3A_89 = arith.constant 48 : i32
    %add3A_90 = arith.addi %mul3A_7, %add3A_89 : i32
    "tpu.region"() ({
      %run_scoped3A = tpu.sem_alloc : memref<!tpu.dma_semaphore, #tpu.memory_space<semaphore_mem>>
      %dma_start3A_178 = arith.constant 0 : i32
      %dma_start3A_179 = tpu.memref_slice %arg6[%add3A_90, %dma_start3A_178] : memref<10000x128xf32, #tpu.memory_space<vmem_shared>> -> memref<48x128xf32, #tpu.memory_space<vmem_shared>>
      %dma_start3A_180 = arith.constant 0 : i32
      %dma_start3A_181 = tpu.memref_slice %arg6[%add3A_90, %dma_start3A_180] : memref<10000x128xf32, #tpu.memory_space<vmem_shared>> -> memref<48x128xf32, #tpu.memory_space<vmem_shared>>
      tpu.enqueue_dma source(%dma_start3A_181 : memref<48x128xf32, #tpu.memory_space<vmem_shared>>) target(%arg16 : memref<48x128xf32, #tpu.memory_space<vmem>>) target_semaphore(%run_scoped3A : memref<!tpu.dma_semaphore, #tpu.memory_space<semaphore_mem>>)
      %dma_wait3A_182 = arith.constant 0 : i32
      %dma_wait3A_183 = tpu.memref_slice %arg6[%add3A_90, %dma_wait3A_182] : memref<10000x128xf32, #tpu.memory_space<vmem_shared>> -> memref<48x128xf32, #tpu.memory_space<vmem_shared>>
      %dma_wait3A_184 = arith.constant 0 : i32
      %dma_wait3A_185 = tpu.memref_slice %arg6[%add3A_90, %dma_wait3A_184] : memref<10000x128xf32, #tpu.memory_space<vmem_shared>> -> memref<48x128xf32, #tpu.memory_space<vmem_shared>>
      tpu.wait_dma2 semaphore(%run_scoped3A : memref<!tpu.dma_semaphore, #tpu.memory_space<semaphore_mem>>) src(%dma_wait3A_185 : memref<48x128xf32, #tpu.memory_space<vmem_shared>>) dst(%arg16 : memref<48x128xf32, #tpu.memory_space<vmem>>)
      tpu.yield
    }) : () -> ()
    %mul3A_91 = arith.constant 10000 : i32
    %mul3A_92 = arith.muli %arg0, %mul3A_91 : i32
    %add3A_93 = arith.addi %mul3A_92, %mul3A_7 : i32
    %add3A_94 = arith.constant 48 : i32
    %add3A_95 = arith.addi %add3A_93, %add3A_94 : i32
    "tpu.region"() ({
      %run_scoped3A = tpu.sem_alloc : memref<!tpu.dma_semaphore, #tpu.memory_space<semaphore_mem>>
      %dma_start3A_178 = arith.constant 0 : i32
      %dma_start3A_179 = tpu.memref_slice %arg5[%add3A_95, %dma_start3A_178] : memref<20000x128xf32, #tpu.memory_space<hbm>> -> memref<48x128xf32, #tpu.memory_space<hbm>>
      %dma_start3A_180 = arith.constant 0 : i32
      %dma_start3A_181 = tpu.memref_slice %arg5[%add3A_95, %dma_start3A_180] : memref<20000x128xf32, #tpu.memory_space<hbm>> -> memref<48x128xf32, #tpu.memory_space<hbm>>
      tpu.enqueue_dma source(%arg16 : memref<48x128xf32, #tpu.memory_space<vmem>>) target(%dma_start3A_181 : memref<48x128xf32, #tpu.memory_space<hbm>>) target_semaphore(%run_scoped3A : memref<!tpu.dma_semaphore, #tpu.memory_space<semaphore_mem>>)
      %dma_wait3A_182 = arith.constant 0 : i32
      %dma_wait3A_183 = tpu.memref_slice %arg5[%add3A_95, %dma_wait3A_182] : memref<20000x128xf32, #tpu.memory_space<hbm>> -> memref<48x128xf32, #tpu.memory_space<hbm>>
      %dma_wait3A_184 = arith.constant 0 : i32
      %dma_wait3A_185 = tpu.memref_slice %arg5[%add3A_95, %dma_wait3A_184] : memref<20000x128xf32, #tpu.memory_space<hbm>> -> memref<48x128xf32, #tpu.memory_space<hbm>>
      tpu.wait_dma2 semaphore(%run_scoped3A : memref<!tpu.dma_semaphore, #tpu.memory_space<semaphore_mem>>) src(%arg16 : memref<48x128xf32, #tpu.memory_space<vmem>>) dst(%dma_wait3A_185 : memref<48x128xf32, #tpu.memory_space<hbm>>)
      tpu.yield
    }) : () -> ()
    %add3A_96 = arith.constant 96 : i32
    %add3A_97 = arith.addi %mul3A_7, %add3A_96 : i32
    "tpu.region"() ({
      %run_scoped3A = tpu.sem_alloc : memref<!tpu.dma_semaphore, #tpu.memory_space<semaphore_mem>>
      %dma_start3A_178 = arith.constant 0 : i32
      %dma_start3A_179 = tpu.memref_slice %arg6[%add3A_97, %dma_start3A_178] : memref<10000x128xf32, #tpu.memory_space<vmem_shared>> -> memref<48x128xf32, #tpu.memory_space<vmem_shared>>
      %dma_start3A_180 = arith.constant 0 : i32
      %dma_start3A_181 = tpu.memref_slice %arg6[%add3A_97, %dma_start3A_180] : memref<10000x128xf32, #tpu.memory_space<vmem_shared>> -> memref<48x128xf32, #tpu.memory_space<vmem_shared>>
      tpu.enqueue_dma source(%dma_start3A_181 : memref<48x128xf32, #tpu.memory_space<vmem_shared>>) target(%arg16 : memref<48x128xf32, #tpu.memory_space<vmem>>) target_semaphore(%run_scoped3A : memref<!tpu.dma_semaphore, #tpu.memory_space<semaphore_mem>>)
      %dma_wait3A_182 = arith.constant 0 : i32
      %dma_wait3A_183 = tpu.memref_slice %arg6[%add3A_97, %dma_wait3A_182] : memref<10000x128xf32, #tpu.memory_space<vmem_shared>> -> memref<48x128xf32, #tpu.memory_space<vmem_shared>>
      %dma_wait3A_184 = arith.constant 0 : i32
      %dma_wait3A_185 = tpu.memref_slice %arg6[%add3A_97, %dma_wait3A_184] : memref<10000x128xf32, #tpu.memory_space<vmem_shared>> -> memref<48x128xf32, #tpu.memory_space<vmem_shared>>
      tpu.wait_dma2 semaphore(%run_scoped3A : memref<!tpu.dma_semaphore, #tpu.memory_space<semaphore_mem>>) src(%dma_wait3A_185 : memref<48x128xf32, #tpu.memory_space<vmem_shared>>) dst(%arg16 : memref<48x128xf32, #tpu.memory_space<vmem>>)
      tpu.yield
    }) : () -> ()
    %mul3A_98 = arith.constant 10000 : i32
    %mul3A_99 = arith.muli %arg0, %mul3A_98 : i32
    %add3A_100 = arith.addi %mul3A_99, %mul3A_7 : i32
    %add3A_101 = arith.constant 96 : i32
    %add3A_102 = arith.addi %add3A_100, %add3A_101 : i32
    "tpu.region"() ({
      %run_scoped3A = tpu.sem_alloc : memref<!tpu.dma_semaphore, #tpu.memory_space<semaphore_mem>>
      %dma_start3A_178 = arith.constant 0 : i32
      %dma_start3A_179 = tpu.memref_slice %arg5[%add3A_102, %dma_start3A_178] : memref<20000x128xf32, #tpu.memory_space<hbm>> -> memref<48x128xf32, #tpu.memory_space<hbm>>
      %dma_start3A_180 = arith.constant 0 : i32
      %dma_start3A_181 = tpu.memref_slice %arg5[%add3A_102, %dma_start3A_180] : memref<20000x128xf32, #tpu.memory_space<hbm>> -> memref<48x128xf32, #tpu.memory_space<hbm>>
      tpu.enqueue_dma source(%arg16 : memref<48x128xf32, #tpu.memory_space<vmem>>) target(%dma_start3A_181 : memref<48x128xf32, #tpu.memory_space<hbm>>) target_semaphore(%run_scoped3A : memref<!tpu.dma_semaphore, #tpu.memory_space<semaphore_mem>>)
      %dma_wait3A_182 = arith.constant 0 : i32
      %dma_wait3A_183 = tpu.memref_slice %arg5[%add3A_102, %dma_wait3A_182] : memref<20000x128xf32, #tpu.memory_space<hbm>> -> memref<48x128xf32, #tpu.memory_space<hbm>>
      %dma_wait3A_184 = arith.constant 0 : i32
      %dma_wait3A_185 = tpu.memref_slice %arg5[%add3A_102, %dma_wait3A_184] : memref<20000x128xf32, #tpu.memory_space<hbm>> -> memref<48x128xf32, #tpu.memory_space<hbm>>
      tpu.wait_dma2 semaphore(%run_scoped3A : memref<!tpu.dma_semaphore, #tpu.memory_space<semaphore_mem>>) src(%arg16 : memref<48x128xf32, #tpu.memory_space<vmem>>) dst(%dma_wait3A_185 : memref<48x128xf32, #tpu.memory_space<hbm>>)
      tpu.yield
    }) : () -> ()
    %add3A_103 = arith.constant 144 : i32
    %add3A_104 = arith.addi %mul3A_7, %add3A_103 : i32
    "tpu.region"() ({
      %run_scoped3A = tpu.sem_alloc : memref<!tpu.dma_semaphore, #tpu.memory_space<semaphore_mem>>
      %dma_start3A_178 = arith.constant 0 : i32
      %dma_start3A_179 = tpu.memref_slice %arg6[%add3A_104, %dma_start3A_178] : memref<10000x128xf32, #tpu.memory_space<vmem_shared>> -> memref<48x128xf32, #tpu.memory_space<vmem_shared>>
      %dma_start3A_180 = arith.constant 0 : i32
      %dma_start3A_181 = tpu.memref_slice %arg6[%add3A_104, %dma_start3A_180] : memref<10000x128xf32, #tpu.memory_space<vmem_shared>> -> memref<48x128xf32, #tpu.memory_space<vmem_shared>>
      tpu.enqueue_dma source(%dma_start3A_181 : memref<48x128xf32, #tpu.memory_space<vmem_shared>>) target(%arg16 : memref<48x128xf32, #tpu.memory_space<vmem>>) target_semaphore(%run_scoped3A : memref<!tpu.dma_semaphore, #tpu.memory_space<semaphore_mem>>)
      %dma_wait3A_182 = arith.constant 0 : i32
      %dma_wait3A_183 = tpu.memref_slice %arg6[%add3A_104, %dma_wait3A_182] : memref<10000x128xf32, #tpu.memory_space<vmem_shared>> -> memref<48x128xf32, #tpu.memory_space<vmem_shared>>
      %dma_wait3A_184 = arith.constant 0 : i32
      %dma_wait3A_185 = tpu.memref_slice %arg6[%add3A_104, %dma_wait3A_184] : memref<10000x128xf32, #tpu.memory_space<vmem_shared>> -> memref<48x128xf32, #tpu.memory_space<vmem_shared>>
      tpu.wait_dma2 semaphore(%run_scoped3A : memref<!tpu.dma_semaphore, #tpu.memory_space<semaphore_mem>>) src(%dma_wait3A_185 : memref<48x128xf32, #tpu.memory_space<vmem_shared>>) dst(%arg16 : memref<48x128xf32, #tpu.memory_space<vmem>>)
      tpu.yield
    }) : () -> ()
    %mul3A_105 = arith.constant 10000 : i32
    %mul3A_106 = arith.muli %arg0, %mul3A_105 : i32
    %add3A_107 = arith.addi %mul3A_106, %mul3A_7 : i32
    %add3A_108 = arith.constant 144 : i32
    %add3A_109 = arith.addi %add3A_107, %add3A_108 : i32
    "tpu.region"() ({
      %run_scoped3A = tpu.sem_alloc : memref<!tpu.dma_semaphore, #tpu.memory_space<semaphore_mem>>
      %dma_start3A_178 = arith.constant 0 : i32
      %dma_start3A_179 = tpu.memref_slice %arg5[%add3A_109, %dma_start3A_178] : memref<20000x128xf32, #tpu.memory_space<hbm>> -> memref<48x128xf32, #tpu.memory_space<hbm>>
      %dma_start3A_180 = arith.constant 0 : i32
      %dma_start3A_181 = tpu.memref_slice %arg5[%add3A_109, %dma_start3A_180] : memref<20000x128xf32, #tpu.memory_space<hbm>> -> memref<48x128xf32, #tpu.memory_space<hbm>>
      tpu.enqueue_dma source(%arg16 : memref<48x128xf32, #tpu.memory_space<vmem>>) target(%dma_start3A_181 : memref<48x128xf32, #tpu.memory_space<hbm>>) target_semaphore(%run_scoped3A : memref<!tpu.dma_semaphore, #tpu.memory_space<semaphore_mem>>)
      %dma_wait3A_182 = arith.constant 0 : i32
      %dma_wait3A_183 = tpu.memref_slice %arg5[%add3A_109, %dma_wait3A_182] : memref<20000x128xf32, #tpu.memory_space<hbm>> -> memref<48x128xf32, #tpu.memory_space<hbm>>
      %dma_wait3A_184 = arith.constant 0 : i32
      %dma_wait3A_185 = tpu.memref_slice %arg5[%add3A_109, %dma_wait3A_184] : memref<20000x128xf32, #tpu.memory_space<hbm>> -> memref<48x128xf32, #tpu.memory_space<hbm>>
      tpu.wait_dma2 semaphore(%run_scoped3A : memref<!tpu.dma_semaphore, #tpu.memory_space<semaphore_mem>>) src(%arg16 : memref<48x128xf32, #tpu.memory_space<vmem>>) dst(%dma_wait3A_185 : memref<48x128xf32, #tpu.memory_space<hbm>>)
      tpu.yield
    }) : () -> ()
    %add3A_110 = arith.constant 192 : i32
    %add3A_111 = arith.addi %mul3A_7, %add3A_110 : i32
    "tpu.region"() ({
      %run_scoped3A = tpu.sem_alloc : memref<!tpu.dma_semaphore, #tpu.memory_space<semaphore_mem>>
      %dma_start3A_178 = arith.constant 0 : i32
      %dma_start3A_179 = tpu.memref_slice %arg6[%add3A_111, %dma_start3A_178] : memref<10000x128xf32, #tpu.memory_space<vmem_shared>> -> memref<48x128xf32, #tpu.memory_space<vmem_shared>>
      %dma_start3A_180 = arith.constant 0 : i32
      %dma_start3A_181 = tpu.memref_slice %arg6[%add3A_111, %dma_start3A_180] : memref<10000x128xf32, #tpu.memory_space<vmem_shared>> -> memref<48x128xf32, #tpu.memory_space<vmem_shared>>
      tpu.enqueue_dma source(%dma_start3A_181 : memref<48x128xf32, #tpu.memory_space<vmem_shared>>) target(%arg16 : memref<48x128xf32, #tpu.memory_space<vmem>>) target_semaphore(%run_scoped3A : memref<!tpu.dma_semaphore, #tpu.memory_space<semaphore_mem>>)
      %dma_wait3A_182 = arith.constant 0 : i32
      %dma_wait3A_183 = tpu.memref_slice %arg6[%add3A_111, %dma_wait3A_182] : memref<10000x128xf32, #tpu.memory_space<vmem_shared>> -> memref<48x128xf32, #tpu.memory_space<vmem_shared>>
      %dma_wait3A_184 = arith.constant 0 : i32
      %dma_wait3A_185 = tpu.memref_slice %arg6[%add3A_111, %dma_wait3A_184] : memref<10000x128xf32, #tpu.memory_space<vmem_shared>> -> memref<48x128xf32, #tpu.memory_space<vmem_shared>>
      tpu.wait_dma2 semaphore(%run_scoped3A : memref<!tpu.dma_semaphore, #tpu.memory_space<semaphore_mem>>) src(%dma_wait3A_185 : memref<48x128xf32, #tpu.memory_space<vmem_shared>>) dst(%arg16 : memref<48x128xf32, #tpu.memory_space<vmem>>)
      tpu.yield
    }) : () -> ()
    %mul3A_112 = arith.constant 10000 : i32
    %mul3A_113 = arith.muli %arg0, %mul3A_112 : i32
    %add3A_114 = arith.addi %mul3A_113, %mul3A_7 : i32
    %add3A_115 = arith.constant 192 : i32
    %add3A_116 = arith.addi %add3A_114, %add3A_115 : i32
    "tpu.region"() ({
      %run_scoped3A = tpu.sem_alloc : memref<!tpu.dma_semaphore, #tpu.memory_space<semaphore_mem>>
      %dma_start3A_178 = arith.constant 0 : i32
      %dma_start3A_179 = tpu.memref_slice %arg5[%add3A_116, %dma_start3A_178] : memref<20000x128xf32, #tpu.memory_space<hbm>> -> memref<48x128xf32, #tpu.memory_space<hbm>>
      %dma_start3A_180 = arith.constant 0 : i32
      %dma_start3A_181 = tpu.memref_slice %arg5[%add3A_116, %dma_start3A_180] : memref<20000x128xf32, #tpu.memory_space<hbm>> -> memref<48x128xf32, #tpu.memory_space<hbm>>
      tpu.enqueue_dma source(%arg16 : memref<48x128xf32, #tpu.memory_space<vmem>>) target(%dma_start3A_181 : memref<48x128xf32, #tpu.memory_space<hbm>>) target_semaphore(%run_scoped3A : memref<!tpu.dma_semaphore, #tpu.memory_space<semaphore_mem>>)
      %dma_wait3A_182 = arith.constant 0 : i32
      %dma_wait3A_183 = tpu.memref_slice %arg5[%add3A_116, %dma_wait3A_182] : memref<20000x128xf32, #tpu.memory_space<hbm>> -> memref<48x128xf32, #tpu.memory_space<hbm>>
      %dma_wait3A_184 = arith.constant 0 : i32
      %dma_wait3A_185 = tpu.memref_slice %arg5[%add3A_116, %dma_wait3A_184] : memref<20000x128xf32, #tpu.memory_space<hbm>> -> memref<48x128xf32, #tpu.memory_space<hbm>>
      tpu.wait_dma2 semaphore(%run_scoped3A : memref<!tpu.dma_semaphore, #tpu.memory_space<semaphore_mem>>) src(%arg16 : memref<48x128xf32, #tpu.memory_space<vmem>>) dst(%dma_wait3A_185 : memref<48x128xf32, #tpu.memory_space<hbm>>)
      tpu.yield
    }) : () -> ()
    %add3A_117 = arith.constant 240 : i32
    %add3A_118 = arith.addi %mul3A_7, %add3A_117 : i32
    "tpu.region"() ({
      %run_scoped3A = tpu.sem_alloc : memref<!tpu.dma_semaphore, #tpu.memory_space<semaphore_mem>>
      %dma_start3A_178 = arith.constant 0 : i32
      %dma_start3A_179 = tpu.memref_slice %arg6[%add3A_118, %dma_start3A_178] : memref<10000x128xf32, #tpu.memory_space<vmem_shared>> -> memref<48x128xf32, #tpu.memory_space<vmem_shared>>
      %dma_start3A_180 = arith.constant 0 : i32
      %dma_start3A_181 = tpu.memref_slice %arg6[%add3A_118, %dma_start3A_180] : memref<10000x128xf32, #tpu.memory_space<vmem_shared>> -> memref<48x128xf32, #tpu.memory_space<vmem_shared>>
      tpu.enqueue_dma source(%dma_start3A_181 : memref<48x128xf32, #tpu.memory_space<vmem_shared>>) target(%arg16 : memref<48x128xf32, #tpu.memory_space<vmem>>) target_semaphore(%run_scoped3A : memref<!tpu.dma_semaphore, #tpu.memory_space<semaphore_mem>>)
      %dma_wait3A_182 = arith.constant 0 : i32
      %dma_wait3A_183 = tpu.memref_slice %arg6[%add3A_118, %dma_wait3A_182] : memref<10000x128xf32, #tpu.memory_space<vmem_shared>> -> memref<48x128xf32, #tpu.memory_space<vmem_shared>>
      %dma_wait3A_184 = arith.constant 0 : i32
      %dma_wait3A_185 = tpu.memref_slice %arg6[%add3A_118, %dma_wait3A_184] : memref<10000x128xf32, #tpu.memory_space<vmem_shared>> -> memref<48x128xf32, #tpu.memory_space<vmem_shared>>
      tpu.wait_dma2 semaphore(%run_scoped3A : memref<!tpu.dma_semaphore, #tpu.memory_space<semaphore_mem>>) src(%dma_wait3A_185 : memref<48x128xf32, #tpu.memory_space<vmem_shared>>) dst(%arg16 : memref<48x128xf32, #tpu.memory_space<vmem>>)
      tpu.yield
    }) : () -> ()
    %mul3A_119 = arith.constant 10000 : i32
    %mul3A_120 = arith.muli %arg0, %mul3A_119 : i32
    %add3A_121 = arith.addi %mul3A_120, %mul3A_7 : i32
    %add3A_122 = arith.constant 240 : i32
    %add3A_123 = arith.addi %add3A_121, %add3A_122 : i32
    "tpu.region"() ({
      %run_scoped3A = tpu.sem_alloc : memref<!tpu.dma_semaphore, #tpu.memory_space<semaphore_mem>>
      %dma_start3A_178 = arith.constant 0 : i32
      %dma_start3A_179 = tpu.memref_slice %arg5[%add3A_123, %dma_start3A_178] : memref<20000x128xf32, #tpu.memory_space<hbm>> -> memref<48x128xf32, #tpu.memory_space<hbm>>
      %dma_start3A_180 = arith.constant 0 : i32
      %dma_start3A_181 = tpu.memref_slice %arg5[%add3A_123, %dma_start3A_180] : memref<20000x128xf32, #tpu.memory_space<hbm>> -> memref<48x128xf32, #tpu.memory_space<hbm>>
      tpu.enqueue_dma source(%arg16 : memref<48x128xf32, #tpu.memory_space<vmem>>) target(%dma_start3A_181 : memref<48x128xf32, #tpu.memory_space<hbm>>) target_semaphore(%run_scoped3A : memref<!tpu.dma_semaphore, #tpu.memory_space<semaphore_mem>>)
      %dma_wait3A_182 = arith.constant 0 : i32
      %dma_wait3A_183 = tpu.memref_slice %arg5[%add3A_123, %dma_wait3A_182] : memref<20000x128xf32, #tpu.memory_space<hbm>> -> memref<48x128xf32, #tpu.memory_space<hbm>>
      %dma_wait3A_184 = arith.constant 0 : i32
      %dma_wait3A_185 = tpu.memref_slice %arg5[%add3A_123, %dma_wait3A_184] : memref<20000x128xf32, #tpu.memory_space<hbm>> -> memref<48x128xf32, #tpu.memory_space<hbm>>
      tpu.wait_dma2 semaphore(%run_scoped3A : memref<!tpu.dma_semaphore, #tpu.memory_space<semaphore_mem>>) src(%arg16 : memref<48x128xf32, #tpu.memory_space<vmem>>) dst(%dma_wait3A_185 : memref<48x128xf32, #tpu.memory_space<hbm>>)
      tpu.yield
    }) : () -> ()
    %add3A_124 = arith.constant 288 : i32
    %add3A_125 = arith.addi %mul3A_7, %add3A_124 : i32
    "tpu.region"() ({
      %run_scoped3A = tpu.sem_alloc : memref<!tpu.dma_semaphore, #tpu.memory_space<semaphore_mem>>
      %dma_start3A_178 = arith.constant 0 : i32
      %dma_start3A_179 = tpu.memref_slice %arg6[%add3A_125, %dma_start3A_178] : memref<10000x128xf32, #tpu.memory_space<vmem_shared>> -> memref<48x128xf32, #tpu.memory_space<vmem_shared>>
      %dma_start3A_180 = arith.constant 0 : i32
      %dma_start3A_181 = tpu.memref_slice %arg6[%add3A_125, %dma_start3A_180] : memref<10000x128xf32, #tpu.memory_space<vmem_shared>> -> memref<48x128xf32, #tpu.memory_space<vmem_shared>>
      tpu.enqueue_dma source(%dma_start3A_181 : memref<48x128xf32, #tpu.memory_space<vmem_shared>>) target(%arg16 : memref<48x128xf32, #tpu.memory_space<vmem>>) target_semaphore(%run_scoped3A : memref<!tpu.dma_semaphore, #tpu.memory_space<semaphore_mem>>)
      %dma_wait3A_182 = arith.constant 0 : i32
      %dma_wait3A_183 = tpu.memref_slice %arg6[%add3A_125, %dma_wait3A_182] : memref<10000x128xf32, #tpu.memory_space<vmem_shared>> -> memref<48x128xf32, #tpu.memory_space<vmem_shared>>
      %dma_wait3A_184 = arith.constant 0 : i32
      %dma_wait3A_185 = tpu.memref_slice %arg6[%add3A_125, %dma_wait3A_184] : memref<10000x128xf32, #tpu.memory_space<vmem_shared>> -> memref<48x128xf32, #tpu.memory_space<vmem_shared>>
      tpu.wait_dma2 semaphore(%run_scoped3A : memref<!tpu.dma_semaphore, #tpu.memory_space<semaphore_mem>>) src(%dma_wait3A_185 : memref<48x128xf32, #tpu.memory_space<vmem_shared>>) dst(%arg16 : memref<48x128xf32, #tpu.memory_space<vmem>>)
      tpu.yield
    }) : () -> ()
    %mul3A_126 = arith.constant 10000 : i32
    %mul3A_127 = arith.muli %arg0, %mul3A_126 : i32
    %add3A_128 = arith.addi %mul3A_127, %mul3A_7 : i32
    %add3A_129 = arith.constant 288 : i32
    %add3A_130 = arith.addi %add3A_128, %add3A_129 : i32
    "tpu.region"() ({
      %run_scoped3A = tpu.sem_alloc : memref<!tpu.dma_semaphore, #tpu.memory_space<semaphore_mem>>
      %dma_start3A_178 = arith.constant 0 : i32
      %dma_start3A_179 = tpu.memref_slice %arg5[%add3A_130, %dma_start3A_178] : memref<20000x128xf32, #tpu.memory_space<hbm>> -> memref<48x128xf32, #tpu.memory_space<hbm>>
      %dma_start3A_180 = arith.constant 0 : i32
      %dma_start3A_181 = tpu.memref_slice %arg5[%add3A_130, %dma_start3A_180] : memref<20000x128xf32, #tpu.memory_space<hbm>> -> memref<48x128xf32, #tpu.memory_space<hbm>>
      tpu.enqueue_dma source(%arg16 : memref<48x128xf32, #tpu.memory_space<vmem>>) target(%dma_start3A_181 : memref<48x128xf32, #tpu.memory_space<hbm>>) target_semaphore(%run_scoped3A : memref<!tpu.dma_semaphore, #tpu.memory_space<semaphore_mem>>)
      %dma_wait3A_182 = arith.constant 0 : i32
      %dma_wait3A_183 = tpu.memref_slice %arg5[%add3A_130, %dma_wait3A_182] : memref<20000x128xf32, #tpu.memory_space<hbm>> -> memref<48x128xf32, #tpu.memory_space<hbm>>
      %dma_wait3A_184 = arith.constant 0 : i32
      %dma_wait3A_185 = tpu.memref_slice %arg5[%add3A_130, %dma_wait3A_184] : memref<20000x128xf32, #tpu.memory_space<hbm>> -> memref<48x128xf32, #tpu.memory_space<hbm>>
      tpu.wait_dma2 semaphore(%run_scoped3A : memref<!tpu.dma_semaphore, #tpu.memory_space<semaphore_mem>>) src(%arg16 : memref<48x128xf32, #tpu.memory_space<vmem>>) dst(%dma_wait3A_185 : memref<48x128xf32, #tpu.memory_space<hbm>>)
      tpu.yield
    }) : () -> ()
    %add3A_131 = arith.constant 336 : i32
    %add3A_132 = arith.addi %mul3A_7, %add3A_131 : i32
    "tpu.region"() ({
      %run_scoped3A = tpu.sem_alloc : memref<!tpu.dma_semaphore, #tpu.memory_space<semaphore_mem>>
      %dma_start3A_178 = arith.constant 0 : i32
      %dma_start3A_179 = tpu.memref_slice %arg6[%add3A_132, %dma_start3A_178] : memref<10000x128xf32, #tpu.memory_space<vmem_shared>> -> memref<48x128xf32, #tpu.memory_space<vmem_shared>>
      %dma_start3A_180 = arith.constant 0 : i32
      %dma_start3A_181 = tpu.memref_slice %arg6[%add3A_132, %dma_start3A_180] : memref<10000x128xf32, #tpu.memory_space<vmem_shared>> -> memref<48x128xf32, #tpu.memory_space<vmem_shared>>
      tpu.enqueue_dma source(%dma_start3A_181 : memref<48x128xf32, #tpu.memory_space<vmem_shared>>) target(%arg16 : memref<48x128xf32, #tpu.memory_space<vmem>>) target_semaphore(%run_scoped3A : memref<!tpu.dma_semaphore, #tpu.memory_space<semaphore_mem>>)
      %dma_wait3A_182 = arith.constant 0 : i32
      %dma_wait3A_183 = tpu.memref_slice %arg6[%add3A_132, %dma_wait3A_182] : memref<10000x128xf32, #tpu.memory_space<vmem_shared>> -> memref<48x128xf32, #tpu.memory_space<vmem_shared>>
      %dma_wait3A_184 = arith.constant 0 : i32
      %dma_wait3A_185 = tpu.memref_slice %arg6[%add3A_132, %dma_wait3A_184] : memref<10000x128xf32, #tpu.memory_space<vmem_shared>> -> memref<48x128xf32, #tpu.memory_space<vmem_shared>>
      tpu.wait_dma2 semaphore(%run_scoped3A : memref<!tpu.dma_semaphore, #tpu.memory_space<semaphore_mem>>) src(%dma_wait3A_185 : memref<48x128xf32, #tpu.memory_space<vmem_shared>>) dst(%arg16 : memref<48x128xf32, #tpu.memory_space<vmem>>)
      tpu.yield
    }) : () -> ()
    %mul3A_133 = arith.constant 10000 : i32
    %mul3A_134 = arith.muli %arg0, %mul3A_133 : i32
    %add3A_135 = arith.addi %mul3A_134, %mul3A_7 : i32
    %add3A_136 = arith.constant 336 : i32
    %add3A_137 = arith.addi %add3A_135, %add3A_136 : i32
    "tpu.region"() ({
      %run_scoped3A = tpu.sem_alloc : memref<!tpu.dma_semaphore, #tpu.memory_space<semaphore_mem>>
      %dma_start3A_178 = arith.constant 0 : i32
      %dma_start3A_179 = tpu.memref_slice %arg5[%add3A_137, %dma_start3A_178] : memref<20000x128xf32, #tpu.memory_space<hbm>> -> memref<48x128xf32, #tpu.memory_space<hbm>>
      %dma_start3A_180 = arith.constant 0 : i32
      %dma_start3A_181 = tpu.memref_slice %arg5[%add3A_137, %dma_start3A_180] : memref<20000x128xf32, #tpu.memory_space<hbm>> -> memref<48x128xf32, #tpu.memory_space<hbm>>
      tpu.enqueue_dma source(%arg16 : memref<48x128xf32, #tpu.memory_space<vmem>>) target(%dma_start3A_181 : memref<48x128xf32, #tpu.memory_space<hbm>>) target_semaphore(%run_scoped3A : memref<!tpu.dma_semaphore, #tpu.memory_space<semaphore_mem>>)
      %dma_wait3A_182 = arith.constant 0 : i32
      %dma_wait3A_183 = tpu.memref_slice %arg5[%add3A_137, %dma_wait3A_182] : memref<20000x128xf32, #tpu.memory_space<hbm>> -> memref<48x128xf32, #tpu.memory_space<hbm>>
      %dma_wait3A_184 = arith.constant 0 : i32
      %dma_wait3A_185 = tpu.memref_slice %arg5[%add3A_137, %dma_wait3A_184] : memref<20000x128xf32, #tpu.memory_space<hbm>> -> memref<48x128xf32, #tpu.memory_space<hbm>>
      tpu.wait_dma2 semaphore(%run_scoped3A : memref<!tpu.dma_semaphore, #tpu.memory_space<semaphore_mem>>) src(%arg16 : memref<48x128xf32, #tpu.memory_space<vmem>>) dst(%dma_wait3A_185 : memref<48x128xf32, #tpu.memory_space<hbm>>)
      tpu.yield
    }) : () -> ()
    %add3A_138 = arith.constant 384 : i32
    %add3A_139 = arith.addi %mul3A_7, %add3A_138 : i32
    "tpu.region"() ({
      %run_scoped3A = tpu.sem_alloc : memref<!tpu.dma_semaphore, #tpu.memory_space<semaphore_mem>>
      %dma_start3A_178 = arith.constant 0 : i32
      %dma_start3A_179 = tpu.memref_slice %arg6[%add3A_139, %dma_start3A_178] : memref<10000x128xf32, #tpu.memory_space<vmem_shared>> -> memref<48x128xf32, #tpu.memory_space<vmem_shared>>
      %dma_start3A_180 = arith.constant 0 : i32
      %dma_start3A_181 = tpu.memref_slice %arg6[%add3A_139, %dma_start3A_180] : memref<10000x128xf32, #tpu.memory_space<vmem_shared>> -> memref<48x128xf32, #tpu.memory_space<vmem_shared>>
      tpu.enqueue_dma source(%dma_start3A_181 : memref<48x128xf32, #tpu.memory_space<vmem_shared>>) target(%arg16 : memref<48x128xf32, #tpu.memory_space<vmem>>) target_semaphore(%run_scoped3A : memref<!tpu.dma_semaphore, #tpu.memory_space<semaphore_mem>>)
      %dma_wait3A_182 = arith.constant 0 : i32
      %dma_wait3A_183 = tpu.memref_slice %arg6[%add3A_139, %dma_wait3A_182] : memref<10000x128xf32, #tpu.memory_space<vmem_shared>> -> memref<48x128xf32, #tpu.memory_space<vmem_shared>>
      %dma_wait3A_184 = arith.constant 0 : i32
      %dma_wait3A_185 = tpu.memref_slice %arg6[%add3A_139, %dma_wait3A_184] : memref<10000x128xf32, #tpu.memory_space<vmem_shared>> -> memref<48x128xf32, #tpu.memory_space<vmem_shared>>
      tpu.wait_dma2 semaphore(%run_scoped3A : memref<!tpu.dma_semaphore, #tpu.memory_space<semaphore_mem>>) src(%dma_wait3A_185 : memref<48x128xf32, #tpu.memory_space<vmem_shared>>) dst(%arg16 : memref<48x128xf32, #tpu.memory_space<vmem>>)
      tpu.yield
    }) : () -> ()
    %mul3A_140 = arith.constant 10000 : i32
    %mul3A_141 = arith.muli %arg0, %mul3A_140 : i32
    %add3A_142 = arith.addi %mul3A_141, %mul3A_7 : i32
    %add3A_143 = arith.constant 384 : i32
    %add3A_144 = arith.addi %add3A_142, %add3A_143 : i32
    "tpu.region"() ({
      %run_scoped3A = tpu.sem_alloc : memref<!tpu.dma_semaphore, #tpu.memory_space<semaphore_mem>>
      %dma_start3A_178 = arith.constant 0 : i32
      %dma_start3A_179 = tpu.memref_slice %arg5[%add3A_144, %dma_start3A_178] : memref<20000x128xf32, #tpu.memory_space<hbm>> -> memref<48x128xf32, #tpu.memory_space<hbm>>
      %dma_start3A_180 = arith.constant 0 : i32
      %dma_start3A_181 = tpu.memref_slice %arg5[%add3A_144, %dma_start3A_180] : memref<20000x128xf32, #tpu.memory_space<hbm>> -> memref<48x128xf32, #tpu.memory_space<hbm>>
      tpu.enqueue_dma source(%arg16 : memref<48x128xf32, #tpu.memory_space<vmem>>) target(%dma_start3A_181 : memref<48x128xf32, #tpu.memory_space<hbm>>) target_semaphore(%run_scoped3A : memref<!tpu.dma_semaphore, #tpu.memory_space<semaphore_mem>>)
      %dma_wait3A_182 = arith.constant 0 : i32
      %dma_wait3A_183 = tpu.memref_slice %arg5[%add3A_144, %dma_wait3A_182] : memref<20000x128xf32, #tpu.memory_space<hbm>> -> memref<48x128xf32, #tpu.memory_space<hbm>>
      %dma_wait3A_184 = arith.constant 0 : i32
      %dma_wait3A_185 = tpu.memref_slice %arg5[%add3A_144, %dma_wait3A_184] : memref<20000x128xf32, #tpu.memory_space<hbm>> -> memref<48x128xf32, #tpu.memory_space<hbm>>
      tpu.wait_dma2 semaphore(%run_scoped3A : memref<!tpu.dma_semaphore, #tpu.memory_space<semaphore_mem>>) src(%arg16 : memref<48x128xf32, #tpu.memory_space<vmem>>) dst(%dma_wait3A_185 : memref<48x128xf32, #tpu.memory_space<hbm>>)
      tpu.yield
    }) : () -> ()
    %add3A_145 = arith.constant 432 : i32
    %add3A_146 = arith.addi %mul3A_7, %add3A_145 : i32
    "tpu.region"() ({
      %run_scoped3A = tpu.sem_alloc : memref<!tpu.dma_semaphore, #tpu.memory_space<semaphore_mem>>
      %dma_start3A_178 = arith.constant 0 : i32
      %dma_start3A_179 = tpu.memref_slice %arg6[%add3A_146, %dma_start3A_178] : memref<10000x128xf32, #tpu.memory_space<vmem_shared>> -> memref<48x128xf32, #tpu.memory_space<vmem_shared>>
      %dma_start3A_180 = arith.constant 0 : i32
      %dma_start3A_181 = tpu.memref_slice %arg6[%add3A_146, %dma_start3A_180] : memref<10000x128xf32, #tpu.memory_space<vmem_shared>> -> memref<48x128xf32, #tpu.memory_space<vmem_shared>>
      tpu.enqueue_dma source(%dma_start3A_181 : memref<48x128xf32, #tpu.memory_space<vmem_shared>>) target(%arg16 : memref<48x128xf32, #tpu.memory_space<vmem>>) target_semaphore(%run_scoped3A : memref<!tpu.dma_semaphore, #tpu.memory_space<semaphore_mem>>)
      %dma_wait3A_182 = arith.constant 0 : i32
      %dma_wait3A_183 = tpu.memref_slice %arg6[%add3A_146, %dma_wait3A_182] : memref<10000x128xf32, #tpu.memory_space<vmem_shared>> -> memref<48x128xf32, #tpu.memory_space<vmem_shared>>
      %dma_wait3A_184 = arith.constant 0 : i32
      %dma_wait3A_185 = tpu.memref_slice %arg6[%add3A_146, %dma_wait3A_184] : memref<10000x128xf32, #tpu.memory_space<vmem_shared>> -> memref<48x128xf32, #tpu.memory_space<vmem_shared>>
      tpu.wait_dma2 semaphore(%run_scoped3A : memref<!tpu.dma_semaphore, #tpu.memory_space<semaphore_mem>>) src(%dma_wait3A_185 : memref<48x128xf32, #tpu.memory_space<vmem_shared>>) dst(%arg16 : memref<48x128xf32, #tpu.memory_space<vmem>>)
      tpu.yield
    }) : () -> ()
    %mul3A_147 = arith.constant 10000 : i32
    %mul3A_148 = arith.muli %arg0, %mul3A_147 : i32
    %add3A_149 = arith.addi %mul3A_148, %mul3A_7 : i32
    %add3A_150 = arith.constant 432 : i32
    %add3A_151 = arith.addi %add3A_149, %add3A_150 : i32
    "tpu.region"() ({
      %run_scoped3A = tpu.sem_alloc : memref<!tpu.dma_semaphore, #tpu.memory_space<semaphore_mem>>
      %dma_start3A_178 = arith.constant 0 : i32
      %dma_start3A_179 = tpu.memref_slice %arg5[%add3A_151, %dma_start3A_178] : memref<20000x128xf32, #tpu.memory_space<hbm>> -> memref<48x128xf32, #tpu.memory_space<hbm>>
      %dma_start3A_180 = arith.constant 0 : i32
      %dma_start3A_181 = tpu.memref_slice %arg5[%add3A_151, %dma_start3A_180] : memref<20000x128xf32, #tpu.memory_space<hbm>> -> memref<48x128xf32, #tpu.memory_space<hbm>>
      tpu.enqueue_dma source(%arg16 : memref<48x128xf32, #tpu.memory_space<vmem>>) target(%dma_start3A_181 : memref<48x128xf32, #tpu.memory_space<hbm>>) target_semaphore(%run_scoped3A : memref<!tpu.dma_semaphore, #tpu.memory_space<semaphore_mem>>)
      %dma_wait3A_182 = arith.constant 0 : i32
      %dma_wait3A_183 = tpu.memref_slice %arg5[%add3A_151, %dma_wait3A_182] : memref<20000x128xf32, #tpu.memory_space<hbm>> -> memref<48x128xf32, #tpu.memory_space<hbm>>
      %dma_wait3A_184 = arith.constant 0 : i32
      %dma_wait3A_185 = tpu.memref_slice %arg5[%add3A_151, %dma_wait3A_184] : memref<20000x128xf32, #tpu.memory_space<hbm>> -> memref<48x128xf32, #tpu.memory_space<hbm>>
      tpu.wait_dma2 semaphore(%run_scoped3A : memref<!tpu.dma_semaphore, #tpu.memory_space<semaphore_mem>>) src(%arg16 : memref<48x128xf32, #tpu.memory_space<vmem>>) dst(%dma_wait3A_185 : memref<48x128xf32, #tpu.memory_space<hbm>>)
      tpu.yield
    }) : () -> ()
    %add3A_152 = arith.constant 480 : i32
    %add3A_153 = arith.addi %mul3A_7, %add3A_152 : i32
    "tpu.region"() ({
      %run_scoped3A = tpu.sem_alloc : memref<!tpu.dma_semaphore, #tpu.memory_space<semaphore_mem>>
      %dma_start3A_178 = arith.constant 0 : i32
      %dma_start3A_179 = tpu.memref_slice %arg6[%add3A_153, %dma_start3A_178] : memref<10000x128xf32, #tpu.memory_space<vmem_shared>> -> memref<48x128xf32, #tpu.memory_space<vmem_shared>>
      %dma_start3A_180 = arith.constant 0 : i32
      %dma_start3A_181 = tpu.memref_slice %arg6[%add3A_153, %dma_start3A_180] : memref<10000x128xf32, #tpu.memory_space<vmem_shared>> -> memref<48x128xf32, #tpu.memory_space<vmem_shared>>
      tpu.enqueue_dma source(%dma_start3A_181 : memref<48x128xf32, #tpu.memory_space<vmem_shared>>) target(%arg16 : memref<48x128xf32, #tpu.memory_space<vmem>>) target_semaphore(%run_scoped3A : memref<!tpu.dma_semaphore, #tpu.memory_space<semaphore_mem>>)
      %dma_wait3A_182 = arith.constant 0 : i32
      %dma_wait3A_183 = tpu.memref_slice %arg6[%add3A_153, %dma_wait3A_182] : memref<10000x128xf32, #tpu.memory_space<vmem_shared>> -> memref<48x128xf32, #tpu.memory_space<vmem_shared>>
      %dma_wait3A_184 = arith.constant 0 : i32
      %dma_wait3A_185 = tpu.memref_slice %arg6[%add3A_153, %dma_wait3A_184] : memref<10000x128xf32, #tpu.memory_space<vmem_shared>> -> memref<48x128xf32, #tpu.memory_space<vmem_shared>>
      tpu.wait_dma2 semaphore(%run_scoped3A : memref<!tpu.dma_semaphore, #tpu.memory_space<semaphore_mem>>) src(%dma_wait3A_185 : memref<48x128xf32, #tpu.memory_space<vmem_shared>>) dst(%arg16 : memref<48x128xf32, #tpu.memory_space<vmem>>)
      tpu.yield
    }) : () -> ()
    %mul3A_154 = arith.constant 10000 : i32
    %mul3A_155 = arith.muli %arg0, %mul3A_154 : i32
    %add3A_156 = arith.addi %mul3A_155, %mul3A_7 : i32
    %add3A_157 = arith.constant 480 : i32
    %add3A_158 = arith.addi %add3A_156, %add3A_157 : i32
    "tpu.region"() ({
      %run_scoped3A = tpu.sem_alloc : memref<!tpu.dma_semaphore, #tpu.memory_space<semaphore_mem>>
      %dma_start3A_178 = arith.constant 0 : i32
      %dma_start3A_179 = tpu.memref_slice %arg5[%add3A_158, %dma_start3A_178] : memref<20000x128xf32, #tpu.memory_space<hbm>> -> memref<48x128xf32, #tpu.memory_space<hbm>>
      %dma_start3A_180 = arith.constant 0 : i32
      %dma_start3A_181 = tpu.memref_slice %arg5[%add3A_158, %dma_start3A_180] : memref<20000x128xf32, #tpu.memory_space<hbm>> -> memref<48x128xf32, #tpu.memory_space<hbm>>
      tpu.enqueue_dma source(%arg16 : memref<48x128xf32, #tpu.memory_space<vmem>>) target(%dma_start3A_181 : memref<48x128xf32, #tpu.memory_space<hbm>>) target_semaphore(%run_scoped3A : memref<!tpu.dma_semaphore, #tpu.memory_space<semaphore_mem>>)
      %dma_wait3A_182 = arith.constant 0 : i32
      %dma_wait3A_183 = tpu.memref_slice %arg5[%add3A_158, %dma_wait3A_182] : memref<20000x128xf32, #tpu.memory_space<hbm>> -> memref<48x128xf32, #tpu.memory_space<hbm>>
      %dma_wait3A_184 = arith.constant 0 : i32
      %dma_wait3A_185 = tpu.memref_slice %arg5[%add3A_158, %dma_wait3A_184] : memref<20000x128xf32, #tpu.memory_space<hbm>> -> memref<48x128xf32, #tpu.memory_space<hbm>>
      tpu.wait_dma2 semaphore(%run_scoped3A : memref<!tpu.dma_semaphore, #tpu.memory_space<semaphore_mem>>) src(%arg16 : memref<48x128xf32, #tpu.memory_space<vmem>>) dst(%dma_wait3A_185 : memref<48x128xf32, #tpu.memory_space<hbm>>)
      tpu.yield
    }) : () -> ()
    %add3A_159 = arith.constant 528 : i32
    %add3A_160 = arith.addi %mul3A_7, %add3A_159 : i32
    "tpu.region"() ({
      %run_scoped3A = tpu.sem_alloc : memref<!tpu.dma_semaphore, #tpu.memory_space<semaphore_mem>>
      %dma_start3A_178 = arith.constant 0 : i32
      %dma_start3A_179 = tpu.memref_slice %arg6[%add3A_160, %dma_start3A_178] : memref<10000x128xf32, #tpu.memory_space<vmem_shared>> -> memref<48x128xf32, #tpu.memory_space<vmem_shared>>
      %dma_start3A_180 = arith.constant 0 : i32
      %dma_start3A_181 = tpu.memref_slice %arg6[%add3A_160, %dma_start3A_180] : memref<10000x128xf32, #tpu.memory_space<vmem_shared>> -> memref<48x128xf32, #tpu.memory_space<vmem_shared>>
      tpu.enqueue_dma source(%dma_start3A_181 : memref<48x128xf32, #tpu.memory_space<vmem_shared>>) target(%arg16 : memref<48x128xf32, #tpu.memory_space<vmem>>) target_semaphore(%run_scoped3A : memref<!tpu.dma_semaphore, #tpu.memory_space<semaphore_mem>>)
      %dma_wait3A_182 = arith.constant 0 : i32
      %dma_wait3A_183 = tpu.memref_slice %arg6[%add3A_160, %dma_wait3A_182] : memref<10000x128xf32, #tpu.memory_space<vmem_shared>> -> memref<48x128xf32, #tpu.memory_space<vmem_shared>>
      %dma_wait3A_184 = arith.constant 0 : i32
      %dma_wait3A_185 = tpu.memref_slice %arg6[%add3A_160, %dma_wait3A_184] : memref<10000x128xf32, #tpu.memory_space<vmem_shared>> -> memref<48x128xf32, #tpu.memory_space<vmem_shared>>
      tpu.wait_dma2 semaphore(%run_scoped3A : memref<!tpu.dma_semaphore, #tpu.memory_space<semaphore_mem>>) src(%dma_wait3A_185 : memref<48x128xf32, #tpu.memory_space<vmem_shared>>) dst(%arg16 : memref<48x128xf32, #tpu.memory_space<vmem>>)
      tpu.yield
    }) : () -> ()
    %mul3A_161 = arith.constant 10000 : i32
    %mul3A_162 = arith.muli %arg0, %mul3A_161 : i32
    %add3A_163 = arith.addi %mul3A_162, %mul3A_7 : i32
    %add3A_164 = arith.constant 528 : i32
    %add3A_165 = arith.addi %add3A_163, %add3A_164 : i32
    "tpu.region"() ({
      %run_scoped3A = tpu.sem_alloc : memref<!tpu.dma_semaphore, #tpu.memory_space<semaphore_mem>>
      %dma_start3A_178 = arith.constant 0 : i32
      %dma_start3A_179 = tpu.memref_slice %arg5[%add3A_165, %dma_start3A_178] : memref<20000x128xf32, #tpu.memory_space<hbm>> -> memref<48x128xf32, #tpu.memory_space<hbm>>
      %dma_start3A_180 = arith.constant 0 : i32
      %dma_start3A_181 = tpu.memref_slice %arg5[%add3A_165, %dma_start3A_180] : memref<20000x128xf32, #tpu.memory_space<hbm>> -> memref<48x128xf32, #tpu.memory_space<hbm>>
      tpu.enqueue_dma source(%arg16 : memref<48x128xf32, #tpu.memory_space<vmem>>) target(%dma_start3A_181 : memref<48x128xf32, #tpu.memory_space<hbm>>) target_semaphore(%run_scoped3A : memref<!tpu.dma_semaphore, #tpu.memory_space<semaphore_mem>>)
      %dma_wait3A_182 = arith.constant 0 : i32
      %dma_wait3A_183 = tpu.memref_slice %arg5[%add3A_165, %dma_wait3A_182] : memref<20000x128xf32, #tpu.memory_space<hbm>> -> memref<48x128xf32, #tpu.memory_space<hbm>>
      %dma_wait3A_184 = arith.constant 0 : i32
      %dma_wait3A_185 = tpu.memref_slice %arg5[%add3A_165, %dma_wait3A_184] : memref<20000x128xf32, #tpu.memory_space<hbm>> -> memref<48x128xf32, #tpu.memory_space<hbm>>
      tpu.wait_dma2 semaphore(%run_scoped3A : memref<!tpu.dma_semaphore, #tpu.memory_space<semaphore_mem>>) src(%arg16 : memref<48x128xf32, #tpu.memory_space<vmem>>) dst(%dma_wait3A_185 : memref<48x128xf32, #tpu.memory_space<hbm>>)
      tpu.yield
    }) : () -> ()
    %add3A_166 = arith.constant 576 : i32
    %add3A_167 = arith.addi %mul3A_7, %add3A_166 : i32
    "tpu.region"() ({
      %run_scoped3A = tpu.sem_alloc : memref<!tpu.dma_semaphore, #tpu.memory_space<semaphore_mem>>
      %dma_start3A_178 = arith.constant 0 : i32
      %dma_start3A_179 = tpu.memref_slice %arg6[%add3A_167, %dma_start3A_178] : memref<10000x128xf32, #tpu.memory_space<vmem_shared>> -> memref<48x128xf32, #tpu.memory_space<vmem_shared>>
      %dma_start3A_180 = arith.constant 0 : i32
      %dma_start3A_181 = tpu.memref_slice %arg6[%add3A_167, %dma_start3A_180] : memref<10000x128xf32, #tpu.memory_space<vmem_shared>> -> memref<48x128xf32, #tpu.memory_space<vmem_shared>>
      tpu.enqueue_dma source(%dma_start3A_181 : memref<48x128xf32, #tpu.memory_space<vmem_shared>>) target(%arg16 : memref<48x128xf32, #tpu.memory_space<vmem>>) target_semaphore(%run_scoped3A : memref<!tpu.dma_semaphore, #tpu.memory_space<semaphore_mem>>)
      %dma_wait3A_182 = arith.constant 0 : i32
      %dma_wait3A_183 = tpu.memref_slice %arg6[%add3A_167, %dma_wait3A_182] : memref<10000x128xf32, #tpu.memory_space<vmem_shared>> -> memref<48x128xf32, #tpu.memory_space<vmem_shared>>
      %dma_wait3A_184 = arith.constant 0 : i32
      %dma_wait3A_185 = tpu.memref_slice %arg6[%add3A_167, %dma_wait3A_184] : memref<10000x128xf32, #tpu.memory_space<vmem_shared>> -> memref<48x128xf32, #tpu.memory_space<vmem_shared>>
      tpu.wait_dma2 semaphore(%run_scoped3A : memref<!tpu.dma_semaphore, #tpu.memory_space<semaphore_mem>>) src(%dma_wait3A_185 : memref<48x128xf32, #tpu.memory_space<vmem_shared>>) dst(%arg16 : memref<48x128xf32, #tpu.memory_space<vmem>>)
      tpu.yield
    }) : () -> ()
    %mul3A_168 = arith.constant 10000 : i32
    %mul3A_169 = arith.muli %arg0, %mul3A_168 : i32
    %add3A_170 = arith.addi %mul3A_169, %mul3A_7 : i32
    %add3A_171 = arith.constant 576 : i32
    %add3A_172 = arith.addi %add3A_170, %add3A_171 : i32
    "tpu.region"() ({
      %run_scoped3A = tpu.sem_alloc : memref<!tpu.dma_semaphore, #tpu.memory_space<semaphore_mem>>
      %dma_start3A_178 = arith.constant 0 : i32
      %dma_start3A_179 = tpu.memref_slice %arg5[%add3A_172, %dma_start3A_178] : memref<20000x128xf32, #tpu.memory_space<hbm>> -> memref<48x128xf32, #tpu.memory_space<hbm>>
      %dma_start3A_180 = arith.constant 0 : i32
      %dma_start3A_181 = tpu.memref_slice %arg5[%add3A_172, %dma_start3A_180] : memref<20000x128xf32, #tpu.memory_space<hbm>> -> memref<48x128xf32, #tpu.memory_space<hbm>>
      tpu.enqueue_dma source(%arg16 : memref<48x128xf32, #tpu.memory_space<vmem>>) target(%dma_start3A_181 : memref<48x128xf32, #tpu.memory_space<hbm>>) target_semaphore(%run_scoped3A : memref<!tpu.dma_semaphore, #tpu.memory_space<semaphore_mem>>)
      %dma_wait3A_182 = arith.constant 0 : i32
      %dma_wait3A_183 = tpu.memref_slice %arg5[%add3A_172, %dma_wait3A_182] : memref<20000x128xf32, #tpu.memory_space<hbm>> -> memref<48x128xf32, #tpu.memory_space<hbm>>
      %dma_wait3A_184 = arith.constant 0 : i32
      %dma_wait3A_185 = tpu.memref_slice %arg5[%add3A_172, %dma_wait3A_184] : memref<20000x128xf32, #tpu.memory_space<hbm>> -> memref<48x128xf32, #tpu.memory_space<hbm>>
      tpu.wait_dma2 semaphore(%run_scoped3A : memref<!tpu.dma_semaphore, #tpu.memory_space<semaphore_mem>>) src(%arg16 : memref<48x128xf32, #tpu.memory_space<vmem>>) dst(%dma_wait3A_185 : memref<48x128xf32, #tpu.memory_space<hbm>>)
      tpu.yield
    }) : () -> ()
    %eq3A_173 = arith.constant 0 : i32
    %eq3A_174 = arith.cmpi eq, %arg1, %eq3A_173 : i32
    %convert_element_type3A_175 = arith.extui %eq3A_174 : i1 to i32
    %cond3A_176 = arith.constant 0 : i32
    %cond3A_177 = arith.cmpi ne, %convert_element_type3A_175, %cond3A_176 : i32
    scf.if %cond3A_177 {
      "tpu.region"() ({
        %run_scoped3A = tpu.sem_alloc : memref<!tpu.dma_semaphore, #tpu.memory_space<semaphore_mem>>
        %dma_start3A_182 = arith.constant 0 : i32
        %dma_start3A_183 = arith.constant 0 : i32
        %dma_start3A_184 = tpu.memref_slice %arg16[%dma_start3A_182, %dma_start3A_183] : memref<48x128xf32, #tpu.memory_space<vmem>> -> memref<16x128xf32, #tpu.memory_space<vmem>>
        %dma_start3A_185 = arith.constant 9984 : i32
        %dma_start3A_186 = arith.constant 0 : i32
        %dma_start3A_187 = tpu.memref_slice %arg6[%dma_start3A_185, %dma_start3A_186] : memref<10000x128xf32, #tpu.memory_space<vmem_shared>> -> memref<16x128xf32, #tpu.memory_space<vmem_shared>>
        %dma_start3A_188 = arith.constant 0 : i32
        %dma_start3A_189 = arith.constant 0 : i32
        %dma_start3A_190 = tpu.memref_slice %arg16[%dma_start3A_188, %dma_start3A_189] : memref<48x128xf32, #tpu.memory_space<vmem>> -> memref<16x128xf32, #tpu.memory_space<vmem>>
        %dma_start3A_191 = arith.constant 9984 : i32
        %dma_start3A_192 = arith.constant 0 : i32
        %dma_start3A_193 = tpu.memref_slice %arg6[%dma_start3A_191, %dma_start3A_192] : memref<10000x128xf32, #tpu.memory_space<vmem_shared>> -> memref<16x128xf32, #tpu.memory_space<vmem_shared>>
        tpu.enqueue_dma source(%dma_start3A_193 : memref<16x128xf32, #tpu.memory_space<vmem_shared>>) target(%dma_start3A_190 : memref<16x128xf32, #tpu.memory_space<vmem>>) target_semaphore(%run_scoped3A : memref<!tpu.dma_semaphore, #tpu.memory_space<semaphore_mem>>)
        %dma_wait3A_194 = arith.constant 0 : i32
        %dma_wait3A_195 = arith.constant 0 : i32
        %dma_wait3A_196 = tpu.memref_slice %arg16[%dma_wait3A_194, %dma_wait3A_195] : memref<48x128xf32, #tpu.memory_space<vmem>> -> memref<16x128xf32, #tpu.memory_space<vmem>>
        %dma_wait3A_197 = arith.constant 9984 : i32
        %dma_wait3A_198 = arith.constant 0 : i32
        %dma_wait3A_199 = tpu.memref_slice %arg6[%dma_wait3A_197, %dma_wait3A_198] : memref<10000x128xf32, #tpu.memory_space<vmem_shared>> -> memref<16x128xf32, #tpu.memory_space<vmem_shared>>
        %dma_wait3A_200 = arith.constant 0 : i32
        %dma_wait3A_201 = arith.constant 0 : i32
        %dma_wait3A_202 = tpu.memref_slice %arg16[%dma_wait3A_200, %dma_wait3A_201] : memref<48x128xf32, #tpu.memory_space<vmem>> -> memref<16x128xf32, #tpu.memory_space<vmem>>
        %dma_wait3A_203 = arith.constant 9984 : i32
        %dma_wait3A_204 = arith.constant 0 : i32
        %dma_wait3A_205 = tpu.memref_slice %arg6[%dma_wait3A_203, %dma_wait3A_204] : memref<10000x128xf32, #tpu.memory_space<vmem_shared>> -> memref<16x128xf32, #tpu.memory_space<vmem_shared>>
        tpu.wait_dma2 semaphore(%run_scoped3A : memref<!tpu.dma_semaphore, #tpu.memory_space<semaphore_mem>>) src(%dma_wait3A_205 : memref<16x128xf32, #tpu.memory_space<vmem_shared>>) dst(%dma_wait3A_202 : memref<16x128xf32, #tpu.memory_space<vmem>>)
        tpu.yield
      }) : () -> ()
      %mul3A_178 = arith.constant 10000 : i32
      %mul3A_179 = arith.muli %arg0, %mul3A_178 : i32
      %add3A_180 = arith.constant 9984 : i32
      %add3A_181 = arith.addi %mul3A_179, %add3A_180 : i32
      "tpu.region"() ({
        %run_scoped3A = tpu.sem_alloc : memref<!tpu.dma_semaphore, #tpu.memory_space<semaphore_mem>>
        %dma_start3A_182 = arith.constant 0 : i32
        %dma_start3A_183 = arith.constant 0 : i32
        %dma_start3A_184 = tpu.memref_slice %arg16[%dma_start3A_182, %dma_start3A_183] : memref<48x128xf32, #tpu.memory_space<vmem>> -> memref<16x128xf32, #tpu.memory_space<vmem>>
        %dma_start3A_185 = arith.constant 0 : i32
        %dma_start3A_186 = tpu.memref_slice %arg5[%add3A_181, %dma_start3A_185] : memref<20000x128xf32, #tpu.memory_space<hbm>> -> memref<16x128xf32, #tpu.memory_space<hbm>>
        %dma_start3A_187 = arith.constant 0 : i32
        %dma_start3A_188 = tpu.memref_slice %arg5[%add3A_181, %dma_start3A_187] : memref<20000x128xf32, #tpu.memory_space<hbm>> -> memref<16x128xf32, #tpu.memory_space<hbm>>
        %dma_start3A_189 = arith.constant 0 : i32
        %dma_start3A_190 = arith.constant 0 : i32
        %dma_start3A_191 = tpu.memref_slice %arg16[%dma_start3A_189, %dma_start3A_190] : memref<48x128xf32, #tpu.memory_space<vmem>> -> memref<16x128xf32, #tpu.memory_space<vmem>>
        tpu.enqueue_dma source(%dma_start3A_191 : memref<16x128xf32, #tpu.memory_space<vmem>>) target(%dma_start3A_188 : memref<16x128xf32, #tpu.memory_space<hbm>>) target_semaphore(%run_scoped3A : memref<!tpu.dma_semaphore, #tpu.memory_space<semaphore_mem>>)
        %dma_wait3A_192 = arith.constant 0 : i32
        %dma_wait3A_193 = arith.constant 0 : i32
        %dma_wait3A_194 = tpu.memref_slice %arg16[%dma_wait3A_192, %dma_wait3A_193] : memref<48x128xf32, #tpu.memory_space<vmem>> -> memref<16x128xf32, #tpu.memory_space<vmem>>
        %dma_wait3A_195 = arith.constant 0 : i32
        %dma_wait3A_196 = tpu.memref_slice %arg5[%add3A_181, %dma_wait3A_195] : memref<20000x128xf32, #tpu.memory_space<hbm>> -> memref<16x128xf32, #tpu.memory_space<hbm>>
        %dma_wait3A_197 = arith.constant 0 : i32
        %dma_wait3A_198 = tpu.memref_slice %arg5[%add3A_181, %dma_wait3A_197] : memref<20000x128xf32, #tpu.memory_space<hbm>> -> memref<16x128xf32, #tpu.memory_space<hbm>>
        %dma_wait3A_199 = arith.constant 0 : i32
        %dma_wait3A_200 = arith.constant 0 : i32
        %dma_wait3A_201 = tpu.memref_slice %arg16[%dma_wait3A_199, %dma_wait3A_200] : memref<48x128xf32, #tpu.memory_space<vmem>> -> memref<16x128xf32, #tpu.memory_space<vmem>>
        tpu.wait_dma2 semaphore(%run_scoped3A : memref<!tpu.dma_semaphore, #tpu.memory_space<semaphore_mem>>) src(%dma_wait3A_201 : memref<16x128xf32, #tpu.memory_space<vmem>>) dst(%dma_wait3A_198 : memref<16x128xf32, #tpu.memory_space<hbm>>)
        tpu.yield
      }) : () -> ()
    } else {
    }
    return
  }
}

module attributes {stable_mosaic.version = 14 : i64} {
  func.func @_prep_body(%arg0: i32, %arg1: memref<80x128xf32, #tpu.memory_space<vmem>>, %arg2: memref<80x16xf32, #tpu.memory_space<vmem>>, %arg3: memref<80x16xf32, #tpu.memory_space<vmem>>, %arg4: memref<128x128xf32, #tpu.memory_space<vmem>>, %arg5: memref<128x128xf32, #tpu.memory_space<vmem>>, %arg6: memref<2x80x128xf32, #tpu.memory_space<vmem>>, %arg7: memref<80x16xf32, #tpu.memory_space<vmem>>, %arg8: memref<80x16xf32, #tpu.memory_space<vmem>>) attributes {dimension_semantics = [#tpu.dimension_semantics<arbitrary>], iteration_bounds = array<i64: 125>, scalar_prefetch = 0 : i64, scratch_operands = 0 : i64, tpu.core_type = #tpu.core_type<tc>, window_params = [{transform_indices = @transform_0, window_bounds = array<i64: 80, 128>}, {transform_indices = @transform_1, window_bounds = array<i64: 80, 16>}, {transform_indices = @transform_2, window_bounds = array<i64: 80, 16>}, {pipeline_mode = #tpu.pipeline_mode<synchronous>, transform_indices = @transform_3, window_bounds = array<i64: 128, 128>}, {pipeline_mode = #tpu.pipeline_mode<synchronous>, transform_indices = @transform_4, window_bounds = array<i64: 128, 128>}, {transform_indices = @transform_5, window_bounds = array<i64: 2, 80, 128>}, {transform_indices = @transform_6, window_bounds = array<i64: 80, 16>}, {transform_indices = @transform_7, window_bounds = array<i64: 80, 16>}]} {
    %get3A = arith.constant 0 : index
    %get3A_0 = arith.constant 0 : index
    %get3A_1 = vector.load %arg2[%get3A, %get3A_0] : memref<80x16xf32, #tpu.memory_space<vmem>>, vector<80x16xf32>
    %max3A = arith.constant 1.000000e+00 : f32
    %max3A_2 = vector.broadcast %max3A : f32 to vector<80x16xf32>
    %max3A_3 = arith.maximumf %get3A_1, %max3A_2 : vector<80x16xf32>
    %rsqrt3A = math.rsqrt %max3A_3 : vector<80x16xf32>
    %get3A_4 = arith.constant 0 : index
    %get3A_5 = arith.constant 0 : index
    %get3A_6 = vector.load %arg3[%get3A_4, %get3A_5] : memref<80x16xf32, #tpu.memory_space<vmem>>, vector<80x16xf32>
    %max3A_7 = arith.constant 1.000000e+00 : f32
    %max3A_8 = vector.broadcast %max3A_7 : f32 to vector<80x16xf32>
    %max3A_9 = arith.maximumf %get3A_6, %max3A_8 : vector<80x16xf32>
    %rsqrt3A_10 = math.rsqrt %max3A_9 : vector<80x16xf32>
    %swap3A = arith.constant 0 : index
    %swap3A_11 = arith.constant 0 : index
    %swap3A_12 = vector.load %arg7[%swap3A, %swap3A_11] : memref<80x16xf32, #tpu.memory_space<vmem>>, vector<80x16xf32>
    tpu.vector_store %arg7[%swap3A, %swap3A_11], %rsqrt3A {strides = array<i32>} : memref<80x16xf32, #tpu.memory_space<vmem>>, vector<80x16xf32>,
    %swap3A_13 = arith.constant 0 : index
    %swap3A_14 = arith.constant 0 : index
    %swap3A_15 = vector.load %arg8[%swap3A_13, %swap3A_14] : memref<80x16xf32, #tpu.memory_space<vmem>>, vector<80x16xf32>
    tpu.vector_store %arg8[%swap3A_13, %swap3A_14], %rsqrt3A_10 {strides = array<i32>} : memref<80x16xf32, #tpu.memory_space<vmem>>, vector<80x16xf32>,
    %get3A_16 = arith.constant 0 : index
    %get3A_17 = arith.constant 0 : index
    %get3A_18 = vector.load %arg1[%get3A_16, %get3A_17] : memref<80x128xf32, #tpu.memory_space<vmem>>, vector<80x128xf32>
    %slice3A = vector.extract_strided_slice %rsqrt3A {offsets = [0, 0], sizes = [80, 1], strides = [1, 1]} : vector<80x16xf32> to vector<80x1xf32>
    %mul3A = vector.broadcast %slice3A : vector<80x1xf32> to vector<80x128xf32>
    %mul3A_19 = arith.mulf %get3A_18, %mul3A : vector<80x128xf32>
    %get3A_20 = arith.constant 0 : index
    %get3A_21 = arith.constant 0 : index
    %get3A_22 = vector.load %arg4[%get3A_20, %get3A_21] : memref<128x128xf32, #tpu.memory_space<vmem>>, vector<128x128xf32>
    %dot_general3A = arith.constant dense<0.000000e+00> : vector<80x128xf32>
    %dot_general3A_23 = tpu.matmul %mul3A_19, %get3A_22, %dot_general3A {dimension_numbers = #tpu.dot_dimension_numbers<[1], [0], [0], [1], [0, 0, 1, 1], [], []>, transpose_lhs_hint = false} : vector<80x128xf32>, vector<128x128xf32>, vector<80x128xf32> -> vector<80x128xf32>
    %swap3A_24 = arith.constant 0 : index
    %swap3A_25 = arith.constant 0 : index
    %swap3A_26 = arith.constant 0 : index
    %swap3A_27 = vector.load %arg6[%swap3A_24, %swap3A_25, %swap3A_26] : memref<2x80x128xf32, #tpu.memory_space<vmem>>, vector<1x80x128xf32>
    %swap3A_28 = vector.shape_cast %swap3A_27 : vector<1x80x128xf32> to vector<80x128xf32>
    %swap3A_29 = vector.shape_cast %dot_general3A_23 : vector<80x128xf32> to vector<1x80x128xf32>
    tpu.vector_store %arg6[%swap3A_24, %swap3A_25, %swap3A_26], %swap3A_29 {strides = array<i32>} : memref<2x80x128xf32, #tpu.memory_space<vmem>>, vector<1x80x128xf32>,
    %slice3A_30 = vector.extract_strided_slice %rsqrt3A_10 {offsets = [0, 0], sizes = [80, 1], strides = [1, 1]} : vector<80x16xf32> to vector<80x1xf32>
    %mul3A_31 = vector.broadcast %slice3A_30 : vector<80x1xf32> to vector<80x128xf32>
    %mul3A_32 = arith.mulf %get3A_18, %mul3A_31 : vector<80x128xf32>
    %get3A_33 = arith.constant 0 : index
    %get3A_34 = arith.constant 0 : index
    %get3A_35 = vector.load %arg5[%get3A_33, %get3A_34] : memref<128x128xf32, #tpu.memory_space<vmem>>, vector<128x128xf32>
    %dot_general3A_36 = arith.constant dense<0.000000e+00> : vector<80x128xf32>
    %dot_general3A_37 = tpu.matmul %mul3A_32, %get3A_35, %dot_general3A_36 {dimension_numbers = #tpu.dot_dimension_numbers<[1], [0], [0], [1], [0, 0, 1, 1], [], []>, transpose_lhs_hint = false} : vector<80x128xf32>, vector<128x128xf32>, vector<80x128xf32> -> vector<80x128xf32>
    %swap3A_38 = arith.constant 1 : index
    %swap3A_39 = arith.constant 0 : index
    %swap3A_40 = arith.constant 0 : index
    %swap3A_41 = vector.load %arg6[%swap3A_38, %swap3A_39, %swap3A_40] : memref<2x80x128xf32, #tpu.memory_space<vmem>>, vector<1x80x128xf32>
    %swap3A_42 = vector.shape_cast %swap3A_41 : vector<1x80x128xf32> to vector<80x128xf32>
    %swap3A_43 = vector.shape_cast %dot_general3A_37 : vector<80x128xf32> to vector<1x80x128xf32>
    tpu.vector_store %arg6[%swap3A_38, %swap3A_39, %swap3A_40], %swap3A_43 {strides = array<i32>} : memref<2x80x128xf32, #tpu.memory_space<vmem>>, vector<1x80x128xf32>,
    return
  }
  func.func @transform_0(%arg0: i32) -> (i32, i32) {
    %c0_i32 = arith.constant 0 : i32
    %c0_i32_0 = arith.constant 0 : i32
    return %arg0, %c0_i32 : i32, i32
  }
  func.func @transform_1(%arg0: i32) -> (i32, i32) {
    %add3A = arith.constant 0 : i32
    %add3A_0 = arith.addi %arg0, %add3A : i32
    %c0_i32 = arith.constant 0 : i32
    %c0_i32_1 = arith.constant 0 : i32
    return %add3A_0, %c0_i32 : i32, i32
  }
  func.func @transform_2(%arg0: i32) -> (i32, i32) {
    %add3A = arith.constant 125 : i32
    %add3A_0 = arith.addi %arg0, %add3A : i32
    %c0_i32 = arith.constant 0 : i32
    %c0_i32_1 = arith.constant 0 : i32
    return %add3A_0, %c0_i32 : i32, i32
  }
  func.func @transform_3(%arg0: i32) -> (i32, i32) {
    %c0_i32 = arith.constant 0 : i32
    %c0_i32_0 = arith.constant 0 : i32
    %c0_i32_1 = arith.constant 0 : i32
    return %c0_i32, %c0_i32_0 : i32, i32
  }
  func.func @transform_4(%arg0: i32) -> (i32, i32) {
    %c0_i32 = arith.constant 0 : i32
    %c0_i32_0 = arith.constant 0 : i32
    %c0_i32_1 = arith.constant 0 : i32
    return %c0_i32, %c0_i32_0 : i32, i32
  }
  func.func @transform_5(%arg0: i32) -> (i32, i32, i32) {
    %c0_i32 = arith.constant 0 : i32
    %c0_i32_0 = arith.constant 0 : i32
    %c0_i32_1 = arith.constant 0 : i32
    return %c0_i32, %arg0, %c0_i32_0 : i32, i32, i32
  }
  func.func @transform_6(%arg0: i32) -> (i32, i32) {
    %c0_i32 = arith.constant 0 : i32
    %c0_i32_0 = arith.constant 0 : i32
    return %arg0, %c0_i32 : i32, i32
  }
  func.func @transform_7(%arg0: i32) -> (i32, i32) {
    %c0_i32 = arith.constant 0 : i32
    %c0_i32_0 = arith.constant 0 : i32
    return %arg0, %c0_i32 : i32, i32
  }
}

module attributes {stable_mosaic.version = 14 : i64} {
  func.func @_mid_body(%arg0: i32, %arg1: memref<80x128xf32, #tpu.memory_space<vmem>>, %arg2: memref<80x128xf32, #tpu.memory_space<vmem>>, %arg3: memref<80x16xf32, #tpu.memory_space<vmem>>, %arg4: memref<80x16xf32, #tpu.memory_space<vmem>>, %arg5: memref<8x128xf32, #tpu.memory_space<vmem>>, %arg6: memref<8x128xf32, #tpu.memory_space<vmem>>, %arg7: memref<128x128xf32, #tpu.memory_space<vmem>>, %arg8: memref<128x128xf32, #tpu.memory_space<vmem>>, %arg9: memref<2x80x128xf32, #tpu.memory_space<vmem>>) attributes {dimension_semantics = [#tpu.dimension_semantics<arbitrary>], iteration_bounds = array<i64: 125>, scalar_prefetch = 0 : i64, scratch_operands = 0 : i64, tpu.core_type = #tpu.core_type<tc>, window_params = [{transform_indices = @transform_0, window_bounds = array<i64: 80, 128>}, {transform_indices = @transform_1, window_bounds = array<i64: 80, 128>}, {transform_indices = @transform_2, window_bounds = array<i64: 80, 16>}, {transform_indices = @transform_3, window_bounds = array<i64: 80, 16>}, {pipeline_mode = #tpu.pipeline_mode<synchronous>, transform_indices = @transform_4, window_bounds = array<i64: 8, 128>}, {pipeline_mode = #tpu.pipeline_mode<synchronous>, transform_indices = @transform_5, window_bounds = array<i64: 8, 128>}, {pipeline_mode = #tpu.pipeline_mode<synchronous>, transform_indices = @transform_6, window_bounds = array<i64: 128, 128>}, {pipeline_mode = #tpu.pipeline_mode<synchronous>, transform_indices = @transform_7, window_bounds = array<i64: 128, 128>}, {transform_indices = @transform_8, window_bounds = array<i64: 2, 80, 128>}]} {
    %get3A = arith.constant 0 : index
    %get3A_0 = arith.constant 0 : index
    %get3A_1 = vector.load %arg3[%get3A, %get3A_0] : memref<80x16xf32, #tpu.memory_space<vmem>>, vector<80x16xf32>
    %get3A_2 = arith.constant 0 : index
    %get3A_3 = arith.constant 0 : index
    %get3A_4 = vector.load %arg4[%get3A_2, %get3A_3] : memref<80x16xf32, #tpu.memory_space<vmem>>, vector<80x16xf32>
    %get3A_5 = arith.constant 0 : index
    %get3A_6 = arith.constant 0 : index
    %get3A_7 = vector.load %arg1[%get3A_5, %get3A_6] : memref<80x128xf32, #tpu.memory_space<vmem>>, vector<80x128xf32>
    %slice3A = vector.extract_strided_slice %get3A_1 {offsets = [0, 1], sizes = [80, 1], strides = [1, 1]} : vector<80x16xf32> to vector<80x1xf32>
    %mul3A = vector.broadcast %slice3A : vector<80x1xf32> to vector<80x128xf32>
    %mul3A_8 = arith.mulf %get3A_7, %mul3A : vector<80x128xf32>
    %get3A_9 = arith.constant 0 : index
    %get3A_10 = arith.constant 0 : index
    %get3A_11 = vector.load %arg5[%get3A_9, %get3A_10] : memref<8x128xf32, #tpu.memory_space<vmem>>, vector<1x128xf32>
    %get3A_12 = vector.shape_cast %get3A_11 : vector<1x128xf32> to vector<128xf32>
    %broadcast_in_dim3A = vector.shape_cast %get3A_12 : vector<128xf32> to vector<1x128xf32>
    %add3A = vector.broadcast %broadcast_in_dim3A : vector<1x128xf32> to vector<80x128xf32>
    %add3A_13 = arith.addf %mul3A_8, %add3A : vector<80x128xf32>
    %get3A_14 = arith.constant 0 : index
    %get3A_15 = arith.constant 0 : index
    %get3A_16 = vector.load %arg2[%get3A_14, %get3A_15] : memref<80x128xf32, #tpu.memory_space<vmem>>, vector<80x128xf32>
    %slice3A_17 = vector.extract_strided_slice %get3A_4 {offsets = [0, 1], sizes = [80, 1], strides = [1, 1]} : vector<80x16xf32> to vector<80x1xf32>
    %mul3A_18 = vector.broadcast %slice3A_17 : vector<80x1xf32> to vector<80x128xf32>
    %mul3A_19 = arith.mulf %get3A_16, %mul3A_18 : vector<80x128xf32>
    %add3A_20 = arith.addf %add3A_13, %mul3A_19 : vector<80x128xf32>
    %get3A_21 = arith.constant 0 : index
    %get3A_22 = arith.constant 0 : index
    %get3A_23 = vector.load %arg6[%get3A_21, %get3A_22] : memref<8x128xf32, #tpu.memory_space<vmem>>, vector<1x128xf32>
    %get3A_24 = vector.shape_cast %get3A_23 : vector<1x128xf32> to vector<128xf32>
    %broadcast_in_dim3A_25 = vector.shape_cast %get3A_24 : vector<128xf32> to vector<1x128xf32>
    %add3A_26 = vector.broadcast %broadcast_in_dim3A_25 : vector<1x128xf32> to vector<80x128xf32>
    %add3A_27 = arith.addf %add3A_20, %add3A_26 : vector<80x128xf32>
    %max3A = arith.constant 0.000000e+00 : f32
    %max3A_28 = vector.broadcast %max3A : f32 to vector<80x128xf32>
    %max3A_29 = arith.maximumf %add3A_27, %max3A_28 : vector<80x128xf32>
    %slice3A_30 = vector.extract_strided_slice %get3A_1 {offsets = [0, 0], sizes = [80, 1], strides = [1, 1]} : vector<80x16xf32> to vector<80x1xf32>
    %mul3A_31 = vector.broadcast %slice3A_30 : vector<80x1xf32> to vector<80x128xf32>
    %mul3A_32 = arith.mulf %max3A_29, %mul3A_31 : vector<80x128xf32>
    %get3A_33 = arith.constant 0 : index
    %get3A_34 = arith.constant 0 : index
    %get3A_35 = vector.load %arg7[%get3A_33, %get3A_34] : memref<128x128xf32, #tpu.memory_space<vmem>>, vector<128x128xf32>
    %dot_general3A = arith.constant dense<0.000000e+00> : vector<80x128xf32>
    %dot_general3A_36 = tpu.matmul %mul3A_32, %get3A_35, %dot_general3A {dimension_numbers = #tpu.dot_dimension_numbers<[1], [0], [0], [1], [0, 0, 1, 1], [], []>, transpose_lhs_hint = false} : vector<80x128xf32>, vector<128x128xf32>, vector<80x128xf32> -> vector<80x128xf32>
    %swap3A = arith.constant 0 : index
    %swap3A_37 = arith.constant 0 : index
    %swap3A_38 = arith.constant 0 : index
    %swap3A_39 = vector.load %arg9[%swap3A, %swap3A_37, %swap3A_38] : memref<2x80x128xf32, #tpu.memory_space<vmem>>, vector<1x80x128xf32>
    %swap3A_40 = vector.shape_cast %swap3A_39 : vector<1x80x128xf32> to vector<80x128xf32>
    %swap3A_41 = vector.shape_cast %dot_general3A_36 : vector<80x128xf32> to vector<1x80x128xf32>
    tpu.vector_store %arg9[%swap3A, %swap3A_37, %swap3A_38], %swap3A_41 {strides = array<i32>} : memref<2x80x128xf32, #tpu.memory_space<vmem>>, vector<1x80x128xf32>,
    %slice3A_42 = vector.extract_strided_slice %get3A_4 {offsets = [0, 0], sizes = [80, 1], strides = [1, 1]} : vector<80x16xf32> to vector<80x1xf32>
    %mul3A_43 = vector.broadcast %slice3A_42 : vector<80x1xf32> to vector<80x128xf32>
    %mul3A_44 = arith.mulf %max3A_29, %mul3A_43 : vector<80x128xf32>
    %get3A_45 = arith.constant 0 : index
    %get3A_46 = arith.constant 0 : index
    %get3A_47 = vector.load %arg8[%get3A_45, %get3A_46] : memref<128x128xf32, #tpu.memory_space<vmem>>, vector<128x128xf32>
    %dot_general3A_48 = arith.constant dense<0.000000e+00> : vector<80x128xf32>
    %dot_general3A_49 = tpu.matmul %mul3A_44, %get3A_47, %dot_general3A_48 {dimension_numbers = #tpu.dot_dimension_numbers<[1], [0], [0], [1], [0, 0, 1, 1], [], []>, transpose_lhs_hint = false} : vector<80x128xf32>, vector<128x128xf32>, vector<80x128xf32> -> vector<80x128xf32>
    %swap3A_50 = arith.constant 1 : index
    %swap3A_51 = arith.constant 0 : index
    %swap3A_52 = arith.constant 0 : index
    %swap3A_53 = vector.load %arg9[%swap3A_50, %swap3A_51, %swap3A_52] : memref<2x80x128xf32, #tpu.memory_space<vmem>>, vector<1x80x128xf32>
    %swap3A_54 = vector.shape_cast %swap3A_53 : vector<1x80x128xf32> to vector<80x128xf32>
    %swap3A_55 = vector.shape_cast %dot_general3A_49 : vector<80x128xf32> to vector<1x80x128xf32>
    tpu.vector_store %arg9[%swap3A_50, %swap3A_51, %swap3A_52], %swap3A_55 {strides = array<i32>} : memref<2x80x128xf32, #tpu.memory_space<vmem>>, vector<1x80x128xf32>,
    return
  }
  func.func @transform_0(%arg0: i32) -> (i32, i32) {
    %add3A = arith.constant 0 : i32
    %add3A_0 = arith.addi %arg0, %add3A : i32
    %c0_i32 = arith.constant 0 : i32
    %c0_i32_1 = arith.constant 0 : i32
    return %add3A_0, %c0_i32 : i32, i32
  }
  func.func @transform_1(%arg0: i32) -> (i32, i32) {
    %add3A = arith.constant 125 : i32
    %add3A_0 = arith.addi %arg0, %add3A : i32
    %c0_i32 = arith.constant 0 : i32
    %c0_i32_1 = arith.constant 0 : i32
    return %add3A_0, %c0_i32 : i32, i32
  }
  func.func @transform_2(%arg0: i32) -> (i32, i32) {
    %c0_i32 = arith.constant 0 : i32
    %c0_i32_0 = arith.constant 0 : i32
    return %arg0, %c0_i32 : i32, i32
  }
  func.func @transform_3(%arg0: i32) -> (i32, i32) {
    %c0_i32 = arith.constant 0 : i32
    %c0_i32_0 = arith.constant 0 : i32
    return %arg0, %c0_i32 : i32, i32
  }
  func.func @transform_4(%arg0: i32) -> (i32, i32) {
    %c0_i32 = arith.constant 0 : i32
    %c0_i32_0 = arith.constant 0 : i32
    %c0_i32_1 = arith.constant 0 : i32
    return %c0_i32, %c0_i32_0 : i32, i32
  }
  func.func @transform_5(%arg0: i32) -> (i32, i32) {
    %c0_i32 = arith.constant 0 : i32
    %c0_i32_0 = arith.constant 0 : i32
    %c0_i32_1 = arith.constant 0 : i32
    return %c0_i32, %c0_i32_0 : i32, i32
  }
  func.func @transform_6(%arg0: i32) -> (i32, i32) {
    %c0_i32 = arith.constant 0 : i32
    %c0_i32_0 = arith.constant 0 : i32
    %c0_i32_1 = arith.constant 0 : i32
    return %c0_i32, %c0_i32_0 : i32, i32
  }
  func.func @transform_7(%arg0: i32) -> (i32, i32) {
    %c0_i32 = arith.constant 0 : i32
    %c0_i32_0 = arith.constant 0 : i32
    %c0_i32_1 = arith.constant 0 : i32
    return %c0_i32, %c0_i32_0 : i32, i32
  }
  func.func @transform_8(%arg0: i32) -> (i32, i32, i32) {
    %c0_i32 = arith.constant 0 : i32
    %c0_i32_0 = arith.constant 0 : i32
    %c0_i32_1 = arith.constant 0 : i32
    return %c0_i32, %arg0, %c0_i32_0 : i32, i32, i32
  }
}

module attributes {stable_mosaic.version = 14 : i64} {
  func.func @_post_body(%arg0: i32, %arg1: memref<80x128xf32, #tpu.memory_space<vmem>>, %arg2: memref<80x128xf32, #tpu.memory_space<vmem>>, %arg3: memref<80x16xf32, #tpu.memory_space<vmem>>, %arg4: memref<80x16xf32, #tpu.memory_space<vmem>>, %arg5: memref<8x128xf32, #tpu.memory_space<vmem>>, %arg6: memref<8x128xf32, #tpu.memory_space<vmem>>, %arg7: memref<80x128xf32, #tpu.memory_space<vmem>>) attributes {dimension_semantics = [#tpu.dimension_semantics<arbitrary>], iteration_bounds = array<i64: 125>, scalar_prefetch = 0 : i64, scratch_operands = 0 : i64, tpu.core_type = #tpu.core_type<tc>, window_params = [{transform_indices = @transform_0, window_bounds = array<i64: 80, 128>}, {transform_indices = @transform_1, window_bounds = array<i64: 80, 128>}, {transform_indices = @transform_2, window_bounds = array<i64: 80, 16>}, {transform_indices = @transform_3, window_bounds = array<i64: 80, 16>}, {pipeline_mode = #tpu.pipeline_mode<synchronous>, transform_indices = @transform_4, window_bounds = array<i64: 8, 128>}, {pipeline_mode = #tpu.pipeline_mode<synchronous>, transform_indices = @transform_5, window_bounds = array<i64: 8, 128>}, {transform_indices = @transform_6, window_bounds = array<i64: 80, 128>}]} {
    %get3A = arith.constant 0 : index
    %get3A_0 = arith.constant 0 : index
    %get3A_1 = vector.load %arg1[%get3A, %get3A_0] : memref<80x128xf32, #tpu.memory_space<vmem>>, vector<80x128xf32>
    %get3A_2 = arith.constant 0 : index
    %get3A_3 = arith.constant 0 : index
    %get3A_4 = vector.load %arg3[%get3A_2, %get3A_3] : memref<80x16xf32, #tpu.memory_space<vmem>>, vector<80x16xf32>
    %slice3A = vector.extract_strided_slice %get3A_4 {offsets = [0, 1], sizes = [80, 1], strides = [1, 1]} : vector<80x16xf32> to vector<80x1xf32>
    %mul3A = vector.broadcast %slice3A : vector<80x1xf32> to vector<80x128xf32>
    %mul3A_5 = arith.mulf %get3A_1, %mul3A : vector<80x128xf32>
    %get3A_6 = arith.constant 0 : index
    %get3A_7 = arith.constant 0 : index
    %get3A_8 = vector.load %arg5[%get3A_6, %get3A_7] : memref<8x128xf32, #tpu.memory_space<vmem>>, vector<1x128xf32>
    %get3A_9 = vector.shape_cast %get3A_8 : vector<1x128xf32> to vector<128xf32>
    %broadcast_in_dim3A = vector.shape_cast %get3A_9 : vector<128xf32> to vector<1x128xf32>
    %add3A = vector.broadcast %broadcast_in_dim3A : vector<1x128xf32> to vector<80x128xf32>
    %add3A_10 = arith.addf %mul3A_5, %add3A : vector<80x128xf32>
    %get3A_11 = arith.constant 0 : index
    %get3A_12 = arith.constant 0 : index
    %get3A_13 = vector.load %arg2[%get3A_11, %get3A_12] : memref<80x128xf32, #tpu.memory_space<vmem>>, vector<80x128xf32>
    %get3A_14 = arith.constant 0 : index
    %get3A_15 = arith.constant 0 : index
    %get3A_16 = vector.load %arg4[%get3A_14, %get3A_15] : memref<80x16xf32, #tpu.memory_space<vmem>>, vector<80x16xf32>
    %slice3A_17 = vector.extract_strided_slice %get3A_16 {offsets = [0, 1], sizes = [80, 1], strides = [1, 1]} : vector<80x16xf32> to vector<80x1xf32>
    %mul3A_18 = vector.broadcast %slice3A_17 : vector<80x1xf32> to vector<80x128xf32>
    %mul3A_19 = arith.mulf %get3A_13, %mul3A_18 : vector<80x128xf32>
    %add3A_20 = arith.addf %add3A_10, %mul3A_19 : vector<80x128xf32>
    %get3A_21 = arith.constant 0 : index
    %get3A_22 = arith.constant 0 : index
    %get3A_23 = vector.load %arg6[%get3A_21, %get3A_22] : memref<8x128xf32, #tpu.memory_space<vmem>>, vector<1x128xf32>
    %get3A_24 = vector.shape_cast %get3A_23 : vector<1x128xf32> to vector<128xf32>
    %broadcast_in_dim3A_25 = vector.shape_cast %get3A_24 : vector<128xf32> to vector<1x128xf32>
    %add3A_26 = vector.broadcast %broadcast_in_dim3A_25 : vector<1x128xf32> to vector<80x128xf32>
    %add3A_27 = arith.addf %add3A_20, %add3A_26 : vector<80x128xf32>
    %swap3A = arith.constant 0 : index
    %swap3A_28 = arith.constant 0 : index
    %swap3A_29 = vector.load %arg7[%swap3A, %swap3A_28] : memref<80x128xf32, #tpu.memory_space<vmem>>, vector<80x128xf32>
    tpu.vector_store %arg7[%swap3A, %swap3A_28], %add3A_27 {strides = array<i32>} : memref<80x128xf32, #tpu.memory_space<vmem>>, vector<80x128xf32>,
    return
  }
  func.func @transform_0(%arg0: i32) -> (i32, i32) {
    %add3A = arith.constant 0 : i32
    %add3A_0 = arith.addi %arg0, %add3A : i32
    %c0_i32 = arith.constant 0 : i32
    %c0_i32_1 = arith.constant 0 : i32
    return %add3A_0, %c0_i32 : i32, i32
  }
  func.func @transform_1(%arg0: i32) -> (i32, i32) {
    %add3A = arith.constant 125 : i32
    %add3A_0 = arith.addi %arg0, %add3A : i32
    %c0_i32 = arith.constant 0 : i32
    %c0_i32_1 = arith.constant 0 : i32
    return %add3A_0, %c0_i32 : i32, i32
  }
  func.func @transform_2(%arg0: i32) -> (i32, i32) {
    %c0_i32 = arith.constant 0 : i32
    %c0_i32_0 = arith.constant 0 : i32
    return %arg0, %c0_i32 : i32, i32
  }
  func.func @transform_3(%arg0: i32) -> (i32, i32) {
    %c0_i32 = arith.constant 0 : i32
    %c0_i32_0 = arith.constant 0 : i32
    return %arg0, %c0_i32 : i32, i32
  }
  func.func @transform_4(%arg0: i32) -> (i32, i32) {
    %c0_i32 = arith.constant 0 : i32
    %c0_i32_0 = arith.constant 0 : i32
    %c0_i32_1 = arith.constant 0 : i32
    return %c0_i32, %c0_i32_0 : i32, i32
  }
  func.func @transform_5(%arg0: i32) -> (i32, i32) {
    %c0_i32 = arith.constant 0 : i32
    %c0_i32_0 = arith.constant 0 : i32
    %c0_i32_1 = arith.constant 0 : i32
    return %c0_i32, %c0_i32_0 : i32, i32
  }
  func.func @transform_6(%arg0: i32) -> (i32, i32) {
    %c0_i32 = arith.constant 0 : i32
    %c0_i32_0 = arith.constant 0 : i32
    return %arg0, %c0_i32 : i32, i32
  }
}

</mosaic_0001>

<sc_bundles>
// kernel: kernel.11.cloned.1.call-start
scs
__scs_entry_jumppad:
0x0: {  	(pc) =	sbr.rel $0x88, $3  }
0x1: {  	(tag) =	ssettag $0x0;
	lr =	simm.s32 $0x1  }
0x2: {  	[smem:$0x3F96] =	sst lr;
	_ =	strace $0xD0000000  }
0x3: {  	_ = 	snop  }
0x4: {  	_ = 	snop  }
0x5: {  	_ = 	snop  }
0x6: {  	_ = 	snop  }
0x7: {  	_ = 	snop  }
__scs_overlays_trampoline_lowered:
0x8: {  	[smem:$0x3FA5] =	sst s0  }
0x9: {  	[smem:$0x3FA6] =	sst s1  }
0xa: {  	[smem:$0x3FA7] =	sst s2  }
0xb: {  	[smem:$0x3FA8] =	sst s3  }
0xc: {  	[smem:$0x3FA9] =	sst s4  }
0xd: {  	[smem:$0x3FAA] =	sst s5  }
0xe: {  	[smem:$0x3FAB] =	sst s6  }
0xf: {  	[smem:$0x3FAC] =	sst s7  }
0x10: {  	[smem:$0x3FAD] =	sst s8  }
0x11: {  	[smem:$0x3FAE] =	sst s9;
	s0 =	simm.s32 @!p0 $0x0  }
0x12: {  	s1 =	sld [smem:$0x3F94];
	s0 =	simm.s32 @p0 $0x1  }
0x13: {  	[smem:$0x3FAF] =	sst s0;
	s0 =	simm.s32 @!p1 $0x0  }
0x14: {  	s2 =	sld [smem:$0x3F93];
	s0 =	simm.s32 @p1 $0x1  }
0x15: {  	[smem:$0x3FB0] =	sst s0;
	s0 =	simm.s32 @!p2 $0x0  }
0x16: {  	s3 =	sld [smem:$0x3FDB];
	s0 =	simm.s32 @p2 $0x1  }
0x17: {  	s4 =	simm.s32 $0x1BF5;
	[smem:$0x3FB2] =	sst s0  }
0x18: {  	s0 =	sld [smem:$0x3F95];
	_ =	swait.ge [sflag:s4], $0x0  }
0x19: {  	s7 =	sld [smem:$0x3F96]  }
0x1a: {  	s8 =	sadd.s32 $0xFFFFE003, lr  }
0x1b: {  	s9 =	sadd.s32 $0xFFFFFEF7, lr;
	s5 =	simm.s32 $0xFFFFFFFF;
	p2 =	slt.u32 s8, $0xFFFFF086  }
0x1c: {  	p1 =	slt.u32 s9, $0xF7A;
	s5 =	simm.s32 @!p2 $0x0  }
0x1d: {  	s5 =	simm.s32 @p1 $0x1;
	p0 =	seq.s32 s7, s2  }
0x1e: {  	s7 =	smul.u32 @!p0 $0xF7A, s2;
	p2 =	seq.s32 @!p0 s5, $0x0  }
0x1f: {  	s9 =	smul.u32 $0xF7A, s1;
	s8 =	simm.s32 @!p0 $0x1BF5;
	p2 =	por !p2, p0  }
0x20: {  	[sflag:s8] =	ssyncset.s32 @!p0 $0xFFFFF086;
	s6 =	sadd.s32 @!p0 s3, s7;
	s7 =	simm.s32 @!p0 $0x108  }
0x21: {  	s3 =	sadd.s32 s3, s9;
	s6 =	sadd.s32 @!p0 $0x88, s6;
	s7 =	simm.s32 @p2 $0x1082  }
0x22: {  	[simem:s7], [sflag:s8] =	dma.local @!p0 [hbm:s6], $0xF7A  }
0x23: {  	s9 =	sor.u32 $0xD0000000, s2;
	s6 =	simm.s32 $0x108;
	_ =	swait.ge @!p0 [sflag:s8], $0x0  }
0x24: {  	s3 =	sadd.s32 $0x88, s3;
	s6 =	simm.s32 @!p1 $0x1082;
	[sflag:s4] =	ssyncset.s32 $0xFFFFF086  }
0x25: {  	[simem:s6], [sflag:s4] =	dma.local [hbm:s3], $0xF7A  }
0x26: {  	[smem:$0x3F96] =	sst s1;
	(tag) =	ssettag s2;
	_ =	strace s9  }
0x27: {  	s1 =	sld [smem:$0x3FA6]  }
0x28: {  	s2 =	sld [smem:$0x3FA7]  }
0x29: {  	s4 =	sld [smem:$0x3FA9]  }
0x2a: {  	p0 =	seq.s32 s5, $0x0;
	s5 =	sld [smem:$0x3FAA]  }
0x2b: {  	s6 =	sld [smem:$0x3FAB]  }
0x2c: {  	s7 =	sld [smem:$0x3FAC]  }
0x2d: {  	s3 =	simm.s32 $0x108;
	s8 =	sld [smem:$0x3FAD]  }
0x2e: {  	s3 =	simm.s32 @!p0 $0x1082;
	s9 =	sld [smem:$0x3FAE]  }
0x2f: {  	lr =	sadd.s32 s0, s3;
	s0 =	sld [smem:$0x3FA5]  }
0x30: {  	s3 =	sld [smem:$0x3FA8]  }
0x31: {  	[smem:$0x3FB1] =	sst s10  }
0x32: {  	s10 =	sld [smem:$0x3FAF];
	_ =	sdelay $0x3  }
0x33: {  	p0 =	seq.s32 s10, $0x1;
	s10 =	sld [smem:$0x3FB1];
	_ =	sdelay $0x3  }
0x34: {  	[smem:$0x3FB1] =	sst s10  }
0x35: {  	s10 =	sld [smem:$0x3FB0];
	_ =	sdelay $0x3  }
0x36: {  	p1 =	seq.s32 s10, $0x1;
	s10 =	sld [smem:$0x3FB1];
	_ =	sdelay $0x3  }
0x37: {  	[smem:$0x3FB1] =	sst s10  }
0x38: {  	s10 =	sld [smem:$0x3FB2]  }
0x39: {  	_ = 	snop;
	(pc) =	sbr.ind lr, $3  }
0x3a: {  	_ = 	snop  }
0x3b: {  	_ = 	snop  }
0x3c: {  	p2 =	seq.s32 s10, $0x1;
	s10 =	sld [smem:$0x3FB1]  }
0x3d: {  	_ =	shalt  }
0x3e: {  	_ =	shalt  }
0x3f: {  	_ =	shalt  }
0x40: {  	_ =	shalt  }
0x41: {  	_ =	shalt  }
0x42: {  	_ =	shalt  }
0x43: {  	_ =	shalt  }
0x44: {  	_ =	shalt  }
0x45: {  	_ =	shalt  }
0x46: {  	_ =	shalt  }
0x47: {  	_ =	shalt  }
0x48: {  	_ =	shalt  }
0x49: {  	_ =	shalt  }
0x4a: {  	_ =	shalt  }
0x4b: {  	_ =	shalt  }
0x4c: {  	_ =	shalt  }
0x4d: {  	_ =	shalt  }
0x4e: {  	_ =	shalt  }
0x4f: {  	_ =	shalt  }
0x50: {  	_ =	shalt  }
0x51: {  	_ =	shalt  }
0x52: {  	_ =	shalt  }
0x53: {  	_ =	shalt  }
0x54: {  	_ =	shalt  }
0x55: {  	_ =	shalt  }
0x56: {  	_ =	shalt  }
0x57: {  	_ =	shalt  }
0x58: {  	_ =	shalt  }
0x59: {  	_ =	shalt  }
0x5a: {  	_ =	shalt  }
0x5b: {  	_ =	shalt  }
0x5c: {  	_ =	shalt  }
0x5d: {  	_ =	shalt  }
0x5e: {  	_ =	shalt  }
0x5f: {  	_ =	shalt  }
0x60: {  	_ =	shalt  }
0x61: {  	_ =	shalt  }
0x62: {  	_ =	shalt  }
0x63: {  	_ =	shalt  }
0x64: {  	_ =	shalt  }
0x65: {  	_ =	shalt  }
0x66: {  	_ =	shalt  }
0x67: {  	_ =	shalt  }
0x68: {  	_ =	shalt  }
0x69: {  	_ =	shalt  }
0x6a: {  	_ =	shalt  }
0x6b: {  	_ =	shalt  }
0x6c: {  	_ =	shalt  }
0x6d: {  	_ =	shalt  }
0x6e: {  	_ =	shalt  }
0x6f: {  	_ =	shalt  }
0x70: {  	_ =	shalt  }
0x71: {  	_ =	shalt  }
0x72: {  	_ =	shalt  }
0x73: {  	_ =	shalt  }
0x74: {  	_ =	shalt  }
0x75: {  	_ =	shalt  }
0x76: {  	_ =	shalt  }
0x77: {  	_ =	shalt  }
0x78: {  	_ =	shalt  }
0x79: {  	_ =	shalt  }
0x7a: {  	_ =	shalt  }
0x7b: {  	_ =	shalt  }
0x7c: {  	_ =	shalt  }
0x7d: {  	_ =	shalt  }
0x7e: {  	_ =	shalt  }
0x7f: {  	_ =	shalt  }
0x80: {  	_ =	shalt  }
0x81: {  	_ =	shalt  }
0x82: {  	_ =	shalt  }
0x83: {  	_ =	shalt  }
0x84: {  	_ =	shalt  }
0x85: {  	_ =	shalt  }
0x86: {  	_ =	shalt  }
0x87: {  	_ =	shalt  }
.Lfunc_end0:
.L_simem_size_0:
called_computation.1_lowered:
.L_overlay_start_0:
0x88: {  	s2 =	sld [smem:$0x3FD9]  }
0x89: {  	s3 =	sld [smem:$0x3FFE];
	_ =	sdelay $0x1  }
0x8a: {  	s1 =	srdreg.scid  }
0x8b: {  	s0 =	sand.u32 $0x1, s1  }
0x8c: {  	s17 =	sshll.u32 s0, $0xA;
	s2 =	sadd.s32 s3, s2  }
0x8d: {  	s2 =	sadd.s32 s2, s17  }
0x8e: {  	[smem:$0x3FBD] =	sst s2  }
0x8f: {  	_ = 	snop  }
0x90: {  	s2 =	sld [smem:$0x3FD0];
	(tm) =	ssettm $0x1  }
0x91: {  	s18 =	sld [smem:$0x3FFB];
	_ =	sdelay $0x3  }
0x92: {  	_ =	strace s18  }
0x93: {  	s3 =	sld [smem:$0x3FFC];
	_ =	sdelay $0x3  }
0x94: {  	_ =	strace s3  }
0x95: {  	s3 =	sld [smem:$0x3FFD];
	_ =	sdelay $0x3  }
0x96: {  	_ =	strace s3  }
0x97: {  	_ =	strace $0x8FFFFFFF  }
0x98: {  	s19 =	sld [smem:$0x3FDB];
	_ =	sdelay $0x1  }
0x99: {  	s4 =	simm.s32 $_scs_section_size  }
0x9a: {  	s5 =	simm.s32 $_size__tile_overlayer_lowered;
	s6 =	simm.s32 $_tile_overlayer_lowered  }
0x9b: {  	s22 =	simm.s32 $0x1BFF;
	s21 =	sshll.u32 s6, $0x1;
	s3 =	sadd.s32 s4, s19  }
0x9c: {  	s7 =	simm.s32 $0x0;
	s20 =	sshll.u32 s5, $0x1;
	s5 =	sadd.s32 s21, s3  }
0x9d: {  	[timem:s7], [sflag:s22] =	dma.local [hbm:s5], s20  }
0x9e: {  	_ =	swait.ge [sflag:s22], s20  }
0x9f: {  	s4 =	ssub.s32 $0x0, s20;
	[sflag:s22] =	ssyncset.done $0x0  }
0xa0: {  	[sflag:s22] =	ssyncadd.s32 s4;
	_ =	sdelay $0x1  }
0xa1: {  	s23 =	simm.s32 $0x1B8B  }
0xa2: {  	_ =	swait.ge [sflag:s23], $0x1  }
0xa3: {  	[sflag:s23] =	ssyncset.done $0x0  }
0xa4: {  	s25 =	simm.s32 $0x1B8E;
	s24 =	sld [smem:$0x3FFE];
	[sflag:s23] =	ssyncadd.s32 $0xFFFFFFFF  }
0xa5: {  	s26 =	simm.s32 $execute0_lowered;
	[smem:$0x3FD2] =	sst s25  }
0xa6: {  	s5 =	sshll.u32 s26, $0x1;
	_ =	strace $0x80000049;
	[dreg:$0x1] =	wrdreg $0xFFFFFFFF  }
0xa7: {  	s28 =	simm.s32 $_size_execute0_lowered;
	s3 =	sadd.s32 s3, s5;
	[dreg:$0x0] =	wrdreg $0x0  }
0xa8: {  	s5 =	sshll.u32 s28, $0x1;
	[dreg:$0x2] =	wrdreg s3  }
0xa9: {  	[dreg:$0x3] =	wrdreg s5  }
0xaa: {  	[dreg:$0x4] =	wrdreg $0xC0  }
0xab: {  	_ =	task [dreg:s7], $0x5FFFF  }
0xac: {  	[dreg:$0x1] =	wrdreg $0xFFFFFFFF  }
0xad: {  	[dreg:$0x0] =	wrdreg $0x60  }
0xae: {  	[dreg:$0x2] =	wrdreg s24  }
0xaf: {  	[dreg:$0x3] =	wrdreg s2  }
0xb0: {  	[dreg:$0x4] =	wrdreg $0x0  }
0xb1: {  	[dreg:$0x5] =	wrdreg $0x9  }
0xb2: {  	_ =	task.clear_ibuf [dreg:s7], $0x6FFFF;
	_ =	strace $0x90000049  }
0xb3: {  	s29 =	simm.s32 $0x9;
	_ =	strace $0x8000004B  }
0xb4: {  	_ =	swait.ge [sflag:s29], $0x1  }
0xb5: {  	[sflag:s29] =	ssyncadd.s32 $0xFFFFFFFF  }
0xb6: {  	_ =	strace $0x9000004B  }
0xb7: {  	_ =	sfence  }
0xb8: {  	s30 =	sld [smem:$0x0];
	_ =	sdelay $0x2  }
0xb9: {  	s31 =	sshll.u32 s1, $0xD;
	s1 =	sshrl.u32 s1, $0x2  }
0xba: {  	s3 =	sand.u32 $0x4000, s31;
	s1 =	sadd.s32 s1, s30  }
0xbb: {  	s0 =	sor.u32 s3, s0;
	s1 =	sshll.u32 s1, $0x11  }
0xbc: {  	s0 =	sor.u32 s1, s0  }
0xbd: {  	s0 =	sadd.s32 $0x8F2B, s0  }
0xbe: {  	[sflag:s0] =	ssyncadd.remote.s32 $0x1  }
0xbf: {  	_ =	sfence.sel $0xFFFF  }
0xc0: {  	[dreg:$0x0] =	wrdreg $0xFFFFFFFF;
	(pc) =	sbr.abs _section_cstart, $3  }
0xc1: {  	[dreg:$0x1] =	wrdreg $0xFFFFFFFF  }
0xc2: {  	_ =	task.clear_ibuf [dreg:s7], $0x2FFFF;
	_ =	strace $0x9FFFFFFF  }
0xc3: {  	(tm) =	ssettm $0x7FFFFFFF  }
tec
execute0_lowered:
.L_overlay_start_1:
0x0: {  	(tag) =	ssettag $0x1  }
0x1: {  	s0 =	rddreg [dreg:$0x0]  }
0x2: {  	s1 =	rddreg [dreg:$0x1]  }
0x3: {  	s2 =	rddreg [dreg:$0x2]  }
0x4: {  	s3 =	simm.s32 $0x0;
	s6 =	srdreg.scid;
	s7 =	stileid.u32  }
0x5: {  	[smem:$0x7FF] =	sst s3;
	s14 =	smul.u32 $0x4E000, s7  }
0x6: {  	s4 =	sadd.s32 $0x76E00, s0;
	s5 =	sadd.s32 $0x15200, s0;
	s8 =	sand.u32 $0x1, s6  }
0x7: {  	s0 =	sadd.s32 $0x28C00, s0;
	s10 =	smul.u32 $0x270, s7;
	s6 =	sshrl.u32 s14, $0x2  }
0x8: {  	s15 =	smul.u32 $0x4E20, s7;
	_ =	strace $0x8000004A;
	s6 =	sadd.s32 s6, s2  }
0x9: {  	s9 =	ssub.s32 $0x2, s8;
	s12 =	smul.u32 $0x4E200, s8;
	s13 =	sadd.s32 $0x4800, s6  }
0xa: {  	s11 =	sshrl.u32 s9, $0x1;
	s16 =	sadd.s32 $0x6000, s6;
	[dreg:$0x4] =	wrdreg s13  }
0xb: {  	s14 =	smul.u32 $0x2710, s8;
	s17 =	sadd.s32 $0x7800, s6;
	[dreg:$0x5] =	wrdreg s16  }
0xc: {  	s8 =	smul.u32 $0x138800, s8;
	s18 =	sadd.s32 $0x9000, s6;
	[dreg:$0x6] =	wrdreg s17  }
0xd: {  	s9 =	ssub.s32 s9, s11;
	s19 =	sadd.s32 $0xA800, s6;
	[dreg:$0x7] =	wrdreg s18  }
0xe: {  	s11 =	sadd.s32 s15, s12;
	s30 =	smax.u32 s9, $0x1;
	[dreg:$0x8] =	wrdreg s19  }
0xf: {  	s20 =	sshrl.u32 s11, $0x3;
	s9 =	sadd.s32 $0xC000, s6;
	[dreg:$0x11] =	wrdreg s30  }
0x10: {  	s10 =	sadd.s32 s10, s14;
	s21 =	sadd.s32 s1, s20;
	[dreg:$0x13] =	wrdreg s9  }
0x11: {  	s22 =	sadd.s32 $0x10, s20;
	s15 =	sadd.s32 s5, s20;
	[dreg:$0x9] =	wrdreg s21  }
0x12: {  	s8 =	sshrl.u32 s8, $0x3;
	[dreg:$0xa] =	wrdreg s15;
	s23 =	sadd.s32 s1, s22  }
0x13: {  	s12 =	sadd.s32 $0x9C0, s20;
	s13 =	sadd.s32 s5, s22;
	[dreg:$0xb] =	wrdreg s23  }
0x14: {  	s10 =	sshll.u32 s10, $0x4;
	s24 =	sadd.s32 s1, s12;
	[dreg:$0xc] =	wrdreg s13  }
0x15: {  	s10 =	sadd.s32 s0, s10;
	s12 =	sadd.s32 s5, s12;
	[dreg:$0xd] =	wrdreg s24  }
0x16: {  	s0 =	sadd.s32 s0, s8;
	s8 =	sadd.s32 $0x100, s11;
	[dreg:$0xf] =	wrdreg s12  }
0x17: {  	s25 =	sadd.s32 $0x180, s11;
	s11 =	sadd.s32 $0xD800, s6;
	[dreg:$0x12] =	wrdreg s8  }
0x18: {  	[dreg:$0x14] =	wrdreg s11  }
0x19: {  	s0 =	sadd.s32 $0x27000, s0;
	[dreg:$0xe] =	wrdreg s10  }
0x1a: {  	s12 =	sadd.s32 $0xF000, s6;
	[dreg:$0x10] =	wrdreg s0  }
0x1b: {  	s13 =	sadd.s32 $0x10800, s6;
	[dreg:$0x15] =	wrdreg s12  }
0x1c: {  	s14 =	sadd.s32 $0x300, s10;
	[dreg:$0x16] =	wrdreg s13  }
0x1d: {  	p0 =	sne.s32 s7, $0x0;
	s15 =	sadd.s32 $0x600, s10;
	[dreg:$0x17] =	wrdreg s14  }
0x1e: {  	s7 =	simm.s32 $0x17880;
	s16 =	sadd.s32 $0x900, s10;
	[dreg:$0x18] =	wrdreg s15  }
0x1f: {  	s26 =	sadd.s32 $0x1800, s6;
	s17 =	sadd.s32 $0xC00, s10;
	[dreg:$0x19] =	wrdreg s16  }
0x20: {  	s28 =	sadd.s32 $0x3000, s6;
	s18 =	sadd.s32 $0xF00, s10;
	[dreg:$0x1a] =	wrdreg s17  }
0x21: {  	s31 =	sadd.s32 $0x12000, s6;
	s19 =	sadd.s32 $0x1200, s10;
	[dreg:$0x1b] =	wrdreg s18  }
0x22: {  	s29 =	sshrl.u32 s25, $0x3;
	s20 =	sadd.s32 $0x1500, s10;
	[dreg:$0x1c] =	wrdreg s19  }
0x23: {  	s9 =	simm.s32 $0x3;
	s21 =	sadd.s32 $0x1800, s10;
	[dreg:$0x1d] =	wrdreg s20  }
0x24: {  	s23 =	sadd.s32 s29, s5;
	s22 =	sadd.s32 $0x1B00, s10;
	[dreg:$0x1e] =	wrdreg s21  }
0x25: {  	s24 =	sadd.s32 s29, s1;
	s25 =	sadd.s32 $0x1E00, s10;
	[dreg:$0x1f] =	wrdreg s22  }
0x26: {  	s29 =	sadd.s32 $0x2100, s10;
	s30 =	sadd.s32 $0x2400, s10;
	[smem:$0x7FB] =	sst s25  }
0x27: {  	s8 =	simm.s32 $0x2;
	s10 =	simm.s32 $0x4;
	[smem:$0x7FC] =	sst s29  }
0x28: {  	s11 =	simm.s32 $0x0;
	s0 =	sadd.s32 $0x138000, s2;
	[smem:$0x7FD] =	sst s30  }
0x29: {  	s18 =	simm.s32 $0x1CB80;
	s20 =	simm.s32 $0x6;
	s21 =	simm.s32 $0x1C880  }
0x2a: {  	s22 =	simm.s32 $0x1C900;
	s14 =	simm.s32 $0x80;
	s15 =	simm.s32 $0x13880  }
0x2b: {  	v0 =	vimm.f32 $0.0e+00;
	s16 =	simm.s32 $0x1;
	s17 =	simm.s32 $0x1C980;
	s19 =	simm.s32 $0x1CA00  }
.LBB2_1:
0x2c: {  	s12 =	simm.s32 $0x70;
	s13 =	simm.s32 $0x3C0  }
.LBB2_2:
0x2d: {  	p1 =	sne.s32 s13, $0x5FC0;
	[tilespmem:s12+$0x1CB80] =	vst v0  }
0x2e: {  	[tilespmem:s12+$0x1CB10] =	vst v0  }
0x2f: {  	[tilespmem:s12+$0x1CB20] =	vst v0  }
.Ltmp0:
0x30: {  	[tilespmem:s12+$0x1CB30] =	vst v0;
	(pc) =	sbr.rel @p1 .LBB2_2-.Ltmp0, $4  }
0x31: {  	[tilespmem:s12+$0x1CB40] =	vst v0  }
0x32: {  	[tilespmem:s12+$0x1CB50] =	vst v0  }
0x33: {  	[tilespmem:s12+$0x1CB60] =	vst v0  }
0x34: {  	[tilespmem:s12+$0x1CB70] =	vst v0;
	s12 =	sshra.s32 s13, $0x2;
	s13 =	sadd.s32 $0x200, s13  }
0x35: {  	[tilespmem:s12+$0x1CB80] =	vst v0  }
0x36: {  	[tilespmem:s12+$0x1CB10] =	vst v0  }
0x37: {  	[tilespmem:s12+$0x1CB20] =	vst v0  }
0x38: {  	[tilespmem:s12+$0x1CB30] =	vst v0  }
0x39: {  	[tilespmem:s12+$0x1CB40] =	vst v0  }
0x3a: {  	[tilespmem:s12+$0x1CB50] =	vst v0  }
0x3b: {  	[tilespmem:s12+$0x1CB60] =	vst v0  }
0x3c: {  	[tilespmem:s12+$0x1CB70] =	vst v0  }
0x3d: {  	[spmem:s6] =	stream.linear.scatter [tilespmem:s18], [sflag:$0x6], $0x1800, $0x38;
	[tilespmem:$0x1E380] =	vst v63  }
0x3e: {  	_ =	swait.ge [sflag:s20], $0x1800  }
0x3f: {  	[sflag:s20] =	ssyncset.done $0x0  }
0x40: {  	[sflag:s20] =	ssyncadd.s32 $0xFFFFE800  }
0x41: {  	[spmem:s26] =	stream.linear.scatter [tilespmem:s18], [sflag:$0x6], $0x1800, $0x38;
	[tilespmem:$0x1E380] =	vst v63  }
0x42: {  	_ =	swait.ge [sflag:s20], $0x1800  }
0x43: {  	[sflag:s20] =	ssyncset.done $0x0  }
0x44: {  	[sflag:s20] =	ssyncadd.s32 $0xFFFFE800  }
0x45: {  	[spmem:s28] =	stream.linear.scatter [tilespmem:s18], [sflag:$0x6], $0x1800, $0x38;
	[tilespmem:$0x1E380] =	vst v63  }
0x46: {  	_ =	swait.ge [sflag:s20], $0x1800  }
0x47: {  	[sflag:s20] =	ssyncset.done $0x0  }
0x48: {  	s25 =	rddreg [dreg:$0x4];
	[sflag:s20] =	ssyncadd.s32 $0xFFFFE800  }
0x49: {  	[spmem:s25] =	stream.linear.scatter [tilespmem:s18], [sflag:$0x6], $0x1800, $0x38;
	[tilespmem:$0x1E380] =	vst v63  }
0x4a: {  	_ =	swait.ge [sflag:s20], $0x1800  }
0x4b: {  	[sflag:s20] =	ssyncset.done $0x0  }
0x4c: {  	s29 =	smov.u32 s26;
	s26 =	rddreg [dreg:$0x5];
	[sflag:s20] =	ssyncadd.s32 $0xFFFFE800  }
0x4d: {  	[spmem:s26] =	stream.linear.scatter [tilespmem:s18], [sflag:$0x6], $0x1800, $0x38;
	[tilespmem:$0x1E380] =	vst v63  }
0x4e: {  	_ =	swait.ge [sflag:s20], $0x1800  }
0x4f: {  	[sflag:s20] =	ssyncset.done $0x0  }
0x50: {  	s30 =	smov.u32 s28;
	s28 =	rddreg [dreg:$0x6];
	[sflag:s20] =	ssyncadd.s32 $0xFFFFE800  }
0x51: {  	[spmem:s28] =	stream.linear.scatter [tilespmem:s18], [sflag:$0x6], $0x1800, $0x38;
	[tilespmem:$0x1E380] =	vst v63  }
0x52: {  	_ =	swait.ge [sflag:s20], $0x1800  }
0x53: {  	[sflag:s20] =	ssyncset.done $0x0  }
0x54: {  	s13 =	rddreg [dreg:$0x7];
	[sflag:s20] =	ssyncadd.s32 $0xFFFFE800  }
0x55: {  	[spmem:s13] =	stream.linear.scatter [tilespmem:s18], [sflag:$0x6], $0x1800, $0x38;
	[tilespmem:$0x1E380] =	vst v63  }
0x56: {  	_ =	swait.ge [sflag:s20], $0x1800  }
0x57: {  	[sflag:s20] =	ssyncset.done $0x0  }
0x58: {  	s25 =	rddreg [dreg:$0x8];
	[sflag:s20] =	ssyncadd.s32 $0xFFFFE800  }
0x59: {  	[spmem:s25] =	stream.linear.scatter [tilespmem:s18], [sflag:$0x6], $0x1800, $0x38;
	[tilespmem:$0x1E380] =	vst v63  }
0x5a: {  	_ =	swait.ge [sflag:s20], $0x1800  }
0x5b: {  	[sflag:s20] =	ssyncset.done $0x0  }
0x5c: {  	s26 =	rddreg [dreg:$0x13];
	[sflag:s20] =	ssyncadd.s32 $0xFFFFE800  }
0x5d: {  	[spmem:s26] =	stream.linear.scatter [tilespmem:s18], [sflag:$0x6], $0x1800, $0x38;
	[tilespmem:$0x1E380] =	vst v63  }
0x5e: {  	_ =	swait.ge [sflag:s20], $0x1800  }
0x5f: {  	[sflag:s20] =	ssyncset.done $0x0  }
0x60: {  	s28 =	rddreg [dreg:$0x14];
	[sflag:s20] =	ssyncadd.s32 $0xFFFFE800  }
0x61: {  	[spmem:s28] =	stream.linear.scatter [tilespmem:s18], [sflag:$0x6], $0x1800, $0x38;
	[tilespmem:$0x1E380] =	vst v63  }
0x62: {  	_ =	swait.ge [sflag:s20], $0x1800  }
0x63: {  	[sflag:s20] =	ssyncset.done $0x0  }
0x64: {  	s13 =	rddreg [dreg:$0x15];
	[sflag:s20] =	ssyncadd.s32 $0xFFFFE800  }
0x65: {  	[spmem:s13] =	stream.linear.scatter [tilespmem:s18], [sflag:$0x6], $0x1800, $0x38;
	[tilespmem:$0x1E380] =	vst v63  }
0x66: {  	_ =	swait.ge [sflag:s20], $0x1800  }
0x67: {  	[sflag:s20] =	ssyncset.done $0x0  }
0x68: {  	s25 =	rddreg [dreg:$0x16];
	[sflag:s20] =	ssyncadd.s32 $0xFFFFE800  }
0x69: {  	[spmem:s25] =	stream.linear.scatter [tilespmem:s18], [sflag:$0x6], $0x1800, $0x38;
	[tilespmem:$0x1E380] =	vst v63  }
0x6a: {  	_ =	swait.ge [sflag:s20], $0x1800  }
0x6b: {  	[sflag:s20] =	ssyncset.done $0x0  }
0x6c: {  	[sflag:s20] =	ssyncadd.s32 $0xFFFFE800  }
0x6d: {  	[spmem:s31] =	stream.linear.scatter [tilespmem:s18], [sflag:$0x6], $0x1800, $0x38;
	[tilespmem:$0x1E380] =	vst v63  }
0x6e: {  	_ =	swait.ge [sflag:s20], $0x1800  }
0x6f: {  	[sflag:s20] =	ssyncset.done $0x0  }
0x70: {  	s12 =	simm.s32 @!p0 $0x1CB80;
	[sflag:s20] =	ssyncadd.s32 $0xFFFFE800  }
0x71: {  	[spmem:s0] =	stream.linear.scatter @!p0 [tilespmem:s12], [sflag:$0x6], $0x800, $0x38;
	[tilespmem:$0x1E380] =	vst v63  }
0x72: {  	s12 =	simm.s32 @!p0 $0x6  }
0x73: {  	_ =	swait.ge @!p0 [sflag:s12], $0x800  }
0x74: {  	[sflag:s12] =	ssyncset.done @!p0 $0x0  }
0x75: {  	[sflag:s12] =	ssyncadd.s32 @!p0 $0xFFFFF800  }
0x76: {  	[bflag:$0x0] =	sbarrier.arrive $0xFFFF  }
0x77: {  	s12 =	simm.s32 $0x0;
	s13 =	rddreg [dreg:$0x9]  }
0x78: {  	[tilespmem:s21], [sflag:$0x6] =	stream.linear.gather [hbm4b:s13+s12], $0x80, $0x38;
	[tilespmem:$0x1E380] =	vst v63  }
0x79: {  	_ =	swait.ge [sflag:s20], $0x80  }
0x7a: {  	[sflag:s20] =	ssyncset.done $0x0  }
0x7b: {  	s26 =	rddreg [dreg:$0xa];
	[sflag:s20] =	ssyncadd.s32 $0xFFFFFF80  }
0x7c: {  	[tilespmem:s22], [sflag:$0x6] =	stream.linear.gather [hbm4b:s26+s12], $0x80, $0x38;
	[tilespmem:$0x1E380] =	vst v63  }
0x7d: {  	_ =	swait.ge [sflag:s20], $0x80  }
0x7e: {  	[sflag:s20] =	ssyncset.done $0x0  }
0x7f: {  	[sflag:s20] =	ssyncadd.s32 $0xFFFFFF80  }
0x80: {  	[tilespmem:s15], [sflag:$0x1] =	stream.indirect.gather [hbm4b:s4+s14], $0x80, s21, s14, $0xb8;
	[tilespmem:$0x1E380] =	vst v63  }
0x81: {  	_ =	swait.ge [sflag:s16], $0x4000  }
0x82: {  	[sflag:s16] =	ssyncset.done $0x0  }
0x83: {  	[sflag:s16] =	ssyncadd.s32 $0xFFFFC000  }
0x84: {  	[spmem:s2] =	stream.indirect.scatter.add.f32 [tilespmem:s15], [sflag:$0x3], $0x80, s22, s14, $0xb8;
	[tilespmem:$0x1E380] =	vst v63  }
0x85: {  	s28 =	rddreg [dreg:$0xb]  }
0x86: {  	[tilespmem:s17], [sflag:$0x6] =	stream.linear.gather [hbm4b:s28+s12], $0x80, $0x38;
	[tilespmem:$0x1E380] =	vst v63  }
0x87: {  	_ =	swait.ge [sflag:s20], $0x80  }
0x88: {  	[sflag:s20] =	ssyncset.done $0x0  }
0x89: {  	s25 =	rddreg [dreg:$0xc];
	[sflag:s20] =	ssyncadd.s32 $0xFFFFFF80  }
0x8a: {  	[tilespmem:s19], [sflag:$0x6] =	stream.linear.gather [hbm4b:s25+s12], $0x80, $0x38;
	[tilespmem:$0x1E380] =	vst v63  }
0x8b: {  	_ =	swait.ge [sflag:s20], $0x80  }
0x8c: {  	[sflag:s20] =	ssyncset.done $0x0  }
0x8d: {  	[sflag:s20] =	ssyncadd.s32 $0xFFFFFF80  }
0x8e: {  	[tilespmem:s7], [sflag:$0x2] =	stream.indirect.gather [hbm4b:s4+s14], $0x80, s17, s14, $0xb8;
	[tilespmem:$0x1E380] =	vst v63  }
0x8f: {  	_ =	swait.ge [sflag:s8], $0x4000  }
0x90: {  	[sflag:s8] =	ssyncset.done $0x0  }
0x91: {  	[sflag:s8] =	ssyncadd.s32 $0xFFFFC000  }
0x92: {  	[spmem:s2] =	stream.indirect.scatter.add.f32 [tilespmem:s7], [sflag:$0x4], $0x80, s19, s14, $0xb8;
	[tilespmem:$0x1E380] =	vst v63  }
0x93: {  	_ =	swait.ge [sflag:s9], $0x4000  }
0x94: {  	s25 =	rddreg [dreg:$0x12]  }
0x95: {  	[sflag:s9] =	ssyncset.done $0x0;
	s26 =	sshrl.u32 s25, $0x3  }
0x96: {  	[sflag:s9] =	ssyncadd.s32 $0xFFFFC000;
	s28 =	sadd.s32 s1, s26  }
0x97: {  	[tilespmem:s21], [sflag:$0x6] =	stream.linear.gather [hbm4b:s28+s3], $0x80, $0x38;
	[tilespmem:$0x1E380] =	vst v63  }
0x98: {  	_ =	swait.ge [sflag:s20], $0x80  }
0x99: {  	[sflag:s20] =	ssyncset.done $0x0  }
0x9a: {  	s12 =	sadd.s32 s5, s26;
	[sflag:s20] =	ssyncadd.s32 $0xFFFFFF80  }
0x9b: {  	[tilespmem:s22], [sflag:$0x6] =	stream.linear.gather [hbm4b:s12+s3], $0x80, $0x38;
	[tilespmem:$0x1E380] =	vst v63  }
0x9c: {  	_ =	swait.ge [sflag:s20], $0x80  }
0x9d: {  	[sflag:s20] =	ssyncset.done $0x0  }
0x9e: {  	[sflag:s20] =	ssyncadd.s32 $0xFFFFFF80  }
0x9f: {  	[tilespmem:s15], [sflag:$0x1] =	stream.indirect.gather [hbm4b:s4+s14], $0x80, s21, s14, $0xb8;
	[tilespmem:$0x1E380] =	vst v63  }
0xa0: {  	_ =	swait.ge [sflag:s16], $0x4000  }
0xa1: {  	[sflag:s16] =	ssyncset.done $0x0  }
0xa2: {  	[sflag:s16] =	ssyncadd.s32 $0xFFFFC000  }
0xa3: {  	[spmem:s2] =	stream.indirect.scatter.add.f32 [tilespmem:s15], [sflag:$0x3], $0x80, s22, s14, $0xb8;
	[tilespmem:$0x1E380] =	vst v63  }
0xa4: {  	_ =	swait.ge [sflag:s10], $0x4000  }
0xa5: {  	[sflag:s10] =	ssyncset.done $0x0  }
0xa6: {  	s26 =	sadd.s32 $0x0, s24;
	[sflag:s10] =	ssyncadd.s32 $0xFFFFC000  }
0xa7: {  	[tilespmem:s17], [sflag:$0x6] =	stream.linear.gather [hbm4b:s26+s3], $0x80, $0x38;
	[tilespmem:$0x1E380] =	vst v63  }
0xa8: {  	_ =	swait.ge [sflag:s20], $0x80  }
0xa9: {  	[sflag:s20] =	ssyncset.done $0x0  }
0xaa: {  	s28 =	sadd.s32 $0x0, s23;
	[sflag:s20] =	ssyncadd.s32 $0xFFFFFF80  }
0xab: {  	[tilespmem:s19], [sflag:$0x6] =	stream.linear.gather [hbm4b:s28+s3], $0x80, $0x38;
	[tilespmem:$0x1E380] =	vst v63  }
0xac: {  	_ =	swait.ge [sflag:s20], $0x80  }
0xad: {  	[sflag:s20] =	ssyncset.done $0x0  }
0xae: {  	s13 =	sadd.s32 $0x100, s25;
	s12 =	simm.s32 $0x20;
	[sflag:s20] =	ssyncadd.s32 $0xFFFFFF80  }
.LBB2_4:
0xaf: {  	[tilespmem:s7], [sflag:$0x2] =	stream.indirect.gather [hbm4b:s4+s14], $0x80, s17, s14, $0xb8;
	[tilespmem:$0x1E380] =	vst v63  }
0xb0: {  	s25 =	smov.u32 s12  }
0xb1: {  	p1 =	sne.s32 s12, $0x980;
	s12 =	sadd.s32 $0x20, s12;
	_ =	swait.ge [sflag:s8], $0x4000  }
0xb2: {  	[sflag:s8] =	ssyncset.done $0x0  }
0xb3: {  	[sflag:s8] =	ssyncadd.s32 $0xFFFFC000  }
0xb4: {  	[spmem:s2] =	stream.indirect.scatter.add.f32 [tilespmem:s7], [sflag:$0x4], $0x80, s19, s14, $0xb8;
	[tilespmem:$0x1E380] =	vst v63  }
0xb5: {  	_ =	swait.ge [sflag:s9], $0x4000  }
0xb6: {  	s26 =	sshrl.u32 s13, $0x3;
	[sflag:s9] =	ssyncset.done $0x0  }
0xb7: {  	s28 =	sadd.s32 s1, s26;
	[sflag:s9] =	ssyncadd.s32 $0xFFFFC000  }
0xb8: {  	[tilespmem:s21], [sflag:$0x6] =	stream.linear.gather [hbm4b:s28+s3], $0x80, $0x38;
	[tilespmem:$0x1E380] =	vst v63  }
0xb9: {  	_ =	swait.ge [sflag:s20], $0x80  }
0xba: {  	[sflag:s20] =	ssyncset.done $0x0  }
0xbb: {  	s26 =	sadd.s32 s5, s26;
	[sflag:s20] =	ssyncadd.s32 $0xFFFFFF80  }
0xbc: {  	[tilespmem:s22], [sflag:$0x6] =	stream.linear.gather [hbm4b:s26+s3], $0x80, $0x38;
	[tilespmem:$0x1E380] =	vst v63  }
0xbd: {  	_ =	swait.ge [sflag:s20], $0x80  }
0xbe: {  	[sflag:s20] =	ssyncset.done $0x0  }
0xbf: {  	[sflag:s20] =	ssyncadd.s32 $0xFFFFFF80  }
0xc0: {  	[tilespmem:s15], [sflag:$0x1] =	stream.indirect.gather [hbm4b:s4+s14], $0x80, s21, s14, $0xb8;
	[tilespmem:$0x1E380] =	vst v63  }
0xc1: {  	_ =	swait.ge [sflag:s16], $0x4000  }
0xc2: {  	[sflag:s16] =	ssyncset.done $0x0  }
0xc3: {  	[sflag:s16] =	ssyncadd.s32 $0xFFFFC000  }
0xc4: {  	[spmem:s2] =	stream.indirect.scatter.add.f32 [tilespmem:s15], [sflag:$0x3], $0x80, s22, s14, $0xb8;
	[tilespmem:$0x1E380] =	vst v63  }
0xc5: {  	_ =	swait.ge [sflag:s10], $0x4000  }
0xc6: {  	[sflag:s10] =	ssyncset.done $0x0  }
0xc7: {  	s26 =	sadd.s32 s25, s24;
	[sflag:s10] =	ssyncadd.s32 $0xFFFFC000  }
0xc8: {  	[tilespmem:s17], [sflag:$0x6] =	stream.linear.gather [hbm4b:s26+s3], $0x80, $0x38;
	[tilespmem:$0x1E380] =	vst v63  }
0xc9: {  	_ =	swait.ge [sflag:s20], $0x80  }
0xca: {  	[sflag:s20] =	ssyncset.done $0x0  }
.Ltmp1:
0xcb: {  	s25 =	sadd.s32 s25, s23;
	[sflag:s20] =	ssyncadd.s32 $0xFFFFFF80;
	(pc) =	sbr.rel @p1 .LBB2_4-.Ltmp1, $4  }
0xcc: {  	[tilespmem:s19], [sflag:$0x6] =	stream.linear.gather [hbm4b:s25+s3], $0x80, $0x38;
	[tilespmem:$0x1E380] =	vst v63  }
0xcd: {  	_ =	swait.ge [sflag:s20], $0x80  }
0xce: {  	[sflag:s20] =	ssyncset.done $0x0  }
0xcf: {  	s13 =	sadd.s32 $0x100, s13;
	[sflag:s20] =	ssyncadd.s32 $0xFFFFFF80  }
0xd0: {  	[tilespmem:s7], [sflag:$0x2] =	stream.indirect.gather [hbm4b:s4+s14], $0x80, s17, s14, $0xb8;
	[tilespmem:$0x1E380] =	vst v63  }
0xd1: {  	_ =	swait.ge [sflag:s8], $0x4000  }
0xd2: {  	[sflag:s8] =	ssyncset.done $0x0  }
0xd3: {  	[sflag:s8] =	ssyncadd.s32 $0xFFFFC000  }
0xd4: {  	[spmem:s2] =	stream.indirect.scatter.add.f32 [tilespmem:s7], [sflag:$0x4], $0x80, s19, s14, $0xb8;
	[tilespmem:$0x1E380] =	vst v63  }
0xd5: {  	s13 =	simm.s32 $0x1CA80;
	s12 =	rddreg [dreg:$0xd]  }
0xd6: {  	[tilespmem:s13], [sflag:$0x6] =	stream.linear.gather [hbm4b:s12+s3], $0x20, $0x38;
	[tilespmem:$0x1E380] =	vst v63  }
0xd7: {  	_ =	swait.ge [sflag:s20], $0x20  }
0xd8: {  	[sflag:s20] =	ssyncset.done $0x0  }
0xd9: {  	s25 =	simm.s32 $0x1CB00;
	s26 =	rddreg [dreg:$0xf];
	[sflag:s20] =	ssyncadd.s32 $0xFFFFFFE0  }
0xda: {  	[tilespmem:s25], [sflag:$0x6] =	stream.linear.gather [hbm4b:s26+s3], $0x20, $0x38;
	[tilespmem:$0x1E380] =	vst v63  }
0xdb: {  	_ =	swait.ge [sflag:s20], $0x20  }
0xdc: {  	[sflag:s20] =	ssyncset.done $0x0  }
0xdd: {  	s12 =	simm.s32 $0x20;
	s26 =	simm.s32 $0x1B880;
	[sflag:s20] =	ssyncadd.s32 $0xFFFFFFE0  }
0xde: {  	[tilespmem:s26], [sflag:$0x5] =	stream.indirect.gather [hbm4b:s4+s12], $0x80, s13, s12, $0xb8;
	[tilespmem:$0x1E380] =	vst v63  }
0xdf: {  	s13 =	simm.s32 $0x5  }
0xe0: {  	_ =	swait.ge [sflag:s13], $0x1000  }
0xe1: {  	[sflag:s13] =	ssyncset.done $0x0  }
0xe2: {  	[sflag:s13] =	ssyncadd.s32 $0xFFFFF000  }
0xe3: {  	[spmem:s2] =	stream.indirect.scatter.add.f32 [tilespmem:s26], [sflag:$0x6], $0x80, s25, s12, $0xb8;
	[tilespmem:$0x1E380] =	vst v63  }
0xe4: {  	_ =	swait.ge [sflag:s20], $0x1000  }
0xe5: {  	[sflag:s20] =	ssyncset.done $0x0  }
0xe6: {  	[sflag:s20] =	ssyncadd.s32 $0xFFFFF000  }
0xe7: {  	_ =	swait.ge [sflag:s9], $0x4000  }
0xe8: {  	[sflag:s9] =	ssyncset.done $0x0  }
0xe9: {  	[sflag:s9] =	ssyncadd.s32 $0xFFFFC000  }
0xea: {  	_ =	swait.ge [sflag:s10], $0x4000  }
0xeb: {  	[sflag:s10] =	ssyncset.done $0x0  }
0xec: {  	[sflag:s10] =	ssyncadd.s32 $0xFFFFC000  }
0xed: {  	[bflag:$0x0] =	sbarrier.arrive $0xFFFF  }
0xee: {  	[tilespmem:s18], [sflag:$0x6] =	stream.linear.gather [spmem:s6], $0x1800, $0x38;
	[tilespmem:$0x1E380] =	vst v63  }
0xef: {  	_ =	swait.ge [sflag:s20], $0x1800  }
0xf0: {  	[sflag:s20] =	ssyncset.done $0x0  }
0xf1: {  	s26 =	rddreg [dreg:$0xe];
	[sflag:s20] =	ssyncadd.s32 $0xFFFFE800  }
0xf2: {  	[hbm4b:s26+s3] =	stream.linear.scatter [tilespmem:s18], [sflag:$0x6], $0x1800, $0x38;
	[tilespmem:$0x1E380] =	vst v63  }
0xf3: {  	_ =	swait.ge [sflag:s20], $0x1800  }
0xf4: {  	[sflag:s20] =	ssyncset.done $0x0  }
0xf5: {  	[sflag:s20] =	ssyncadd.s32 $0xFFFFE800  }
0xf6: {  	[tilespmem:s18], [sflag:$0x6] =	stream.linear.gather [spmem:s29], $0x1800, $0x38;
	[tilespmem:$0x1E380] =	vst v63  }
0xf7: {  	_ =	swait.ge [sflag:s20], $0x1800  }
0xf8: {  	[sflag:s20] =	ssyncset.done $0x0  }
0xf9: {  	s26 =	smov.u32 s29;
	s29 =	rddreg [dreg:$0x17];
	[sflag:s20] =	ssyncadd.s32 $0xFFFFE800  }
0xfa: {  	[hbm4b:s29+s3] =	stream.linear.scatter [tilespmem:s18], [sflag:$0x6], $0x1800, $0x38;
	[tilespmem:$0x1E380] =	vst v63  }
0xfb: {  	_ =	swait.ge [sflag:s20], $0x1800  }
0xfc: {  	[sflag:s20] =	ssyncset.done $0x0  }
0xfd: {  	[sflag:s20] =	ssyncadd.s32 $0xFFFFE800  }
0xfe: {  	[tilespmem:s18], [sflag:$0x6] =	stream.linear.gather [spmem:s30], $0x1800, $0x38;
	[tilespmem:$0x1E380] =	vst v63  }
0xff: {  	_ =	swait.ge [sflag:s20], $0x1800  }
0x100: {  	[sflag:s20] =	ssyncset.done $0x0  }
0x101: {  	s28 =	smov.u32 s30;
	s30 =	rddreg [dreg:$0x18];
	[sflag:s20] =	ssyncadd.s32 $0xFFFFE800  }
0x102: {  	[hbm4b:s30+s3] =	stream.linear.scatter [tilespmem:s18], [sflag:$0x6], $0x1800, $0x38;
	[tilespmem:$0x1E380] =	vst v63  }
0x103: {  	_ =	swait.ge [sflag:s20], $0x1800  }
0x104: {  	[sflag:s20] =	ssyncset.done $0x0  }
0x105: {  	s13 =	rddreg [dreg:$0x4];
	[sflag:s20] =	ssyncadd.s32 $0xFFFFE800  }
0x106: {  	[tilespmem:s18], [sflag:$0x6] =	stream.linear.gather [spmem:s13], $0x1800, $0x38;
	[tilespmem:$0x1E380] =	vst v63  }
0x107: {  	_ =	swait.ge [sflag:s20], $0x1800  }
0x108: {  	[sflag:s20] =	ssyncset.done $0x0  }
0x109: {  	s25 =	rddreg [dreg:$0x19];
	[sflag:s20] =	ssyncadd.s32 $0xFFFFE800  }
0x10a: {  	[hbm4b:s25+s3] =	stream.linear.scatter [tilespmem:s18], [sflag:$0x6], $0x1800, $0x38;
	[tilespmem:$0x1E380] =	vst v63  }
0x10b: {  	_ =	swait.ge [sflag:s20], $0x1800  }
0x10c: {  	[sflag:s20] =	ssyncset.done $0x0  }
0x10d: {  	s29 =	rddreg [dreg:$0x5];
	[sflag:s20] =	ssyncadd.s32 $0xFFFFE800  }
0x10e: {  	[tilespmem:s18], [sflag:$0x6] =	stream.linear.gather [spmem:s29], $0x1800, $0x38;
	[tilespmem:$0x1E380] =	vst v63  }
0x10f: {  	_ =	swait.ge [sflag:s20], $0x1800  }
0x110: {  	[sflag:s20] =	ssyncset.done $0x0  }
0x111: {  	s30 =	rddreg [dreg:$0x1a];
	[sflag:s20] =	ssyncadd.s32 $0xFFFFE800  }
0x112: {  	[hbm4b:s30+s3] =	stream.linear.scatter [tilespmem:s18], [sflag:$0x6], $0x1800, $0x38;
	[tilespmem:$0x1E380] =	vst v63  }
0x113: {  	_ =	swait.ge [sflag:s20], $0x1800  }
0x114: {  	[sflag:s20] =	ssyncset.done $0x0  }
0x115: {  	s13 =	rddreg [dreg:$0x6];
	[sflag:s20] =	ssyncadd.s32 $0xFFFFE800  }
0x116: {  	[tilespmem:s18], [sflag:$0x6] =	stream.linear.gather [spmem:s13], $0x1800, $0x38;
	[tilespmem:$0x1E380] =	vst v63  }
0x117: {  	_ =	swait.ge [sflag:s20], $0x1800  }
0x118: {  	[sflag:s20] =	ssyncset.done $0x0  }
0x119: {  	s25 =	rddreg [dreg:$0x1b];
	[sflag:s20] =	ssyncadd.s32 $0xFFFFE800  }
0x11a: {  	[hbm4b:s25+s3] =	stream.linear.scatter [tilespmem:s18], [sflag:$0x6], $0x1800, $0x38;
	[tilespmem:$0x1E380] =	vst v63  }
0x11b: {  	_ =	swait.ge [sflag:s20], $0x1800  }
0x11c: {  	[sflag:s20] =	ssyncset.done $0x0  }
0x11d: {  	s29 =	rddreg [dreg:$0x7];
	[sflag:s20] =	ssyncadd.s32 $0xFFFFE800  }
0x11e: {  	[tilespmem:s18], [sflag:$0x6] =	stream.linear.gather [spmem:s29], $0x1800, $0x38;
	[tilespmem:$0x1E380] =	vst v63  }
0x11f: {  	_ =	swait.ge [sflag:s20], $0x1800  }
0x120: {  	[sflag:s20] =	ssyncset.done $0x0  }
0x121: {  	s30 =	rddreg [dreg:$0x1c];
	[sflag:s20] =	ssyncadd.s32 $0xFFFFE800  }
0x122: {  	[hbm4b:s30+s3] =	stream.linear.scatter [tilespmem:s18], [sflag:$0x6], $0x1800, $0x38;
	[tilespmem:$0x1E380] =	vst v63  }
0x123: {  	_ =	swait.ge [sflag:s20], $0x1800  }
0x124: {  	[sflag:s20] =	ssyncset.done $0x0  }
0x125: {  	s13 =	rddreg [dreg:$0x8];
	[sflag:s20] =	ssyncadd.s32 $0xFFFFE800  }
0x126: {  	[tilespmem:s18], [sflag:$0x6] =	stream.linear.gather [spmem:s13], $0x1800, $0x38;
	[tilespmem:$0x1E380] =	vst v63  }
0x127: {  	_ =	swait.ge [sflag:s20], $0x1800  }
0x128: {  	[sflag:s20] =	ssyncset.done $0x0  }
0x129: {  	s25 =	rddreg [dreg:$0x1d];
	[sflag:s20] =	ssyncadd.s32 $0xFFFFE800  }
0x12a: {  	[hbm4b:s25+s3] =	stream.linear.scatter [tilespmem:s18], [sflag:$0x6], $0x1800, $0x38;
	[tilespmem:$0x1E380] =	vst v63  }
0x12b: {  	_ =	swait.ge [sflag:s20], $0x1800  }
0x12c: {  	[sflag:s20] =	ssyncset.done $0x0  }
0x12d: {  	s29 =	rddreg [dreg:$0x13];
	[sflag:s20] =	ssyncadd.s32 $0xFFFFE800  }
0x12e: {  	[tilespmem:s18], [sflag:$0x6] =	stream.linear.gather [spmem:s29], $0x1800, $0x38;
	[tilespmem:$0x1E380] =	vst v63  }
0x12f: {  	_ =	swait.ge [sflag:s20], $0x1800  }
0x130: {  	[sflag:s20] =	ssyncset.done $0x0  }
0x131: {  	s30 =	rddreg [dreg:$0x1e];
	[sflag:s20] =	ssyncadd.s32 $0xFFFFE800  }
0x132: {  	[hbm4b:s30+s3] =	stream.linear.scatter [tilespmem:s18], [sflag:$0x6], $0x1800, $0x38;
	[tilespmem:$0x1E380] =	vst v63  }
0x133: {  	_ =	swait.ge [sflag:s20], $0x1800  }
0x134: {  	[sflag:s20] =	ssyncset.done $0x0  }
0x135: {  	s13 =	rddreg [dreg:$0x14];
	[sflag:s20] =	ssyncadd.s32 $0xFFFFE800  }
0x136: {  	[tilespmem:s18], [sflag:$0x6] =	stream.linear.gather [spmem:s13], $0x1800, $0x38;
	[tilespmem:$0x1E380] =	vst v63  }
0x137: {  	_ =	swait.ge [sflag:s20], $0x1800  }
0x138: {  	[sflag:s20] =	ssyncset.done $0x0  }
0x139: {  	s25 =	rddreg [dreg:$0x1f];
	[sflag:s20] =	ssyncadd.s32 $0xFFFFE800  }
0x13a: {  	[hbm4b:s25+s3] =	stream.linear.scatter [tilespmem:s18], [sflag:$0x6], $0x1800, $0x38;
	[tilespmem:$0x1E380] =	vst v63  }
0x13b: {  	_ =	swait.ge [sflag:s20], $0x1800  }
0x13c: {  	[sflag:s20] =	ssyncset.done $0x0  }
0x13d: {  	s29 =	rddreg [dreg:$0x15];
	[sflag:s20] =	ssyncadd.s32 $0xFFFFE800  }
0x13e: {  	[tilespmem:s18], [sflag:$0x6] =	stream.linear.gather [spmem:s29], $0x1800, $0x38;
	[tilespmem:$0x1E380] =	vst v63  }
0x13f: {  	_ =	swait.ge [sflag:s20], $0x1800  }
0x140: {  	s30 =	sld [smem:$0x7FB]  }
0x141: {  	[sflag:s20] =	ssyncset.done $0x0  }
0x142: {  	[sflag:s20] =	ssyncadd.s32 $0xFFFFE800  }
0x143: {  	[hbm4b:s30+s3] =	stream.linear.scatter [tilespmem:s18], [sflag:$0x6], $0x1800, $0x38;
	[tilespmem:$0x1E380] =	vst v63  }
0x144: {  	_ =	swait.ge [sflag:s20], $0x1800  }
0x145: {  	[sflag:s20] =	ssyncset.done $0x0  }
0x146: {  	s13 =	rddreg [dreg:$0x16];
	[sflag:s20] =	ssyncadd.s32 $0xFFFFE800  }
0x147: {  	[tilespmem:s18], [sflag:$0x6] =	stream.linear.gather [spmem:s13], $0x1800, $0x38;
	[tilespmem:$0x1E380] =	vst v63  }
0x148: {  	_ =	swait.ge [sflag:s20], $0x1800  }
0x149: {  	s25 =	sld [smem:$0x7FC]  }
0x14a: {  	[sflag:s20] =	ssyncset.done $0x0  }
0x14b: {  	[sflag:s20] =	ssyncadd.s32 $0xFFFFE800  }
0x14c: {  	[hbm4b:s25+s3] =	stream.linear.scatter [tilespmem:s18], [sflag:$0x6], $0x1800, $0x38;
	[tilespmem:$0x1E380] =	vst v63  }
0x14d: {  	_ =	swait.ge [sflag:s20], $0x1800  }
0x14e: {  	[sflag:s20] =	ssyncset.done $0x0  }
0x14f: {  	[sflag:s20] =	ssyncadd.s32 $0xFFFFE800  }
0x150: {  	[tilespmem:s18], [sflag:$0x6] =	stream.linear.gather [spmem:s31], $0x1800, $0x38;
	[tilespmem:$0x1E380] =	vst v63  }
0x151: {  	_ =	swait.ge [sflag:s20], $0x1800  }
0x152: {  	s29 =	sld [smem:$0x7FD]  }
0x153: {  	[sflag:s20] =	ssyncset.done $0x0  }
0x154: {  	[sflag:s20] =	ssyncadd.s32 $0xFFFFE800  }
0x155: {  	[hbm4b:s29+s3] =	stream.linear.scatter [tilespmem:s18], [sflag:$0x6], $0x1800, $0x38;
	[tilespmem:$0x1E380] =	vst v63  }
0x156: {  	_ =	swait.ge [sflag:s20], $0x1800  }
0x157: {  	[sflag:s20] =	ssyncset.done $0x0  }
0x158: {  	s12 =	simm.s32 @!p0 $0x1CB80;
	s13 =	simm.s32 @!p0 $0x6;
	[sflag:s20] =	ssyncadd.s32 $0xFFFFE800  }
0x159: {  	[tilespmem:s12], [sflag:$0x6] =	stream.linear.gather @!p0 [spmem:s0], $0x800, $0x38;
	[tilespmem:$0x1E380] =	vst v63  }
0x15a: {  	_ =	swait.ge @!p0 [sflag:s13], $0x800  }
0x15b: {  	[sflag:s13] =	ssyncset.done @!p0 $0x0  }
0x15c: {  	s25 =	simm.s32 @!p0 $0x0;
	s29 =	rddreg [dreg:$0x10];
	[sflag:s13] =	ssyncadd.s32 @!p0 $0xFFFFF800  }
0x15d: {  	[hbm4b:s29+s25] =	stream.linear.scatter @!p0 [tilespmem:s12], [sflag:$0x6], $0x800, $0x38;
	[tilespmem:$0x1E380] =	vst v63  }
0x15e: {  	_ =	swait.ge @!p0 [sflag:s13], $0x800  }
0x15f: {  	s11 =	sadd.s32 $0x1, s11;
	s30 =	rddreg [dreg:$0x11]  }
0x160: {  	p1 =	sne.s32 s11, s30  }
.Ltmp2:
0x161: {  	_ = 	snop;
	(pc) =	sbr.rel @p1 .LBB2_1-.Ltmp2, $3  }
0x162: {  	_ =	sdelay $0x1  }
0x163: {  	[sflag:s13] =	ssyncset.done @!p0 $0x0  }
0x164: {  	[sflag:s13] =	ssyncadd.s32 @!p0 $0xFFFFF800  }
0x165: {  	_ =	sfence.sel $0x180000  }
0x166: {  	[bflag:$0x0] =	sbarrier.arrive $0xFFFF  }
0x167: {  	_ =	strace $0x9000004A  }
0x168: {  	[bflag:$0x2] =	sbarrier.arrive $0xFFFF  }
0x169: {  	s0 =	rddreg [dreg:$0x3]  }
0x16a: {  	s0 =	sadd.s32 @!p0 $0x100000, s0  }
0x16b: {  	[sflag:s0] =	ssyncadd.tile.s32 @!p0 $0x1;
	_ =	shalt  }
.Lfunc_end2:
_tile_overlayer_lowered:
.L_overlay_start_2:
0x16c: {  	(tag) =	ssettag $0x2  }
0x16d: {  	s0 =	rddreg [dreg:$0x0];
	s2 =	stileid.u32  }
0x16e: {  	s1 =	rddreg [dreg:$0x1];
	p0 =	sne.s32 s2, $0x0  }
0x16f: {  	s3 =	rddreg [dreg:$0x2];
	[bflag:$0x3] =	sbarrier.arrive $0xFFFF;
	s2 =	simm.s32 @!p0 $0x1C06  }
0x170: {  	[timem:s3], [sflag:s2] =	dma.local @!p0 [hbm:s0], s1  }
0x171: {  	s0 =	simm.s32 @!p0 $0x6  }
0x172: {  	_ =	swait.ge @!p0 [sflag:s0], s1  }
0x173: {  	s1 =	ssub.s32 @!p0 $0x0, s1;
	[sflag:s0] =	ssyncset.done @!p0 $0x0  }
0x174: {  	[sflag:s0] =	ssyncadd.s32 @!p0 s1  }
0x175: {  	[bflag:$0x3] =	sbarrier.arrive $0xFFFF  }
0x176: {  	_ =	shalt  }

// kernel: kernel.14.cloned.1.call-start
scs
__scs_entry_jumppad:
0x0: {  	(pc) =	sbr.rel $0x88, $3  }
0x1: {  	(tag) =	ssettag $0x0;
	lr =	simm.s32 $0x1  }
0x2: {  	[smem:$0x3F96] =	sst lr;
	_ =	strace $0xD0000000  }
0x3: {  	_ = 	snop  }
0x4: {  	_ = 	snop  }
0x5: {  	_ = 	snop  }
0x6: {  	_ = 	snop  }
0x7: {  	_ = 	snop  }
__scs_overlays_trampoline_lowered:
0x8: {  	[smem:$0x3FA5] =	sst s0  }
0x9: {  	[smem:$0x3FA6] =	sst s1  }
0xa: {  	[smem:$0x3FA7] =	sst s2  }
0xb: {  	[smem:$0x3FA8] =	sst s3  }
0xc: {  	[smem:$0x3FA9] =	sst s4  }
0xd: {  	[smem:$0x3FAA] =	sst s5  }
0xe: {  	[smem:$0x3FAB] =	sst s6  }
0xf: {  	[smem:$0x3FAC] =	sst s7  }
0x10: {  	[smem:$0x3FAD] =	sst s8  }
0x11: {  	[smem:$0x3FAE] =	sst s9;
	s0 =	simm.s32 @!p0 $0x0  }
0x12: {  	s1 =	sld [smem:$0x3F94];
	s0 =	simm.s32 @p0 $0x1  }
0x13: {  	[smem:$0x3FAF] =	sst s0;
	s0 =	simm.s32 @!p1 $0x0  }
0x14: {  	s2 =	sld [smem:$0x3F93];
	s0 =	simm.s32 @p1 $0x1  }
0x15: {  	[smem:$0x3FB0] =	sst s0;
	s0 =	simm.s32 @!p2 $0x0  }
0x16: {  	s3 =	sld [smem:$0x3FDB];
	s0 =	simm.s32 @p2 $0x1  }
0x17: {  	s4 =	simm.s32 $0x1BF5;
	[smem:$0x3FB2] =	sst s0  }
0x18: {  	s0 =	sld [smem:$0x3F95];
	_ =	swait.ge [sflag:s4], $0x0  }
0x19: {  	s7 =	sld [smem:$0x3F96]  }
0x1a: {  	s8 =	sadd.s32 $0xFFFFE003, lr  }
0x1b: {  	s9 =	sadd.s32 $0xFFFFFEF7, lr;
	s5 =	simm.s32 $0xFFFFFFFF;
	p2 =	slt.u32 s8, $0xFFFFF086  }
0x1c: {  	p1 =	slt.u32 s9, $0xF7A;
	s5 =	simm.s32 @!p2 $0x0  }
0x1d: {  	s5 =	simm.s32 @p1 $0x1;
	p0 =	seq.s32 s7, s2  }
0x1e: {  	s7 =	smul.u32 @!p0 $0xF7A, s2;
	p2 =	seq.s32 @!p0 s5, $0x0  }
0x1f: {  	s9 =	smul.u32 $0xF7A, s1;
	s8 =	simm.s32 @!p0 $0x1BF5;
	p2 =	por !p2, p0  }
0x20: {  	[sflag:s8] =	ssyncset.s32 @!p0 $0xFFFFF086;
	s6 =	sadd.s32 @!p0 s3, s7;
	s7 =	simm.s32 @!p0 $0x108  }
0x21: {  	s3 =	sadd.s32 s3, s9;
	s6 =	sadd.s32 @!p0 $0x88, s6;
	s7 =	simm.s32 @p2 $0x1082  }
0x22: {  	[simem:s7], [sflag:s8] =	dma.local @!p0 [hbm:s6], $0xF7A  }
0x23: {  	s9 =	sor.u32 $0xD0000000, s2;
	s6 =	simm.s32 $0x108;
	_ =	swait.ge @!p0 [sflag:s8], $0x0  }
0x24: {  	s3 =	sadd.s32 $0x88, s3;
	s6 =	simm.s32 @!p1 $0x1082;
	[sflag:s4] =	ssyncset.s32 $0xFFFFF086  }
0x25: {  	[simem:s6], [sflag:s4] =	dma.local [hbm:s3], $0xF7A  }
0x26: {  	[smem:$0x3F96] =	sst s1;
	(tag) =	ssettag s2;
	_ =	strace s9  }
0x27: {  	s1 =	sld [smem:$0x3FA6]  }
0x28: {  	s2 =	sld [smem:$0x3FA7]  }
0x29: {  	s4 =	sld [smem:$0x3FA9]  }
0x2a: {  	p0 =	seq.s32 s5, $0x0;
	s5 =	sld [smem:$0x3FAA]  }
0x2b: {  	s6 =	sld [smem:$0x3FAB]  }
0x2c: {  	s7 =	sld [smem:$0x3FAC]  }
0x2d: {  	s3 =	simm.s32 $0x108;
	s8 =	sld [smem:$0x3FAD]  }
0x2e: {  	s3 =	simm.s32 @!p0 $0x1082;
	s9 =	sld [smem:$0x3FAE]  }
0x2f: {  	lr =	sadd.s32 s0, s3;
	s0 =	sld [smem:$0x3FA5]  }
0x30: {  	s3 =	sld [smem:$0x3FA8]  }
0x31: {  	[smem:$0x3FB1] =	sst s10  }
0x32: {  	s10 =	sld [smem:$0x3FAF];
	_ =	sdelay $0x3  }
0x33: {  	p0 =	seq.s32 s10, $0x1;
	s10 =	sld [smem:$0x3FB1];
	_ =	sdelay $0x3  }
0x34: {  	[smem:$0x3FB1] =	sst s10  }
0x35: {  	s10 =	sld [smem:$0x3FB0];
	_ =	sdelay $0x3  }
0x36: {  	p1 =	seq.s32 s10, $0x1;
	s10 =	sld [smem:$0x3FB1];
	_ =	sdelay $0x3  }
0x37: {  	[smem:$0x3FB1] =	sst s10  }
0x38: {  	s10 =	sld [smem:$0x3FB2]  }
0x39: {  	_ = 	snop;
	(pc) =	sbr.ind lr, $3  }
0x3a: {  	_ = 	snop  }
0x3b: {  	_ = 	snop  }
0x3c: {  	p2 =	seq.s32 s10, $0x1;
	s10 =	sld [smem:$0x3FB1]  }
0x3d: {  	_ =	shalt  }
0x3e: {  	_ =	shalt  }
0x3f: {  	_ =	shalt  }
0x40: {  	_ =	shalt  }
0x41: {  	_ =	shalt  }
0x42: {  	_ =	shalt  }
0x43: {  	_ =	shalt  }
0x44: {  	_ =	shalt  }
0x45: {  	_ =	shalt  }
0x46: {  	_ =	shalt  }
0x47: {  	_ =	shalt  }
0x48: {  	_ =	shalt  }
0x49: {  	_ =	shalt  }
0x4a: {  	_ =	shalt  }
0x4b: {  	_ =	shalt  }
0x4c: {  	_ =	shalt  }
0x4d: {  	_ =	shalt  }
0x4e: {  	_ =	shalt  }
0x4f: {  	_ =	shalt  }
0x50: {  	_ =	shalt  }
0x51: {  	_ =	shalt  }
0x52: {  	_ =	shalt  }
0x53: {  	_ =	shalt  }
0x54: {  	_ =	shalt  }
0x55: {  	_ =	shalt  }
0x56: {  	_ =	shalt  }
0x57: {  	_ =	shalt  }
0x58: {  	_ =	shalt  }
0x59: {  	_ =	shalt  }
0x5a: {  	_ =	shalt  }
0x5b: {  	_ =	shalt  }
0x5c: {  	_ =	shalt  }
0x5d: {  	_ =	shalt  }
0x5e: {  	_ =	shalt  }
0x5f: {  	_ =	shalt  }
0x60: {  	_ =	shalt  }
0x61: {  	_ =	shalt  }
0x62: {  	_ =	shalt  }
0x63: {  	_ =	shalt  }
0x64: {  	_ =	shalt  }
0x65: {  	_ =	shalt  }
0x66: {  	_ =	shalt  }
0x67: {  	_ =	shalt  }
0x68: {  	_ =	shalt  }
0x69: {  	_ =	shalt  }
0x6a: {  	_ =	shalt  }
0x6b: {  	_ =	shalt  }
0x6c: {  	_ =	shalt  }
0x6d: {  	_ =	shalt  }
0x6e: {  	_ =	shalt  }
0x6f: {  	_ =	shalt  }
0x70: {  	_ =	shalt  }
0x71: {  	_ =	shalt  }
0x72: {  	_ =	shalt  }
0x73: {  	_ =	shalt  }
0x74: {  	_ =	shalt  }
0x75: {  	_ =	shalt  }
0x76: {  	_ =	shalt  }
0x77: {  	_ =	shalt  }
0x78: {  	_ =	shalt  }
0x79: {  	_ =	shalt  }
0x7a: {  	_ =	shalt  }
0x7b: {  	_ =	shalt  }
0x7c: {  	_ =	shalt  }
0x7d: {  	_ =	shalt  }
0x7e: {  	_ =	shalt  }
0x7f: {  	_ =	shalt  }
0x80: {  	_ =	shalt  }
0x81: {  	_ =	shalt  }
0x82: {  	_ =	shalt  }
0x83: {  	_ =	shalt  }
0x84: {  	_ =	shalt  }
0x85: {  	_ =	shalt  }
0x86: {  	_ =	shalt  }
0x87: {  	_ =	shalt  }
.Lfunc_end0:
.L_simem_size_0:
called_computation.2_lowered:
.L_overlay_start_0:
0x88: {  	s2 =	sld [smem:$0x3FD9]  }
0x89: {  	s3 =	sld [smem:$0x3FFE];
	_ =	sdelay $0x1  }
0x8a: {  	s1 =	srdreg.scid  }
0x8b: {  	s0 =	sand.u32 $0x1, s1  }
0x8c: {  	s17 =	sshll.u32 s0, $0xA;
	s2 =	sadd.s32 s3, s2  }
0x8d: {  	s2 =	sadd.s32 s2, s17  }
0x8e: {  	[smem:$0x3FBD] =	sst s2  }
0x8f: {  	_ = 	snop  }
0x90: {  	s2 =	sld [smem:$0x3FD0];
	(tm) =	ssettm $0x1  }
0x91: {  	s18 =	sld [smem:$0x3FFB];
	_ =	sdelay $0x3  }
0x92: {  	_ =	strace s18  }
0x93: {  	s3 =	sld [smem:$0x3FFC];
	_ =	sdelay $0x3  }
0x94: {  	_ =	strace s3  }
0x95: {  	s3 =	sld [smem:$0x3FFD];
	_ =	sdelay $0x3  }
0x96: {  	_ =	strace s3  }
0x97: {  	_ =	strace $0x8FFFFFFF  }
0x98: {  	s19 =	sld [smem:$0x3FDB];
	_ =	sdelay $0x1  }
0x99: {  	s4 =	simm.s32 $_scs_section_size  }
0x9a: {  	s5 =	simm.s32 $_size__tile_overlayer_lowered;
	s6 =	simm.s32 $_tile_overlayer_lowered  }
0x9b: {  	s22 =	simm.s32 $0x1BFF;
	s21 =	sshll.u32 s6, $0x1;
	s3 =	sadd.s32 s4, s19  }
0x9c: {  	s7 =	simm.s32 $0x0;
	s20 =	sshll.u32 s5, $0x1;
	s5 =	sadd.s32 s21, s3  }
0x9d: {  	[timem:s7], [sflag:s22] =	dma.local [hbm:s5], s20  }
0x9e: {  	_ =	swait.ge [sflag:s22], s20  }
0x9f: {  	s4 =	ssub.s32 $0x0, s20;
	[sflag:s22] =	ssyncset.done $0x0  }
0xa0: {  	[sflag:s22] =	ssyncadd.s32 s4;
	_ =	sdelay $0x1  }
0xa1: {  	s23 =	simm.s32 $0x1B8B  }
0xa2: {  	_ =	swait.ge [sflag:s23], $0x1  }
0xa3: {  	[sflag:s23] =	ssyncset.done $0x0  }
0xa4: {  	s25 =	simm.s32 $0x1B8E;
	s24 =	sld [smem:$0x3FFE];
	[sflag:s23] =	ssyncadd.s32 $0xFFFFFFFF  }
0xa5: {  	s26 =	simm.s32 $execute0_lowered;
	[smem:$0x3FD2] =	sst s25  }
0xa6: {  	s5 =	sshll.u32 s26, $0x1;
	_ =	strace $0x8000004C;
	[dreg:$0x1] =	wrdreg $0xFFFFFFFF  }
0xa7: {  	s28 =	simm.s32 $_size_execute0_lowered;
	s3 =	sadd.s32 s3, s5;
	[dreg:$0x0] =	wrdreg $0x0  }
0xa8: {  	s5 =	sshll.u32 s28, $0x1;
	[dreg:$0x2] =	wrdreg s3  }
0xa9: {  	[dreg:$0x3] =	wrdreg s5  }
0xaa: {  	[dreg:$0x4] =	wrdreg $0xC0  }
0xab: {  	_ =	task [dreg:s7], $0x5FFFF  }
0xac: {  	[dreg:$0x1] =	wrdreg $0xFFFFFFFF  }
0xad: {  	[dreg:$0x0] =	wrdreg $0x60  }
0xae: {  	[dreg:$0x2] =	wrdreg s24  }
0xaf: {  	[dreg:$0x3] =	wrdreg s2  }
0xb0: {  	[dreg:$0x4] =	wrdreg $0x0  }
0xb1: {  	[dreg:$0x5] =	wrdreg $0x9  }
0xb2: {  	_ =	task.clear_ibuf [dreg:s7], $0x6FFFF;
	_ =	strace $0x9000004C  }
0xb3: {  	s29 =	simm.s32 $0x9;
	_ =	strace $0x8000004E  }
0xb4: {  	_ =	swait.ge [sflag:s29], $0x1  }
0xb5: {  	[sflag:s29] =	ssyncadd.s32 $0xFFFFFFFF  }
0xb6: {  	_ =	strace $0x9000004E  }
0xb7: {  	_ =	sfence  }
0xb8: {  	s30 =	sld [smem:$0x0];
	_ =	sdelay $0x2  }
0xb9: {  	s31 =	sshll.u32 s1, $0xD;
	s1 =	sshrl.u32 s1, $0x2  }
0xba: {  	s3 =	sand.u32 $0x4000, s31;
	s1 =	sadd.s32 s1, s30  }
0xbb: {  	s0 =	sor.u32 s3, s0;
	s1 =	sshll.u32 s1, $0x11  }
0xbc: {  	s0 =	sor.u32 s1, s0  }
0xbd: {  	s0 =	sadd.s32 $0x8F2B, s0  }
0xbe: {  	[sflag:s0] =	ssyncadd.remote.s32 $0x1  }
0xbf: {  	_ =	sfence.sel $0xFFFF  }
0xc0: {  	[dreg:$0x0] =	wrdreg $0xFFFFFFFF;
	(pc) =	sbr.abs _section_cstart, $3  }
0xc1: {  	[dreg:$0x1] =	wrdreg $0xFFFFFFFF  }
0xc2: {  	_ =	task.clear_ibuf [dreg:s7], $0x2FFFF;
	_ =	strace $0x9FFFFFFF  }
0xc3: {  	(tm) =	ssettm $0x7FFFFFFF  }
tec
execute0_lowered:
.L_overlay_start_1:
0x0: {  	(tag) =	ssettag $0x1  }
0x1: {  	s0 =	rddreg [dreg:$0x0]  }
0x2: {  	s1 =	rddreg [dreg:$0x1]  }
0x3: {  	s2 =	rddreg [dreg:$0x2]  }
0x4: {  	s3 =	simm.s32 $0x0;
	s6 =	srdreg.scid;
	s7 =	stileid.u32  }
0x5: {  	[smem:$0x7FF] =	sst s3;
	s14 =	smul.u32 $0x4E000, s7  }
0x6: {  	s4 =	sadd.s32 $0x28C00, s0;
	s5 =	sadd.s32 $0x15200, s0;
	s8 =	sand.u32 $0x1, s6  }
0x7: {  	s0 =	sadd.s32 $0x76E00, s0;
	s10 =	smul.u32 $0x270, s7;
	s6 =	sshrl.u32 s14, $0x2  }
0x8: {  	s15 =	smul.u32 $0x4E20, s7;
	_ =	strace $0x8000004D;
	s6 =	sadd.s32 s6, s2  }
0x9: {  	s9 =	ssub.s32 $0x2, s8;
	s12 =	smul.u32 $0x4E200, s8;
	s13 =	sadd.s32 $0x4800, s6  }
0xa: {  	s11 =	sshrl.u32 s9, $0x1;
	s16 =	sadd.s32 $0x6000, s6;
	[dreg:$0x4] =	wrdreg s13  }
0xb: {  	s14 =	smul.u32 $0x2710, s8;
	s17 =	sadd.s32 $0x7800, s6;
	[dreg:$0x5] =	wrdreg s16  }
0xc: {  	s8 =	smul.u32 $0x138800, s8;
	s18 =	sadd.s32 $0x9000, s6;
	[dreg:$0x6] =	wrdreg s17  }
0xd: {  	s9 =	ssub.s32 s9, s11;
	s19 =	sadd.s32 $0xA800, s6;
	[dreg:$0x7] =	wrdreg s18  }
0xe: {  	s11 =	sadd.s32 s15, s12;
	s30 =	smax.u32 s9, $0x1;
	[dreg:$0x8] =	wrdreg s19  }
0xf: {  	s20 =	sshrl.u32 s11, $0x3;
	s9 =	sadd.s32 $0xC000, s6;
	[dreg:$0x11] =	wrdreg s30  }
0x10: {  	s10 =	sadd.s32 s10, s14;
	s21 =	sadd.s32 s1, s20;
	[dreg:$0x13] =	wrdreg s9  }
0x11: {  	s22 =	sadd.s32 $0x10, s20;
	s15 =	sadd.s32 s5, s20;
	[dreg:$0x9] =	wrdreg s21  }
0x12: {  	s8 =	sshrl.u32 s8, $0x3;
	[dreg:$0xa] =	wrdreg s15;
	s23 =	sadd.s32 s1, s22  }
0x13: {  	s12 =	sadd.s32 $0x9C0, s20;
	s13 =	sadd.s32 s5, s22;
	[dreg:$0xb] =	wrdreg s23  }
0x14: {  	s10 =	sshll.u32 s10, $0x4;
	s24 =	sadd.s32 s1, s12;
	[dreg:$0xc] =	wrdreg s13  }
0x15: {  	s10 =	sadd.s32 s0, s10;
	s12 =	sadd.s32 s5, s12;
	[dreg:$0xd] =	wrdreg s24  }
0x16: {  	s0 =	sadd.s32 s0, s8;
	s8 =	sadd.s32 $0x100, s11;
	[dreg:$0xf] =	wrdreg s12  }
0x17: {  	s25 =	sadd.s32 $0x180, s11;
	s11 =	sadd.s32 $0xD800, s6;
	[dreg:$0x12] =	wrdreg s8  }
0x18: {  	[dreg:$0x14] =	wrdreg s11  }
0x19: {  	s0 =	sadd.s32 $0x27000, s0;
	[dreg:$0xe] =	wrdreg s10  }
0x1a: {  	s12 =	sadd.s32 $0xF000, s6;
	[dreg:$0x10] =	wrdreg s0  }
0x1b: {  	s13 =	sadd.s32 $0x10800, s6;
	[dreg:$0x15] =	wrdreg s12  }
0x1c: {  	s14 =	sadd.s32 $0x300, s10;
	[dreg:$0x16] =	wrdreg s13  }
0x1d: {  	p0 =	sne.s32 s7, $0x0;
	s15 =	sadd.s32 $0x600, s10;
	[dreg:$0x17] =	wrdreg s14  }
0x1e: {  	s7 =	simm.s32 $0x17880;
	s16 =	sadd.s32 $0x900, s10;
	[dreg:$0x18] =	wrdreg s15  }
0x1f: {  	s26 =	sadd.s32 $0x1800, s6;
	s17 =	sadd.s32 $0xC00, s10;
	[dreg:$0x19] =	wrdreg s16  }
0x20: {  	s28 =	sadd.s32 $0x3000, s6;
	s18 =	sadd.s32 $0xF00, s10;
	[dreg:$0x1a] =	wrdreg s17  }
0x21: {  	s31 =	sadd.s32 $0x12000, s6;
	s19 =	sadd.s32 $0x1200, s10;
	[dreg:$0x1b] =	wrdreg s18  }
0x22: {  	s29 =	sshrl.u32 s25, $0x3;
	s20 =	sadd.s32 $0x1500, s10;
	[dreg:$0x1c] =	wrdreg s19  }
0x23: {  	s9 =	simm.s32 $0x3;
	s21 =	sadd.s32 $0x1800, s10;
	[dreg:$0x1d] =	wrdreg s20  }
0x24: {  	s23 =	sadd.s32 s29, s5;
	s22 =	sadd.s32 $0x1B00, s10;
	[dreg:$0x1e] =	wrdreg s21  }
0x25: {  	s24 =	sadd.s32 s29, s1;
	s25 =	sadd.s32 $0x1E00, s10;
	[dreg:$0x1f] =	wrdreg s22  }
0x26: {  	s29 =	sadd.s32 $0x2100, s10;
	s30 =	sadd.s32 $0x2400, s10;
	[smem:$0x7FB] =	sst s25  }
0x27: {  	s8 =	simm.s32 $0x2;
	s10 =	simm.s32 $0x4;
	[smem:$0x7FC] =	sst s29  }
0x28: {  	s11 =	simm.s32 $0x0;
	s0 =	sadd.s32 $0x138000, s2;
	[smem:$0x7FD] =	sst s30  }
0x29: {  	s18 =	simm.s32 $0x1CB80;
	s20 =	simm.s32 $0x6;
	s21 =	simm.s32 $0x1C880  }
0x2a: {  	s22 =	simm.s32 $0x1C900;
	s14 =	simm.s32 $0x80;
	s15 =	simm.s32 $0x13880  }
0x2b: {  	v0 =	vimm.f32 $0.0e+00;
	s16 =	simm.s32 $0x1;
	s17 =	simm.s32 $0x1C980;
	s19 =	simm.s32 $0x1CA00  }
.LBB2_1:
0x2c: {  	s12 =	simm.s32 $0x70;
	s13 =	simm.s32 $0x3C0  }
.LBB2_2:
0x2d: {  	p1 =	sne.s32 s13, $0x5FC0;
	[tilespmem:s12+$0x1CB80] =	vst v0  }
0x2e: {  	[tilespmem:s12+$0x1CB10] =	vst v0  }
0x2f: {  	[tilespmem:s12+$0x1CB20] =	vst v0  }
.Ltmp0:
0x30: {  	[tilespmem:s12+$0x1CB30] =	vst v0;
	(pc) =	sbr.rel @p1 .LBB2_2-.Ltmp0, $4  }
0x31: {  	[tilespmem:s12+$0x1CB40] =	vst v0  }
0x32: {  	[tilespmem:s12+$0x1CB50] =	vst v0  }
0x33: {  	[tilespmem:s12+$0x1CB60] =	vst v0  }
0x34: {  	[tilespmem:s12+$0x1CB70] =	vst v0;
	s12 =	sshra.s32 s13, $0x2;
	s13 =	sadd.s32 $0x200, s13  }
0x35: {  	[tilespmem:s12+$0x1CB80] =	vst v0  }
0x36: {  	[tilespmem:s12+$0x1CB10] =	vst v0  }
0x37: {  	[tilespmem:s12+$0x1CB20] =	vst v0  }
0x38: {  	[tilespmem:s12+$0x1CB30] =	vst v0  }
0x39: {  	[tilespmem:s12+$0x1CB40] =	vst v0  }
0x3a: {  	[tilespmem:s12+$0x1CB50] =	vst v0  }
0x3b: {  	[tilespmem:s12+$0x1CB60] =	vst v0  }
0x3c: {  	[tilespmem:s12+$0x1CB70] =	vst v0  }
0x3d: {  	[spmem:s6] =	stream.linear.scatter [tilespmem:s18], [sflag:$0x6], $0x1800, $0x38;
	[tilespmem:$0x1E380] =	vst v63  }
0x3e: {  	_ =	swait.ge [sflag:s20], $0x1800  }
0x3f: {  	[sflag:s20] =	ssyncset.done $0x0  }
0x40: {  	[sflag:s20] =	ssyncadd.s32 $0xFFFFE800  }
0x41: {  	[spmem:s26] =	stream.linear.scatter [tilespmem:s18], [sflag:$0x6], $0x1800, $0x38;
	[tilespmem:$0x1E380] =	vst v63  }
0x42: {  	_ =	swait.ge [sflag:s20], $0x1800  }
0x43: {  	[sflag:s20] =	ssyncset.done $0x0  }
0x44: {  	[sflag:s20] =	ssyncadd.s32 $0xFFFFE800  }
0x45: {  	[spmem:s28] =	stream.linear.scatter [tilespmem:s18], [sflag:$0x6], $0x1800, $0x38;
	[tilespmem:$0x1E380] =	vst v63  }
0x46: {  	_ =	swait.ge [sflag:s20], $0x1800  }
0x47: {  	[sflag:s20] =	ssyncset.done $0x0  }
0x48: {  	s25 =	rddreg [dreg:$0x4];
	[sflag:s20] =	ssyncadd.s32 $0xFFFFE800  }
0x49: {  	[spmem:s25] =	stream.linear.scatter [tilespmem:s18], [sflag:$0x6], $0x1800, $0x38;
	[tilespmem:$0x1E380] =	vst v63  }
0x4a: {  	_ =	swait.ge [sflag:s20], $0x1800  }
0x4b: {  	[sflag:s20] =	ssyncset.done $0x0  }
0x4c: {  	s29 =	smov.u32 s26;
	s26 =	rddreg [dreg:$0x5];
	[sflag:s20] =	ssyncadd.s32 $0xFFFFE800  }
0x4d: {  	[spmem:s26] =	stream.linear.scatter [tilespmem:s18], [sflag:$0x6], $0x1800, $0x38;
	[tilespmem:$0x1E380] =	vst v63  }
0x4e: {  	_ =	swait.ge [sflag:s20], $0x1800  }
0x4f: {  	[sflag:s20] =	ssyncset.done $0x0  }
0x50: {  	s30 =	smov.u32 s28;
	s28 =	rddreg [dreg:$0x6];
	[sflag:s20] =	ssyncadd.s32 $0xFFFFE800  }
0x51: {  	[spmem:s28] =	stream.linear.scatter [tilespmem:s18], [sflag:$0x6], $0x1800, $0x38;
	[tilespmem:$0x1E380] =	vst v63  }
0x52: {  	_ =	swait.ge [sflag:s20], $0x1800  }
0x53: {  	[sflag:s20] =	ssyncset.done $0x0  }
0x54: {  	s13 =	rddreg [dreg:$0x7];
	[sflag:s20] =	ssyncadd.s32 $0xFFFFE800  }
0x55: {  	[spmem:s13] =	stream.linear.scatter [tilespmem:s18], [sflag:$0x6], $0x1800, $0x38;
	[tilespmem:$0x1E380] =	vst v63  }
0x56: {  	_ =	swait.ge [sflag:s20], $0x1800  }
0x57: {  	[sflag:s20] =	ssyncset.done $0x0  }
0x58: {  	s25 =	rddreg [dreg:$0x8];
	[sflag:s20] =	ssyncadd.s32 $0xFFFFE800  }
0x59: {  	[spmem:s25] =	stream.linear.scatter [tilespmem:s18], [sflag:$0x6], $0x1800, $0x38;
	[tilespmem:$0x1E380] =	vst v63  }
0x5a: {  	_ =	swait.ge [sflag:s20], $0x1800  }
0x5b: {  	[sflag:s20] =	ssyncset.done $0x0  }
0x5c: {  	s26 =	rddreg [dreg:$0x13];
	[sflag:s20] =	ssyncadd.s32 $0xFFFFE800  }
0x5d: {  	[spmem:s26] =	stream.linear.scatter [tilespmem:s18], [sflag:$0x6], $0x1800, $0x38;
	[tilespmem:$0x1E380] =	vst v63  }
0x5e: {  	_ =	swait.ge [sflag:s20], $0x1800  }
0x5f: {  	[sflag:s20] =	ssyncset.done $0x0  }
0x60: {  	s28 =	rddreg [dreg:$0x14];
	[sflag:s20] =	ssyncadd.s32 $0xFFFFE800  }
0x61: {  	[spmem:s28] =	stream.linear.scatter [tilespmem:s18], [sflag:$0x6], $0x1800, $0x38;
	[tilespmem:$0x1E380] =	vst v63  }
0x62: {  	_ =	swait.ge [sflag:s20], $0x1800  }
0x63: {  	[sflag:s20] =	ssyncset.done $0x0  }
0x64: {  	s13 =	rddreg [dreg:$0x15];
	[sflag:s20] =	ssyncadd.s32 $0xFFFFE800  }
0x65: {  	[spmem:s13] =	stream.linear.scatter [tilespmem:s18], [sflag:$0x6], $0x1800, $0x38;
	[tilespmem:$0x1E380] =	vst v63  }
0x66: {  	_ =	swait.ge [sflag:s20], $0x1800  }
0x67: {  	[sflag:s20] =	ssyncset.done $0x0  }
0x68: {  	s25 =	rddreg [dreg:$0x16];
	[sflag:s20] =	ssyncadd.s32 $0xFFFFE800  }
0x69: {  	[spmem:s25] =	stream.linear.scatter [tilespmem:s18], [sflag:$0x6], $0x1800, $0x38;
	[tilespmem:$0x1E380] =	vst v63  }
0x6a: {  	_ =	swait.ge [sflag:s20], $0x1800  }
0x6b: {  	[sflag:s20] =	ssyncset.done $0x0  }
0x6c: {  	[sflag:s20] =	ssyncadd.s32 $0xFFFFE800  }
0x6d: {  	[spmem:s31] =	stream.linear.scatter [tilespmem:s18], [sflag:$0x6], $0x1800, $0x38;
	[tilespmem:$0x1E380] =	vst v63  }
0x6e: {  	_ =	swait.ge [sflag:s20], $0x1800  }
0x6f: {  	[sflag:s20] =	ssyncset.done $0x0  }
0x70: {  	s12 =	simm.s32 @!p0 $0x1CB80;
	[sflag:s20] =	ssyncadd.s32 $0xFFFFE800  }
0x71: {  	[spmem:s0] =	stream.linear.scatter @!p0 [tilespmem:s12], [sflag:$0x6], $0x800, $0x38;
	[tilespmem:$0x1E380] =	vst v63  }
0x72: {  	s12 =	simm.s32 @!p0 $0x6  }
0x73: {  	_ =	swait.ge @!p0 [sflag:s12], $0x800  }
0x74: {  	[sflag:s12] =	ssyncset.done @!p0 $0x0  }
0x75: {  	[sflag:s12] =	ssyncadd.s32 @!p0 $0xFFFFF800  }
0x76: {  	[bflag:$0x0] =	sbarrier.arrive $0xFFFF  }
0x77: {  	s12 =	simm.s32 $0x0;
	s13 =	rddreg [dreg:$0x9]  }
0x78: {  	[tilespmem:s21], [sflag:$0x6] =	stream.linear.gather [hbm4b:s13+s12], $0x80, $0x38;
	[tilespmem:$0x1E380] =	vst v63  }
0x79: {  	_ =	swait.ge [sflag:s20], $0x80  }
0x7a: {  	[sflag:s20] =	ssyncset.done $0x0  }
0x7b: {  	s26 =	rddreg [dreg:$0xa];
	[sflag:s20] =	ssyncadd.s32 $0xFFFFFF80  }
0x7c: {  	[tilespmem:s22], [sflag:$0x6] =	stream.linear.gather [hbm4b:s26+s12], $0x80, $0x38;
	[tilespmem:$0x1E380] =	vst v63  }
0x7d: {  	_ =	swait.ge [sflag:s20], $0x80  }
0x7e: {  	[sflag:s20] =	ssyncset.done $0x0  }
0x7f: {  	[sflag:s20] =	ssyncadd.s32 $0xFFFFFF80  }
0x80: {  	[tilespmem:s15], [sflag:$0x1] =	stream.indirect.gather [hbm4b:s4+s14], $0x80, s21, s14, $0xb8;
	[tilespmem:$0x1E380] =	vst v63  }
0x81: {  	_ =	swait.ge [sflag:s16], $0x4000  }
0x82: {  	[sflag:s16] =	ssyncset.done $0x0  }
0x83: {  	[sflag:s16] =	ssyncadd.s32 $0xFFFFC000  }
0x84: {  	[spmem:s2] =	stream.indirect.scatter.add.f32 [tilespmem:s15], [sflag:$0x3], $0x80, s22, s14, $0xb8;
	[tilespmem:$0x1E380] =	vst v63  }
0x85: {  	s28 =	rddreg [dreg:$0xb]  }
0x86: {  	[tilespmem:s17], [sflag:$0x6] =	stream.linear.gather [hbm4b:s28+s12], $0x80, $0x38;
	[tilespmem:$0x1E380] =	vst v63  }
0x87: {  	_ =	swait.ge [sflag:s20], $0x80  }
0x88: {  	[sflag:s20] =	ssyncset.done $0x0  }
0x89: {  	s25 =	rddreg [dreg:$0xc];
	[sflag:s20] =	ssyncadd.s32 $0xFFFFFF80  }
0x8a: {  	[tilespmem:s19], [sflag:$0x6] =	stream.linear.gather [hbm4b:s25+s12], $0x80, $0x38;
	[tilespmem:$0x1E380] =	vst v63  }
0x8b: {  	_ =	swait.ge [sflag:s20], $0x80  }
0x8c: {  	[sflag:s20] =	ssyncset.done $0x0  }
0x8d: {  	[sflag:s20] =	ssyncadd.s32 $0xFFFFFF80  }
0x8e: {  	[tilespmem:s7], [sflag:$0x2] =	stream.indirect.gather [hbm4b:s4+s14], $0x80, s17, s14, $0xb8;
	[tilespmem:$0x1E380] =	vst v63  }
0x8f: {  	_ =	swait.ge [sflag:s8], $0x4000  }
0x90: {  	[sflag:s8] =	ssyncset.done $0x0  }
0x91: {  	[sflag:s8] =	ssyncadd.s32 $0xFFFFC000  }
0x92: {  	[spmem:s2] =	stream.indirect.scatter.add.f32 [tilespmem:s7], [sflag:$0x4], $0x80, s19, s14, $0xb8;
	[tilespmem:$0x1E380] =	vst v63  }
0x93: {  	_ =	swait.ge [sflag:s9], $0x4000  }
0x94: {  	s25 =	rddreg [dreg:$0x12]  }
0x95: {  	[sflag:s9] =	ssyncset.done $0x0;
	s26 =	sshrl.u32 s25, $0x3  }
0x96: {  	[sflag:s9] =	ssyncadd.s32 $0xFFFFC000;
	s28 =	sadd.s32 s1, s26  }
0x97: {  	[tilespmem:s21], [sflag:$0x6] =	stream.linear.gather [hbm4b:s28+s3], $0x80, $0x38;
	[tilespmem:$0x1E380] =	vst v63  }
0x98: {  	_ =	swait.ge [sflag:s20], $0x80  }
0x99: {  	[sflag:s20] =	ssyncset.done $0x0  }
0x9a: {  	s12 =	sadd.s32 s5, s26;
	[sflag:s20] =	ssyncadd.s32 $0xFFFFFF80  }
0x9b: {  	[tilespmem:s22], [sflag:$0x6] =	stream.linear.gather [hbm4b:s12+s3], $0x80, $0x38;
	[tilespmem:$0x1E380] =	vst v63  }
0x9c: {  	_ =	swait.ge [sflag:s20], $0x80  }
0x9d: {  	[sflag:s20] =	ssyncset.done $0x0  }
0x9e: {  	[sflag:s20] =	ssyncadd.s32 $0xFFFFFF80  }
0x9f: {  	[tilespmem:s15], [sflag:$0x1] =	stream.indirect.gather [hbm4b:s4+s14], $0x80, s21, s14, $0xb8;
	[tilespmem:$0x1E380] =	vst v63  }
0xa0: {  	_ =	swait.ge [sflag:s16], $0x4000  }
0xa1: {  	[sflag:s16] =	ssyncset.done $0x0  }
0xa2: {  	[sflag:s16] =	ssyncadd.s32 $0xFFFFC000  }
0xa3: {  	[spmem:s2] =	stream.indirect.scatter.add.f32 [tilespmem:s15], [sflag:$0x3], $0x80, s22, s14, $0xb8;
	[tilespmem:$0x1E380] =	vst v63  }
0xa4: {  	_ =	swait.ge [sflag:s10], $0x4000  }
0xa5: {  	[sflag:s10] =	ssyncset.done $0x0  }
0xa6: {  	s26 =	sadd.s32 $0x0, s24;
	[sflag:s10] =	ssyncadd.s32 $0xFFFFC000  }
0xa7: {  	[tilespmem:s17], [sflag:$0x6] =	stream.linear.gather [hbm4b:s26+s3], $0x80, $0x38;
	[tilespmem:$0x1E380] =	vst v63  }
0xa8: {  	_ =	swait.ge [sflag:s20], $0x80  }
0xa9: {  	[sflag:s20] =	ssyncset.done $0x0  }
0xaa: {  	s28 =	sadd.s32 $0x0, s23;
	[sflag:s20] =	ssyncadd.s32 $0xFFFFFF80  }
0xab: {  	[tilespmem:s19], [sflag:$0x6] =	stream.linear.gather [hbm4b:s28+s3], $0x80, $0x38;
	[tilespmem:$0x1E380] =	vst v63  }
0xac: {  	_ =	swait.ge [sflag:s20], $0x80  }
0xad: {  	[sflag:s20] =	ssyncset.done $0x0  }
0xae: {  	s13 =	sadd.s32 $0x100, s25;
	s12 =	simm.s32 $0x20;
	[sflag:s20] =	ssyncadd.s32 $0xFFFFFF80  }
.LBB2_4:
0xaf: {  	[tilespmem:s7], [sflag:$0x2] =	stream.indirect.gather [hbm4b:s4+s14], $0x80, s17, s14, $0xb8;
	[tilespmem:$0x1E380] =	vst v63  }
0xb0: {  	s25 =	smov.u32 s12  }
0xb1: {  	p1 =	sne.s32 s12, $0x980;
	s12 =	sadd.s32 $0x20, s12;
	_ =	swait.ge [sflag:s8], $0x4000  }
0xb2: {  	[sflag:s8] =	ssyncset.done $0x0  }
0xb3: {  	[sflag:s8] =	ssyncadd.s32 $0xFFFFC000  }
0xb4: {  	[spmem:s2] =	stream.indirect.scatter.add.f32 [tilespmem:s7], [sflag:$0x4], $0x80, s19, s14, $0xb8;
	[tilespmem:$0x1E380] =	vst v63  }
0xb5: {  	_ =	swait.ge [sflag:s9], $0x4000  }
0xb6: {  	s26 =	sshrl.u32 s13, $0x3;
	[sflag:s9] =	ssyncset.done $0x0  }
0xb7: {  	s28 =	sadd.s32 s1, s26;
	[sflag:s9] =	ssyncadd.s32 $0xFFFFC000  }
0xb8: {  	[tilespmem:s21], [sflag:$0x6] =	stream.linear.gather [hbm4b:s28+s3], $0x80, $0x38;
	[tilespmem:$0x1E380] =	vst v63  }
0xb9: {  	_ =	swait.ge [sflag:s20], $0x80  }
0xba: {  	[sflag:s20] =	ssyncset.done $0x0  }
0xbb: {  	s26 =	sadd.s32 s5, s26;
	[sflag:s20] =	ssyncadd.s32 $0xFFFFFF80  }
0xbc: {  	[tilespmem:s22], [sflag:$0x6] =	stream.linear.gather [hbm4b:s26+s3], $0x80, $0x38;
	[tilespmem:$0x1E380] =	vst v63  }
0xbd: {  	_ =	swait.ge [sflag:s20], $0x80  }
0xbe: {  	[sflag:s20] =	ssyncset.done $0x0  }
0xbf: {  	[sflag:s20] =	ssyncadd.s32 $0xFFFFFF80  }
0xc0: {  	[tilespmem:s15], [sflag:$0x1] =	stream.indirect.gather [hbm4b:s4+s14], $0x80, s21, s14, $0xb8;
	[tilespmem:$0x1E380] =	vst v63  }
0xc1: {  	_ =	swait.ge [sflag:s16], $0x4000  }
0xc2: {  	[sflag:s16] =	ssyncset.done $0x0  }
0xc3: {  	[sflag:s16] =	ssyncadd.s32 $0xFFFFC000  }
0xc4: {  	[spmem:s2] =	stream.indirect.scatter.add.f32 [tilespmem:s15], [sflag:$0x3], $0x80, s22, s14, $0xb8;
	[tilespmem:$0x1E380] =	vst v63  }
0xc5: {  	_ =	swait.ge [sflag:s10], $0x4000  }
0xc6: {  	[sflag:s10] =	ssyncset.done $0x0  }
0xc7: {  	s26 =	sadd.s32 s25, s24;
	[sflag:s10] =	ssyncadd.s32 $0xFFFFC000  }
0xc8: {  	[tilespmem:s17], [sflag:$0x6] =	stream.linear.gather [hbm4b:s26+s3], $0x80, $0x38;
	[tilespmem:$0x1E380] =	vst v63  }
0xc9: {  	_ =	swait.ge [sflag:s20], $0x80  }
0xca: {  	[sflag:s20] =	ssyncset.done $0x0  }
.Ltmp1:
0xcb: {  	s25 =	sadd.s32 s25, s23;
	[sflag:s20] =	ssyncadd.s32 $0xFFFFFF80;
	(pc) =	sbr.rel @p1 .LBB2_4-.Ltmp1, $4  }
0xcc: {  	[tilespmem:s19], [sflag:$0x6] =	stream.linear.gather [hbm4b:s25+s3], $0x80, $0x38;
	[tilespmem:$0x1E380] =	vst v63  }
0xcd: {  	_ =	swait.ge [sflag:s20], $0x80  }
0xce: {  	[sflag:s20] =	ssyncset.done $0x0  }
0xcf: {  	s13 =	sadd.s32 $0x100, s13;
	[sflag:s20] =	ssyncadd.s32 $0xFFFFFF80  }
0xd0: {  	[tilespmem:s7], [sflag:$0x2] =	stream.indirect.gather [hbm4b:s4+s14], $0x80, s17, s14, $0xb8;
	[tilespmem:$0x1E380] =	vst v63  }
0xd1: {  	_ =	swait.ge [sflag:s8], $0x4000  }
0xd2: {  	[sflag:s8] =	ssyncset.done $0x0  }
0xd3: {  	[sflag:s8] =	ssyncadd.s32 $0xFFFFC000  }
0xd4: {  	[spmem:s2] =	stream.indirect.scatter.add.f32 [tilespmem:s7], [sflag:$0x4], $0x80, s19, s14, $0xb8;
	[tilespmem:$0x1E380] =	vst v63  }
0xd5: {  	s13 =	simm.s32 $0x1CA80;
	s12 =	rddreg [dreg:$0xd]  }
0xd6: {  	[tilespmem:s13], [sflag:$0x6] =	stream.linear.gather [hbm4b:s12+s3], $0x20, $0x38;
	[tilespmem:$0x1E380] =	vst v63  }
0xd7: {  	_ =	swait.ge [sflag:s20], $0x20  }
0xd8: {  	[sflag:s20] =	ssyncset.done $0x0  }
0xd9: {  	s25 =	simm.s32 $0x1CB00;
	s26 =	rddreg [dreg:$0xf];
	[sflag:s20] =	ssyncadd.s32 $0xFFFFFFE0  }
0xda: {  	[tilespmem:s25], [sflag:$0x6] =	stream.linear.gather [hbm4b:s26+s3], $0x20, $0x38;
	[tilespmem:$0x1E380] =	vst v63  }
0xdb: {  	_ =	swait.ge [sflag:s20], $0x20  }
0xdc: {  	[sflag:s20] =	ssyncset.done $0x0  }
0xdd: {  	s12 =	simm.s32 $0x20;
	s26 =	simm.s32 $0x1B880;
	[sflag:s20] =	ssyncadd.s32 $0xFFFFFFE0  }
0xde: {  	[tilespmem:s26], [sflag:$0x5] =	stream.indirect.gather [hbm4b:s4+s12], $0x80, s13, s12, $0xb8;
	[tilespmem:$0x1E380] =	vst v63  }
0xdf: {  	s13 =	simm.s32 $0x5  }
0xe0: {  	_ =	swait.ge [sflag:s13], $0x1000  }
0xe1: {  	[sflag:s13] =	ssyncset.done $0x0  }
0xe2: {  	[sflag:s13] =	ssyncadd.s32 $0xFFFFF000  }
0xe3: {  	[spmem:s2] =	stream.indirect.scatter.add.f32 [tilespmem:s26], [sflag:$0x6], $0x80, s25, s12, $0xb8;
	[tilespmem:$0x1E380] =	vst v63  }
0xe4: {  	_ =	swait.ge [sflag:s20], $0x1000  }
0xe5: {  	[sflag:s20] =	ssyncset.done $0x0  }
0xe6: {  	[sflag:s20] =	ssyncadd.s32 $0xFFFFF000  }
0xe7: {  	_ =	swait.ge [sflag:s9], $0x4000  }
0xe8: {  	[sflag:s9] =	ssyncset.done $0x0  }
0xe9: {  	[sflag:s9] =	ssyncadd.s32 $0xFFFFC000  }
0xea: {  	_ =	swait.ge [sflag:s10], $0x4000  }
0xeb: {  	[sflag:s10] =	ssyncset.done $0x0  }
0xec: {  	[sflag:s10] =	ssyncadd.s32 $0xFFFFC000  }
0xed: {  	[bflag:$0x0] =	sbarrier.arrive $0xFFFF  }
0xee: {  	[tilespmem:s18], [sflag:$0x6] =	stream.linear.gather [spmem:s6], $0x1800, $0x38;
	[tilespmem:$0x1E380] =	vst v63  }
0xef: {  	_ =	swait.ge [sflag:s20], $0x1800  }
0xf0: {  	[sflag:s20] =	ssyncset.done $0x0  }
0xf1: {  	s26 =	rddreg [dreg:$0xe];
	[sflag:s20] =	ssyncadd.s32 $0xFFFFE800  }
0xf2: {  	[hbm4b:s26+s3] =	stream.linear.scatter [tilespmem:s18], [sflag:$0x6], $0x1800, $0x38;
	[tilespmem:$0x1E380] =	vst v63  }
0xf3: {  	_ =	swait.ge [sflag:s20], $0x1800  }
0xf4: {  	[sflag:s20] =	ssyncset.done $0x0  }
0xf5: {  	[sflag:s20] =	ssyncadd.s32 $0xFFFFE800  }
0xf6: {  	[tilespmem:s18], [sflag:$0x6] =	stream.linear.gather [spmem:s29], $0x1800, $0x38;
	[tilespmem:$0x1E380] =	vst v63  }
0xf7: {  	_ =	swait.ge [sflag:s20], $0x1800  }
0xf8: {  	[sflag:s20] =	ssyncset.done $0x0  }
0xf9: {  	s26 =	smov.u32 s29;
	s29 =	rddreg [dreg:$0x17];
	[sflag:s20] =	ssyncadd.s32 $0xFFFFE800  }
0xfa: {  	[hbm4b:s29+s3] =	stream.linear.scatter [tilespmem:s18], [sflag:$0x6], $0x1800, $0x38;
	[tilespmem:$0x1E380] =	vst v63  }
0xfb: {  	_ =	swait.ge [sflag:s20], $0x1800  }
0xfc: {  	[sflag:s20] =	ssyncset.done $0x0  }
0xfd: {  	[sflag:s20] =	ssyncadd.s32 $0xFFFFE800  }
0xfe: {  	[tilespmem:s18], [sflag:$0x6] =	stream.linear.gather [spmem:s30], $0x1800, $0x38;
	[tilespmem:$0x1E380] =	vst v63  }
0xff: {  	_ =	swait.ge [sflag:s20], $0x1800  }
0x100: {  	[sflag:s20] =	ssyncset.done $0x0  }
0x101: {  	s28 =	smov.u32 s30;
	s30 =	rddreg [dreg:$0x18];
	[sflag:s20] =	ssyncadd.s32 $0xFFFFE800  }
0x102: {  	[hbm4b:s30+s3] =	stream.linear.scatter [tilespmem:s18], [sflag:$0x6], $0x1800, $0x38;
	[tilespmem:$0x1E380] =	vst v63  }
0x103: {  	_ =	swait.ge [sflag:s20], $0x1800  }
0x104: {  	[sflag:s20] =	ssyncset.done $0x0  }
0x105: {  	s13 =	rddreg [dreg:$0x4];
	[sflag:s20] =	ssyncadd.s32 $0xFFFFE800  }
0x106: {  	[tilespmem:s18], [sflag:$0x6] =	stream.linear.gather [spmem:s13], $0x1800, $0x38;
	[tilespmem:$0x1E380] =	vst v63  }
0x107: {  	_ =	swait.ge [sflag:s20], $0x1800  }
0x108: {  	[sflag:s20] =	ssyncset.done $0x0  }
0x109: {  	s25 =	rddreg [dreg:$0x19];
	[sflag:s20] =	ssyncadd.s32 $0xFFFFE800  }
0x10a: {  	[hbm4b:s25+s3] =	stream.linear.scatter [tilespmem:s18], [sflag:$0x6], $0x1800, $0x38;
	[tilespmem:$0x1E380] =	vst v63  }
0x10b: {  	_ =	swait.ge [sflag:s20], $0x1800  }
0x10c: {  	[sflag:s20] =	ssyncset.done $0x0  }
0x10d: {  	s29 =	rddreg [dreg:$0x5];
	[sflag:s20] =	ssyncadd.s32 $0xFFFFE800  }
0x10e: {  	[tilespmem:s18], [sflag:$0x6] =	stream.linear.gather [spmem:s29], $0x1800, $0x38;
	[tilespmem:$0x1E380] =	vst v63  }
0x10f: {  	_ =	swait.ge [sflag:s20], $0x1800  }
0x110: {  	[sflag:s20] =	ssyncset.done $0x0  }
0x111: {  	s30 =	rddreg [dreg:$0x1a];
	[sflag:s20] =	ssyncadd.s32 $0xFFFFE800  }
0x112: {  	[hbm4b:s30+s3] =	stream.linear.scatter [tilespmem:s18], [sflag:$0x6], $0x1800, $0x38;
	[tilespmem:$0x1E380] =	vst v63  }
0x113: {  	_ =	swait.ge [sflag:s20], $0x1800  }
0x114: {  	[sflag:s20] =	ssyncset.done $0x0  }
0x115: {  	s13 =	rddreg [dreg:$0x6];
	[sflag:s20] =	ssyncadd.s32 $0xFFFFE800  }
0x116: {  	[tilespmem:s18], [sflag:$0x6] =	stream.linear.gather [spmem:s13], $0x1800, $0x38;
	[tilespmem:$0x1E380] =	vst v63  }
0x117: {  	_ =	swait.ge [sflag:s20], $0x1800  }
0x118: {  	[sflag:s20] =	ssyncset.done $0x0  }
0x119: {  	s25 =	rddreg [dreg:$0x1b];
	[sflag:s20] =	ssyncadd.s32 $0xFFFFE800  }
0x11a: {  	[hbm4b:s25+s3] =	stream.linear.scatter [tilespmem:s18], [sflag:$0x6], $0x1800, $0x38;
	[tilespmem:$0x1E380] =	vst v63  }
0x11b: {  	_ =	swait.ge [sflag:s20], $0x1800  }
0x11c: {  	[sflag:s20] =	ssyncset.done $0x0  }
0x11d: {  	s29 =	rddreg [dreg:$0x7];
	[sflag:s20] =	ssyncadd.s32 $0xFFFFE800  }
0x11e: {  	[tilespmem:s18], [sflag:$0x6] =	stream.linear.gather [spmem:s29], $0x1800, $0x38;
	[tilespmem:$0x1E380] =	vst v63  }
0x11f: {  	_ =	swait.ge [sflag:s20], $0x1800  }
0x120: {  	[sflag:s20] =	ssyncset.done $0x0  }
0x121: {  	s30 =	rddreg [dreg:$0x1c];
	[sflag:s20] =	ssyncadd.s32 $0xFFFFE800  }
0x122: {  	[hbm4b:s30+s3] =	stream.linear.scatter [tilespmem:s18], [sflag:$0x6], $0x1800, $0x38;
	[tilespmem:$0x1E380] =	vst v63  }
0x123: {  	_ =	swait.ge [sflag:s20], $0x1800  }
0x124: {  	[sflag:s20] =	ssyncset.done $0x0  }
0x125: {  	s13 =	rddreg [dreg:$0x8];
	[sflag:s20] =	ssyncadd.s32 $0xFFFFE800  }
0x126: {  	[tilespmem:s18], [sflag:$0x6] =	stream.linear.gather [spmem:s13], $0x1800, $0x38;
	[tilespmem:$0x1E380] =	vst v63  }
0x127: {  	_ =	swait.ge [sflag:s20], $0x1800  }
0x128: {  	[sflag:s20] =	ssyncset.done $0x0  }
0x129: {  	s25 =	rddreg [dreg:$0x1d];
	[sflag:s20] =	ssyncadd.s32 $0xFFFFE800  }
0x12a: {  	[hbm4b:s25+s3] =	stream.linear.scatter [tilespmem:s18], [sflag:$0x6], $0x1800, $0x38;
	[tilespmem:$0x1E380] =	vst v63  }
0x12b: {  	_ =	swait.ge [sflag:s20], $0x1800  }
0x12c: {  	[sflag:s20] =	ssyncset.done $0x0  }
0x12d: {  	s29 =	rddreg [dreg:$0x13];
	[sflag:s20] =	ssyncadd.s32 $0xFFFFE800  }
0x12e: {  	[tilespmem:s18], [sflag:$0x6] =	stream.linear.gather [spmem:s29], $0x1800, $0x38;
	[tilespmem:$0x1E380] =	vst v63  }
0x12f: {  	_ =	swait.ge [sflag:s20], $0x1800  }
0x130: {  	[sflag:s20] =	ssyncset.done $0x0  }
0x131: {  	s30 =	rddreg [dreg:$0x1e];
	[sflag:s20] =	ssyncadd.s32 $0xFFFFE800  }
0x132: {  	[hbm4b:s30+s3] =	stream.linear.scatter [tilespmem:s18], [sflag:$0x6], $0x1800, $0x38;
	[tilespmem:$0x1E380] =	vst v63  }
0x133: {  	_ =	swait.ge [sflag:s20], $0x1800  }
0x134: {  	[sflag:s20] =	ssyncset.done $0x0  }
0x135: {  	s13 =	rddreg [dreg:$0x14];
	[sflag:s20] =	ssyncadd.s32 $0xFFFFE800  }
0x136: {  	[tilespmem:s18], [sflag:$0x6] =	stream.linear.gather [spmem:s13], $0x1800, $0x38;
	[tilespmem:$0x1E380] =	vst v63  }
0x137: {  	_ =	swait.ge [sflag:s20], $0x1800  }
0x138: {  	[sflag:s20] =	ssyncset.done $0x0  }
0x139: {  	s25 =	rddreg [dreg:$0x1f];
	[sflag:s20] =	ssyncadd.s32 $0xFFFFE800  }
0x13a: {  	[hbm4b:s25+s3] =	stream.linear.scatter [tilespmem:s18], [sflag:$0x6], $0x1800, $0x38;
	[tilespmem:$0x1E380] =	vst v63  }
0x13b: {  	_ =	swait.ge [sflag:s20], $0x1800  }
0x13c: {  	[sflag:s20] =	ssyncset.done $0x0  }
0x13d: {  	s29 =	rddreg [dreg:$0x15];
	[sflag:s20] =	ssyncadd.s32 $0xFFFFE800  }
0x13e: {  	[tilespmem:s18], [sflag:$0x6] =	stream.linear.gather [spmem:s29], $0x1800, $0x38;
	[tilespmem:$0x1E380] =	vst v63  }
0x13f: {  	_ =	swait.ge [sflag:s20], $0x1800  }
0x140: {  	s30 =	sld [smem:$0x7FB]  }
0x141: {  	[sflag:s20] =	ssyncset.done $0x0  }
0x142: {  	[sflag:s20] =	ssyncadd.s32 $0xFFFFE800  }
0x143: {  	[hbm4b:s30+s3] =	stream.linear.scatter [tilespmem:s18], [sflag:$0x6], $0x1800, $0x38;
	[tilespmem:$0x1E380] =	vst v63  }
0x144: {  	_ =	swait.ge [sflag:s20], $0x1800  }
0x145: {  	[sflag:s20] =	ssyncset.done $0x0  }
0x146: {  	s13 =	rddreg [dreg:$0x16];
	[sflag:s20] =	ssyncadd.s32 $0xFFFFE800  }
0x147: {  	[tilespmem:s18], [sflag:$0x6] =	stream.linear.gather [spmem:s13], $0x1800, $0x38;
	[tilespmem:$0x1E380] =	vst v63  }
0x148: {  	_ =	swait.ge [sflag:s20], $0x1800  }
0x149: {  	s25 =	sld [smem:$0x7FC]  }
0x14a: {  	[sflag:s20] =	ssyncset.done $0x0  }
0x14b: {  	[sflag:s20] =	ssyncadd.s32 $0xFFFFE800  }
0x14c: {  	[hbm4b:s25+s3] =	stream.linear.scatter [tilespmem:s18], [sflag:$0x6], $0x1800, $0x38;
	[tilespmem:$0x1E380] =	vst v63  }
0x14d: {  	_ =	swait.ge [sflag:s20], $0x1800  }
0x14e: {  	[sflag:s20] =	ssyncset.done $0x0  }
0x14f: {  	[sflag:s20] =	ssyncadd.s32 $0xFFFFE800  }
0x150: {  	[tilespmem:s18], [sflag:$0x6] =	stream.linear.gather [spmem:s31], $0x1800, $0x38;
	[tilespmem:$0x1E380] =	vst v63  }
0x151: {  	_ =	swait.ge [sflag:s20], $0x1800  }
0x152: {  	s29 =	sld [smem:$0x7FD]  }
0x153: {  	[sflag:s20] =	ssyncset.done $0x0  }
0x154: {  	[sflag:s20] =	ssyncadd.s32 $0xFFFFE800  }
0x155: {  	[hbm4b:s29+s3] =	stream.linear.scatter [tilespmem:s18], [sflag:$0x6], $0x1800, $0x38;
	[tilespmem:$0x1E380] =	vst v63  }
0x156: {  	_ =	swait.ge [sflag:s20], $0x1800  }
0x157: {  	[sflag:s20] =	ssyncset.done $0x0  }
0x158: {  	s12 =	simm.s32 @!p0 $0x1CB80;
	s13 =	simm.s32 @!p0 $0x6;
	[sflag:s20] =	ssyncadd.s32 $0xFFFFE800  }
0x159: {  	[tilespmem:s12], [sflag:$0x6] =	stream.linear.gather @!p0 [spmem:s0], $0x800, $0x38;
	[tilespmem:$0x1E380] =	vst v63  }
0x15a: {  	_ =	swait.ge @!p0 [sflag:s13], $0x800  }
0x15b: {  	[sflag:s13] =	ssyncset.done @!p0 $0x0  }
0x15c: {  	s25 =	simm.s32 @!p0 $0x0;
	s29 =	rddreg [dreg:$0x10];
	[sflag:s13] =	ssyncadd.s32 @!p0 $0xFFFFF800  }
0x15d: {  	[hbm4b:s29+s25] =	stream.linear.scatter @!p0 [tilespmem:s12], [sflag:$0x6], $0x800, $0x38;
	[tilespmem:$0x1E380] =	vst v63  }
0x15e: {  	_ =	swait.ge @!p0 [sflag:s13], $0x800  }
0x15f: {  	s11 =	sadd.s32 $0x1, s11;
	s30 =	rddreg [dreg:$0x11]  }
0x160: {  	p1 =	sne.s32 s11, s30  }
.Ltmp2:
0x161: {  	_ = 	snop;
	(pc) =	sbr.rel @p1 .LBB2_1-.Ltmp2, $3  }
0x162: {  	_ =	sdelay $0x1  }
0x163: {  	[sflag:s13] =	ssyncset.done @!p0 $0x0  }
0x164: {  	[sflag:s13] =	ssyncadd.s32 @!p0 $0xFFFFF800  }
0x165: {  	_ =	sfence.sel $0x180000  }
0x166: {  	[bflag:$0x0] =	sbarrier.arrive $0xFFFF  }
0x167: {  	_ =	strace $0x9000004D  }
0x168: {  	[bflag:$0x2] =	sbarrier.arrive $0xFFFF  }
0x169: {  	s0 =	rddreg [dreg:$0x3]  }
0x16a: {  	s0 =	sadd.s32 @!p0 $0x100000, s0  }
0x16b: {  	[sflag:s0] =	ssyncadd.tile.s32 @!p0 $0x1;
	_ =	shalt  }
.Lfunc_end2:
_tile_overlayer_lowered:
.L_overlay_start_2:
0x16c: {  	(tag) =	ssettag $0x2  }
0x16d: {  	s0 =	rddreg [dreg:$0x0];
	s2 =	stileid.u32  }
0x16e: {  	s1 =	rddreg [dreg:$0x1];
	p0 =	sne.s32 s2, $0x0  }
0x16f: {  	s3 =	rddreg [dreg:$0x2];
	[bflag:$0x3] =	sbarrier.arrive $0xFFFF;
	s2 =	simm.s32 @!p0 $0x1C06  }
0x170: {  	[timem:s3], [sflag:s2] =	dma.local @!p0 [hbm:s0], s1  }
0x171: {  	s0 =	simm.s32 @!p0 $0x6  }
0x172: {  	_ =	swait.ge @!p0 [sflag:s0], s1  }
0x173: {  	s1 =	ssub.s32 @!p0 $0x0, s1;
	[sflag:s0] =	ssyncset.done @!p0 $0x0  }
0x174: {  	[sflag:s0] =	ssyncadd.s32 @!p0 s1  }
0x175: {  	[bflag:$0x3] =	sbarrier.arrive $0xFFFF  }
0x176: {  	_ =	shalt  }

// kernel: kernel.8.cloned.1.call-start
scs
__scs_entry_jumppad:
0x0: {  	(pc) =	sbr.rel $0x88, $3  }
0x1: {  	(tag) =	ssettag $0x0;
	lr =	simm.s32 $0x1  }
0x2: {  	[smem:$0x3F96] =	sst lr;
	_ =	strace $0xD0000000  }
0x3: {  	_ = 	snop  }
0x4: {  	_ = 	snop  }
0x5: {  	_ = 	snop  }
0x6: {  	_ = 	snop  }
0x7: {  	_ = 	snop  }
__scs_overlays_trampoline_lowered:
0x8: {  	[smem:$0x3FA5] =	sst s0  }
0x9: {  	[smem:$0x3FA6] =	sst s1  }
0xa: {  	[smem:$0x3FA7] =	sst s2  }
0xb: {  	[smem:$0x3FA8] =	sst s3  }
0xc: {  	[smem:$0x3FA9] =	sst s4  }
0xd: {  	[smem:$0x3FAA] =	sst s5  }
0xe: {  	[smem:$0x3FAB] =	sst s6  }
0xf: {  	[smem:$0x3FAC] =	sst s7  }
0x10: {  	[smem:$0x3FAD] =	sst s8  }
0x11: {  	[smem:$0x3FAE] =	sst s9;
	s0 =	simm.s32 @!p0 $0x0  }
0x12: {  	s1 =	sld [smem:$0x3F94];
	s0 =	simm.s32 @p0 $0x1  }
0x13: {  	[smem:$0x3FAF] =	sst s0;
	s0 =	simm.s32 @!p1 $0x0  }
0x14: {  	s2 =	sld [smem:$0x3F93];
	s0 =	simm.s32 @p1 $0x1  }
0x15: {  	[smem:$0x3FB0] =	sst s0;
	s0 =	simm.s32 @!p2 $0x0  }
0x16: {  	s3 =	sld [smem:$0x3FDB];
	s0 =	simm.s32 @p2 $0x1  }
0x17: {  	s4 =	simm.s32 $0x1BF5;
	[smem:$0x3FB2] =	sst s0  }
0x18: {  	s0 =	sld [smem:$0x3F95];
	_ =	swait.ge [sflag:s4], $0x0  }
0x19: {  	s7 =	sld [smem:$0x3F96]  }
0x1a: {  	s8 =	sadd.s32 $0xFFFFE003, lr  }
0x1b: {  	s9 =	sadd.s32 $0xFFFFFEF7, lr;
	s5 =	simm.s32 $0xFFFFFFFF;
	p2 =	slt.u32 s8, $0xFFFFF086  }
0x1c: {  	p1 =	slt.u32 s9, $0xF7A;
	s5 =	simm.s32 @!p2 $0x0  }
0x1d: {  	s5 =	simm.s32 @p1 $0x1;
	p0 =	seq.s32 s7, s2  }
0x1e: {  	s7 =	smul.u32 @!p0 $0xF7A, s2;
	p2 =	seq.s32 @!p0 s5, $0x0  }
0x1f: {  	s9 =	smul.u32 $0xF7A, s1;
	s8 =	simm.s32 @!p0 $0x1BF5;
	p2 =	por !p2, p0  }
0x20: {  	[sflag:s8] =	ssyncset.s32 @!p0 $0xFFFFF086;
	s6 =	sadd.s32 @!p0 s3, s7;
	s7 =	simm.s32 @!p0 $0x108  }
0x21: {  	s3 =	sadd.s32 s3, s9;
	s6 =	sadd.s32 @!p0 $0x88, s6;
	s7 =	simm.s32 @p2 $0x1082  }
0x22: {  	[simem:s7], [sflag:s8] =	dma.local @!p0 [hbm:s6], $0xF7A  }
0x23: {  	s9 =	sor.u32 $0xD0000000, s2;
	s6 =	simm.s32 $0x108;
	_ =	swait.ge @!p0 [sflag:s8], $0x0  }
0x24: {  	s3 =	sadd.s32 $0x88, s3;
	s6 =	simm.s32 @!p1 $0x1082;
	[sflag:s4] =	ssyncset.s32 $0xFFFFF086  }
0x25: {  	[simem:s6], [sflag:s4] =	dma.local [hbm:s3], $0xF7A  }
0x26: {  	[smem:$0x3F96] =	sst s1;
	(tag) =	ssettag s2;
	_ =	strace s9  }
0x27: {  	s1 =	sld [smem:$0x3FA6]  }
0x28: {  	s2 =	sld [smem:$0x3FA7]  }
0x29: {  	s4 =	sld [smem:$0x3FA9]  }
0x2a: {  	p0 =	seq.s32 s5, $0x0;
	s5 =	sld [smem:$0x3FAA]  }
0x2b: {  	s6 =	sld [smem:$0x3FAB]  }
0x2c: {  	s7 =	sld [smem:$0x3FAC]  }
0x2d: {  	s3 =	simm.s32 $0x108;
	s8 =	sld [smem:$0x3FAD]  }
0x2e: {  	s3 =	simm.s32 @!p0 $0x1082;
	s9 =	sld [smem:$0x3FAE]  }
0x2f: {  	lr =	sadd.s32 s0, s3;
	s0 =	sld [smem:$0x3FA5]  }
0x30: {  	s3 =	sld [smem:$0x3FA8]  }
0x31: {  	[smem:$0x3FB1] =	sst s10  }
0x32: {  	s10 =	sld [smem:$0x3FAF];
	_ =	sdelay $0x3  }
0x33: {  	p0 =	seq.s32 s10, $0x1;
	s10 =	sld [smem:$0x3FB1];
	_ =	sdelay $0x3  }
0x34: {  	[smem:$0x3FB1] =	sst s10  }
0x35: {  	s10 =	sld [smem:$0x3FB0];
	_ =	sdelay $0x3  }
0x36: {  	p1 =	seq.s32 s10, $0x1;
	s10 =	sld [smem:$0x3FB1];
	_ =	sdelay $0x3  }
0x37: {  	[smem:$0x3FB1] =	sst s10  }
0x38: {  	s10 =	sld [smem:$0x3FB2]  }
0x39: {  	_ = 	snop;
	(pc) =	sbr.ind lr, $3  }
0x3a: {  	_ = 	snop  }
0x3b: {  	_ = 	snop  }
0x3c: {  	p2 =	seq.s32 s10, $0x1;
	s10 =	sld [smem:$0x3FB1]  }
0x3d: {  	_ =	shalt  }
0x3e: {  	_ =	shalt  }
0x3f: {  	_ =	shalt  }
0x40: {  	_ =	shalt  }
0x41: {  	_ =	shalt  }
0x42: {  	_ =	shalt  }
0x43: {  	_ =	shalt  }
0x44: {  	_ =	shalt  }
0x45: {  	_ =	shalt  }
0x46: {  	_ =	shalt  }
0x47: {  	_ =	shalt  }
0x48: {  	_ =	shalt  }
0x49: {  	_ =	shalt  }
0x4a: {  	_ =	shalt  }
0x4b: {  	_ =	shalt  }
0x4c: {  	_ =	shalt  }
0x4d: {  	_ =	shalt  }
0x4e: {  	_ =	shalt  }
0x4f: {  	_ =	shalt  }
0x50: {  	_ =	shalt  }
0x51: {  	_ =	shalt  }
0x52: {  	_ =	shalt  }
0x53: {  	_ =	shalt  }
0x54: {  	_ =	shalt  }
0x55: {  	_ =	shalt  }
0x56: {  	_ =	shalt  }
0x57: {  	_ =	shalt  }
0x58: {  	_ =	shalt  }
0x59: {  	_ =	shalt  }
0x5a: {  	_ =	shalt  }
0x5b: {  	_ =	shalt  }
0x5c: {  	_ =	shalt  }
0x5d: {  	_ =	shalt  }
0x5e: {  	_ =	shalt  }
0x5f: {  	_ =	shalt  }
0x60: {  	_ =	shalt  }
0x61: {  	_ =	shalt  }
0x62: {  	_ =	shalt  }
0x63: {  	_ =	shalt  }
0x64: {  	_ =	shalt  }
0x65: {  	_ =	shalt  }
0x66: {  	_ =	shalt  }
0x67: {  	_ =	shalt  }
0x68: {  	_ =	shalt  }
0x69: {  	_ =	shalt  }
0x6a: {  	_ =	shalt  }
0x6b: {  	_ =	shalt  }
0x6c: {  	_ =	shalt  }
0x6d: {  	_ =	shalt  }
0x6e: {  	_ =	shalt  }
0x6f: {  	_ =	shalt  }
0x70: {  	_ =	shalt  }
0x71: {  	_ =	shalt  }
0x72: {  	_ =	shalt  }
0x73: {  	_ =	shalt  }
0x74: {  	_ =	shalt  }
0x75: {  	_ =	shalt  }
0x76: {  	_ =	shalt  }
0x77: {  	_ =	shalt  }
0x78: {  	_ =	shalt  }
0x79: {  	_ =	shalt  }
0x7a: {  	_ =	shalt  }
0x7b: {  	_ =	shalt  }
0x7c: {  	_ =	shalt  }
0x7d: {  	_ =	shalt  }
0x7e: {  	_ =	shalt  }
0x7f: {  	_ =	shalt  }
0x80: {  	_ =	shalt  }
0x81: {  	_ =	shalt  }
0x82: {  	_ =	shalt  }
0x83: {  	_ =	shalt  }
0x84: {  	_ =	shalt  }
0x85: {  	_ =	shalt  }
0x86: {  	_ =	shalt  }
0x87: {  	_ =	shalt  }
.Lfunc_end0:
.L_simem_size_0:
called_computation_lowered:
.L_overlay_start_0:
0x88: {  	s2 =	sld [smem:$0x3FD9]  }
0x89: {  	s3 =	sld [smem:$0x3FFE];
	_ =	sdelay $0x1  }
0x8a: {  	s1 =	srdreg.scid  }
0x8b: {  	s0 =	sand.u32 $0x1, s1  }
0x8c: {  	s16 =	sshll.u32 s0, $0xA;
	s2 =	sadd.s32 s3, s2  }
0x8d: {  	s2 =	sadd.s32 s2, s16  }
0x8e: {  	[smem:$0x3FBD] =	sst s2  }
0x8f: {  	_ = 	snop  }
0x90: {  	(tm) =	ssettm $0x1  }
0x91: {  	s17 =	sld [smem:$0x3FFB];
	_ =	sdelay $0x3  }
0x92: {  	_ =	strace s17  }
0x93: {  	s2 =	sld [smem:$0x3FFC];
	_ =	sdelay $0x3  }
0x94: {  	_ =	strace s2  }
0x95: {  	s2 =	sld [smem:$0x3FFD];
	_ =	sdelay $0x3  }
0x96: {  	_ =	strace s2  }
0x97: {  	_ =	strace $0x8FFFFFFF  }
0x98: {  	s18 =	sld [smem:$0x3FDB];
	_ =	sdelay $0x1  }
0x99: {  	s19 =	simm.s32 $_scs_section_size  }
0x9a: {  	s4 =	simm.s32 $_size__tile_overlayer_lowered;
	s5 =	simm.s32 $_tile_overlayer_lowered  }
0x9b: {  	s22 =	simm.s32 $0x1BFF;
	s21 =	sshll.u32 s5, $0x1;
	s2 =	sadd.s32 s19, s18  }
0x9c: {  	s6 =	simm.s32 $0x0;
	s20 =	sshll.u32 s4, $0x1;
	s4 =	sadd.s32 s21, s2  }
0x9d: {  	[timem:s6], [sflag:s22] =	dma.local [hbm:s4], s20  }
0x9e: {  	_ =	swait.ge [sflag:s22], s20  }
0x9f: {  	s3 =	ssub.s32 $0x0, s20;
	[sflag:s22] =	ssyncset.done $0x0  }
0xa0: {  	[sflag:s22] =	ssyncadd.s32 s3;
	_ =	sdelay $0x1  }
0xa1: {  	s23 =	simm.s32 $0x1B8B  }
0xa2: {  	_ =	swait.ge [sflag:s23], $0x1  }
0xa3: {  	[sflag:s23] =	ssyncset.done $0x0  }
0xa4: {  	s25 =	simm.s32 $0x1B8E;
	s24 =	sld [smem:$0x3FFE];
	[sflag:s23] =	ssyncadd.s32 $0xFFFFFFFF  }
0xa5: {  	s26 =	simm.s32 $execute0_lowered;
	[smem:$0x3FD2] =	sst s25  }
0xa6: {  	s4 =	sshll.u32 s26, $0x1;
	_ =	strace $0x80000046;
	[dreg:$0x1] =	wrdreg $0xFFFFFFFF  }
0xa7: {  	s28 =	simm.s32 $_size_execute0_lowered;
	s2 =	sadd.s32 s2, s4;
	[dreg:$0x0] =	wrdreg $0x0  }
0xa8: {  	s4 =	sshll.u32 s28, $0x1;
	[dreg:$0x2] =	wrdreg s2  }
0xa9: {  	[dreg:$0x3] =	wrdreg s4  }
0xaa: {  	[dreg:$0x4] =	wrdreg $0xC0  }
0xab: {  	_ =	task [dreg:s6], $0x5FFFF  }
0xac: {  	[dreg:$0x1] =	wrdreg $0xFFFFFFFF  }
0xad: {  	[dreg:$0x0] =	wrdreg $0x60  }
0xae: {  	[dreg:$0x2] =	wrdreg s24  }
0xaf: {  	[dreg:$0x3] =	wrdreg $0x0  }
0xb0: {  	[dreg:$0x4] =	wrdreg $0x9  }
0xb1: {  	_ =	task.clear_ibuf [dreg:s6], $0x5FFFF;
	_ =	strace $0x90000046  }
0xb2: {  	s29 =	simm.s32 $0x9;
	_ =	strace $0x80000048  }
0xb3: {  	_ =	swait.ge [sflag:s29], $0x1  }
0xb4: {  	[sflag:s29] =	ssyncadd.s32 $0xFFFFFFFF  }
0xb5: {  	_ =	strace $0x90000048  }
0xb6: {  	_ =	sfence  }
0xb7: {  	s30 =	sld [smem:$0x0];
	_ =	sdelay $0x2  }
0xb8: {  	s31 =	sshll.u32 s1, $0xD;
	s1 =	sshrl.u32 s1, $0x2  }
0xb9: {  	s3 =	sand.u32 $0x4000, s31;
	s1 =	sadd.s32 s1, s30  }
0xba: {  	s0 =	sor.u32 s3, s0;
	s1 =	sshll.u32 s1, $0x11  }
0xbb: {  	s0 =	sor.u32 s1, s0  }
0xbc: {  	s0 =	sadd.s32 $0x8F2B, s0  }
0xbd: {  	[sflag:s0] =	ssyncadd.remote.s32 $0x1  }
0xbe: {  	_ =	sfence.sel $0xFFFF  }
0xbf: {  	[dreg:$0x0] =	wrdreg $0xFFFFFFFF;
	(pc) =	sbr.abs _section_cstart, $3  }
0xc0: {  	[dreg:$0x1] =	wrdreg $0xFFFFFFFF  }
0xc1: {  	_ =	task.clear_ibuf [dreg:s6], $0x2FFFF;
	_ =	strace $0x9FFFFFFF  }
0xc2: {  	(tm) =	ssettm $0x7FFFFFFF  }
0xc3: {  	_ =	shalt  }
tec
execute0_lowered:
.L_overlay_start_1:
0x0: {  	(tag) =	ssettag $0x1  }
0x1: {  	s0 =	rddreg [dreg:$0x0]  }
0x2: {  	s1 =	rddreg [dreg:$0x1]  }
0x3: {  	s2 =	simm.s32 $0x0;
	s3 =	srdreg.scid;
	s7 =	stileid.u32  }
0x4: {  	s19 =	simm.s32 $0xAA10;
	s28 =	simm.s32 $0xA890;
	s29 =	simm.s32 $0x1  }
0x5: {  	s30 =	simm.s32 $0x2;
	s31 =	simm.s32 $0x3;
	s5 =	smul.u32 $0x4E000, s7  }
0x6: {  	[smem:$0x7FF] =	sst s2;
	s8 =	sand.u32 $0x1, s3;
	s11 =	smul.u32 $0x4E20, s7  }
0x7: {  	s3 =	sadd.s32 $0x1800, s0;
	s4 =	sadd.s32 $0x15200, s0;
	s12 =	smul.u32 $0x2700, s7  }
0x8: {  	s0 =	sadd.s32 $0x28C00, s0;
	p0 =	sne.s32 s7, $0x0;
	s9 =	smul.u32 $0x4E200, s8  }
0x9: {  	s7 =	simm.s32 $0xA910;
	s6 =	ssub.s32 $0x2, s8;
	s21 =	smul.u32 $0x27100, s8  }
0xa: {  	_ =	strace $0x80000047;
	s8 =	smul.u32 $0x138800, s8;
	s10 =	sshrl.u32 s6, $0x1  }
0xb: {  	s5 =	sshrl.u32 s5, $0x2;
	s10 =	ssub.s32 s6, s10;
	s9 =	sadd.s32 s11, s9  }
0xc: {  	s5 =	sadd.s32 s5, s1;
	s6 =	sadd.s32 $0x138000, s1;
	s23 =	sadd.s32 s12, s21  }
0xd: {  	s8 =	sshrl.u32 s8, $0x3;
	s21 =	simm.s32 $0xA710;
	s11 =	sshrl.u32 s9, $0x3  }
0xe: {  	s24 =	sadd.s32 $0x180, s9;
	s25 =	smax.u32 s10, $0x1;
	s18 =	sadd.s32 $0x100, s9  }
0xf: {  	s9 =	simm.s32 $0x20;
	s10 =	simm.s32 $0x0;
	s13 =	sadd.s32 s3, s11  }
0x10: {  	s20 =	sadd.s32 s4, s11;
	s14 =	sadd.s32 $0x10, s11;
	[dreg:$0xb] =	wrdreg s25  }
0x11: {  	s11 =	sadd.s32 $0x9C0, s11;
	s26 =	sshrl.u32 s24, $0x3;
	[dreg:$0x3] =	wrdreg s13  }
0x12: {  	s24 =	simm.s32 $0x2710;
	[dreg:$0x4] =	wrdreg s20;
	s15 =	sadd.s32 s3, s14  }
0x13: {  	s25 =	simm.s32 $0x6710;
	s14 =	sadd.s32 s4, s14;
	[dreg:$0x5] =	wrdreg s15  }
0x14: {  	s22 =	sadd.s32 s3, s11;
	s11 =	sadd.s32 s4, s11;
	[dreg:$0x6] =	wrdreg s14  }
0x15: {  	s16 =	sadd.s32 s26, s4;
	s17 =	sadd.s32 s26, s3;
	[dreg:$0x7] =	wrdreg s22  }
0x16: {  	s20 =	simm.s32 $0x5;
	s26 =	simm.s32 $0xA810;
	[dreg:$0x8] =	wrdreg s11  }
0x17: {  	s11 =	sadd.s32 s0, s23;
	s0 =	sadd.s32 s0, s8;
	s22 =	simm.s32 $0xA790  }
0x18: {  	vm0 =	vcmask $0x300;
	v0 =	vimm.f32 $0.0e+00;
	vm1 =	vcmask $0x704;
	s23 =	simm.s32 $0x80;
	[dreg:$0x9] =	wrdreg s11;
	s0 =	sadd.s32 $0x27000, s0  }
0x19: {  	v1 =	vsel vm0, $0x3F800000, v0;
	v2 =	vsel vm1, $0x3F800000, v0;
	s8 =	simm.s32 $0xA990;
	[dreg:$0xa] =	wrdreg s0;
	s0 =	simm.s32 $0x4  }
.LBB2_1:
0x1a: {  	s11 =	simm.s32 $0x0  }
.LBB2_2:
0x1b: {  	p1 =	sne.s32 s11, $0xFE00  }
.Ltmp0:
0x1c: {  	_ = 	snop;
	(pc) =	sbr.rel @p1 .LBB2_2-.Ltmp0, $4  }
0x1d: {  	_ = 	snop  }
0x1e: {  	s12 =	sshra.s32 s11, $0x2  }
0x1f: {  	[tilespmem:s12+$0x2710] =	vst v1  }
0x20: {  	s11 =	sadd.s32 $0x200, s11;
	[tilespmem:s12+$0x6710] =	vst v2  }
0x21: {  	s11 =	simm.s32 $0x200;
	s12 =	simm.s32 $0x0  }
.LBB2_4:
0x22: {  	p1 =	sne.s32 s11, $0x4DE00;
	[tilespmem:s12+$0xAA10] =	vst v0;
	s12 =	smov.u32 s11;
	s11 =	sadd.s32 $0x200, s11  }
.Ltmp1:
0x23: {  	(pc) =	sbr.rel @p1 .LBB2_4-.Ltmp1, $2  }
0x24: {  	_ =	sdelay $0x2  }
0x25: {  	s12 =	sshra.s32 s12, $0x2  }
0x26: {  	[tilespmem:s12+$0xAA10] =	vst v0  }
0x27: {  	[spmem:s5] =	stream.linear.scatter [tilespmem:s19], [sflag:$0x5], $0x13800, $0x38;
	[tilespmem:$0x1E210] =	vst v63  }
0x28: {  	_ =	swait.ge [sflag:s20], $0x13800  }
0x29: {  	[sflag:s20] =	ssyncset.done $0x0  }
0x2a: {  	s11 =	simm.s32 @!p0 $0xAA10;
	[sflag:s20] =	ssyncadd.s32 $0xFFFEC800  }
0x2b: {  	[spmem:s6] =	stream.linear.scatter @!p0 [tilespmem:s11], [sflag:$0x5], $0x800, $0x38;
	[tilespmem:$0x1E210] =	vst v63  }
0x2c: {  	s11 =	simm.s32 @!p0 $0x5  }
0x2d: {  	_ =	swait.ge @!p0 [sflag:s11], $0x800  }
0x2e: {  	[sflag:s11] =	ssyncset.done @!p0 $0x0  }
0x2f: {  	[sflag:s11] =	ssyncadd.s32 @!p0 $0xFFFFF800  }
0x30: {  	[bflag:$0x0] =	sbarrier.arrive $0xFFFF  }
0x31: {  	s11 =	simm.s32 $0x0;
	s14 =	rddreg [dreg:$0x3]  }
0x32: {  	[tilespmem:s21], [sflag:$0x5] =	stream.linear.gather [hbm4b:s14+s11], $0x80, $0x38;
	[tilespmem:$0x1E210] =	vst v63  }
0x33: {  	_ =	swait.ge [sflag:s20], $0x80  }
0x34: {  	[sflag:s20] =	ssyncset.done $0x0  }
0x35: {  	s15 =	rddreg [dreg:$0x4];
	[sflag:s20] =	ssyncadd.s32 $0xFFFFFF80  }
0x36: {  	[tilespmem:s22], [sflag:$0x5] =	stream.linear.gather [hbm4b:s15+s11], $0x80, $0x38;
	[tilespmem:$0x1E210] =	vst v63  }
0x37: {  	_ =	swait.ge [sflag:s20], $0x80  }
0x38: {  	[sflag:s20] =	ssyncset.done $0x0  }
0x39: {  	[sflag:s20] =	ssyncadd.s32 $0xFFFFFF80  }
0x3a: {  	[spmem:s1] =	stream.indirect.scatter.add.f32 [tilespmem:s24], [sflag:$0x1], $0x10, s21, s23, $0xb8;
	[tilespmem:$0x1E210] =	vst v63  }
0x3b: {  	_ = 	snop  }
0x3c: {  	[spmem:s1] =	stream.indirect.scatter.add.f32 [tilespmem:s25], [sflag:$0x2], $0x10, s22, s23, $0xb8;
	[tilespmem:$0x1E210] =	vst v63  }
0x3d: {  	s13 =	rddreg [dreg:$0x5]  }
0x3e: {  	[tilespmem:s26], [sflag:$0x5] =	stream.linear.gather [hbm4b:s13+s11], $0x80, $0x38;
	[tilespmem:$0x1E210] =	vst v63  }
0x3f: {  	_ =	swait.ge [sflag:s20], $0x80  }
0x40: {  	[sflag:s20] =	ssyncset.done $0x0  }
0x41: {  	s14 =	rddreg [dreg:$0x6];
	[sflag:s20] =	ssyncadd.s32 $0xFFFFFF80  }
0x42: {  	[tilespmem:s28], [sflag:$0x5] =	stream.linear.gather [hbm4b:s14+s11], $0x80, $0x38;
	[tilespmem:$0x1E210] =	vst v63  }
0x43: {  	_ =	swait.ge [sflag:s20], $0x80  }
0x44: {  	[sflag:s20] =	ssyncset.done $0x0  }
0x45: {  	[sflag:s20] =	ssyncadd.s32 $0xFFFFFF80  }
0x46: {  	[spmem:s1] =	stream.indirect.scatter.add.f32 [tilespmem:s24], [sflag:$0x3], $0x10, s26, s23, $0xb8;
	[tilespmem:$0x1E210] =	vst v63  }
0x47: {  	_ = 	snop  }
0x48: {  	[spmem:s1] =	stream.indirect.scatter.add.f32 [tilespmem:s25], [sflag:$0x4], $0x10, s28, s23, $0xb8;
	[tilespmem:$0x1E210] =	vst v63  }
0x49: {  	_ =	swait.ge [sflag:s29], $0x800  }
0x4a: {  	[sflag:s29] =	ssyncset.done $0x0  }
0x4b: {  	[sflag:s29] =	ssyncadd.s32 $0xFFFFF800  }
0x4c: {  	_ =	swait.ge [sflag:s30], $0x800  }
0x4d: {  	s15 =	sshrl.u32 s18, $0x3;
	[sflag:s30] =	ssyncset.done $0x0  }
0x4e: {  	s13 =	sadd.s32 s3, s15;
	[sflag:s30] =	ssyncadd.s32 $0xFFFFF800  }
0x4f: {  	[tilespmem:s21], [sflag:$0x5] =	stream.linear.gather [hbm4b:s13+s2], $0x80, $0x38;
	[tilespmem:$0x1E210] =	vst v63  }
0x50: {  	_ =	swait.ge [sflag:s20], $0x80  }
0x51: {  	[sflag:s20] =	ssyncset.done $0x0  }
0x52: {  	s11 =	sadd.s32 s4, s15;
	[sflag:s20] =	ssyncadd.s32 $0xFFFFFF80  }
0x53: {  	[tilespmem:s22], [sflag:$0x5] =	stream.linear.gather [hbm4b:s11+s2], $0x80, $0x38;
	[tilespmem:$0x1E210] =	vst v63  }
0x54: {  	_ =	swait.ge [sflag:s20], $0x80  }
0x55: {  	[sflag:s20] =	ssyncset.done $0x0  }
0x56: {  	[sflag:s20] =	ssyncadd.s32 $0xFFFFFF80  }
0x57: {  	[spmem:s1] =	stream.indirect.scatter.add.f32 [tilespmem:s24], [sflag:$0x1], $0x10, s21, s23, $0xb8;
	[tilespmem:$0x1E210] =	vst v63  }
0x58: {  	_ = 	snop  }
0x59: {  	[spmem:s1] =	stream.indirect.scatter.add.f32 [tilespmem:s25], [sflag:$0x2], $0x10, s22, s23, $0xb8;
	[tilespmem:$0x1E210] =	vst v63  }
0x5a: {  	_ =	swait.ge [sflag:s31], $0x800  }
0x5b: {  	[sflag:s31] =	ssyncset.done $0x0  }
0x5c: {  	[sflag:s31] =	ssyncadd.s32 $0xFFFFF800  }
0x5d: {  	_ =	swait.ge [sflag:s0], $0x800  }
0x5e: {  	[sflag:s0] =	ssyncset.done $0x0  }
0x5f: {  	s14 =	sadd.s32 $0x0, s17;
	[sflag:s0] =	ssyncadd.s32 $0xFFFFF800  }
0x60: {  	[tilespmem:s26], [sflag:$0x5] =	stream.linear.gather [hbm4b:s14+s2], $0x80, $0x38;
	[tilespmem:$0x1E210] =	vst v63  }
0x61: {  	_ =	swait.ge [sflag:s20], $0x80  }
0x62: {  	[sflag:s20] =	ssyncset.done $0x0  }
0x63: {  	s15 =	sadd.s32 $0x0, s16;
	[sflag:s20] =	ssyncadd.s32 $0xFFFFFF80  }
0x64: {  	[tilespmem:s28], [sflag:$0x5] =	stream.linear.gather [hbm4b:s15+s2], $0x80, $0x38;
	[tilespmem:$0x1E210] =	vst v63  }
0x65: {  	_ =	swait.ge [sflag:s20], $0x80  }
0x66: {  	[sflag:s20] =	ssyncset.done $0x0  }
0x67: {  	s12 =	sadd.s32 $0x100, s18;
	s11 =	simm.s32 $0x20;
	[sflag:s20] =	ssyncadd.s32 $0xFFFFFF80  }
0x68: {  	[spmem:s1] =	stream.indirect.scatter.add.f32 [tilespmem:s24], [sflag:$0x3], $0x10, s26, s23, $0xb8;
	[tilespmem:$0x1E210] =	vst v63  }
.LBB2_6:
0x69: {  	[spmem:s1] =	stream.indirect.scatter.add.f32 [tilespmem:s25], [sflag:$0x4], $0x10, s28, s23, $0xb8;
	[tilespmem:$0x1E210] =	vst v63  }
0x6a: {  	s13 =	smov.u32 s11  }
0x6b: {  	p1 =	sne.s32 s11, $0x980;
	s11 =	sadd.s32 $0x20, s11;
	_ =	swait.ge [sflag:s29], $0x800  }
0x6c: {  	[sflag:s29] =	ssyncset.done $0x0  }
0x6d: {  	[sflag:s29] =	ssyncadd.s32 $0xFFFFF800  }
0x6e: {  	_ =	swait.ge [sflag:s30], $0x800  }
0x6f: {  	s14 =	sshrl.u32 s12, $0x3;
	[sflag:s30] =	ssyncset.done $0x0  }
0x70: {  	s15 =	sadd.s32 s3, s14;
	[sflag:s30] =	ssyncadd.s32 $0xFFFFF800  }
0x71: {  	[tilespmem:s21], [sflag:$0x5] =	stream.linear.gather [hbm4b:s15+s2], $0x80, $0x38;
	[tilespmem:$0x1E210] =	vst v63  }
0x72: {  	_ =	swait.ge [sflag:s20], $0x80  }
0x73: {  	[sflag:s20] =	ssyncset.done $0x0  }
0x74: {  	s14 =	sadd.s32 s4, s14;
	[sflag:s20] =	ssyncadd.s32 $0xFFFFFF80  }
0x75: {  	[tilespmem:s22], [sflag:$0x5] =	stream.linear.gather [hbm4b:s14+s2], $0x80, $0x38;
	[tilespmem:$0x1E210] =	vst v63  }
0x76: {  	_ =	swait.ge [sflag:s20], $0x80  }
0x77: {  	[sflag:s20] =	ssyncset.done $0x0  }
0x78: {  	[sflag:s20] =	ssyncadd.s32 $0xFFFFFF80  }
0x79: {  	[spmem:s1] =	stream.indirect.scatter.add.f32 [tilespmem:s24], [sflag:$0x1], $0x10, s21, s23, $0xb8;
	[tilespmem:$0x1E210] =	vst v63  }
0x7a: {  	_ = 	snop  }
0x7b: {  	[spmem:s1] =	stream.indirect.scatter.add.f32 [tilespmem:s25], [sflag:$0x2], $0x10, s22, s23, $0xb8;
	[tilespmem:$0x1E210] =	vst v63  }
0x7c: {  	_ =	swait.ge [sflag:s31], $0x800  }
0x7d: {  	[sflag:s31] =	ssyncset.done $0x0  }
0x7e: {  	[sflag:s31] =	ssyncadd.s32 $0xFFFFF800  }
0x7f: {  	_ =	swait.ge [sflag:s0], $0x800  }
0x80: {  	[sflag:s0] =	ssyncset.done $0x0  }
0x81: {  	s14 =	sadd.s32 s13, s17;
	[sflag:s0] =	ssyncadd.s32 $0xFFFFF800  }
0x82: {  	[tilespmem:s26], [sflag:$0x5] =	stream.linear.gather [hbm4b:s14+s2], $0x80, $0x38;
	[tilespmem:$0x1E210] =	vst v63  }
0x83: {  	_ =	swait.ge [sflag:s20], $0x80  }
0x84: {  	[sflag:s20] =	ssyncset.done $0x0  }
0x85: {  	s13 =	sadd.s32 s13, s16;
	[sflag:s20] =	ssyncadd.s32 $0xFFFFFF80  }
0x86: {  	[tilespmem:s28], [sflag:$0x5] =	stream.linear.gather [hbm4b:s13+s2], $0x80, $0x38;
	[tilespmem:$0x1E210] =	vst v63  }
.Ltmp2:
0x87: {  	_ =	swait.ge [sflag:s20], $0x80;
	(pc) =	sbr.rel @p1 .LBB2_6-.Ltmp2, $4  }
0x88: {  	[sflag:s20] =	ssyncset.done $0x0  }
0x89: {  	[sflag:s20] =	ssyncadd.s32 $0xFFFFFF80  }
0x8a: {  	[spmem:s1] =	stream.indirect.scatter.add.f32 [tilespmem:s24], [sflag:$0x3], $0x10, s26, s23, $0xb8;
	[tilespmem:$0x1E210] =	vst v63  }
0x8b: {  	s12 =	sadd.s32 $0x100, s12  }
0x8c: {  	[spmem:s1] =	stream.indirect.scatter.add.f32 [tilespmem:s25], [sflag:$0x4], $0x10, s28, s23, $0xb8;
	[tilespmem:$0x1E210] =	vst v63  }
0x8d: {  	s11 =	rddreg [dreg:$0x7]  }
0x8e: {  	[tilespmem:s7], [sflag:$0x5] =	stream.linear.gather [hbm4b:s11+s2], $0x20, $0x38;
	[tilespmem:$0x1E210] =	vst v63  }
0x8f: {  	_ =	swait.ge [sflag:s20], $0x20  }
0x90: {  	[sflag:s20] =	ssyncset.done $0x0  }
0x91: {  	s13 =	rddreg [dreg:$0x8];
	[sflag:s20] =	ssyncadd.s32 $0xFFFFFFE0  }
0x92: {  	[tilespmem:s8], [sflag:$0x5] =	stream.linear.gather [hbm4b:s13+s2], $0x20, $0x38;
	[tilespmem:$0x1E210] =	vst v63  }
0x93: {  	_ =	swait.ge [sflag:s20], $0x20  }
0x94: {  	[sflag:s20] =	ssyncset.done $0x0  }
0x95: {  	[sflag:s20] =	ssyncadd.s32 $0xFFFFFFE0  }
0x96: {  	[spmem:s1] =	stream.indirect.scatter.add.f32 [tilespmem:s24], [sflag:$0x5], $0x10, s7, s9, $0xb8;
	[tilespmem:$0x1E210] =	vst v63  }
0x97: {  	_ =	swait.ge [sflag:s20], $0x200  }
0x98: {  	[sflag:s20] =	ssyncset.done $0x0  }
0x99: {  	[sflag:s20] =	ssyncadd.s32 $0xFFFFFE00  }
0x9a: {  	[spmem:s1] =	stream.indirect.scatter.add.f32 [tilespmem:s25], [sflag:$0x5], $0x10, s8, s9, $0xb8;
	[tilespmem:$0x1E210] =	vst v63  }
0x9b: {  	_ =	swait.ge [sflag:s20], $0x200  }
0x9c: {  	[sflag:s20] =	ssyncset.done $0x0  }
0x9d: {  	[sflag:s20] =	ssyncadd.s32 $0xFFFFFE00  }
0x9e: {  	_ =	swait.ge [sflag:s29], $0x800  }
0x9f: {  	[sflag:s29] =	ssyncset.done $0x0  }
0xa0: {  	[sflag:s29] =	ssyncadd.s32 $0xFFFFF800  }
0xa1: {  	_ =	swait.ge [sflag:s30], $0x800  }
0xa2: {  	[sflag:s30] =	ssyncset.done $0x0  }
0xa3: {  	[sflag:s30] =	ssyncadd.s32 $0xFFFFF800  }
0xa4: {  	_ =	swait.ge [sflag:s31], $0x800  }
0xa5: {  	[sflag:s31] =	ssyncset.done $0x0  }
0xa6: {  	[sflag:s31] =	ssyncadd.s32 $0xFFFFF800  }
0xa7: {  	_ =	swait.ge [sflag:s0], $0x800  }
0xa8: {  	[sflag:s0] =	ssyncset.done $0x0  }
0xa9: {  	[sflag:s0] =	ssyncadd.s32 $0xFFFFF800  }
0xaa: {  	[bflag:$0x0] =	sbarrier.arrive $0xFFFF  }
0xab: {  	[tilespmem:s19], [sflag:$0x5] =	stream.linear.gather [spmem:s5], $0x13800, $0x38;
	[tilespmem:$0x1E210] =	vst v63  }
0xac: {  	_ =	swait.ge [sflag:s20], $0x13800  }
0xad: {  	[sflag:s20] =	ssyncset.done $0x0  }
0xae: {  	s14 =	rddreg [dreg:$0x9];
	[sflag:s20] =	ssyncadd.s32 $0xFFFEC800  }
0xaf: {  	[hbm4b:s14+s2] =	stream.linear.scatter [tilespmem:s19], [sflag:$0x5], $0x13800, $0x38;
	[tilespmem:$0x1E210] =	vst v63  }
0xb0: {  	_ =	swait.ge [sflag:s20], $0x13800  }
0xb1: {  	[sflag:s20] =	ssyncset.done $0x0  }
0xb2: {  	s12 =	simm.s32 @!p0 $0x5;
	s11 =	simm.s32 @!p0 $0xAA10;
	[sflag:s20] =	ssyncadd.s32 $0xFFFEC800  }
0xb3: {  	[tilespmem:s11], [sflag:$0x5] =	stream.linear.gather @!p0 [spmem:s6], $0x800, $0x38;
	[tilespmem:$0x1E210] =	vst v63  }
0xb4: {  	_ =	swait.ge @!p0 [sflag:s12], $0x800  }
0xb5: {  	[sflag:s12] =	ssyncset.done @!p0 $0x0  }
0xb6: {  	s13 =	simm.s32 @!p0 $0x0;
	s14 =	rddreg [dreg:$0xa];
	[sflag:s12] =	ssyncadd.s32 @!p0 $0xFFFFF800  }
0xb7: {  	[hbm4b:s14+s13] =	stream.linear.scatter @!p0 [tilespmem:s11], [sflag:$0x5], $0x800, $0x38;
	[tilespmem:$0x1E210] =	vst v63  }
0xb8: {  	_ =	swait.ge @!p0 [sflag:s12], $0x800  }
0xb9: {  	s10 =	sadd.s32 $0x1, s10;
	s15 =	rddreg [dreg:$0xb]  }
0xba: {  	p1 =	sne.s32 s10, s15  }
.Ltmp3:
0xbb: {  	_ = 	snop;
	(pc) =	sbr.rel @p1 .LBB2_1-.Ltmp3, $3  }
0xbc: {  	_ =	sdelay $0x1  }
0xbd: {  	[sflag:s12] =	ssyncset.done @!p0 $0x0  }
0xbe: {  	[sflag:s12] =	ssyncadd.s32 @!p0 $0xFFFFF800  }
0xbf: {  	_ =	sfence.sel $0x180000  }
0xc0: {  	[bflag:$0x0] =	sbarrier.arrive $0xFFFF  }
0xc1: {  	_ =	strace $0x90000047  }
0xc2: {  	[bflag:$0x2] =	sbarrier.arrive $0xFFFF  }
0xc3: {  	s0 =	rddreg [dreg:$0x2]  }
0xc4: {  	s0 =	sadd.s32 @!p0 $0x100000, s0  }
0xc5: {  	[sflag:s0] =	ssyncadd.tile.s32 @!p0 $0x1;
	_ =	shalt  }
.Lfunc_end2:
_tile_overlayer_lowered:
.L_overlay_start_2:
0xc6: {  	(tag) =	ssettag $0x2  }
0xc7: {  	s0 =	rddreg [dreg:$0x0];
	s2 =	stileid.u32  }
0xc8: {  	s1 =	rddreg [dreg:$0x1];
	p0 =	sne.s32 s2, $0x0  }
0xc9: {  	s3 =	rddreg [dreg:$0x2];
	[bflag:$0x3] =	sbarrier.arrive $0xFFFF;
	s2 =	simm.s32 @!p0 $0x1C05  }
0xca: {  	[timem:s3], [sflag:s2] =	dma.local @!p0 [hbm:s0], s1  }
0xcb: {  	s0 =	simm.s32 @!p0 $0x5  }
0xcc: {  	_ =	swait.ge @!p0 [sflag:s0], s1  }
0xcd: {  	s1 =	ssub.s32 @!p0 $0x0, s1;
	[sflag:s0] =	ssyncset.done @!p0 $0x0  }
0xce: {  	[sflag:s0] =	ssyncadd.s32 @!p0 s1  }
0xcf: {  	[bflag:$0x3] =	sbarrier.arrive $0xFFFF  }
0xd0: {  	_ =	shalt  }

</sc_bundles>
